<compile_context>
chip_gen: v7x
topology: tpu7x:2x2x1
jax: 0.10.2.dev20260603
libtpu: 0.0.44.dev20260713+nightly
codegen_flags: <defaults>
</compile_context>

<pallas_src>
import functools

import jax
import jax.numpy as jnp
from jax import lax
from jax.experimental import pallas as pl
from jax.experimental.pallas import tpu as pltpu
from jax.experimental.pallas import tpu_sc as plsc

N = 10000
E = 320000
D = 128
EPS = 1e-5

NC = 2
NS = 16
NW = NC * NS
EPW = E // NW
B = 80
NITER = EPW // B
NP_ = 10240
ROWS = NP_ // NS
NCHUNK = ROWS // B

_mesh = plsc.VectorSubcoreMesh(core_axis_name="c", subcore_axis_name="s",
                               num_cores=NC, num_subcores=NS)


def _fill(ref, nrows, width, value):
    v = jnp.full((16,), value, jnp.float32)

    def row(i, carry):
        for j in range(width // 16):
            ref[i, pl.ds(j * 16, 16)] = v
        return carry

    lax.fori_loop(0, nrows, row, 0)


def _zero_acc(rows_v, acc_s, r0):
    _fill(rows_v, B, D, 0.0)
    for k in range(NCHUNK):
        pltpu.sync_copy(rows_v, acc_s.at[pl.ds(r0 + k * B, B)])


def _writeback(rows_v, acc_s, out_hbm, r0, wb):
    for k in range(NCHUNK):
        pltpu.sync_copy(acc_s.at[pl.ds(r0 + k * B, B)], rows_v)
        pltpu.sync_copy(rows_v, out_hbm.at[pl.ds(wb + k * B, B)])


def _gather_segsum(y_hbm, src_hbm, dst_hbm, acc_s, base, bufs):
    def load_idx(off, src_v, dst_v):
        pltpu.sync_copy(src_hbm.at[pl.ds(off, B)], src_v)
        pltpu.sync_copy(dst_hbm.at[pl.ds(off, B)], dst_v)

    def issue(off, buf):
        src_v, dst_v, rows_v, sem = buf
        load_idx(off, src_v, dst_v)
        pltpu.async_copy(y_hbm.at[src_v], rows_v, sem)

    def drain_scatter(buf):
        src_v, dst_v, rows_v, sem = buf
        pltpu.make_async_copy(y_hbm.at[src_v], rows_v, sem).wait()
        pltpu.sync_copy(rows_v, acc_s.at[dst_v], add=True)

    issue(base, bufs[0])
    issue(base + B, bufs[1])

    def body(g, carry):
        for j in range(4):
            issue(base + (4 * g + j + 2) * B, bufs[(j + 2) % 4])
            drain_scatter(bufs[j])
        return carry

    lax.fori_loop(0, (NITER - 5) // 4, body, 0)
    issue(base + 122 * B, bufs[2])
    drain_scatter(bufs[0])
    issue(base + 123 * B, bufs[3])
    drain_scatter(bufs[1])
    issue(base + 124 * B, bufs[0])
    drain_scatter(bufs[2])
    drain_scatter(bufs[3])
    drain_scatter(bufs[0])


def _count_pass(dst_hbm, acc_s, base, ones_v,
                dst_v0, sem0, dst_v1, sem1):
    def drain(dst_v, sem):
        pltpu.make_async_copy(dst_hbm.at[pl.ds(base, B)], dst_v, sem).wait()

    pltpu.async_copy(dst_hbm.at[pl.ds(base, B)], dst_v0, sem0)

    def body(g, carry):
        pltpu.async_copy(dst_hbm.at[pl.ds(base + (2 * g + 1) * B, B)],
                         dst_v1, sem1)
        drain(dst_v0, sem0)
        pltpu.sync_copy(ones_v, acc_s.at[dst_v0], add=True)
        pltpu.async_copy(dst_hbm.at[pl.ds(base + (2 * g + 2) * B, B)],
                         dst_v0, sem0)
        drain(dst_v1, sem1)
        pltpu.sync_copy(ones_v, acc_s.at[dst_v1], add=True)
        return carry

    lax.fori_loop(0, (NITER - 1) // 2, body, 0)
    drain(dst_v0, sem0)
    pltpu.sync_copy(ones_v, acc_s.at[dst_v0], add=True)


_SC_SCRATCH = (
    [pltpu.VMEM((B,), jnp.int32),
     pltpu.VMEM((B,), jnp.int32),
     pltpu.VMEM((B, D), jnp.float32)] * 4
    + [pltpu.VMEM_SHARED((NP_, D), jnp.float32)]
    + [pltpu.SemaphoreType.DMA] * 4
)


@functools.partial(
    pl.kernel,
    out_type=(
        jax.ShapeDtypeStruct((NC * NP_, D), jnp.float32),
        jax.ShapeDtypeStruct((NC * NP_, D), jnp.float32),
    ),
    mesh=_mesh,
    scratch_types=list(_SC_SCRATCH),
)
def _segsum_cnt(y_hbm, src_hbm, dst_hbm,
                acc_out, cnt_out,
                src_v0, dst_v0, rows_v0, src_v1, dst_v1, rows_v1,
                src_v2, dst_v2, rows_v2, src_v3, dst_v3, rows_v3,
                acc_s, sem0, sem1, sem2, sem3):
    bufs = [(src_v0, dst_v0, rows_v0, sem0),
            (src_v1, dst_v1, rows_v1, sem1),
            (src_v2, dst_v2, rows_v2, sem2),
            (src_v3, dst_v3, rows_v3, sem3)]
    c = lax.axis_index("c")
    s = lax.axis_index("s")
    wid = c * NS + s
    r0 = s * ROWS
    wb = c * NP_ + r0
    base = wid * EPW

    _zero_acc(rows_v0, acc_s, r0)
    plsc.subcore_barrier()
    _gather_segsum(y_hbm, src_hbm, dst_hbm, acc_s, base, bufs)
    plsc.subcore_barrier()
    _writeback(rows_v0, acc_s, acc_out, r0, wb)
    plsc.subcore_barrier()

    _zero_acc(rows_v0, acc_s, r0)
    plsc.subcore_barrier()
    _fill(rows_v0, B, D, 1.0)
    _count_pass(dst_hbm, acc_s, base, rows_v0, dst_v0, sem0, dst_v1, sem1)
    plsc.subcore_barrier()
    _writeback(rows_v1, acc_s, cnt_out, r0, wb)


@functools.partial(
    pl.kernel,
    out_type=jax.ShapeDtypeStruct((NC * NP_, D), jnp.float32),
    mesh=_mesh,
    scratch_types=list(_SC_SCRATCH),
)
def _segsum(y_hbm, src_hbm, dst_hbm,
            acc_out,
            src_v0, dst_v0, rows_v0, src_v1, dst_v1, rows_v1,
            src_v2, dst_v2, rows_v2, src_v3, dst_v3, rows_v3,
            acc_s, sem0, sem1, sem2, sem3):
    bufs = [(src_v0, dst_v0, rows_v0, sem0),
            (src_v1, dst_v1, rows_v1, sem1),
            (src_v2, dst_v2, rows_v2, sem2),
            (src_v3, dst_v3, rows_v3, sem3)]
    c = lax.axis_index("c")
    s = lax.axis_index("s")
    wid = c * NS + s
    r0 = s * ROWS
    wb = c * NP_ + r0
    base = wid * EPW

    _zero_acc(rows_v0, acc_s, r0)
    plsc.subcore_barrier()
    _gather_segsum(y_hbm, src_hbm, dst_hbm, acc_s, base, bufs)
    plsc.subcore_barrier()
    _writeback(rows_v0, acc_s, acc_out, r0, wb)


RB = 1000
NBLK = N // RB


def _dense_body(p0, p1, c0, c1, y, wl, wr, b, z, stats):
    i = pl.program_id(0)
    cnt = jnp.maximum(c0[0, :, 0:1] + c1[0, :, 0:1], 1.0)
    mean = (p0[0] + p1[0]) / cnt
    zz = (jnp.dot(mean, wl[...], preferred_element_type=jnp.float32)
          + jnp.dot(y[...], wr[...], preferred_element_type=jnp.float32)
          + b[...])
    z[...] = zz

    @pl.when(i == 0)
    def _():
        stats[...] = jnp.zeros_like(stats)

    stats[0:1, :] += jnp.sum(zz, axis=0, keepdims=True)
    stats[1:2, :] += jnp.sum(zz * zz, axis=0, keepdims=True)


_dense = pl.pallas_call(
    _dense_body,
    grid=(NBLK,),
    in_specs=[
        pl.BlockSpec((1, RB, D), lambda i: (0, i, 0)),
        pl.BlockSpec((1, RB, D), lambda i: (1, i, 0)),
        pl.BlockSpec((1, RB, D), lambda i: (0, i, 0)),
        pl.BlockSpec((1, RB, D), lambda i: (1, i, 0)),
        pl.BlockSpec((RB, D), lambda i: (i, 0)),
        pl.BlockSpec((D, D), lambda i: (0, 0)),
        pl.BlockSpec((D, D), lambda i: (0, 0)),
        pl.BlockSpec((1, D), lambda i: (0, 0)),
    ],
    out_specs=[
        pl.BlockSpec((RB, D), lambda i: (i, 0)),
        pl.BlockSpec((8, D), lambda i: (0, 0)),
    ],
    out_shape=[
        jax.ShapeDtypeStruct((N, D), jnp.float32),
        jax.ShapeDtypeStruct((8, D), jnp.float32),
    ],
)


def _affine_body(z, stats, g, be, res, out):
    mu = stats[0:1, :] * (1.0 / N)
    var = stats[1:2, :] * (1.0 / N) - mu * mu
    a = g[...] * lax.rsqrt(var + EPS)
    c = be[...] - mu * a
    o = z[...] * a + c
    if res is not None:
        o = o + res[...]
    out[...] = o


_affine = pl.pallas_call(
    lambda z, stats, g, be, out: _affine_body(z, stats, g, be, None, out),
    grid=(NBLK,),
    in_specs=[
        pl.BlockSpec((RB, D), lambda i: (i, 0)),
        pl.BlockSpec((8, D), lambda i: (0, 0)),
        pl.BlockSpec((1, D), lambda i: (0, 0)),
        pl.BlockSpec((1, D), lambda i: (0, 0)),
    ],
    out_specs=pl.BlockSpec((RB, D), lambda i: (i, 0)),
    out_shape=jax.ShapeDtypeStruct((N, D), jnp.float32),
)

_affine_res = pl.pallas_call(
    _affine_body,
    grid=(NBLK,),
    in_specs=[
        pl.BlockSpec((RB, D), lambda i: (i, 0)),
        pl.BlockSpec((8, D), lambda i: (0, 0)),
        pl.BlockSpec((1, D), lambda i: (0, 0)),
        pl.BlockSpec((1, D), lambda i: (0, 0)),
        pl.BlockSpec((RB, D), lambda i: (i, 0)),
    ],
    out_specs=pl.BlockSpec((RB, D), lambda i: (i, 0)),
    out_shape=jax.ShapeDtypeStruct((N, D), jnp.float32),
)


def kernel(x, edge_index, W1l, b1, W1r, g1, be1, W2l, b2, W2r, g2, be2):
    src = edge_index[0]
    dst = edge_index[1]

    acc1, cnt = _segsum_cnt(x, src, dst)
    acc1 = acc1.reshape(NC, NP_, D)
    cnt = cnt.reshape(NC, NP_, D)
    z1, s1 = _dense(acc1, acc1, cnt, cnt, x,
                    W1l.T, W1r.T, b1.reshape(1, D))
    h1 = _affine(z1, s1, g1.reshape(1, D), be1.reshape(1, D))

    acc2 = _segsum(h1, src, dst).reshape(NC, NP_, D)
    z2, s2 = _dense(acc2, acc2, cnt, cnt, h1,
                    W2l.T, W2r.T, b2.reshape(1, D))
    return _affine_res(z2, s2, g2.reshape(1, D), be2.reshape(1, D), x)

# --- scband reference (transcript-rebuilt; emitter-appended) ---
"""Pipeline reference for scband-gnnencoder-16741782520032 (READ-ONLY COPY).

The authoritative reference and input builder live on the scoring server;
editing this copy changes nothing except your own understanding.
"""

import jax, jax.numpy as jnp
import numpy as np

N_NODES = 10000
N_EDGES = 320000
D_IN = 128
HID = 128
OUT = 128
EPS = 1e-5


def _sage_conv(x, edge_index, Wl, bl, Wr):
    # PyG SAGEConv with mean aggregation:
    # out = lin_l(mean_{j in N(i)} x_j) + lin_r(x_i)
    src = edge_index[0]
    dst = edge_index[1]
    msgs = jnp.take(x, src, axis=0)
    n = x.shape[0]
    agg = jax.ops.segment_sum(msgs, dst, num_segments=n)
    cnt = jax.ops.segment_sum(jnp.ones((msgs.shape[0],), dtype=x.dtype), dst, num_segments=n)
    mean = agg / jnp.clip(cnt, 1.0)[:, None]
    return mean @ Wl.T + bl + x @ Wr.T


def _batch_norm(x, gamma, beta):
    # BatchNorm1d in training mode: batch statistics over node dim
    mu = jnp.mean(x, axis=0)
    var = jnp.var(x, axis=0)
    return (x - mu) / jnp.sqrt(var + EPS) * gamma + beta


def setup_inputs(seed: int = 0):
    key = jax.random.key(seed)
    ks = jax.random.split(key, 8)
    x = jax.random.normal(ks[0], (N_NODES, D_IN), dtype=jnp.float32)
    edge_index = jax.random.randint(ks[1], (2, N_EDGES), 0, N_NODES, dtype=jnp.int32)
    s1 = float(1.0 / np.sqrt(D_IN))
    s2 = float(1.0 / np.sqrt(HID))
    W1l = jax.random.uniform(ks[2], (HID, D_IN), jnp.float32, -s1, s1)
    b1 = jnp.zeros((HID,), jnp.float32)
    W1r = jax.random.uniform(ks[3], (HID, D_IN), jnp.float32, -s1, s1)
    g1 = jnp.ones((HID,), jnp.float32)
    be1 = jnp.zeros((HID,), jnp.float32)
    W2l = jax.random.uniform(ks[4], (OUT, HID), jnp.float32, -s2, s2)
    b2 = jnp.zeros((OUT,), jnp.float32)
    W2r = jax.random.uniform(ks[5], (OUT, HID), jnp.float32, -s2, s2)
    g2 = jnp.ones((OUT,), jnp.float32)
    be2 = jnp.zeros((OUT,), jnp.float32)
    return {"x": x, "edge_index": edge_index,
            "W1l": W1l, "b1": b1, "W1r": W1r, "g1": g1, "be1": be1,
            "W2l": W2l, "b2": b2, "W2r": W2r, "g2": g2, "be2": be2}


def reference(x, edge_index, W1l, b1, W1r, g1, be1, W2l, b2, W2r, g2, be2):
    x_res = x
    h = _sage_conv(x, edge_index, W1l, b1, W1r)
    h = _batch_norm(h, g1, be1)
    # dropout is identity in deterministic/eval reference
    h = _sage_conv(h, edge_index, W2l, b2, W2r)
    h = _batch_norm(h, g2, be2)
    # hidden_channels == out_channels -> residual Linear is None, plain add
    return h + x_res

if __name__ == "__main__":
    import jax
    _d = setup_inputs()
    print(jax.jit(kernel)(*tuple(_d.values())))

</pallas_src>

<mosaic_0001>
#map = affine_map<(d0, d1) -> (0, 0)>
#map1 = affine_map<(d0, d1) -> (0)>
module attributes {stable_mosaic.version = 14 : i64} {
  func.func @_segsum(%arg0: i32, %arg1: i32, %arg2: memref<10000x128xf32, #tpu.memory_space<hbm>>, %arg3: memref<320000xi32, #tpu.memory_space<hbm>>, %arg4: memref<320000xi32, #tpu.memory_space<hbm>>, %arg5: memref<20480x128xf32, #tpu.memory_space<hbm>>, %arg6: memref<80xi32, #tpu.memory_space<vmem>>, %arg7: memref<80xi32, #tpu.memory_space<vmem>>, %arg8: memref<80x128xf32, #tpu.memory_space<vmem>>, %arg9: memref<80xi32, #tpu.memory_space<vmem>>, %arg10: memref<80xi32, #tpu.memory_space<vmem>>, %arg11: memref<80x128xf32, #tpu.memory_space<vmem>>, %arg12: memref<80xi32, #tpu.memory_space<vmem>>, %arg13: memref<80xi32, #tpu.memory_space<vmem>>, %arg14: memref<80x128xf32, #tpu.memory_space<vmem>>, %arg15: memref<80xi32, #tpu.memory_space<vmem>>, %arg16: memref<80xi32, #tpu.memory_space<vmem>>, %arg17: memref<80x128xf32, #tpu.memory_space<vmem>>, %arg18: memref<10240x128xf32, #tpu.memory_space<vmem_shared>>, %arg19: memref<!tpu.dma_semaphore, #tpu.memory_space<semaphore_mem>>, %arg20: memref<!tpu.dma_semaphore, #tpu.memory_space<semaphore_mem>>, %arg21: memref<!tpu.dma_semaphore, #tpu.memory_space<semaphore_mem>>, %arg22: memref<!tpu.dma_semaphore, #tpu.memory_space<semaphore_mem>>) attributes {dimension_semantics = [#tpu.dimension_semantics<core_parallel>, #tpu.dimension_semantics<subcore_parallel>], iteration_bounds = array<i64: 2, 16>, scalar_prefetch = 0 : i64, scratch_operands = 17 : i64, tpu.core_type = #tpu.core_type<sc_vector_subcore>, window_params = [{transform_indices = #map}, {transform_indices = #map1}, {transform_indices = #map1}, {transform_indices = #map}]} {
    %mul3A = arith.constant 16 : i32
    %mul3A_0 = arith.muli %arg0, %mul3A : i32
    %add3A = arith.addi %mul3A_0, %arg1 : i32
    %mul3A_1 = arith.constant 640 : i32
    %mul3A_2 = arith.muli %arg1, %mul3A_1 : i32
    %mul3A_3 = arith.constant 10240 : i32
    %mul3A_4 = arith.muli %arg0, %mul3A_3 : i32
    %add3A_5 = arith.addi %mul3A_4, %mul3A_2 : i32
    %mul3A_6 = arith.constant 10000 : i32
    %mul3A_7 = arith.muli %add3A, %mul3A_6 : i32
    %broadcast_in_dim3A = arith.constant 0.000000e+00 : f32
    %broadcast_in_dim3A_8 = vector.broadcast %broadcast_in_dim3A : f32 to vector<16xf32>
    %scan3A = arith.constant 0 : i32
    %scan3A_9 = arith.constant 0 : i32
    %scan3A_10 = arith.constant 80 : i32
    %scan3A_11 = arith.addi %scan3A_9, %scan3A_10 : i32
    %scan3A_12 = arith.constant 1 : i32
    scf.for %scan3A_105 = %scan3A_9 to %scan3A_11 step %scan3A_12  : i32 {
      %swap3A = arith.index_cast %scan3A_105 : i32 to index
      %swap3A_106 = arith.constant 0 : index
      %swap3A_107 = tpu.vector_load %arg8[%swap3A, %swap3A_106] {strides = array<i32>} : memref<80x128xf32, #tpu.memory_space<vmem>>, vector<1x16xf32>,
      %swap3A_108 = vector.shape_cast %swap3A_107 : vector<1x16xf32> to vector<16xf32>
      %swap3A_109 = vector.shape_cast %broadcast_in_dim3A_8 : vector<16xf32> to vector<1x16xf32>
      tpu.vector_store %arg8[%swap3A, %swap3A_106], %swap3A_109 {strides = array<i32>} : memref<80x128xf32, #tpu.memory_space<vmem>>, vector<1x16xf32>,
      %swap3A_110 = arith.index_cast %scan3A_105 : i32 to index
      %swap3A_111 = arith.constant 16 : index
      %swap3A_112 = tpu.vector_load %arg8[%swap3A_110, %swap3A_111] {strides = array<i32>} : memref<80x128xf32, #tpu.memory_space<vmem>>, vector<1x16xf32>,
      %swap3A_113 = vector.shape_cast %swap3A_112 : vector<1x16xf32> to vector<16xf32>
      %swap3A_114 = vector.shape_cast %broadcast_in_dim3A_8 : vector<16xf32> to vector<1x16xf32>
      tpu.vector_store %arg8[%swap3A_110, %swap3A_111], %swap3A_114 {strides = array<i32>} : memref<80x128xf32, #tpu.memory_space<vmem>>, vector<1x16xf32>,
      %swap3A_115 = arith.index_cast %scan3A_105 : i32 to index
      %swap3A_116 = arith.constant 32 : index
      %swap3A_117 = tpu.vector_load %arg8[%swap3A_115, %swap3A_116] {strides = array<i32>} : memref<80x128xf32, #tpu.memory_space<vmem>>, vector<1x16xf32>,
      %swap3A_118 = vector.shape_cast %swap3A_117 : vector<1x16xf32> to vector<16xf32>
      %swap3A_119 = vector.shape_cast %broadcast_in_dim3A_8 : vector<16xf32> to vector<1x16xf32>
      tpu.vector_store %arg8[%swap3A_115, %swap3A_116], %swap3A_119 {strides = array<i32>} : memref<80x128xf32, #tpu.memory_space<vmem>>, vector<1x16xf32>,
      %swap3A_120 = arith.index_cast %scan3A_105 : i32 to index
      %swap3A_121 = arith.constant 48 : index
      %swap3A_122 = tpu.vector_load %arg8[%swap3A_120, %swap3A_121] {strides = array<i32>} : memref<80x128xf32, #tpu.memory_space<vmem>>, vector<1x16xf32>,
      %swap3A_123 = vector.shape_cast %swap3A_122 : vector<1x16xf32> to vector<16xf32>
      %swap3A_124 = vector.shape_cast %broadcast_in_dim3A_8 : vector<16xf32> to vector<1x16xf32>
      tpu.vector_store %arg8[%swap3A_120, %swap3A_121], %swap3A_124 {strides = array<i32>} : memref<80x128xf32, #tpu.memory_space<vmem>>, vector<1x16xf32>,
      %swap3A_125 = arith.index_cast %scan3A_105 : i32 to index
      %swap3A_126 = arith.constant 64 : index
      %swap3A_127 = tpu.vector_load %arg8[%swap3A_125, %swap3A_126] {strides = array<i32>} : memref<80x128xf32, #tpu.memory_space<vmem>>, vector<1x16xf32>,
      %swap3A_128 = vector.shape_cast %swap3A_127 : vector<1x16xf32> to vector<16xf32>
      %swap3A_129 = vector.shape_cast %broadcast_in_dim3A_8 : vector<16xf32> to vector<1x16xf32>
      tpu.vector_store %arg8[%swap3A_125, %swap3A_126], %swap3A_129 {strides = array<i32>} : memref<80x128xf32, #tpu.memory_space<vmem>>, vector<1x16xf32>,
      %swap3A_130 = arith.index_cast %scan3A_105 : i32 to index
      %swap3A_131 = arith.constant 80 : index
      %swap3A_132 = tpu.vector_load %arg8[%swap3A_130, %swap3A_131] {strides = array<i32>} : memref<80x128xf32, #tpu.memory_space<vmem>>, vector<1x16xf32>,
      %swap3A_133 = vector.shape_cast %swap3A_132 : vector<1x16xf32> to vector<16xf32>
      %swap3A_134 = vector.shape_cast %broadcast_in_dim3A_8 : vector<16xf32> to vector<1x16xf32>
      tpu.vector_store %arg8[%swap3A_130, %swap3A_131], %swap3A_134 {strides = array<i32>} : memref<80x128xf32, #tpu.memory_space<vmem>>, vector<1x16xf32>,
      %swap3A_135 = arith.index_cast %scan3A_105 : i32 to index
      %swap3A_136 = arith.constant 96 : index
      %swap3A_137 = tpu.vector_load %arg8[%swap3A_135, %swap3A_136] {strides = array<i32>} : memref<80x128xf32, #tpu.memory_space<vmem>>, vector<1x16xf32>,
      %swap3A_138 = vector.shape_cast %swap3A_137 : vector<1x16xf32> to vector<16xf32>
      %swap3A_139 = vector.shape_cast %broadcast_in_dim3A_8 : vector<16xf32> to vector<1x16xf32>
      tpu.vector_store %arg8[%swap3A_135, %swap3A_136], %swap3A_139 {strides = array<i32>} : memref<80x128xf32, #tpu.memory_space<vmem>>, vector<1x16xf32>,
      %swap3A_140 = arith.index_cast %scan3A_105 : i32 to index
      %swap3A_141 = arith.constant 112 : index
      %swap3A_142 = tpu.vector_load %arg8[%swap3A_140, %swap3A_141] {strides = array<i32>} : memref<80x128xf32, #tpu.memory_space<vmem>>, vector<1x16xf32>,
      %swap3A_143 = vector.shape_cast %swap3A_142 : vector<1x16xf32> to vector<16xf32>
      %swap3A_144 = vector.shape_cast %broadcast_in_dim3A_8 : vector<16xf32> to vector<1x16xf32>
      tpu.vector_store %arg8[%swap3A_140, %swap3A_141], %swap3A_144 {strides = array<i32>} : memref<80x128xf32, #tpu.memory_space<vmem>>, vector<1x16xf32>,
    }
    %scan3A_13 = arith.constant 80 : i32
    %add3A_14 = arith.constant 0 : i32
    %add3A_15 = arith.addi %mul3A_2, %add3A_14 : i32
    "tpu.region"() ({
      %run_scoped3A = tpu.sem_alloc : memref<!tpu.dma_semaphore, #tpu.memory_space<semaphore_mem>>
      %dma_start3A_105 = arith.constant 0 : i32
      %dma_start3A_106 = tpu.memref_slice %arg18[%add3A_15, %dma_start3A_105] : memref<10240x128xf32, #tpu.memory_space<vmem_shared>> -> memref<80x128xf32, #tpu.memory_space<vmem_shared>>
      %dma_start3A_107 = arith.constant 0 : i32
      %dma_start3A_108 = tpu.memref_slice %arg18[%add3A_15, %dma_start3A_107] : memref<10240x128xf32, #tpu.memory_space<vmem_shared>> -> memref<80x128xf32, #tpu.memory_space<vmem_shared>>
      tpu.enqueue_dma source(%arg8 : memref<80x128xf32, #tpu.memory_space<vmem>>) target(%dma_start3A_108 : memref<80x128xf32, #tpu.memory_space<vmem_shared>>) target_semaphore(%run_scoped3A : memref<!tpu.dma_semaphore, #tpu.memory_space<semaphore_mem>>)
      %dma_wait3A_109 = arith.constant 0 : i32
      %dma_wait3A_110 = tpu.memref_slice %arg18[%add3A_15, %dma_wait3A_109] : memref<10240x128xf32, #tpu.memory_space<vmem_shared>> -> memref<80x128xf32, #tpu.memory_space<vmem_shared>>
      %dma_wait3A_111 = arith.constant 0 : i32
      %dma_wait3A_112 = tpu.memref_slice %arg18[%add3A_15, %dma_wait3A_111] : memref<10240x128xf32, #tpu.memory_space<vmem_shared>> -> memref<80x128xf32, #tpu.memory_space<vmem_shared>>
      tpu.wait_dma2 semaphore(%run_scoped3A : memref<!tpu.dma_semaphore, #tpu.memory_space<semaphore_mem>>) src(%arg8 : memref<80x128xf32, #tpu.memory_space<vmem>>) dst(%dma_wait3A_112 : memref<80x128xf32, #tpu.memory_space<vmem_shared>>)
      tpu.yield
    }) : () -> ()
    %add3A_16 = arith.constant 80 : i32
    %add3A_17 = arith.addi %mul3A_2, %add3A_16 : i32
    "tpu.region"() ({
      %run_scoped3A = tpu.sem_alloc : memref<!tpu.dma_semaphore, #tpu.memory_space<semaphore_mem>>
      %dma_start3A_105 = arith.constant 0 : i32
      %dma_start3A_106 = tpu.memref_slice %arg18[%add3A_17, %dma_start3A_105] : memref<10240x128xf32, #tpu.memory_space<vmem_shared>> -> memref<80x128xf32, #tpu.memory_space<vmem_shared>>
      %dma_start3A_107 = arith.constant 0 : i32
      %dma_start3A_108 = tpu.memref_slice %arg18[%add3A_17, %dma_start3A_107] : memref<10240x128xf32, #tpu.memory_space<vmem_shared>> -> memref<80x128xf32, #tpu.memory_space<vmem_shared>>
      tpu.enqueue_dma source(%arg8 : memref<80x128xf32, #tpu.memory_space<vmem>>) target(%dma_start3A_108 : memref<80x128xf32, #tpu.memory_space<vmem_shared>>) target_semaphore(%run_scoped3A : memref<!tpu.dma_semaphore, #tpu.memory_space<semaphore_mem>>)
      %dma_wait3A_109 = arith.constant 0 : i32
      %dma_wait3A_110 = tpu.memref_slice %arg18[%add3A_17, %dma_wait3A_109] : memref<10240x128xf32, #tpu.memory_space<vmem_shared>> -> memref<80x128xf32, #tpu.memory_space<vmem_shared>>
      %dma_wait3A_111 = arith.constant 0 : i32
      %dma_wait3A_112 = tpu.memref_slice %arg18[%add3A_17, %dma_wait3A_111] : memref<10240x128xf32, #tpu.memory_space<vmem_shared>> -> memref<80x128xf32, #tpu.memory_space<vmem_shared>>
      tpu.wait_dma2 semaphore(%run_scoped3A : memref<!tpu.dma_semaphore, #tpu.memory_space<semaphore_mem>>) src(%arg8 : memref<80x128xf32, #tpu.memory_space<vmem>>) dst(%dma_wait3A_112 : memref<80x128xf32, #tpu.memory_space<vmem_shared>>)
      tpu.yield
    }) : () -> ()
    %add3A_18 = arith.constant 160 : i32
    %add3A_19 = arith.addi %mul3A_2, %add3A_18 : i32
    "tpu.region"() ({
      %run_scoped3A = tpu.sem_alloc : memref<!tpu.dma_semaphore, #tpu.memory_space<semaphore_mem>>
      %dma_start3A_105 = arith.constant 0 : i32
      %dma_start3A_106 = tpu.memref_slice %arg18[%add3A_19, %dma_start3A_105] : memref<10240x128xf32, #tpu.memory_space<vmem_shared>> -> memref<80x128xf32, #tpu.memory_space<vmem_shared>>
      %dma_start3A_107 = arith.constant 0 : i32
      %dma_start3A_108 = tpu.memref_slice %arg18[%add3A_19, %dma_start3A_107] : memref<10240x128xf32, #tpu.memory_space<vmem_shared>> -> memref<80x128xf32, #tpu.memory_space<vmem_shared>>
      tpu.enqueue_dma source(%arg8 : memref<80x128xf32, #tpu.memory_space<vmem>>) target(%dma_start3A_108 : memref<80x128xf32, #tpu.memory_space<vmem_shared>>) target_semaphore(%run_scoped3A : memref<!tpu.dma_semaphore, #tpu.memory_space<semaphore_mem>>)
      %dma_wait3A_109 = arith.constant 0 : i32
      %dma_wait3A_110 = tpu.memref_slice %arg18[%add3A_19, %dma_wait3A_109] : memref<10240x128xf32, #tpu.memory_space<vmem_shared>> -> memref<80x128xf32, #tpu.memory_space<vmem_shared>>
      %dma_wait3A_111 = arith.constant 0 : i32
      %dma_wait3A_112 = tpu.memref_slice %arg18[%add3A_19, %dma_wait3A_111] : memref<10240x128xf32, #tpu.memory_space<vmem_shared>> -> memref<80x128xf32, #tpu.memory_space<vmem_shared>>
      tpu.wait_dma2 semaphore(%run_scoped3A : memref<!tpu.dma_semaphore, #tpu.memory_space<semaphore_mem>>) src(%arg8 : memref<80x128xf32, #tpu.memory_space<vmem>>) dst(%dma_wait3A_112 : memref<80x128xf32, #tpu.memory_space<vmem_shared>>)
      tpu.yield
    }) : () -> ()
    %add3A_20 = arith.constant 240 : i32
    %add3A_21 = arith.addi %mul3A_2, %add3A_20 : i32
    "tpu.region"() ({
      %run_scoped3A = tpu.sem_alloc : memref<!tpu.dma_semaphore, #tpu.memory_space<semaphore_mem>>
      %dma_start3A_105 = arith.constant 0 : i32
      %dma_start3A_106 = tpu.memref_slice %arg18[%add3A_21, %dma_start3A_105] : memref<10240x128xf32, #tpu.memory_space<vmem_shared>> -> memref<80x128xf32, #tpu.memory_space<vmem_shared>>
      %dma_start3A_107 = arith.constant 0 : i32
      %dma_start3A_108 = tpu.memref_slice %arg18[%add3A_21, %dma_start3A_107] : memref<10240x128xf32, #tpu.memory_space<vmem_shared>> -> memref<80x128xf32, #tpu.memory_space<vmem_shared>>
      tpu.enqueue_dma source(%arg8 : memref<80x128xf32, #tpu.memory_space<vmem>>) target(%dma_start3A_108 : memref<80x128xf32, #tpu.memory_space<vmem_shared>>) target_semaphore(%run_scoped3A : memref<!tpu.dma_semaphore, #tpu.memory_space<semaphore_mem>>)
      %dma_wait3A_109 = arith.constant 0 : i32
      %dma_wait3A_110 = tpu.memref_slice %arg18[%add3A_21, %dma_wait3A_109] : memref<10240x128xf32, #tpu.memory_space<vmem_shared>> -> memref<80x128xf32, #tpu.memory_space<vmem_shared>>
      %dma_wait3A_111 = arith.constant 0 : i32
      %dma_wait3A_112 = tpu.memref_slice %arg18[%add3A_21, %dma_wait3A_111] : memref<10240x128xf32, #tpu.memory_space<vmem_shared>> -> memref<80x128xf32, #tpu.memory_space<vmem_shared>>
      tpu.wait_dma2 semaphore(%run_scoped3A : memref<!tpu.dma_semaphore, #tpu.memory_space<semaphore_mem>>) src(%arg8 : memref<80x128xf32, #tpu.memory_space<vmem>>) dst(%dma_wait3A_112 : memref<80x128xf32, #tpu.memory_space<vmem_shared>>)
      tpu.yield
    }) : () -> ()
    %add3A_22 = arith.constant 320 : i32
    %add3A_23 = arith.addi %mul3A_2, %add3A_22 : i32
    "tpu.region"() ({
      %run_scoped3A = tpu.sem_alloc : memref<!tpu.dma_semaphore, #tpu.memory_space<semaphore_mem>>
      %dma_start3A_105 = arith.constant 0 : i32
      %dma_start3A_106 = tpu.memref_slice %arg18[%add3A_23, %dma_start3A_105] : memref<10240x128xf32, #tpu.memory_space<vmem_shared>> -> memref<80x128xf32, #tpu.memory_space<vmem_shared>>
      %dma_start3A_107 = arith.constant 0 : i32
      %dma_start3A_108 = tpu.memref_slice %arg18[%add3A_23, %dma_start3A_107] : memref<10240x128xf32, #tpu.memory_space<vmem_shared>> -> memref<80x128xf32, #tpu.memory_space<vmem_shared>>
      tpu.enqueue_dma source(%arg8 : memref<80x128xf32, #tpu.memory_space<vmem>>) target(%dma_start3A_108 : memref<80x128xf32, #tpu.memory_space<vmem_shared>>) target_semaphore(%run_scoped3A : memref<!tpu.dma_semaphore, #tpu.memory_space<semaphore_mem>>)
      %dma_wait3A_109 = arith.constant 0 : i32
      %dma_wait3A_110 = tpu.memref_slice %arg18[%add3A_23, %dma_wait3A_109] : memref<10240x128xf32, #tpu.memory_space<vmem_shared>> -> memref<80x128xf32, #tpu.memory_space<vmem_shared>>
      %dma_wait3A_111 = arith.constant 0 : i32
      %dma_wait3A_112 = tpu.memref_slice %arg18[%add3A_23, %dma_wait3A_111] : memref<10240x128xf32, #tpu.memory_space<vmem_shared>> -> memref<80x128xf32, #tpu.memory_space<vmem_shared>>
      tpu.wait_dma2 semaphore(%run_scoped3A : memref<!tpu.dma_semaphore, #tpu.memory_space<semaphore_mem>>) src(%arg8 : memref<80x128xf32, #tpu.memory_space<vmem>>) dst(%dma_wait3A_112 : memref<80x128xf32, #tpu.memory_space<vmem_shared>>)
      tpu.yield
    }) : () -> ()
    %add3A_24 = arith.constant 400 : i32
    %add3A_25 = arith.addi %mul3A_2, %add3A_24 : i32
    "tpu.region"() ({
      %run_scoped3A = tpu.sem_alloc : memref<!tpu.dma_semaphore, #tpu.memory_space<semaphore_mem>>
      %dma_start3A_105 = arith.constant 0 : i32
      %dma_start3A_106 = tpu.memref_slice %arg18[%add3A_25, %dma_start3A_105] : memref<10240x128xf32, #tpu.memory_space<vmem_shared>> -> memref<80x128xf32, #tpu.memory_space<vmem_shared>>
      %dma_start3A_107 = arith.constant 0 : i32
      %dma_start3A_108 = tpu.memref_slice %arg18[%add3A_25, %dma_start3A_107] : memref<10240x128xf32, #tpu.memory_space<vmem_shared>> -> memref<80x128xf32, #tpu.memory_space<vmem_shared>>
      tpu.enqueue_dma source(%arg8 : memref<80x128xf32, #tpu.memory_space<vmem>>) target(%dma_start3A_108 : memref<80x128xf32, #tpu.memory_space<vmem_shared>>) target_semaphore(%run_scoped3A : memref<!tpu.dma_semaphore, #tpu.memory_space<semaphore_mem>>)
      %dma_wait3A_109 = arith.constant 0 : i32
      %dma_wait3A_110 = tpu.memref_slice %arg18[%add3A_25, %dma_wait3A_109] : memref<10240x128xf32, #tpu.memory_space<vmem_shared>> -> memref<80x128xf32, #tpu.memory_space<vmem_shared>>
      %dma_wait3A_111 = arith.constant 0 : i32
      %dma_wait3A_112 = tpu.memref_slice %arg18[%add3A_25, %dma_wait3A_111] : memref<10240x128xf32, #tpu.memory_space<vmem_shared>> -> memref<80x128xf32, #tpu.memory_space<vmem_shared>>
      tpu.wait_dma2 semaphore(%run_scoped3A : memref<!tpu.dma_semaphore, #tpu.memory_space<semaphore_mem>>) src(%arg8 : memref<80x128xf32, #tpu.memory_space<vmem>>) dst(%dma_wait3A_112 : memref<80x128xf32, #tpu.memory_space<vmem_shared>>)
      tpu.yield
    }) : () -> ()
    %add3A_26 = arith.constant 480 : i32
    %add3A_27 = arith.addi %mul3A_2, %add3A_26 : i32
    "tpu.region"() ({
      %run_scoped3A = tpu.sem_alloc : memref<!tpu.dma_semaphore, #tpu.memory_space<semaphore_mem>>
      %dma_start3A_105 = arith.constant 0 : i32
      %dma_start3A_106 = tpu.memref_slice %arg18[%add3A_27, %dma_start3A_105] : memref<10240x128xf32, #tpu.memory_space<vmem_shared>> -> memref<80x128xf32, #tpu.memory_space<vmem_shared>>
      %dma_start3A_107 = arith.constant 0 : i32
      %dma_start3A_108 = tpu.memref_slice %arg18[%add3A_27, %dma_start3A_107] : memref<10240x128xf32, #tpu.memory_space<vmem_shared>> -> memref<80x128xf32, #tpu.memory_space<vmem_shared>>
      tpu.enqueue_dma source(%arg8 : memref<80x128xf32, #tpu.memory_space<vmem>>) target(%dma_start3A_108 : memref<80x128xf32, #tpu.memory_space<vmem_shared>>) target_semaphore(%run_scoped3A : memref<!tpu.dma_semaphore, #tpu.memory_space<semaphore_mem>>)
      %dma_wait3A_109 = arith.constant 0 : i32
      %dma_wait3A_110 = tpu.memref_slice %arg18[%add3A_27, %dma_wait3A_109] : memref<10240x128xf32, #tpu.memory_space<vmem_shared>> -> memref<80x128xf32, #tpu.memory_space<vmem_shared>>
      %dma_wait3A_111 = arith.constant 0 : i32
      %dma_wait3A_112 = tpu.memref_slice %arg18[%add3A_27, %dma_wait3A_111] : memref<10240x128xf32, #tpu.memory_space<vmem_shared>> -> memref<80x128xf32, #tpu.memory_space<vmem_shared>>
      tpu.wait_dma2 semaphore(%run_scoped3A : memref<!tpu.dma_semaphore, #tpu.memory_space<semaphore_mem>>) src(%arg8 : memref<80x128xf32, #tpu.memory_space<vmem>>) dst(%dma_wait3A_112 : memref<80x128xf32, #tpu.memory_space<vmem_shared>>)
      tpu.yield
    }) : () -> ()
    %add3A_28 = arith.constant 560 : i32
    %add3A_29 = arith.addi %mul3A_2, %add3A_28 : i32
    "tpu.region"() ({
      %run_scoped3A = tpu.sem_alloc : memref<!tpu.dma_semaphore, #tpu.memory_space<semaphore_mem>>
      %dma_start3A_105 = arith.constant 0 : i32
      %dma_start3A_106 = tpu.memref_slice %arg18[%add3A_29, %dma_start3A_105] : memref<10240x128xf32, #tpu.memory_space<vmem_shared>> -> memref<80x128xf32, #tpu.memory_space<vmem_shared>>
      %dma_start3A_107 = arith.constant 0 : i32
      %dma_start3A_108 = tpu.memref_slice %arg18[%add3A_29, %dma_start3A_107] : memref<10240x128xf32, #tpu.memory_space<vmem_shared>> -> memref<80x128xf32, #tpu.memory_space<vmem_shared>>
      tpu.enqueue_dma source(%arg8 : memref<80x128xf32, #tpu.memory_space<vmem>>) target(%dma_start3A_108 : memref<80x128xf32, #tpu.memory_space<vmem_shared>>) target_semaphore(%run_scoped3A : memref<!tpu.dma_semaphore, #tpu.memory_space<semaphore_mem>>)
      %dma_wait3A_109 = arith.constant 0 : i32
      %dma_wait3A_110 = tpu.memref_slice %arg18[%add3A_29, %dma_wait3A_109] : memref<10240x128xf32, #tpu.memory_space<vmem_shared>> -> memref<80x128xf32, #tpu.memory_space<vmem_shared>>
      %dma_wait3A_111 = arith.constant 0 : i32
      %dma_wait3A_112 = tpu.memref_slice %arg18[%add3A_29, %dma_wait3A_111] : memref<10240x128xf32, #tpu.memory_space<vmem_shared>> -> memref<80x128xf32, #tpu.memory_space<vmem_shared>>
      tpu.wait_dma2 semaphore(%run_scoped3A : memref<!tpu.dma_semaphore, #tpu.memory_space<semaphore_mem>>) src(%arg8 : memref<80x128xf32, #tpu.memory_space<vmem>>) dst(%dma_wait3A_112 : memref<80x128xf32, #tpu.memory_space<vmem_shared>>)
      tpu.yield
    }) : () -> ()
    %barrier3A = arith.constant 0 : index
    tpu.barrier barrier_id(%barrier3A)
    "tpu.region"() ({
      %run_scoped3A = tpu.sem_alloc : memref<!tpu.dma_semaphore, #tpu.memory_space<semaphore_mem>>
      %dma_start3A_105 = tpu.memref_slice %arg3[%mul3A_7] : memref<320000xi32, #tpu.memory_space<hbm>> -> memref<80xi32, #tpu.memory_space<hbm>>
      %dma_start3A_106 = tpu.memref_slice %arg3[%mul3A_7] : memref<320000xi32, #tpu.memory_space<hbm>> -> memref<80xi32, #tpu.memory_space<hbm>>
      tpu.enqueue_dma source(%dma_start3A_106 : memref<80xi32, #tpu.memory_space<hbm>>) target(%arg6 : memref<80xi32, #tpu.memory_space<vmem>>) target_semaphore(%run_scoped3A : memref<!tpu.dma_semaphore, #tpu.memory_space<semaphore_mem>>)
      %dma_wait3A_107 = tpu.memref_slice %arg3[%mul3A_7] : memref<320000xi32, #tpu.memory_space<hbm>> -> memref<80xi32, #tpu.memory_space<hbm>>
      %dma_wait3A_108 = tpu.memref_slice %arg3[%mul3A_7] : memref<320000xi32, #tpu.memory_space<hbm>> -> memref<80xi32, #tpu.memory_space<hbm>>
      tpu.wait_dma2 semaphore(%run_scoped3A : memref<!tpu.dma_semaphore, #tpu.memory_space<semaphore_mem>>) src(%dma_wait3A_108 : memref<80xi32, #tpu.memory_space<hbm>>) dst(%arg6 : memref<80xi32, #tpu.memory_space<vmem>>)
      tpu.yield
    }) : () -> ()
    "tpu.region"() ({
      %run_scoped3A = tpu.sem_alloc : memref<!tpu.dma_semaphore, #tpu.memory_space<semaphore_mem>>
      %dma_start3A_105 = tpu.memref_slice %arg4[%mul3A_7] : memref<320000xi32, #tpu.memory_space<hbm>> -> memref<80xi32, #tpu.memory_space<hbm>>
      %dma_start3A_106 = tpu.memref_slice %arg4[%mul3A_7] : memref<320000xi32, #tpu.memory_space<hbm>> -> memref<80xi32, #tpu.memory_space<hbm>>
      tpu.enqueue_dma source(%dma_start3A_106 : memref<80xi32, #tpu.memory_space<hbm>>) target(%arg7 : memref<80xi32, #tpu.memory_space<vmem>>) target_semaphore(%run_scoped3A : memref<!tpu.dma_semaphore, #tpu.memory_space<semaphore_mem>>)
      %dma_wait3A_107 = tpu.memref_slice %arg4[%mul3A_7] : memref<320000xi32, #tpu.memory_space<hbm>> -> memref<80xi32, #tpu.memory_space<hbm>>
      %dma_wait3A_108 = tpu.memref_slice %arg4[%mul3A_7] : memref<320000xi32, #tpu.memory_space<hbm>> -> memref<80xi32, #tpu.memory_space<hbm>>
      tpu.wait_dma2 semaphore(%run_scoped3A : memref<!tpu.dma_semaphore, #tpu.memory_space<semaphore_mem>>) src(%dma_wait3A_108 : memref<80xi32, #tpu.memory_space<hbm>>) dst(%arg7 : memref<80xi32, #tpu.memory_space<vmem>>)
      tpu.yield
    }) : () -> ()
    %dma_start3A = arith.constant 0 : i32
    %dma_start3A_30 = arith.constant 0 : i32
    %dma_start3A_31 = tpu.memref_slice %arg2[%dma_start3A, %dma_start3A_30] : memref<10000x128xf32, #tpu.memory_space<hbm>> -> memref<10000x128xf32, #tpu.memory_space<hbm>>
    tpu.enqueue_indirect_dma source(%dma_start3A_31 : memref<10000x128xf32, #tpu.memory_space<hbm>>) target(%arg8 : memref<80x128xf32, #tpu.memory_space<vmem>>) offsets(%arg6 : memref<80xi32, #tpu.memory_space<vmem>>) semaphore(%arg19 : memref<!tpu.dma_semaphore, #tpu.memory_space<semaphore_mem>>)
    %add3A_32 = arith.constant 80 : i32
    %add3A_33 = arith.addi %mul3A_7, %add3A_32 : i32
    "tpu.region"() ({
      %run_scoped3A = tpu.sem_alloc : memref<!tpu.dma_semaphore, #tpu.memory_space<semaphore_mem>>
      %dma_start3A_105 = tpu.memref_slice %arg3[%add3A_33] : memref<320000xi32, #tpu.memory_space<hbm>> -> memref<80xi32, #tpu.memory_space<hbm>>
      %dma_start3A_106 = tpu.memref_slice %arg3[%add3A_33] : memref<320000xi32, #tpu.memory_space<hbm>> -> memref<80xi32, #tpu.memory_space<hbm>>
      tpu.enqueue_dma source(%dma_start3A_106 : memref<80xi32, #tpu.memory_space<hbm>>) target(%arg9 : memref<80xi32, #tpu.memory_space<vmem>>) target_semaphore(%run_scoped3A : memref<!tpu.dma_semaphore, #tpu.memory_space<semaphore_mem>>)
      %dma_wait3A_107 = tpu.memref_slice %arg3[%add3A_33] : memref<320000xi32, #tpu.memory_space<hbm>> -> memref<80xi32, #tpu.memory_space<hbm>>
      %dma_wait3A_108 = tpu.memref_slice %arg3[%add3A_33] : memref<320000xi32, #tpu.memory_space<hbm>> -> memref<80xi32, #tpu.memory_space<hbm>>
      tpu.wait_dma2 semaphore(%run_scoped3A : memref<!tpu.dma_semaphore, #tpu.memory_space<semaphore_mem>>) src(%dma_wait3A_108 : memref<80xi32, #tpu.memory_space<hbm>>) dst(%arg9 : memref<80xi32, #tpu.memory_space<vmem>>)
      tpu.yield
    }) : () -> ()
    "tpu.region"() ({
      %run_scoped3A = tpu.sem_alloc : memref<!tpu.dma_semaphore, #tpu.memory_space<semaphore_mem>>
      %dma_start3A_105 = tpu.memref_slice %arg4[%add3A_33] : memref<320000xi32, #tpu.memory_space<hbm>> -> memref<80xi32, #tpu.memory_space<hbm>>
      %dma_start3A_106 = tpu.memref_slice %arg4[%add3A_33] : memref<320000xi32, #tpu.memory_space<hbm>> -> memref<80xi32, #tpu.memory_space<hbm>>
      tpu.enqueue_dma source(%dma_start3A_106 : memref<80xi32, #tpu.memory_space<hbm>>) target(%arg10 : memref<80xi32, #tpu.memory_space<vmem>>) target_semaphore(%run_scoped3A : memref<!tpu.dma_semaphore, #tpu.memory_space<semaphore_mem>>)
      %dma_wait3A_107 = tpu.memref_slice %arg4[%add3A_33] : memref<320000xi32, #tpu.memory_space<hbm>> -> memref<80xi32, #tpu.memory_space<hbm>>
      %dma_wait3A_108 = tpu.memref_slice %arg4[%add3A_33] : memref<320000xi32, #tpu.memory_space<hbm>> -> memref<80xi32, #tpu.memory_space<hbm>>
      tpu.wait_dma2 semaphore(%run_scoped3A : memref<!tpu.dma_semaphore, #tpu.memory_space<semaphore_mem>>) src(%dma_wait3A_108 : memref<80xi32, #tpu.memory_space<hbm>>) dst(%arg10 : memref<80xi32, #tpu.memory_space<vmem>>)
      tpu.yield
    }) : () -> ()
    %dma_start3A_34 = arith.constant 0 : i32
    %dma_start3A_35 = arith.constant 0 : i32
    %dma_start3A_36 = tpu.memref_slice %arg2[%dma_start3A_34, %dma_start3A_35] : memref<10000x128xf32, #tpu.memory_space<hbm>> -> memref<10000x128xf32, #tpu.memory_space<hbm>>
    tpu.enqueue_indirect_dma source(%dma_start3A_36 : memref<10000x128xf32, #tpu.memory_space<hbm>>) target(%arg11 : memref<80x128xf32, #tpu.memory_space<vmem>>) offsets(%arg9 : memref<80xi32, #tpu.memory_space<vmem>>) semaphore(%arg20 : memref<!tpu.dma_semaphore, #tpu.memory_space<semaphore_mem>>)
    %scan3A_37 = arith.constant 0 : i32
    %scan3A_38 = arith.constant 0 : i32
    %scan3A_39 = arith.constant 30 : i32
    %scan3A_40 = arith.addi %scan3A_38, %scan3A_39 : i32
    %scan3A_41 = arith.constant 1 : i32
    scf.for %scan3A_105 = %scan3A_38 to %scan3A_40 step %scan3A_41  : i32 {
      %mul3A_106 = arith.constant 4 : i32
      %mul3A_107 = arith.muli %mul3A_106, %scan3A_105 : i32
      %add3A_108 = arith.constant 0 : i32
      %add3A_109 = arith.addi %mul3A_107, %add3A_108 : i32
      %add3A_110 = arith.constant 2 : i32
      %add3A_111 = arith.addi %add3A_109, %add3A_110 : i32
      %mul3A_112 = arith.constant 80 : i32
      %mul3A_113 = arith.muli %add3A_111, %mul3A_112 : i32
      %add3A_114 = arith.addi %mul3A_7, %mul3A_113 : i32
      "tpu.region"() ({
        %run_scoped3A = tpu.sem_alloc : memref<!tpu.dma_semaphore, #tpu.memory_space<semaphore_mem>>
        %dma_start3A_166 = tpu.memref_slice %arg3[%add3A_114] : memref<320000xi32, #tpu.memory_space<hbm>> -> memref<80xi32, #tpu.memory_space<hbm>>
        %dma_start3A_167 = tpu.memref_slice %arg3[%add3A_114] : memref<320000xi32, #tpu.memory_space<hbm>> -> memref<80xi32, #tpu.memory_space<hbm>>
        tpu.enqueue_dma source(%dma_start3A_167 : memref<80xi32, #tpu.memory_space<hbm>>) target(%arg12 : memref<80xi32, #tpu.memory_space<vmem>>) target_semaphore(%run_scoped3A : memref<!tpu.dma_semaphore, #tpu.memory_space<semaphore_mem>>)
        %dma_wait3A_168 = tpu.memref_slice %arg3[%add3A_114] : memref<320000xi32, #tpu.memory_space<hbm>> -> memref<80xi32, #tpu.memory_space<hbm>>
        %dma_wait3A_169 = tpu.memref_slice %arg3[%add3A_114] : memref<320000xi32, #tpu.memory_space<hbm>> -> memref<80xi32, #tpu.memory_space<hbm>>
        tpu.wait_dma2 semaphore(%run_scoped3A : memref<!tpu.dma_semaphore, #tpu.memory_space<semaphore_mem>>) src(%dma_wait3A_169 : memref<80xi32, #tpu.memory_space<hbm>>) dst(%arg12 : memref<80xi32, #tpu.memory_space<vmem>>)
        tpu.yield
      }) : () -> ()
      "tpu.region"() ({
        %run_scoped3A = tpu.sem_alloc : memref<!tpu.dma_semaphore, #tpu.memory_space<semaphore_mem>>
        %dma_start3A_166 = tpu.memref_slice %arg4[%add3A_114] : memref<320000xi32, #tpu.memory_space<hbm>> -> memref<80xi32, #tpu.memory_space<hbm>>
        %dma_start3A_167 = tpu.memref_slice %arg4[%add3A_114] : memref<320000xi32, #tpu.memory_space<hbm>> -> memref<80xi32, #tpu.memory_space<hbm>>
        tpu.enqueue_dma source(%dma_start3A_167 : memref<80xi32, #tpu.memory_space<hbm>>) target(%arg13 : memref<80xi32, #tpu.memory_space<vmem>>) target_semaphore(%run_scoped3A : memref<!tpu.dma_semaphore, #tpu.memory_space<semaphore_mem>>)
        %dma_wait3A_168 = tpu.memref_slice %arg4[%add3A_114] : memref<320000xi32, #tpu.memory_space<hbm>> -> memref<80xi32, #tpu.memory_space<hbm>>
        %dma_wait3A_169 = tpu.memref_slice %arg4[%add3A_114] : memref<320000xi32, #tpu.memory_space<hbm>> -> memref<80xi32, #tpu.memory_space<hbm>>
        tpu.wait_dma2 semaphore(%run_scoped3A : memref<!tpu.dma_semaphore, #tpu.memory_space<semaphore_mem>>) src(%dma_wait3A_169 : memref<80xi32, #tpu.memory_space<hbm>>) dst(%arg13 : memref<80xi32, #tpu.memory_space<vmem>>)
        tpu.yield
      }) : () -> ()
      %dma_start3A_115 = arith.constant 0 : i32
      %dma_start3A_116 = arith.constant 0 : i32
      %dma_start3A_117 = tpu.memref_slice %arg2[%dma_start3A_115, %dma_start3A_116] : memref<10000x128xf32, #tpu.memory_space<hbm>> -> memref<10000x128xf32, #tpu.memory_space<hbm>>
      tpu.enqueue_indirect_dma source(%dma_start3A_117 : memref<10000x128xf32, #tpu.memory_space<hbm>>) target(%arg14 : memref<80x128xf32, #tpu.memory_space<vmem>>) offsets(%arg12 : memref<80xi32, #tpu.memory_space<vmem>>) semaphore(%arg21 : memref<!tpu.dma_semaphore, #tpu.memory_space<semaphore_mem>>)
      %dma_wait3A_118 = arith.constant 0 : i32
      %dma_wait3A_119 = arith.constant 0 : i32
      %dma_wait3A_120 = tpu.memref_slice %arg2[%dma_wait3A_118, %dma_wait3A_119] : memref<10000x128xf32, #tpu.memory_space<hbm>> -> memref<10000x128xf32, #tpu.memory_space<hbm>>
      tpu.wait_indirect_dma semaphore(%arg19 : memref<!tpu.dma_semaphore, #tpu.memory_space<semaphore_mem>>) src(%dma_wait3A_120 : memref<10000x128xf32, #tpu.memory_space<hbm>>) dst(%arg8 : memref<80x128xf32, #tpu.memory_space<vmem>>)
      "tpu.region"() ({
        %run_scoped3A = tpu.sem_alloc : memref<!tpu.dma_semaphore, #tpu.memory_space<semaphore_mem>>
        %dma_start3A_166 = arith.constant 0 : i32
        %dma_start3A_167 = arith.constant 0 : i32
        %dma_start3A_168 = tpu.memref_slice %arg18[%dma_start3A_166, %dma_start3A_167] : memref<10240x128xf32, #tpu.memory_space<vmem_shared>> -> memref<10240x128xf32, #tpu.memory_space<vmem_shared>>
        tpu.enqueue_indirect_dma source(%arg8 : memref<80x128xf32, #tpu.memory_space<vmem>>) target(%dma_start3A_168 : memref<10240x128xf32, #tpu.memory_space<vmem_shared>>) offsets(%arg7 : memref<80xi32, #tpu.memory_space<vmem>>) semaphore(%run_scoped3A : memref<!tpu.dma_semaphore, #tpu.memory_space<semaphore_mem>>) {add = true}
        %dma_wait3A_169 = arith.constant 0 : i32
        %dma_wait3A_170 = arith.constant 0 : i32
        %dma_wait3A_171 = tpu.memref_slice %arg18[%dma_wait3A_169, %dma_wait3A_170] : memref<10240x128xf32, #tpu.memory_space<vmem_shared>> -> memref<10240x128xf32, #tpu.memory_space<vmem_shared>>
        tpu.wait_indirect_dma semaphore(%run_scoped3A : memref<!tpu.dma_semaphore, #tpu.memory_space<semaphore_mem>>) src(%arg8 : memref<80x128xf32, #tpu.memory_space<vmem>>) dst(%dma_wait3A_171 : memref<10240x128xf32, #tpu.memory_space<vmem_shared>>)
        tpu.yield
      }) : () -> ()
      %mul3A_121 = arith.constant 4 : i32
      %mul3A_122 = arith.muli %mul3A_121, %scan3A_105 : i32
      %add3A_123 = arith.constant 1 : i32
      %add3A_124 = arith.addi %mul3A_122, %add3A_123 : i32
      %add3A_125 = arith.constant 2 : i32
      %add3A_126 = arith.addi %add3A_124, %add3A_125 : i32
      %mul3A_127 = arith.constant 80 : i32
      %mul3A_128 = arith.muli %add3A_126, %mul3A_127 : i32
      %add3A_129 = arith.addi %mul3A_7, %mul3A_128 : i32
      "tpu.region"() ({
        %run_scoped3A = tpu.sem_alloc : memref<!tpu.dma_semaphore, #tpu.memory_space<semaphore_mem>>
        %dma_start3A_166 = tpu.memref_slice %arg3[%add3A_129] : memref<320000xi32, #tpu.memory_space<hbm>> -> memref<80xi32, #tpu.memory_space<hbm>>
        %dma_start3A_167 = tpu.memref_slice %arg3[%add3A_129] : memref<320000xi32, #tpu.memory_space<hbm>> -> memref<80xi32, #tpu.memory_space<hbm>>
        tpu.enqueue_dma source(%dma_start3A_167 : memref<80xi32, #tpu.memory_space<hbm>>) target(%arg15 : memref<80xi32, #tpu.memory_space<vmem>>) target_semaphore(%run_scoped3A : memref<!tpu.dma_semaphore, #tpu.memory_space<semaphore_mem>>)
        %dma_wait3A_168 = tpu.memref_slice %arg3[%add3A_129] : memref<320000xi32, #tpu.memory_space<hbm>> -> memref<80xi32, #tpu.memory_space<hbm>>
        %dma_wait3A_169 = tpu.memref_slice %arg3[%add3A_129] : memref<320000xi32, #tpu.memory_space<hbm>> -> memref<80xi32, #tpu.memory_space<hbm>>
        tpu.wait_dma2 semaphore(%run_scoped3A : memref<!tpu.dma_semaphore, #tpu.memory_space<semaphore_mem>>) src(%dma_wait3A_169 : memref<80xi32, #tpu.memory_space<hbm>>) dst(%arg15 : memref<80xi32, #tpu.memory_space<vmem>>)
        tpu.yield
      }) : () -> ()
      "tpu.region"() ({
        %run_scoped3A = tpu.sem_alloc : memref<!tpu.dma_semaphore, #tpu.memory_space<semaphore_mem>>
        %dma_start3A_166 = tpu.memref_slice %arg4[%add3A_129] : memref<320000xi32, #tpu.memory_space<hbm>> -> memref<80xi32, #tpu.memory_space<hbm>>
        %dma_start3A_167 = tpu.memref_slice %arg4[%add3A_129] : memref<320000xi32, #tpu.memory_space<hbm>> -> memref<80xi32, #tpu.memory_space<hbm>>
        tpu.enqueue_dma source(%dma_start3A_167 : memref<80xi32, #tpu.memory_space<hbm>>) target(%arg16 : memref<80xi32, #tpu.memory_space<vmem>>) target_semaphore(%run_scoped3A : memref<!tpu.dma_semaphore, #tpu.memory_space<semaphore_mem>>)
        %dma_wait3A_168 = tpu.memref_slice %arg4[%add3A_129] : memref<320000xi32, #tpu.memory_space<hbm>> -> memref<80xi32, #tpu.memory_space<hbm>>
        %dma_wait3A_169 = tpu.memref_slice %arg4[%add3A_129] : memref<320000xi32, #tpu.memory_space<hbm>> -> memref<80xi32, #tpu.memory_space<hbm>>
        tpu.wait_dma2 semaphore(%run_scoped3A : memref<!tpu.dma_semaphore, #tpu.memory_space<semaphore_mem>>) src(%dma_wait3A_169 : memref<80xi32, #tpu.memory_space<hbm>>) dst(%arg16 : memref<80xi32, #tpu.memory_space<vmem>>)
        tpu.yield
      }) : () -> ()
      %dma_start3A_130 = arith.constant 0 : i32
      %dma_start3A_131 = arith.constant 0 : i32
      %dma_start3A_132 = tpu.memref_slice %arg2[%dma_start3A_130, %dma_start3A_131] : memref<10000x128xf32, #tpu.memory_space<hbm>> -> memref<10000x128xf32, #tpu.memory_space<hbm>>
      tpu.enqueue_indirect_dma source(%dma_start3A_132 : memref<10000x128xf32, #tpu.memory_space<hbm>>) target(%arg17 : memref<80x128xf32, #tpu.memory_space<vmem>>) offsets(%arg15 : memref<80xi32, #tpu.memory_space<vmem>>) semaphore(%arg22 : memref<!tpu.dma_semaphore, #tpu.memory_space<semaphore_mem>>)
      %dma_wait3A_133 = arith.constant 0 : i32
      %dma_wait3A_134 = arith.constant 0 : i32
      %dma_wait3A_135 = tpu.memref_slice %arg2[%dma_wait3A_133, %dma_wait3A_134] : memref<10000x128xf32, #tpu.memory_space<hbm>> -> memref<10000x128xf32, #tpu.memory_space<hbm>>
      tpu.wait_indirect_dma semaphore(%arg20 : memref<!tpu.dma_semaphore, #tpu.memory_space<semaphore_mem>>) src(%dma_wait3A_135 : memref<10000x128xf32, #tpu.memory_space<hbm>>) dst(%arg11 : memref<80x128xf32, #tpu.memory_space<vmem>>)
      "tpu.region"() ({
        %run_scoped3A = tpu.sem_alloc : memref<!tpu.dma_semaphore, #tpu.memory_space<semaphore_mem>>
        %dma_start3A_166 = arith.constant 0 : i32
        %dma_start3A_167 = arith.constant 0 : i32
        %dma_start3A_168 = tpu.memref_slice %arg18[%dma_start3A_166, %dma_start3A_167] : memref<10240x128xf32, #tpu.memory_space<vmem_shared>> -> memref<10240x128xf32, #tpu.memory_space<vmem_shared>>
        tpu.enqueue_indirect_dma source(%arg11 : memref<80x128xf32, #tpu.memory_space<vmem>>) target(%dma_start3A_168 : memref<10240x128xf32, #tpu.memory_space<vmem_shared>>) offsets(%arg10 : memref<80xi32, #tpu.memory_space<vmem>>) semaphore(%run_scoped3A : memref<!tpu.dma_semaphore, #tpu.memory_space<semaphore_mem>>) {add = true}
        %dma_wait3A_169 = arith.constant 0 : i32
        %dma_wait3A_170 = arith.constant 0 : i32
        %dma_wait3A_171 = tpu.memref_slice %arg18[%dma_wait3A_169, %dma_wait3A_170] : memref<10240x128xf32, #tpu.memory_space<vmem_shared>> -> memref<10240x128xf32, #tpu.memory_space<vmem_shared>>
        tpu.wait_indirect_dma semaphore(%run_scoped3A : memref<!tpu.dma_semaphore, #tpu.memory_space<semaphore_mem>>) src(%arg11 : memref<80x128xf32, #tpu.memory_space<vmem>>) dst(%dma_wait3A_171 : memref<10240x128xf32, #tpu.memory_space<vmem_shared>>)
        tpu.yield
      }) : () -> ()
      %mul3A_136 = arith.constant 4 : i32
      %mul3A_137 = arith.muli %mul3A_136, %scan3A_105 : i32
      %add3A_138 = arith.constant 2 : i32
      %add3A_139 = arith.addi %mul3A_137, %add3A_138 : i32
      %add3A_140 = arith.constant 2 : i32
      %add3A_141 = arith.addi %add3A_139, %add3A_140 : i32
      %mul3A_142 = arith.constant 80 : i32
      %mul3A_143 = arith.muli %add3A_141, %mul3A_142 : i32
      %add3A_144 = arith.addi %mul3A_7, %mul3A_143 : i32
      "tpu.region"() ({
        %run_scoped3A = tpu.sem_alloc : memref<!tpu.dma_semaphore, #tpu.memory_space<semaphore_mem>>
        %dma_start3A_166 = tpu.memref_slice %arg3[%add3A_144] : memref<320000xi32, #tpu.memory_space<hbm>> -> memref<80xi32, #tpu.memory_space<hbm>>
        %dma_start3A_167 = tpu.memref_slice %arg3[%add3A_144] : memref<320000xi32, #tpu.memory_space<hbm>> -> memref<80xi32, #tpu.memory_space<hbm>>
        tpu.enqueue_dma source(%dma_start3A_167 : memref<80xi32, #tpu.memory_space<hbm>>) target(%arg6 : memref<80xi32, #tpu.memory_space<vmem>>) target_semaphore(%run_scoped3A : memref<!tpu.dma_semaphore, #tpu.memory_space<semaphore_mem>>)
        %dma_wait3A_168 = tpu.memref_slice %arg3[%add3A_144] : memref<320000xi32, #tpu.memory_space<hbm>> -> memref<80xi32, #tpu.memory_space<hbm>>
        %dma_wait3A_169 = tpu.memref_slice %arg3[%add3A_144] : memref<320000xi32, #tpu.memory_space<hbm>> -> memref<80xi32, #tpu.memory_space<hbm>>
        tpu.wait_dma2 semaphore(%run_scoped3A : memref<!tpu.dma_semaphore, #tpu.memory_space<semaphore_mem>>) src(%dma_wait3A_169 : memref<80xi32, #tpu.memory_space<hbm>>) dst(%arg6 : memref<80xi32, #tpu.memory_space<vmem>>)
        tpu.yield
      }) : () -> ()
      "tpu.region"() ({
        %run_scoped3A = tpu.sem_alloc : memref<!tpu.dma_semaphore, #tpu.memory_space<semaphore_mem>>
        %dma_start3A_166 = tpu.memref_slice %arg4[%add3A_144] : memref<320000xi32, #tpu.memory_space<hbm>> -> memref<80xi32, #tpu.memory_space<hbm>>
        %dma_start3A_167 = tpu.memref_slice %arg4[%add3A_144] : memref<320000xi32, #tpu.memory_space<hbm>> -> memref<80xi32, #tpu.memory_space<hbm>>
        tpu.enqueue_dma source(%dma_start3A_167 : memref<80xi32, #tpu.memory_space<hbm>>) target(%arg7 : memref<80xi32, #tpu.memory_space<vmem>>) target_semaphore(%run_scoped3A : memref<!tpu.dma_semaphore, #tpu.memory_space<semaphore_mem>>)
        %dma_wait3A_168 = tpu.memref_slice %arg4[%add3A_144] : memref<320000xi32, #tpu.memory_space<hbm>> -> memref<80xi32, #tpu.memory_space<hbm>>
        %dma_wait3A_169 = tpu.memref_slice %arg4[%add3A_144] : memref<320000xi32, #tpu.memory_space<hbm>> -> memref<80xi32, #tpu.memory_space<hbm>>
        tpu.wait_dma2 semaphore(%run_scoped3A : memref<!tpu.dma_semaphore, #tpu.memory_space<semaphore_mem>>) src(%dma_wait3A_169 : memref<80xi32, #tpu.memory_space<hbm>>) dst(%arg7 : memref<80xi32, #tpu.memory_space<vmem>>)
        tpu.yield
      }) : () -> ()
      %dma_start3A_145 = arith.constant 0 : i32
      %dma_start3A_146 = arith.constant 0 : i32
      %dma_start3A_147 = tpu.memref_slice %arg2[%dma_start3A_145, %dma_start3A_146] : memref<10000x128xf32, #tpu.memory_space<hbm>> -> memref<10000x128xf32, #tpu.memory_space<hbm>>
      tpu.enqueue_indirect_dma source(%dma_start3A_147 : memref<10000x128xf32, #tpu.memory_space<hbm>>) target(%arg8 : memref<80x128xf32, #tpu.memory_space<vmem>>) offsets(%arg6 : memref<80xi32, #tpu.memory_space<vmem>>) semaphore(%arg19 : memref<!tpu.dma_semaphore, #tpu.memory_space<semaphore_mem>>)
      %dma_wait3A_148 = arith.constant 0 : i32
      %dma_wait3A_149 = arith.constant 0 : i32
      %dma_wait3A_150 = tpu.memref_slice %arg2[%dma_wait3A_148, %dma_wait3A_149] : memref<10000x128xf32, #tpu.memory_space<hbm>> -> memref<10000x128xf32, #tpu.memory_space<hbm>>
      tpu.wait_indirect_dma semaphore(%arg21 : memref<!tpu.dma_semaphore, #tpu.memory_space<semaphore_mem>>) src(%dma_wait3A_150 : memref<10000x128xf32, #tpu.memory_space<hbm>>) dst(%arg14 : memref<80x128xf32, #tpu.memory_space<vmem>>)
      "tpu.region"() ({
        %run_scoped3A = tpu.sem_alloc : memref<!tpu.dma_semaphore, #tpu.memory_space<semaphore_mem>>
        %dma_start3A_166 = arith.constant 0 : i32
        %dma_start3A_167 = arith.constant 0 : i32
        %dma_start3A_168 = tpu.memref_slice %arg18[%dma_start3A_166, %dma_start3A_167] : memref<10240x128xf32, #tpu.memory_space<vmem_shared>> -> memref<10240x128xf32, #tpu.memory_space<vmem_shared>>
        tpu.enqueue_indirect_dma source(%arg14 : memref<80x128xf32, #tpu.memory_space<vmem>>) target(%dma_start3A_168 : memref<10240x128xf32, #tpu.memory_space<vmem_shared>>) offsets(%arg13 : memref<80xi32, #tpu.memory_space<vmem>>) semaphore(%run_scoped3A : memref<!tpu.dma_semaphore, #tpu.memory_space<semaphore_mem>>) {add = true}
        %dma_wait3A_169 = arith.constant 0 : i32
        %dma_wait3A_170 = arith.constant 0 : i32
        %dma_wait3A_171 = tpu.memref_slice %arg18[%dma_wait3A_169, %dma_wait3A_170] : memref<10240x128xf32, #tpu.memory_space<vmem_shared>> -> memref<10240x128xf32, #tpu.memory_space<vmem_shared>>
        tpu.wait_indirect_dma semaphore(%run_scoped3A : memref<!tpu.dma_semaphore, #tpu.memory_space<semaphore_mem>>) src(%arg14 : memref<80x128xf32, #tpu.memory_space<vmem>>) dst(%dma_wait3A_171 : memref<10240x128xf32, #tpu.memory_space<vmem_shared>>)
        tpu.yield
      }) : () -> ()
      %mul3A_151 = arith.constant 4 : i32
      %mul3A_152 = arith.muli %mul3A_151, %scan3A_105 : i32
      %add3A_153 = arith.constant 3 : i32
      %add3A_154 = arith.addi %mul3A_152, %add3A_153 : i32
      %add3A_155 = arith.constant 2 : i32
      %add3A_156 = arith.addi %add3A_154, %add3A_155 : i32
      %mul3A_157 = arith.constant 80 : i32
      %mul3A_158 = arith.muli %add3A_156, %mul3A_157 : i32
      %add3A_159 = arith.addi %mul3A_7, %mul3A_158 : i32
      "tpu.region"() ({
        %run_scoped3A = tpu.sem_alloc : memref<!tpu.dma_semaphore, #tpu.memory_space<semaphore_mem>>
        %dma_start3A_166 = tpu.memref_slice %arg3[%add3A_159] : memref<320000xi32, #tpu.memory_space<hbm>> -> memref<80xi32, #tpu.memory_space<hbm>>
        %dma_start3A_167 = tpu.memref_slice %arg3[%add3A_159] : memref<320000xi32, #tpu.memory_space<hbm>> -> memref<80xi32, #tpu.memory_space<hbm>>
        tpu.enqueue_dma source(%dma_start3A_167 : memref<80xi32, #tpu.memory_space<hbm>>) target(%arg9 : memref<80xi32, #tpu.memory_space<vmem>>) target_semaphore(%run_scoped3A : memref<!tpu.dma_semaphore, #tpu.memory_space<semaphore_mem>>)
        %dma_wait3A_168 = tpu.memref_slice %arg3[%add3A_159] : memref<320000xi32, #tpu.memory_space<hbm>> -> memref<80xi32, #tpu.memory_space<hbm>>
        %dma_wait3A_169 = tpu.memref_slice %arg3[%add3A_159] : memref<320000xi32, #tpu.memory_space<hbm>> -> memref<80xi32, #tpu.memory_space<hbm>>
        tpu.wait_dma2 semaphore(%run_scoped3A : memref<!tpu.dma_semaphore, #tpu.memory_space<semaphore_mem>>) src(%dma_wait3A_169 : memref<80xi32, #tpu.memory_space<hbm>>) dst(%arg9 : memref<80xi32, #tpu.memory_space<vmem>>)
        tpu.yield
      }) : () -> ()
      "tpu.region"() ({
        %run_scoped3A = tpu.sem_alloc : memref<!tpu.dma_semaphore, #tpu.memory_space<semaphore_mem>>
        %dma_start3A_166 = tpu.memref_slice %arg4[%add3A_159] : memref<320000xi32, #tpu.memory_space<hbm>> -> memref<80xi32, #tpu.memory_space<hbm>>
        %dma_start3A_167 = tpu.memref_slice %arg4[%add3A_159] : memref<320000xi32, #tpu.memory_space<hbm>> -> memref<80xi32, #tpu.memory_space<hbm>>
        tpu.enqueue_dma source(%dma_start3A_167 : memref<80xi32, #tpu.memory_space<hbm>>) target(%arg10 : memref<80xi32, #tpu.memory_space<vmem>>) target_semaphore(%run_scoped3A : memref<!tpu.dma_semaphore, #tpu.memory_space<semaphore_mem>>)
        %dma_wait3A_168 = tpu.memref_slice %arg4[%add3A_159] : memref<320000xi32, #tpu.memory_space<hbm>> -> memref<80xi32, #tpu.memory_space<hbm>>
        %dma_wait3A_169 = tpu.memref_slice %arg4[%add3A_159] : memref<320000xi32, #tpu.memory_space<hbm>> -> memref<80xi32, #tpu.memory_space<hbm>>
        tpu.wait_dma2 semaphore(%run_scoped3A : memref<!tpu.dma_semaphore, #tpu.memory_space<semaphore_mem>>) src(%dma_wait3A_169 : memref<80xi32, #tpu.memory_space<hbm>>) dst(%arg10 : memref<80xi32, #tpu.memory_space<vmem>>)
        tpu.yield
      }) : () -> ()
      %dma_start3A_160 = arith.constant 0 : i32
      %dma_start3A_161 = arith.constant 0 : i32
      %dma_start3A_162 = tpu.memref_slice %arg2[%dma_start3A_160, %dma_start3A_161] : memref<10000x128xf32, #tpu.memory_space<hbm>> -> memref<10000x128xf32, #tpu.memory_space<hbm>>
      tpu.enqueue_indirect_dma source(%dma_start3A_162 : memref<10000x128xf32, #tpu.memory_space<hbm>>) target(%arg11 : memref<80x128xf32, #tpu.memory_space<vmem>>) offsets(%arg9 : memref<80xi32, #tpu.memory_space<vmem>>) semaphore(%arg20 : memref<!tpu.dma_semaphore, #tpu.memory_space<semaphore_mem>>)
      %dma_wait3A_163 = arith.constant 0 : i32
      %dma_wait3A_164 = arith.constant 0 : i32
      %dma_wait3A_165 = tpu.memref_slice %arg2[%dma_wait3A_163, %dma_wait3A_164] : memref<10000x128xf32, #tpu.memory_space<hbm>> -> memref<10000x128xf32, #tpu.memory_space<hbm>>
      tpu.wait_indirect_dma semaphore(%arg22 : memref<!tpu.dma_semaphore, #tpu.memory_space<semaphore_mem>>) src(%dma_wait3A_165 : memref<10000x128xf32, #tpu.memory_space<hbm>>) dst(%arg17 : memref<80x128xf32, #tpu.memory_space<vmem>>)
      "tpu.region"() ({
        %run_scoped3A = tpu.sem_alloc : memref<!tpu.dma_semaphore, #tpu.memory_space<semaphore_mem>>
        %dma_start3A_166 = arith.constant 0 : i32
        %dma_start3A_167 = arith.constant 0 : i32
        %dma_start3A_168 = tpu.memref_slice %arg18[%dma_start3A_166, %dma_start3A_167] : memref<10240x128xf32, #tpu.memory_space<vmem_shared>> -> memref<10240x128xf32, #tpu.memory_space<vmem_shared>>
        tpu.enqueue_indirect_dma source(%arg17 : memref<80x128xf32, #tpu.memory_space<vmem>>) target(%dma_start3A_168 : memref<10240x128xf32, #tpu.memory_space<vmem_shared>>) offsets(%arg16 : memref<80xi32, #tpu.memory_space<vmem>>) semaphore(%run_scoped3A : memref<!tpu.dma_semaphore, #tpu.memory_space<semaphore_mem>>) {add = true}
        %dma_wait3A_169 = arith.constant 0 : i32
        %dma_wait3A_170 = arith.constant 0 : i32
        %dma_wait3A_171 = tpu.memref_slice %arg18[%dma_wait3A_169, %dma_wait3A_170] : memref<10240x128xf32, #tpu.memory_space<vmem_shared>> -> memref<10240x128xf32, #tpu.memory_space<vmem_shared>>
        tpu.wait_indirect_dma semaphore(%run_scoped3A : memref<!tpu.dma_semaphore, #tpu.memory_space<semaphore_mem>>) src(%arg17 : memref<80x128xf32, #tpu.memory_space<vmem>>) dst(%dma_wait3A_171 : memref<10240x128xf32, #tpu.memory_space<vmem_shared>>)
        tpu.yield
      }) : () -> ()
    }
    %scan3A_42 = arith.constant 30 : i32
    %add3A_43 = arith.constant 9760 : i32
    %add3A_44 = arith.addi %mul3A_7, %add3A_43 : i32
    "tpu.region"() ({
      %run_scoped3A = tpu.sem_alloc : memref<!tpu.dma_semaphore, #tpu.memory_space<semaphore_mem>>
      %dma_start3A_105 = tpu.memref_slice %arg3[%add3A_44] : memref<320000xi32, #tpu.memory_space<hbm>> -> memref<80xi32, #tpu.memory_space<hbm>>
      %dma_start3A_106 = tpu.memref_slice %arg3[%add3A_44] : memref<320000xi32, #tpu.memory_space<hbm>> -> memref<80xi32, #tpu.memory_space<hbm>>
      tpu.enqueue_dma source(%dma_start3A_106 : memref<80xi32, #tpu.memory_space<hbm>>) target(%arg12 : memref<80xi32, #tpu.memory_space<vmem>>) target_semaphore(%run_scoped3A : memref<!tpu.dma_semaphore, #tpu.memory_space<semaphore_mem>>)
      %dma_wait3A_107 = tpu.memref_slice %arg3[%add3A_44] : memref<320000xi32, #tpu.memory_space<hbm>> -> memref<80xi32, #tpu.memory_space<hbm>>
      %dma_wait3A_108 = tpu.memref_slice %arg3[%add3A_44] : memref<320000xi32, #tpu.memory_space<hbm>> -> memref<80xi32, #tpu.memory_space<hbm>>
      tpu.wait_dma2 semaphore(%run_scoped3A : memref<!tpu.dma_semaphore, #tpu.memory_space<semaphore_mem>>) src(%dma_wait3A_108 : memref<80xi32, #tpu.memory_space<hbm>>) dst(%arg12 : memref<80xi32, #tpu.memory_space<vmem>>)
      tpu.yield
    }) : () -> ()
    "tpu.region"() ({
      %run_scoped3A = tpu.sem_alloc : memref<!tpu.dma_semaphore, #tpu.memory_space<semaphore_mem>>
      %dma_start3A_105 = tpu.memref_slice %arg4[%add3A_44] : memref<320000xi32, #tpu.memory_space<hbm>> -> memref<80xi32, #tpu.memory_space<hbm>>
      %dma_start3A_106 = tpu.memref_slice %arg4[%add3A_44] : memref<320000xi32, #tpu.memory_space<hbm>> -> memref<80xi32, #tpu.memory_space<hbm>>
      tpu.enqueue_dma source(%dma_start3A_106 : memref<80xi32, #tpu.memory_space<hbm>>) target(%arg13 : memref<80xi32, #tpu.memory_space<vmem>>) target_semaphore(%run_scoped3A : memref<!tpu.dma_semaphore, #tpu.memory_space<semaphore_mem>>)
      %dma_wait3A_107 = tpu.memref_slice %arg4[%add3A_44] : memref<320000xi32, #tpu.memory_space<hbm>> -> memref<80xi32, #tpu.memory_space<hbm>>
      %dma_wait3A_108 = tpu.memref_slice %arg4[%add3A_44] : memref<320000xi32, #tpu.memory_space<hbm>> -> memref<80xi32, #tpu.memory_space<hbm>>
      tpu.wait_dma2 semaphore(%run_scoped3A : memref<!tpu.dma_semaphore, #tpu.memory_space<semaphore_mem>>) src(%dma_wait3A_108 : memref<80xi32, #tpu.memory_space<hbm>>) dst(%arg13 : memref<80xi32, #tpu.memory_space<vmem>>)
      tpu.yield
    }) : () -> ()
    %dma_start3A_45 = arith.constant 0 : i32
    %dma_start3A_46 = arith.constant 0 : i32
    %dma_start3A_47 = tpu.memref_slice %arg2[%dma_start3A_45, %dma_start3A_46] : memref<10000x128xf32, #tpu.memory_space<hbm>> -> memref<10000x128xf32, #tpu.memory_space<hbm>>
    tpu.enqueue_indirect_dma source(%dma_start3A_47 : memref<10000x128xf32, #tpu.memory_space<hbm>>) target(%arg14 : memref<80x128xf32, #tpu.memory_space<vmem>>) offsets(%arg12 : memref<80xi32, #tpu.memory_space<vmem>>) semaphore(%arg21 : memref<!tpu.dma_semaphore, #tpu.memory_space<semaphore_mem>>)
    %dma_wait3A = arith.constant 0 : i32
    %dma_wait3A_48 = arith.constant 0 : i32
    %dma_wait3A_49 = tpu.memref_slice %arg2[%dma_wait3A, %dma_wait3A_48] : memref<10000x128xf32, #tpu.memory_space<hbm>> -> memref<10000x128xf32, #tpu.memory_space<hbm>>
    tpu.wait_indirect_dma semaphore(%arg19 : memref<!tpu.dma_semaphore, #tpu.memory_space<semaphore_mem>>) src(%dma_wait3A_49 : memref<10000x128xf32, #tpu.memory_space<hbm>>) dst(%arg8 : memref<80x128xf32, #tpu.memory_space<vmem>>)
    "tpu.region"() ({
      %run_scoped3A = tpu.sem_alloc : memref<!tpu.dma_semaphore, #tpu.memory_space<semaphore_mem>>
      %dma_start3A_105 = arith.constant 0 : i32
      %dma_start3A_106 = arith.constant 0 : i32
      %dma_start3A_107 = tpu.memref_slice %arg18[%dma_start3A_105, %dma_start3A_106] : memref<10240x128xf32, #tpu.memory_space<vmem_shared>> -> memref<10240x128xf32, #tpu.memory_space<vmem_shared>>
      tpu.enqueue_indirect_dma source(%arg8 : memref<80x128xf32, #tpu.memory_space<vmem>>) target(%dma_start3A_107 : memref<10240x128xf32, #tpu.memory_space<vmem_shared>>) offsets(%arg7 : memref<80xi32, #tpu.memory_space<vmem>>) semaphore(%run_scoped3A : memref<!tpu.dma_semaphore, #tpu.memory_space<semaphore_mem>>) {add = true}
      %dma_wait3A_108 = arith.constant 0 : i32
      %dma_wait3A_109 = arith.constant 0 : i32
      %dma_wait3A_110 = tpu.memref_slice %arg18[%dma_wait3A_108, %dma_wait3A_109] : memref<10240x128xf32, #tpu.memory_space<vmem_shared>> -> memref<10240x128xf32, #tpu.memory_space<vmem_shared>>
      tpu.wait_indirect_dma semaphore(%run_scoped3A : memref<!tpu.dma_semaphore, #tpu.memory_space<semaphore_mem>>) src(%arg8 : memref<80x128xf32, #tpu.memory_space<vmem>>) dst(%dma_wait3A_110 : memref<10240x128xf32, #tpu.memory_space<vmem_shared>>)
      tpu.yield
    }) : () -> ()
    %add3A_50 = arith.constant 9840 : i32
    %add3A_51 = arith.addi %mul3A_7, %add3A_50 : i32
    "tpu.region"() ({
      %run_scoped3A = tpu.sem_alloc : memref<!tpu.dma_semaphore, #tpu.memory_space<semaphore_mem>>
      %dma_start3A_105 = tpu.memref_slice %arg3[%add3A_51] : memref<320000xi32, #tpu.memory_space<hbm>> -> memref<80xi32, #tpu.memory_space<hbm>>
      %dma_start3A_106 = tpu.memref_slice %arg3[%add3A_51] : memref<320000xi32, #tpu.memory_space<hbm>> -> memref<80xi32, #tpu.memory_space<hbm>>
      tpu.enqueue_dma source(%dma_start3A_106 : memref<80xi32, #tpu.memory_space<hbm>>) target(%arg15 : memref<80xi32, #tpu.memory_space<vmem>>) target_semaphore(%run_scoped3A : memref<!tpu.dma_semaphore, #tpu.memory_space<semaphore_mem>>)
      %dma_wait3A_107 = tpu.memref_slice %arg3[%add3A_51] : memref<320000xi32, #tpu.memory_space<hbm>> -> memref<80xi32, #tpu.memory_space<hbm>>
      %dma_wait3A_108 = tpu.memref_slice %arg3[%add3A_51] : memref<320000xi32, #tpu.memory_space<hbm>> -> memref<80xi32, #tpu.memory_space<hbm>>
      tpu.wait_dma2 semaphore(%run_scoped3A : memref<!tpu.dma_semaphore, #tpu.memory_space<semaphore_mem>>) src(%dma_wait3A_108 : memref<80xi32, #tpu.memory_space<hbm>>) dst(%arg15 : memref<80xi32, #tpu.memory_space<vmem>>)
      tpu.yield
    }) : () -> ()
    "tpu.region"() ({
      %run_scoped3A = tpu.sem_alloc : memref<!tpu.dma_semaphore, #tpu.memory_space<semaphore_mem>>
      %dma_start3A_105 = tpu.memref_slice %arg4[%add3A_51] : memref<320000xi32, #tpu.memory_space<hbm>> -> memref<80xi32, #tpu.memory_space<hbm>>
      %dma_start3A_106 = tpu.memref_slice %arg4[%add3A_51] : memref<320000xi32, #tpu.memory_space<hbm>> -> memref<80xi32, #tpu.memory_space<hbm>>
      tpu.enqueue_dma source(%dma_start3A_106 : memref<80xi32, #tpu.memory_space<hbm>>) target(%arg16 : memref<80xi32, #tpu.memory_space<vmem>>) target_semaphore(%run_scoped3A : memref<!tpu.dma_semaphore, #tpu.memory_space<semaphore_mem>>)
      %dma_wait3A_107 = tpu.memref_slice %arg4[%add3A_51] : memref<320000xi32, #tpu.memory_space<hbm>> -> memref<80xi32, #tpu.memory_space<hbm>>
      %dma_wait3A_108 = tpu.memref_slice %arg4[%add3A_51] : memref<320000xi32, #tpu.memory_space<hbm>> -> memref<80xi32, #tpu.memory_space<hbm>>
      tpu.wait_dma2 semaphore(%run_scoped3A : memref<!tpu.dma_semaphore, #tpu.memory_space<semaphore_mem>>) src(%dma_wait3A_108 : memref<80xi32, #tpu.memory_space<hbm>>) dst(%arg16 : memref<80xi32, #tpu.memory_space<vmem>>)
      tpu.yield
    }) : () -> ()
    %dma_start3A_52 = arith.constant 0 : i32
    %dma_start3A_53 = arith.constant 0 : i32
    %dma_start3A_54 = tpu.memref_slice %arg2[%dma_start3A_52, %dma_start3A_53] : memref<10000x128xf32, #tpu.memory_space<hbm>> -> memref<10000x128xf32, #tpu.memory_space<hbm>>
    tpu.enqueue_indirect_dma source(%dma_start3A_54 : memref<10000x128xf32, #tpu.memory_space<hbm>>) target(%arg17 : memref<80x128xf32, #tpu.memory_space<vmem>>) offsets(%arg15 : memref<80xi32, #tpu.memory_space<vmem>>) semaphore(%arg22 : memref<!tpu.dma_semaphore, #tpu.memory_space<semaphore_mem>>)
    %dma_wait3A_55 = arith.constant 0 : i32
    %dma_wait3A_56 = arith.constant 0 : i32
    %dma_wait3A_57 = tpu.memref_slice %arg2[%dma_wait3A_55, %dma_wait3A_56] : memref<10000x128xf32, #tpu.memory_space<hbm>> -> memref<10000x128xf32, #tpu.memory_space<hbm>>
    tpu.wait_indirect_dma semaphore(%arg20 : memref<!tpu.dma_semaphore, #tpu.memory_space<semaphore_mem>>) src(%dma_wait3A_57 : memref<10000x128xf32, #tpu.memory_space<hbm>>) dst(%arg11 : memref<80x128xf32, #tpu.memory_space<vmem>>)
    "tpu.region"() ({
      %run_scoped3A = tpu.sem_alloc : memref<!tpu.dma_semaphore, #tpu.memory_space<semaphore_mem>>
      %dma_start3A_105 = arith.constant 0 : i32
      %dma_start3A_106 = arith.constant 0 : i32
      %dma_start3A_107 = tpu.memref_slice %arg18[%dma_start3A_105, %dma_start3A_106] : memref<10240x128xf32, #tpu.memory_space<vmem_shared>> -> memref<10240x128xf32, #tpu.memory_space<vmem_shared>>
      tpu.enqueue_indirect_dma source(%arg11 : memref<80x128xf32, #tpu.memory_space<vmem>>) target(%dma_start3A_107 : memref<10240x128xf32, #tpu.memory_space<vmem_shared>>) offsets(%arg10 : memref<80xi32, #tpu.memory_space<vmem>>) semaphore(%run_scoped3A : memref<!tpu.dma_semaphore, #tpu.memory_space<semaphore_mem>>) {add = true}
      %dma_wait3A_108 = arith.constant 0 : i32
      %dma_wait3A_109 = arith.constant 0 : i32
      %dma_wait3A_110 = tpu.memref_slice %arg18[%dma_wait3A_108, %dma_wait3A_109] : memref<10240x128xf32, #tpu.memory_space<vmem_shared>> -> memref<10240x128xf32, #tpu.memory_space<vmem_shared>>
      tpu.wait_indirect_dma semaphore(%run_scoped3A : memref<!tpu.dma_semaphore, #tpu.memory_space<semaphore_mem>>) src(%arg11 : memref<80x128xf32, #tpu.memory_space<vmem>>) dst(%dma_wait3A_110 : memref<10240x128xf32, #tpu.memory_space<vmem_shared>>)
      tpu.yield
    }) : () -> ()
    %add3A_58 = arith.constant 9920 : i32
    %add3A_59 = arith.addi %mul3A_7, %add3A_58 : i32
    "tpu.region"() ({
      %run_scoped3A = tpu.sem_alloc : memref<!tpu.dma_semaphore, #tpu.memory_space<semaphore_mem>>
      %dma_start3A_105 = tpu.memref_slice %arg3[%add3A_59] : memref<320000xi32, #tpu.memory_space<hbm>> -> memref<80xi32, #tpu.memory_space<hbm>>
      %dma_start3A_106 = tpu.memref_slice %arg3[%add3A_59] : memref<320000xi32, #tpu.memory_space<hbm>> -> memref<80xi32, #tpu.memory_space<hbm>>
      tpu.enqueue_dma source(%dma_start3A_106 : memref<80xi32, #tpu.memory_space<hbm>>) target(%arg6 : memref<80xi32, #tpu.memory_space<vmem>>) target_semaphore(%run_scoped3A : memref<!tpu.dma_semaphore, #tpu.memory_space<semaphore_mem>>)
      %dma_wait3A_107 = tpu.memref_slice %arg3[%add3A_59] : memref<320000xi32, #tpu.memory_space<hbm>> -> memref<80xi32, #tpu.memory_space<hbm>>
      %dma_wait3A_108 = tpu.memref_slice %arg3[%add3A_59] : memref<320000xi32, #tpu.memory_space<hbm>> -> memref<80xi32, #tpu.memory_space<hbm>>
      tpu.wait_dma2 semaphore(%run_scoped3A : memref<!tpu.dma_semaphore, #tpu.memory_space<semaphore_mem>>) src(%dma_wait3A_108 : memref<80xi32, #tpu.memory_space<hbm>>) dst(%arg6 : memref<80xi32, #tpu.memory_space<vmem>>)
      tpu.yield
    }) : () -> ()
    "tpu.region"() ({
      %run_scoped3A = tpu.sem_alloc : memref<!tpu.dma_semaphore, #tpu.memory_space<semaphore_mem>>
      %dma_start3A_105 = tpu.memref_slice %arg4[%add3A_59] : memref<320000xi32, #tpu.memory_space<hbm>> -> memref<80xi32, #tpu.memory_space<hbm>>
      %dma_start3A_106 = tpu.memref_slice %arg4[%add3A_59] : memref<320000xi32, #tpu.memory_space<hbm>> -> memref<80xi32, #tpu.memory_space<hbm>>
      tpu.enqueue_dma source(%dma_start3A_106 : memref<80xi32, #tpu.memory_space<hbm>>) target(%arg7 : memref<80xi32, #tpu.memory_space<vmem>>) target_semaphore(%run_scoped3A : memref<!tpu.dma_semaphore, #tpu.memory_space<semaphore_mem>>)
      %dma_wait3A_107 = tpu.memref_slice %arg4[%add3A_59] : memref<320000xi32, #tpu.memory_space<hbm>> -> memref<80xi32, #tpu.memory_space<hbm>>
      %dma_wait3A_108 = tpu.memref_slice %arg4[%add3A_59] : memref<320000xi32, #tpu.memory_space<hbm>> -> memref<80xi32, #tpu.memory_space<hbm>>
      tpu.wait_dma2 semaphore(%run_scoped3A : memref<!tpu.dma_semaphore, #tpu.memory_space<semaphore_mem>>) src(%dma_wait3A_108 : memref<80xi32, #tpu.memory_space<hbm>>) dst(%arg7 : memref<80xi32, #tpu.memory_space<vmem>>)
      tpu.yield
    }) : () -> ()
    %dma_start3A_60 = arith.constant 0 : i32
    %dma_start3A_61 = arith.constant 0 : i32
    %dma_start3A_62 = tpu.memref_slice %arg2[%dma_start3A_60, %dma_start3A_61] : memref<10000x128xf32, #tpu.memory_space<hbm>> -> memref<10000x128xf32, #tpu.memory_space<hbm>>
    tpu.enqueue_indirect_dma source(%dma_start3A_62 : memref<10000x128xf32, #tpu.memory_space<hbm>>) target(%arg8 : memref<80x128xf32, #tpu.memory_space<vmem>>) offsets(%arg6 : memref<80xi32, #tpu.memory_space<vmem>>) semaphore(%arg19 : memref<!tpu.dma_semaphore, #tpu.memory_space<semaphore_mem>>)
    %dma_wait3A_63 = arith.constant 0 : i32
    %dma_wait3A_64 = arith.constant 0 : i32
    %dma_wait3A_65 = tpu.memref_slice %arg2[%dma_wait3A_63, %dma_wait3A_64] : memref<10000x128xf32, #tpu.memory_space<hbm>> -> memref<10000x128xf32, #tpu.memory_space<hbm>>
    tpu.wait_indirect_dma semaphore(%arg21 : memref<!tpu.dma_semaphore, #tpu.memory_space<semaphore_mem>>) src(%dma_wait3A_65 : memref<10000x128xf32, #tpu.memory_space<hbm>>) dst(%arg14 : memref<80x128xf32, #tpu.memory_space<vmem>>)
    "tpu.region"() ({
      %run_scoped3A = tpu.sem_alloc : memref<!tpu.dma_semaphore, #tpu.memory_space<semaphore_mem>>
      %dma_start3A_105 = arith.constant 0 : i32
      %dma_start3A_106 = arith.constant 0 : i32
      %dma_start3A_107 = tpu.memref_slice %arg18[%dma_start3A_105, %dma_start3A_106] : memref<10240x128xf32, #tpu.memory_space<vmem_shared>> -> memref<10240x128xf32, #tpu.memory_space<vmem_shared>>
      tpu.enqueue_indirect_dma source(%arg14 : memref<80x128xf32, #tpu.memory_space<vmem>>) target(%dma_start3A_107 : memref<10240x128xf32, #tpu.memory_space<vmem_shared>>) offsets(%arg13 : memref<80xi32, #tpu.memory_space<vmem>>) semaphore(%run_scoped3A : memref<!tpu.dma_semaphore, #tpu.memory_space<semaphore_mem>>) {add = true}
      %dma_wait3A_108 = arith.constant 0 : i32
      %dma_wait3A_109 = arith.constant 0 : i32
      %dma_wait3A_110 = tpu.memref_slice %arg18[%dma_wait3A_108, %dma_wait3A_109] : memref<10240x128xf32, #tpu.memory_space<vmem_shared>> -> memref<10240x128xf32, #tpu.memory_space<vmem_shared>>
      tpu.wait_indirect_dma semaphore(%run_scoped3A : memref<!tpu.dma_semaphore, #tpu.memory_space<semaphore_mem>>) src(%arg14 : memref<80x128xf32, #tpu.memory_space<vmem>>) dst(%dma_wait3A_110 : memref<10240x128xf32, #tpu.memory_space<vmem_shared>>)
      tpu.yield
    }) : () -> ()
    %dma_wait3A_66 = arith.constant 0 : i32
    %dma_wait3A_67 = arith.constant 0 : i32
    %dma_wait3A_68 = tpu.memref_slice %arg2[%dma_wait3A_66, %dma_wait3A_67] : memref<10000x128xf32, #tpu.memory_space<hbm>> -> memref<10000x128xf32, #tpu.memory_space<hbm>>
    tpu.wait_indirect_dma semaphore(%arg22 : memref<!tpu.dma_semaphore, #tpu.memory_space<semaphore_mem>>) src(%dma_wait3A_68 : memref<10000x128xf32, #tpu.memory_space<hbm>>) dst(%arg17 : memref<80x128xf32, #tpu.memory_space<vmem>>)
    "tpu.region"() ({
      %run_scoped3A = tpu.sem_alloc : memref<!tpu.dma_semaphore, #tpu.memory_space<semaphore_mem>>
      %dma_start3A_105 = arith.constant 0 : i32
      %dma_start3A_106 = arith.constant 0 : i32
      %dma_start3A_107 = tpu.memref_slice %arg18[%dma_start3A_105, %dma_start3A_106] : memref<10240x128xf32, #tpu.memory_space<vmem_shared>> -> memref<10240x128xf32, #tpu.memory_space<vmem_shared>>
      tpu.enqueue_indirect_dma source(%arg17 : memref<80x128xf32, #tpu.memory_space<vmem>>) target(%dma_start3A_107 : memref<10240x128xf32, #tpu.memory_space<vmem_shared>>) offsets(%arg16 : memref<80xi32, #tpu.memory_space<vmem>>) semaphore(%run_scoped3A : memref<!tpu.dma_semaphore, #tpu.memory_space<semaphore_mem>>) {add = true}
      %dma_wait3A_108 = arith.constant 0 : i32
      %dma_wait3A_109 = arith.constant 0 : i32
      %dma_wait3A_110 = tpu.memref_slice %arg18[%dma_wait3A_108, %dma_wait3A_109] : memref<10240x128xf32, #tpu.memory_space<vmem_shared>> -> memref<10240x128xf32, #tpu.memory_space<vmem_shared>>
      tpu.wait_indirect_dma semaphore(%run_scoped3A : memref<!tpu.dma_semaphore, #tpu.memory_space<semaphore_mem>>) src(%arg17 : memref<80x128xf32, #tpu.memory_space<vmem>>) dst(%dma_wait3A_110 : memref<10240x128xf32, #tpu.memory_space<vmem_shared>>)
      tpu.yield
    }) : () -> ()
    %dma_wait3A_69 = arith.constant 0 : i32
    %dma_wait3A_70 = arith.constant 0 : i32
    %dma_wait3A_71 = tpu.memref_slice %arg2[%dma_wait3A_69, %dma_wait3A_70] : memref<10000x128xf32, #tpu.memory_space<hbm>> -> memref<10000x128xf32, #tpu.memory_space<hbm>>
    tpu.wait_indirect_dma semaphore(%arg19 : memref<!tpu.dma_semaphore, #tpu.memory_space<semaphore_mem>>) src(%dma_wait3A_71 : memref<10000x128xf32, #tpu.memory_space<hbm>>) dst(%arg8 : memref<80x128xf32, #tpu.memory_space<vmem>>)
    "tpu.region"() ({
      %run_scoped3A = tpu.sem_alloc : memref<!tpu.dma_semaphore, #tpu.memory_space<semaphore_mem>>
      %dma_start3A_105 = arith.constant 0 : i32
      %dma_start3A_106 = arith.constant 0 : i32
      %dma_start3A_107 = tpu.memref_slice %arg18[%dma_start3A_105, %dma_start3A_106] : memref<10240x128xf32, #tpu.memory_space<vmem_shared>> -> memref<10240x128xf32, #tpu.memory_space<vmem_shared>>
      tpu.enqueue_indirect_dma source(%arg8 : memref<80x128xf32, #tpu.memory_space<vmem>>) target(%dma_start3A_107 : memref<10240x128xf32, #tpu.memory_space<vmem_shared>>) offsets(%arg7 : memref<80xi32, #tpu.memory_space<vmem>>) semaphore(%run_scoped3A : memref<!tpu.dma_semaphore, #tpu.memory_space<semaphore_mem>>) {add = true}
      %dma_wait3A_108 = arith.constant 0 : i32
      %dma_wait3A_109 = arith.constant 0 : i32
      %dma_wait3A_110 = tpu.memref_slice %arg18[%dma_wait3A_108, %dma_wait3A_109] : memref<10240x128xf32, #tpu.memory_space<vmem_shared>> -> memref<10240x128xf32, #tpu.memory_space<vmem_shared>>
      tpu.wait_indirect_dma semaphore(%run_scoped3A : memref<!tpu.dma_semaphore, #tpu.memory_space<semaphore_mem>>) src(%arg8 : memref<80x128xf32, #tpu.memory_space<vmem>>) dst(%dma_wait3A_110 : memref<10240x128xf32, #tpu.memory_space<vmem_shared>>)
      tpu.yield
    }) : () -> ()
    %barrier3A_72 = arith.constant 0 : index
    tpu.barrier barrier_id(%barrier3A_72)
    %add3A_73 = arith.constant 0 : i32
    %add3A_74 = arith.addi %mul3A_2, %add3A_73 : i32
    "tpu.region"() ({
      %run_scoped3A = tpu.sem_alloc : memref<!tpu.dma_semaphore, #tpu.memory_space<semaphore_mem>>
      %dma_start3A_105 = arith.constant 0 : i32
      %dma_start3A_106 = tpu.memref_slice %arg18[%add3A_74, %dma_start3A_105] : memref<10240x128xf32, #tpu.memory_space<vmem_shared>> -> memref<80x128xf32, #tpu.memory_space<vmem_shared>>
      %dma_start3A_107 = arith.constant 0 : i32
      %dma_start3A_108 = tpu.memref_slice %arg18[%add3A_74, %dma_start3A_107] : memref<10240x128xf32, #tpu.memory_space<vmem_shared>> -> memref<80x128xf32, #tpu.memory_space<vmem_shared>>
      tpu.enqueue_dma source(%dma_start3A_108 : memref<80x128xf32, #tpu.memory_space<vmem_shared>>) target(%arg8 : memref<80x128xf32, #tpu.memory_space<vmem>>) target_semaphore(%run_scoped3A : memref<!tpu.dma_semaphore, #tpu.memory_space<semaphore_mem>>)
      %dma_wait3A_109 = arith.constant 0 : i32
      %dma_wait3A_110 = tpu.memref_slice %arg18[%add3A_74, %dma_wait3A_109] : memref<10240x128xf32, #tpu.memory_space<vmem_shared>> -> memref<80x128xf32, #tpu.memory_space<vmem_shared>>
      %dma_wait3A_111 = arith.constant 0 : i32
      %dma_wait3A_112 = tpu.memref_slice %arg18[%add3A_74, %dma_wait3A_111] : memref<10240x128xf32, #tpu.memory_space<vmem_shared>> -> memref<80x128xf32, #tpu.memory_space<vmem_shared>>
      tpu.wait_dma2 semaphore(%run_scoped3A : memref<!tpu.dma_semaphore, #tpu.memory_space<semaphore_mem>>) src(%dma_wait3A_112 : memref<80x128xf32, #tpu.memory_space<vmem_shared>>) dst(%arg8 : memref<80x128xf32, #tpu.memory_space<vmem>>)
      tpu.yield
    }) : () -> ()
    %add3A_75 = arith.constant 0 : i32
    %add3A_76 = arith.addi %add3A_5, %add3A_75 : i32
    "tpu.region"() ({
      %run_scoped3A = tpu.sem_alloc : memref<!tpu.dma_semaphore, #tpu.memory_space<semaphore_mem>>
      %dma_start3A_105 = arith.constant 0 : i32
      %dma_start3A_106 = tpu.memref_slice %arg5[%add3A_76, %dma_start3A_105] : memref<20480x128xf32, #tpu.memory_space<hbm>> -> memref<80x128xf32, #tpu.memory_space<hbm>>
      %dma_start3A_107 = arith.constant 0 : i32
      %dma_start3A_108 = tpu.memref_slice %arg5[%add3A_76, %dma_start3A_107] : memref<20480x128xf32, #tpu.memory_space<hbm>> -> memref<80x128xf32, #tpu.memory_space<hbm>>
      tpu.enqueue_dma source(%arg8 : memref<80x128xf32, #tpu.memory_space<vmem>>) target(%dma_start3A_108 : memref<80x128xf32, #tpu.memory_space<hbm>>) target_semaphore(%run_scoped3A : memref<!tpu.dma_semaphore, #tpu.memory_space<semaphore_mem>>)
      %dma_wait3A_109 = arith.constant 0 : i32
      %dma_wait3A_110 = tpu.memref_slice %arg5[%add3A_76, %dma_wait3A_109] : memref<20480x128xf32, #tpu.memory_space<hbm>> -> memref<80x128xf32, #tpu.memory_space<hbm>>
      %dma_wait3A_111 = arith.constant 0 : i32
      %dma_wait3A_112 = tpu.memref_slice %arg5[%add3A_76, %dma_wait3A_111] : memref<20480x128xf32, #tpu.memory_space<hbm>> -> memref<80x128xf32, #tpu.memory_space<hbm>>
      tpu.wait_dma2 semaphore(%run_scoped3A : memref<!tpu.dma_semaphore, #tpu.memory_space<semaphore_mem>>) src(%arg8 : memref<80x128xf32, #tpu.memory_space<vmem>>) dst(%dma_wait3A_112 : memref<80x128xf32, #tpu.memory_space<hbm>>)
      tpu.yield
    }) : () -> ()
    %add3A_77 = arith.constant 80 : i32
    %add3A_78 = arith.addi %mul3A_2, %add3A_77 : i32
    "tpu.region"() ({
      %run_scoped3A = tpu.sem_alloc : memref<!tpu.dma_semaphore, #tpu.memory_space<semaphore_mem>>
      %dma_start3A_105 = arith.constant 0 : i32
      %dma_start3A_106 = tpu.memref_slice %arg18[%add3A_78, %dma_start3A_105] : memref<10240x128xf32, #tpu.memory_space<vmem_shared>> -> memref<80x128xf32, #tpu.memory_space<vmem_shared>>
      %dma_start3A_107 = arith.constant 0 : i32
      %dma_start3A_108 = tpu.memref_slice %arg18[%add3A_78, %dma_start3A_107] : memref<10240x128xf32, #tpu.memory_space<vmem_shared>> -> memref<80x128xf32, #tpu.memory_space<vmem_shared>>
      tpu.enqueue_dma source(%dma_start3A_108 : memref<80x128xf32, #tpu.memory_space<vmem_shared>>) target(%arg8 : memref<80x128xf32, #tpu.memory_space<vmem>>) target_semaphore(%run_scoped3A : memref<!tpu.dma_semaphore, #tpu.memory_space<semaphore_mem>>)
      %dma_wait3A_109 = arith.constant 0 : i32
      %dma_wait3A_110 = tpu.memref_slice %arg18[%add3A_78, %dma_wait3A_109] : memref<10240x128xf32, #tpu.memory_space<vmem_shared>> -> memref<80x128xf32, #tpu.memory_space<vmem_shared>>
      %dma_wait3A_111 = arith.constant 0 : i32
      %dma_wait3A_112 = tpu.memref_slice %arg18[%add3A_78, %dma_wait3A_111] : memref<10240x128xf32, #tpu.memory_space<vmem_shared>> -> memref<80x128xf32, #tpu.memory_space<vmem_shared>>
      tpu.wait_dma2 semaphore(%run_scoped3A : memref<!tpu.dma_semaphore, #tpu.memory_space<semaphore_mem>>) src(%dma_wait3A_112 : memref<80x128xf32, #tpu.memory_space<vmem_shared>>) dst(%arg8 : memref<80x128xf32, #tpu.memory_space<vmem>>)
      tpu.yield
    }) : () -> ()
    %add3A_79 = arith.constant 80 : i32
    %add3A_80 = arith.addi %add3A_5, %add3A_79 : i32
    "tpu.region"() ({
      %run_scoped3A = tpu.sem_alloc : memref<!tpu.dma_semaphore, #tpu.memory_space<semaphore_mem>>
      %dma_start3A_105 = arith.constant 0 : i32
      %dma_start3A_106 = tpu.memref_slice %arg5[%add3A_80, %dma_start3A_105] : memref<20480x128xf32, #tpu.memory_space<hbm>> -> memref<80x128xf32, #tpu.memory_space<hbm>>
      %dma_start3A_107 = arith.constant 0 : i32
      %dma_start3A_108 = tpu.memref_slice %arg5[%add3A_80, %dma_start3A_107] : memref<20480x128xf32, #tpu.memory_space<hbm>> -> memref<80x128xf32, #tpu.memory_space<hbm>>
      tpu.enqueue_dma source(%arg8 : memref<80x128xf32, #tpu.memory_space<vmem>>) target(%dma_start3A_108 : memref<80x128xf32, #tpu.memory_space<hbm>>) target_semaphore(%run_scoped3A : memref<!tpu.dma_semaphore, #tpu.memory_space<semaphore_mem>>)
      %dma_wait3A_109 = arith.constant 0 : i32
      %dma_wait3A_110 = tpu.memref_slice %arg5[%add3A_80, %dma_wait3A_109] : memref<20480x128xf32, #tpu.memory_space<hbm>> -> memref<80x128xf32, #tpu.memory_space<hbm>>
      %dma_wait3A_111 = arith.constant 0 : i32
      %dma_wait3A_112 = tpu.memref_slice %arg5[%add3A_80, %dma_wait3A_111] : memref<20480x128xf32, #tpu.memory_space<hbm>> -> memref<80x128xf32, #tpu.memory_space<hbm>>
      tpu.wait_dma2 semaphore(%run_scoped3A : memref<!tpu.dma_semaphore, #tpu.memory_space<semaphore_mem>>) src(%arg8 : memref<80x128xf32, #tpu.memory_space<vmem>>) dst(%dma_wait3A_112 : memref<80x128xf32, #tpu.memory_space<hbm>>)
      tpu.yield
    }) : () -> ()
    %add3A_81 = arith.constant 160 : i32
    %add3A_82 = arith.addi %mul3A_2, %add3A_81 : i32
    "tpu.region"() ({
      %run_scoped3A = tpu.sem_alloc : memref<!tpu.dma_semaphore, #tpu.memory_space<semaphore_mem>>
      %dma_start3A_105 = arith.constant 0 : i32
      %dma_start3A_106 = tpu.memref_slice %arg18[%add3A_82, %dma_start3A_105] : memref<10240x128xf32, #tpu.memory_space<vmem_shared>> -> memref<80x128xf32, #tpu.memory_space<vmem_shared>>
      %dma_start3A_107 = arith.constant 0 : i32
      %dma_start3A_108 = tpu.memref_slice %arg18[%add3A_82, %dma_start3A_107] : memref<10240x128xf32, #tpu.memory_space<vmem_shared>> -> memref<80x128xf32, #tpu.memory_space<vmem_shared>>
      tpu.enqueue_dma source(%dma_start3A_108 : memref<80x128xf32, #tpu.memory_space<vmem_shared>>) target(%arg8 : memref<80x128xf32, #tpu.memory_space<vmem>>) target_semaphore(%run_scoped3A : memref<!tpu.dma_semaphore, #tpu.memory_space<semaphore_mem>>)
      %dma_wait3A_109 = arith.constant 0 : i32
      %dma_wait3A_110 = tpu.memref_slice %arg18[%add3A_82, %dma_wait3A_109] : memref<10240x128xf32, #tpu.memory_space<vmem_shared>> -> memref<80x128xf32, #tpu.memory_space<vmem_shared>>
      %dma_wait3A_111 = arith.constant 0 : i32
      %dma_wait3A_112 = tpu.memref_slice %arg18[%add3A_82, %dma_wait3A_111] : memref<10240x128xf32, #tpu.memory_space<vmem_shared>> -> memref<80x128xf32, #tpu.memory_space<vmem_shared>>
      tpu.wait_dma2 semaphore(%run_scoped3A : memref<!tpu.dma_semaphore, #tpu.memory_space<semaphore_mem>>) src(%dma_wait3A_112 : memref<80x128xf32, #tpu.memory_space<vmem_shared>>) dst(%arg8 : memref<80x128xf32, #tpu.memory_space<vmem>>)
      tpu.yield
    }) : () -> ()
    %add3A_83 = arith.constant 160 : i32
    %add3A_84 = arith.addi %add3A_5, %add3A_83 : i32
    "tpu.region"() ({
      %run_scoped3A = tpu.sem_alloc : memref<!tpu.dma_semaphore, #tpu.memory_space<semaphore_mem>>
      %dma_start3A_105 = arith.constant 0 : i32
      %dma_start3A_106 = tpu.memref_slice %arg5[%add3A_84, %dma_start3A_105] : memref<20480x128xf32, #tpu.memory_space<hbm>> -> memref<80x128xf32, #tpu.memory_space<hbm>>
      %dma_start3A_107 = arith.constant 0 : i32
      %dma_start3A_108 = tpu.memref_slice %arg5[%add3A_84, %dma_start3A_107] : memref<20480x128xf32, #tpu.memory_space<hbm>> -> memref<80x128xf32, #tpu.memory_space<hbm>>
      tpu.enqueue_dma source(%arg8 : memref<80x128xf32, #tpu.memory_space<vmem>>) target(%dma_start3A_108 : memref<80x128xf32, #tpu.memory_space<hbm>>) target_semaphore(%run_scoped3A : memref<!tpu.dma_semaphore, #tpu.memory_space<semaphore_mem>>)
      %dma_wait3A_109 = arith.constant 0 : i32
      %dma_wait3A_110 = tpu.memref_slice %arg5[%add3A_84, %dma_wait3A_109] : memref<20480x128xf32, #tpu.memory_space<hbm>> -> memref<80x128xf32, #tpu.memory_space<hbm>>
      %dma_wait3A_111 = arith.constant 0 : i32
      %dma_wait3A_112 = tpu.memref_slice %arg5[%add3A_84, %dma_wait3A_111] : memref<20480x128xf32, #tpu.memory_space<hbm>> -> memref<80x128xf32, #tpu.memory_space<hbm>>
      tpu.wait_dma2 semaphore(%run_scoped3A : memref<!tpu.dma_semaphore, #tpu.memory_space<semaphore_mem>>) src(%arg8 : memref<80x128xf32, #tpu.memory_space<vmem>>) dst(%dma_wait3A_112 : memref<80x128xf32, #tpu.memory_space<hbm>>)
      tpu.yield
    }) : () -> ()
    %add3A_85 = arith.constant 240 : i32
    %add3A_86 = arith.addi %mul3A_2, %add3A_85 : i32
    "tpu.region"() ({
      %run_scoped3A = tpu.sem_alloc : memref<!tpu.dma_semaphore, #tpu.memory_space<semaphore_mem>>
      %dma_start3A_105 = arith.constant 0 : i32
      %dma_start3A_106 = tpu.memref_slice %arg18[%add3A_86, %dma_start3A_105] : memref<10240x128xf32, #tpu.memory_space<vmem_shared>> -> memref<80x128xf32, #tpu.memory_space<vmem_shared>>
      %dma_start3A_107 = arith.constant 0 : i32
      %dma_start3A_108 = tpu.memref_slice %arg18[%add3A_86, %dma_start3A_107] : memref<10240x128xf32, #tpu.memory_space<vmem_shared>> -> memref<80x128xf32, #tpu.memory_space<vmem_shared>>
      tpu.enqueue_dma source(%dma_start3A_108 : memref<80x128xf32, #tpu.memory_space<vmem_shared>>) target(%arg8 : memref<80x128xf32, #tpu.memory_space<vmem>>) target_semaphore(%run_scoped3A : memref<!tpu.dma_semaphore, #tpu.memory_space<semaphore_mem>>)
      %dma_wait3A_109 = arith.constant 0 : i32
      %dma_wait3A_110 = tpu.memref_slice %arg18[%add3A_86, %dma_wait3A_109] : memref<10240x128xf32, #tpu.memory_space<vmem_shared>> -> memref<80x128xf32, #tpu.memory_space<vmem_shared>>
      %dma_wait3A_111 = arith.constant 0 : i32
      %dma_wait3A_112 = tpu.memref_slice %arg18[%add3A_86, %dma_wait3A_111] : memref<10240x128xf32, #tpu.memory_space<vmem_shared>> -> memref<80x128xf32, #tpu.memory_space<vmem_shared>>
      tpu.wait_dma2 semaphore(%run_scoped3A : memref<!tpu.dma_semaphore, #tpu.memory_space<semaphore_mem>>) src(%dma_wait3A_112 : memref<80x128xf32, #tpu.memory_space<vmem_shared>>) dst(%arg8 : memref<80x128xf32, #tpu.memory_space<vmem>>)
      tpu.yield
    }) : () -> ()
    %add3A_87 = arith.constant 240 : i32
    %add3A_88 = arith.addi %add3A_5, %add3A_87 : i32
    "tpu.region"() ({
      %run_scoped3A = tpu.sem_alloc : memref<!tpu.dma_semaphore, #tpu.memory_space<semaphore_mem>>
      %dma_start3A_105 = arith.constant 0 : i32
      %dma_start3A_106 = tpu.memref_slice %arg5[%add3A_88, %dma_start3A_105] : memref<20480x128xf32, #tpu.memory_space<hbm>> -> memref<80x128xf32, #tpu.memory_space<hbm>>
      %dma_start3A_107 = arith.constant 0 : i32
      %dma_start3A_108 = tpu.memref_slice %arg5[%add3A_88, %dma_start3A_107] : memref<20480x128xf32, #tpu.memory_space<hbm>> -> memref<80x128xf32, #tpu.memory_space<hbm>>
      tpu.enqueue_dma source(%arg8 : memref<80x128xf32, #tpu.memory_space<vmem>>) target(%dma_start3A_108 : memref<80x128xf32, #tpu.memory_space<hbm>>) target_semaphore(%run_scoped3A : memref<!tpu.dma_semaphore, #tpu.memory_space<semaphore_mem>>)
      %dma_wait3A_109 = arith.constant 0 : i32
      %dma_wait3A_110 = tpu.memref_slice %arg5[%add3A_88, %dma_wait3A_109] : memref<20480x128xf32, #tpu.memory_space<hbm>> -> memref<80x128xf32, #tpu.memory_space<hbm>>
      %dma_wait3A_111 = arith.constant 0 : i32
      %dma_wait3A_112 = tpu.memref_slice %arg5[%add3A_88, %dma_wait3A_111] : memref<20480x128xf32, #tpu.memory_space<hbm>> -> memref<80x128xf32, #tpu.memory_space<hbm>>
      tpu.wait_dma2 semaphore(%run_scoped3A : memref<!tpu.dma_semaphore, #tpu.memory_space<semaphore_mem>>) src(%arg8 : memref<80x128xf32, #tpu.memory_space<vmem>>) dst(%dma_wait3A_112 : memref<80x128xf32, #tpu.memory_space<hbm>>)
      tpu.yield
    }) : () -> ()
    %add3A_89 = arith.constant 320 : i32
    %add3A_90 = arith.addi %mul3A_2, %add3A_89 : i32
    "tpu.region"() ({
      %run_scoped3A = tpu.sem_alloc : memref<!tpu.dma_semaphore, #tpu.memory_space<semaphore_mem>>
      %dma_start3A_105 = arith.constant 0 : i32
      %dma_start3A_106 = tpu.memref_slice %arg18[%add3A_90, %dma_start3A_105] : memref<10240x128xf32, #tpu.memory_space<vmem_shared>> -> memref<80x128xf32, #tpu.memory_space<vmem_shared>>
      %dma_start3A_107 = arith.constant 0 : i32
      %dma_start3A_108 = tpu.memref_slice %arg18[%add3A_90, %dma_start3A_107] : memref<10240x128xf32, #tpu.memory_space<vmem_shared>> -> memref<80x128xf32, #tpu.memory_space<vmem_shared>>
      tpu.enqueue_dma source(%dma_start3A_108 : memref<80x128xf32, #tpu.memory_space<vmem_shared>>) target(%arg8 : memref<80x128xf32, #tpu.memory_space<vmem>>) target_semaphore(%run_scoped3A : memref<!tpu.dma_semaphore, #tpu.memory_space<semaphore_mem>>)
      %dma_wait3A_109 = arith.constant 0 : i32
      %dma_wait3A_110 = tpu.memref_slice %arg18[%add3A_90, %dma_wait3A_109] : memref<10240x128xf32, #tpu.memory_space<vmem_shared>> -> memref<80x128xf32, #tpu.memory_space<vmem_shared>>
      %dma_wait3A_111 = arith.constant 0 : i32
      %dma_wait3A_112 = tpu.memref_slice %arg18[%add3A_90, %dma_wait3A_111] : memref<10240x128xf32, #tpu.memory_space<vmem_shared>> -> memref<80x128xf32, #tpu.memory_space<vmem_shared>>
      tpu.wait_dma2 semaphore(%run_scoped3A : memref<!tpu.dma_semaphore, #tpu.memory_space<semaphore_mem>>) src(%dma_wait3A_112 : memref<80x128xf32, #tpu.memory_space<vmem_shared>>) dst(%arg8 : memref<80x128xf32, #tpu.memory_space<vmem>>)
      tpu.yield
    }) : () -> ()
    %add3A_91 = arith.constant 320 : i32
    %add3A_92 = arith.addi %add3A_5, %add3A_91 : i32
    "tpu.region"() ({
      %run_scoped3A = tpu.sem_alloc : memref<!tpu.dma_semaphore, #tpu.memory_space<semaphore_mem>>
      %dma_start3A_105 = arith.constant 0 : i32
      %dma_start3A_106 = tpu.memref_slice %arg5[%add3A_92, %dma_start3A_105] : memref<20480x128xf32, #tpu.memory_space<hbm>> -> memref<80x128xf32, #tpu.memory_space<hbm>>
      %dma_start3A_107 = arith.constant 0 : i32
      %dma_start3A_108 = tpu.memref_slice %arg5[%add3A_92, %dma_start3A_107] : memref<20480x128xf32, #tpu.memory_space<hbm>> -> memref<80x128xf32, #tpu.memory_space<hbm>>
      tpu.enqueue_dma source(%arg8 : memref<80x128xf32, #tpu.memory_space<vmem>>) target(%dma_start3A_108 : memref<80x128xf32, #tpu.memory_space<hbm>>) target_semaphore(%run_scoped3A : memref<!tpu.dma_semaphore, #tpu.memory_space<semaphore_mem>>)
      %dma_wait3A_109 = arith.constant 0 : i32
      %dma_wait3A_110 = tpu.memref_slice %arg5[%add3A_92, %dma_wait3A_109] : memref<20480x128xf32, #tpu.memory_space<hbm>> -> memref<80x128xf32, #tpu.memory_space<hbm>>
      %dma_wait3A_111 = arith.constant 0 : i32
      %dma_wait3A_112 = tpu.memref_slice %arg5[%add3A_92, %dma_wait3A_111] : memref<20480x128xf32, #tpu.memory_space<hbm>> -> memref<80x128xf32, #tpu.memory_space<hbm>>
      tpu.wait_dma2 semaphore(%run_scoped3A : memref<!tpu.dma_semaphore, #tpu.memory_space<semaphore_mem>>) src(%arg8 : memref<80x128xf32, #tpu.memory_space<vmem>>) dst(%dma_wait3A_112 : memref<80x128xf32, #tpu.memory_space<hbm>>)
      tpu.yield
    }) : () -> ()
    %add3A_93 = arith.constant 400 : i32
    %add3A_94 = arith.addi %mul3A_2, %add3A_93 : i32
    "tpu.region"() ({
      %run_scoped3A = tpu.sem_alloc : memref<!tpu.dma_semaphore, #tpu.memory_space<semaphore_mem>>
      %dma_start3A_105 = arith.constant 0 : i32
      %dma_start3A_106 = tpu.memref_slice %arg18[%add3A_94, %dma_start3A_105] : memref<10240x128xf32, #tpu.memory_space<vmem_shared>> -> memref<80x128xf32, #tpu.memory_space<vmem_shared>>
      %dma_start3A_107 = arith.constant 0 : i32
      %dma_start3A_108 = tpu.memref_slice %arg18[%add3A_94, %dma_start3A_107] : memref<10240x128xf32, #tpu.memory_space<vmem_shared>> -> memref<80x128xf32, #tpu.memory_space<vmem_shared>>
      tpu.enqueue_dma source(%dma_start3A_108 : memref<80x128xf32, #tpu.memory_space<vmem_shared>>) target(%arg8 : memref<80x128xf32, #tpu.memory_space<vmem>>) target_semaphore(%run_scoped3A : memref<!tpu.dma_semaphore, #tpu.memory_space<semaphore_mem>>)
      %dma_wait3A_109 = arith.constant 0 : i32
      %dma_wait3A_110 = tpu.memref_slice %arg18[%add3A_94, %dma_wait3A_109] : memref<10240x128xf32, #tpu.memory_space<vmem_shared>> -> memref<80x128xf32, #tpu.memory_space<vmem_shared>>
      %dma_wait3A_111 = arith.constant 0 : i32
      %dma_wait3A_112 = tpu.memref_slice %arg18[%add3A_94, %dma_wait3A_111] : memref<10240x128xf32, #tpu.memory_space<vmem_shared>> -> memref<80x128xf32, #tpu.memory_space<vmem_shared>>
      tpu.wait_dma2 semaphore(%run_scoped3A : memref<!tpu.dma_semaphore, #tpu.memory_space<semaphore_mem>>) src(%dma_wait3A_112 : memref<80x128xf32, #tpu.memory_space<vmem_shared>>) dst(%arg8 : memref<80x128xf32, #tpu.memory_space<vmem>>)
      tpu.yield
    }) : () -> ()
    %add3A_95 = arith.constant 400 : i32
    %add3A_96 = arith.addi %add3A_5, %add3A_95 : i32
    "tpu.region"() ({
      %run_scoped3A = tpu.sem_alloc : memref<!tpu.dma_semaphore, #tpu.memory_space<semaphore_mem>>
      %dma_start3A_105 = arith.constant 0 : i32
      %dma_start3A_106 = tpu.memref_slice %arg5[%add3A_96, %dma_start3A_105] : memref<20480x128xf32, #tpu.memory_space<hbm>> -> memref<80x128xf32, #tpu.memory_space<hbm>>
      %dma_start3A_107 = arith.constant 0 : i32
      %dma_start3A_108 = tpu.memref_slice %arg5[%add3A_96, %dma_start3A_107] : memref<20480x128xf32, #tpu.memory_space<hbm>> -> memref<80x128xf32, #tpu.memory_space<hbm>>
      tpu.enqueue_dma source(%arg8 : memref<80x128xf32, #tpu.memory_space<vmem>>) target(%dma_start3A_108 : memref<80x128xf32, #tpu.memory_space<hbm>>) target_semaphore(%run_scoped3A : memref<!tpu.dma_semaphore, #tpu.memory_space<semaphore_mem>>)
      %dma_wait3A_109 = arith.constant 0 : i32
      %dma_wait3A_110 = tpu.memref_slice %arg5[%add3A_96, %dma_wait3A_109] : memref<20480x128xf32, #tpu.memory_space<hbm>> -> memref<80x128xf32, #tpu.memory_space<hbm>>
      %dma_wait3A_111 = arith.constant 0 : i32
      %dma_wait3A_112 = tpu.memref_slice %arg5[%add3A_96, %dma_wait3A_111] : memref<20480x128xf32, #tpu.memory_space<hbm>> -> memref<80x128xf32, #tpu.memory_space<hbm>>
      tpu.wait_dma2 semaphore(%run_scoped3A : memref<!tpu.dma_semaphore, #tpu.memory_space<semaphore_mem>>) src(%arg8 : memref<80x128xf32, #tpu.memory_space<vmem>>) dst(%dma_wait3A_112 : memref<80x128xf32, #tpu.memory_space<hbm>>)
      tpu.yield
    }) : () -> ()
    %add3A_97 = arith.constant 480 : i32
    %add3A_98 = arith.addi %mul3A_2, %add3A_97 : i32
    "tpu.region"() ({
      %run_scoped3A = tpu.sem_alloc : memref<!tpu.dma_semaphore, #tpu.memory_space<semaphore_mem>>
      %dma_start3A_105 = arith.constant 0 : i32
      %dma_start3A_106 = tpu.memref_slice %arg18[%add3A_98, %dma_start3A_105] : memref<10240x128xf32, #tpu.memory_space<vmem_shared>> -> memref<80x128xf32, #tpu.memory_space<vmem_shared>>
      %dma_start3A_107 = arith.constant 0 : i32
      %dma_start3A_108 = tpu.memref_slice %arg18[%add3A_98, %dma_start3A_107] : memref<10240x128xf32, #tpu.memory_space<vmem_shared>> -> memref<80x128xf32, #tpu.memory_space<vmem_shared>>
      tpu.enqueue_dma source(%dma_start3A_108 : memref<80x128xf32, #tpu.memory_space<vmem_shared>>) target(%arg8 : memref<80x128xf32, #tpu.memory_space<vmem>>) target_semaphore(%run_scoped3A : memref<!tpu.dma_semaphore, #tpu.memory_space<semaphore_mem>>)
      %dma_wait3A_109 = arith.constant 0 : i32
      %dma_wait3A_110 = tpu.memref_slice %arg18[%add3A_98, %dma_wait3A_109] : memref<10240x128xf32, #tpu.memory_space<vmem_shared>> -> memref<80x128xf32, #tpu.memory_space<vmem_shared>>
      %dma_wait3A_111 = arith.constant 0 : i32
      %dma_wait3A_112 = tpu.memref_slice %arg18[%add3A_98, %dma_wait3A_111] : memref<10240x128xf32, #tpu.memory_space<vmem_shared>> -> memref<80x128xf32, #tpu.memory_space<vmem_shared>>
      tpu.wait_dma2 semaphore(%run_scoped3A : memref<!tpu.dma_semaphore, #tpu.memory_space<semaphore_mem>>) src(%dma_wait3A_112 : memref<80x128xf32, #tpu.memory_space<vmem_shared>>) dst(%arg8 : memref<80x128xf32, #tpu.memory_space<vmem>>)
      tpu.yield
    }) : () -> ()
    %add3A_99 = arith.constant 480 : i32
    %add3A_100 = arith.addi %add3A_5, %add3A_99 : i32
    "tpu.region"() ({
      %run_scoped3A = tpu.sem_alloc : memref<!tpu.dma_semaphore, #tpu.memory_space<semaphore_mem>>
      %dma_start3A_105 = arith.constant 0 : i32
      %dma_start3A_106 = tpu.memref_slice %arg5[%add3A_100, %dma_start3A_105] : memref<20480x128xf32, #tpu.memory_space<hbm>> -> memref<80x128xf32, #tpu.memory_space<hbm>>
      %dma_start3A_107 = arith.constant 0 : i32
      %dma_start3A_108 = tpu.memref_slice %arg5[%add3A_100, %dma_start3A_107] : memref<20480x128xf32, #tpu.memory_space<hbm>> -> memref<80x128xf32, #tpu.memory_space<hbm>>
      tpu.enqueue_dma source(%arg8 : memref<80x128xf32, #tpu.memory_space<vmem>>) target(%dma_start3A_108 : memref<80x128xf32, #tpu.memory_space<hbm>>) target_semaphore(%run_scoped3A : memref<!tpu.dma_semaphore, #tpu.memory_space<semaphore_mem>>)
      %dma_wait3A_109 = arith.constant 0 : i32
      %dma_wait3A_110 = tpu.memref_slice %arg5[%add3A_100, %dma_wait3A_109] : memref<20480x128xf32, #tpu.memory_space<hbm>> -> memref<80x128xf32, #tpu.memory_space<hbm>>
      %dma_wait3A_111 = arith.constant 0 : i32
      %dma_wait3A_112 = tpu.memref_slice %arg5[%add3A_100, %dma_wait3A_111] : memref<20480x128xf32, #tpu.memory_space<hbm>> -> memref<80x128xf32, #tpu.memory_space<hbm>>
      tpu.wait_dma2 semaphore(%run_scoped3A : memref<!tpu.dma_semaphore, #tpu.memory_space<semaphore_mem>>) src(%arg8 : memref<80x128xf32, #tpu.memory_space<vmem>>) dst(%dma_wait3A_112 : memref<80x128xf32, #tpu.memory_space<hbm>>)
      tpu.yield
    }) : () -> ()
    %add3A_101 = arith.constant 560 : i32
    %add3A_102 = arith.addi %mul3A_2, %add3A_101 : i32
    "tpu.region"() ({
      %run_scoped3A = tpu.sem_alloc : memref<!tpu.dma_semaphore, #tpu.memory_space<semaphore_mem>>
      %dma_start3A_105 = arith.constant 0 : i32
      %dma_start3A_106 = tpu.memref_slice %arg18[%add3A_102, %dma_start3A_105] : memref<10240x128xf32, #tpu.memory_space<vmem_shared>> -> memref<80x128xf32, #tpu.memory_space<vmem_shared>>
      %dma_start3A_107 = arith.constant 0 : i32
      %dma_start3A_108 = tpu.memref_slice %arg18[%add3A_102, %dma_start3A_107] : memref<10240x128xf32, #tpu.memory_space<vmem_shared>> -> memref<80x128xf32, #tpu.memory_space<vmem_shared>>
      tpu.enqueue_dma source(%dma_start3A_108 : memref<80x128xf32, #tpu.memory_space<vmem_shared>>) target(%arg8 : memref<80x128xf32, #tpu.memory_space<vmem>>) target_semaphore(%run_scoped3A : memref<!tpu.dma_semaphore, #tpu.memory_space<semaphore_mem>>)
      %dma_wait3A_109 = arith.constant 0 : i32
      %dma_wait3A_110 = tpu.memref_slice %arg18[%add3A_102, %dma_wait3A_109] : memref<10240x128xf32, #tpu.memory_space<vmem_shared>> -> memref<80x128xf32, #tpu.memory_space<vmem_shared>>
      %dma_wait3A_111 = arith.constant 0 : i32
      %dma_wait3A_112 = tpu.memref_slice %arg18[%add3A_102, %dma_wait3A_111] : memref<10240x128xf32, #tpu.memory_space<vmem_shared>> -> memref<80x128xf32, #tpu.memory_space<vmem_shared>>
      tpu.wait_dma2 semaphore(%run_scoped3A : memref<!tpu.dma_semaphore, #tpu.memory_space<semaphore_mem>>) src(%dma_wait3A_112 : memref<80x128xf32, #tpu.memory_space<vmem_shared>>) dst(%arg8 : memref<80x128xf32, #tpu.memory_space<vmem>>)
      tpu.yield
    }) : () -> ()
    %add3A_103 = arith.constant 560 : i32
    %add3A_104 = arith.addi %add3A_5, %add3A_103 : i32
    "tpu.region"() ({
      %run_scoped3A = tpu.sem_alloc : memref<!tpu.dma_semaphore, #tpu.memory_space<semaphore_mem>>
      %dma_start3A_105 = arith.constant 0 : i32
      %dma_start3A_106 = tpu.memref_slice %arg5[%add3A_104, %dma_start3A_105] : memref<20480x128xf32, #tpu.memory_space<hbm>> -> memref<80x128xf32, #tpu.memory_space<hbm>>
      %dma_start3A_107 = arith.constant 0 : i32
      %dma_start3A_108 = tpu.memref_slice %arg5[%add3A_104, %dma_start3A_107] : memref<20480x128xf32, #tpu.memory_space<hbm>> -> memref<80x128xf32, #tpu.memory_space<hbm>>
      tpu.enqueue_dma source(%arg8 : memref<80x128xf32, #tpu.memory_space<vmem>>) target(%dma_start3A_108 : memref<80x128xf32, #tpu.memory_space<hbm>>) target_semaphore(%run_scoped3A : memref<!tpu.dma_semaphore, #tpu.memory_space<semaphore_mem>>)
      %dma_wait3A_109 = arith.constant 0 : i32
      %dma_wait3A_110 = tpu.memref_slice %arg5[%add3A_104, %dma_wait3A_109] : memref<20480x128xf32, #tpu.memory_space<hbm>> -> memref<80x128xf32, #tpu.memory_space<hbm>>
      %dma_wait3A_111 = arith.constant 0 : i32
      %dma_wait3A_112 = tpu.memref_slice %arg5[%add3A_104, %dma_wait3A_111] : memref<20480x128xf32, #tpu.memory_space<hbm>> -> memref<80x128xf32, #tpu.memory_space<hbm>>
      tpu.wait_dma2 semaphore(%run_scoped3A : memref<!tpu.dma_semaphore, #tpu.memory_space<semaphore_mem>>) src(%arg8 : memref<80x128xf32, #tpu.memory_space<vmem>>) dst(%dma_wait3A_112 : memref<80x128xf32, #tpu.memory_space<hbm>>)
      tpu.yield
    }) : () -> ()
    return
  }
}

#map = affine_map<(d0, d1) -> (0, 0)>
#map1 = affine_map<(d0, d1) -> (0)>
module attributes {stable_mosaic.version = 14 : i64} {
  func.func @_segsum_cnt(%arg0: i32, %arg1: i32, %arg2: memref<10000x128xf32, #tpu.memory_space<hbm>>, %arg3: memref<320000xi32, #tpu.memory_space<hbm>>, %arg4: memref<320000xi32, #tpu.memory_space<hbm>>, %arg5: memref<20480x128xf32, #tpu.memory_space<hbm>>, %arg6: memref<20480x128xf32, #tpu.memory_space<hbm>>, %arg7: memref<80xi32, #tpu.memory_space<vmem>>, %arg8: memref<80xi32, #tpu.memory_space<vmem>>, %arg9: memref<80x128xf32, #tpu.memory_space<vmem>>, %arg10: memref<80xi32, #tpu.memory_space<vmem>>, %arg11: memref<80xi32, #tpu.memory_space<vmem>>, %arg12: memref<80x128xf32, #tpu.memory_space<vmem>>, %arg13: memref<80xi32, #tpu.memory_space<vmem>>, %arg14: memref<80xi32, #tpu.memory_space<vmem>>, %arg15: memref<80x128xf32, #tpu.memory_space<vmem>>, %arg16: memref<80xi32, #tpu.memory_space<vmem>>, %arg17: memref<80xi32, #tpu.memory_space<vmem>>, %arg18: memref<80x128xf32, #tpu.memory_space<vmem>>, %arg19: memref<10240x128xf32, #tpu.memory_space<vmem_shared>>, %arg20: memref<!tpu.dma_semaphore, #tpu.memory_space<semaphore_mem>>, %arg21: memref<!tpu.dma_semaphore, #tpu.memory_space<semaphore_mem>>, %arg22: memref<!tpu.dma_semaphore, #tpu.memory_space<semaphore_mem>>, %arg23: memref<!tpu.dma_semaphore, #tpu.memory_space<semaphore_mem>>) attributes {dimension_semantics = [#tpu.dimension_semantics<core_parallel>, #tpu.dimension_semantics<subcore_parallel>], iteration_bounds = array<i64: 2, 16>, scalar_prefetch = 0 : i64, scratch_operands = 17 : i64, tpu.core_type = #tpu.core_type<sc_vector_subcore>, window_params = [{transform_indices = #map}, {transform_indices = #map1}, {transform_indices = #map1}, {transform_indices = #map}, {transform_indices = #map}]} {
    %mul3A = arith.constant 16 : i32
    %mul3A_0 = arith.muli %arg0, %mul3A : i32
    %add3A = arith.addi %mul3A_0, %arg1 : i32
    %mul3A_1 = arith.constant 640 : i32
    %mul3A_2 = arith.muli %arg1, %mul3A_1 : i32
    %mul3A_3 = arith.constant 10240 : i32
    %mul3A_4 = arith.muli %arg0, %mul3A_3 : i32
    %add3A_5 = arith.addi %mul3A_4, %mul3A_2 : i32
    %mul3A_6 = arith.constant 10000 : i32
    %mul3A_7 = arith.muli %add3A, %mul3A_6 : i32
    %broadcast_in_dim3A = arith.constant 0.000000e+00 : f32
    %broadcast_in_dim3A_8 = vector.broadcast %broadcast_in_dim3A : f32 to vector<16xf32>
    %scan3A = arith.constant 0 : i32
    %scan3A_9 = arith.constant 0 : i32
    %scan3A_10 = arith.constant 80 : i32
    %scan3A_11 = arith.addi %scan3A_9, %scan3A_10 : i32
    %scan3A_12 = arith.constant 1 : i32
    scf.for %scan3A_182 = %scan3A_9 to %scan3A_11 step %scan3A_12  : i32 {
      %swap3A = arith.index_cast %scan3A_182 : i32 to index
      %swap3A_183 = arith.constant 0 : index
      %swap3A_184 = tpu.vector_load %arg9[%swap3A, %swap3A_183] {strides = array<i32>} : memref<80x128xf32, #tpu.memory_space<vmem>>, vector<1x16xf32>,
      %swap3A_185 = vector.shape_cast %swap3A_184 : vector<1x16xf32> to vector<16xf32>
      %swap3A_186 = vector.shape_cast %broadcast_in_dim3A_8 : vector<16xf32> to vector<1x16xf32>
      tpu.vector_store %arg9[%swap3A, %swap3A_183], %swap3A_186 {strides = array<i32>} : memref<80x128xf32, #tpu.memory_space<vmem>>, vector<1x16xf32>,
      %swap3A_187 = arith.index_cast %scan3A_182 : i32 to index
      %swap3A_188 = arith.constant 16 : index
      %swap3A_189 = tpu.vector_load %arg9[%swap3A_187, %swap3A_188] {strides = array<i32>} : memref<80x128xf32, #tpu.memory_space<vmem>>, vector<1x16xf32>,
      %swap3A_190 = vector.shape_cast %swap3A_189 : vector<1x16xf32> to vector<16xf32>
      %swap3A_191 = vector.shape_cast %broadcast_in_dim3A_8 : vector<16xf32> to vector<1x16xf32>
      tpu.vector_store %arg9[%swap3A_187, %swap3A_188], %swap3A_191 {strides = array<i32>} : memref<80x128xf32, #tpu.memory_space<vmem>>, vector<1x16xf32>,
      %swap3A_192 = arith.index_cast %scan3A_182 : i32 to index
      %swap3A_193 = arith.constant 32 : index
      %swap3A_194 = tpu.vector_load %arg9[%swap3A_192, %swap3A_193] {strides = array<i32>} : memref<80x128xf32, #tpu.memory_space<vmem>>, vector<1x16xf32>,
      %swap3A_195 = vector.shape_cast %swap3A_194 : vector<1x16xf32> to vector<16xf32>
      %swap3A_196 = vector.shape_cast %broadcast_in_dim3A_8 : vector<16xf32> to vector<1x16xf32>
      tpu.vector_store %arg9[%swap3A_192, %swap3A_193], %swap3A_196 {strides = array<i32>} : memref<80x128xf32, #tpu.memory_space<vmem>>, vector<1x16xf32>,
      %swap3A_197 = arith.index_cast %scan3A_182 : i32 to index
      %swap3A_198 = arith.constant 48 : index
      %swap3A_199 = tpu.vector_load %arg9[%swap3A_197, %swap3A_198] {strides = array<i32>} : memref<80x128xf32, #tpu.memory_space<vmem>>, vector<1x16xf32>,
      %swap3A_200 = vector.shape_cast %swap3A_199 : vector<1x16xf32> to vector<16xf32>
      %swap3A_201 = vector.shape_cast %broadcast_in_dim3A_8 : vector<16xf32> to vector<1x16xf32>
      tpu.vector_store %arg9[%swap3A_197, %swap3A_198], %swap3A_201 {strides = array<i32>} : memref<80x128xf32, #tpu.memory_space<vmem>>, vector<1x16xf32>,
      %swap3A_202 = arith.index_cast %scan3A_182 : i32 to index
      %swap3A_203 = arith.constant 64 : index
      %swap3A_204 = tpu.vector_load %arg9[%swap3A_202, %swap3A_203] {strides = array<i32>} : memref<80x128xf32, #tpu.memory_space<vmem>>, vector<1x16xf32>,
      %swap3A_205 = vector.shape_cast %swap3A_204 : vector<1x16xf32> to vector<16xf32>
      %swap3A_206 = vector.shape_cast %broadcast_in_dim3A_8 : vector<16xf32> to vector<1x16xf32>
      tpu.vector_store %arg9[%swap3A_202, %swap3A_203], %swap3A_206 {strides = array<i32>} : memref<80x128xf32, #tpu.memory_space<vmem>>, vector<1x16xf32>,
      %swap3A_207 = arith.index_cast %scan3A_182 : i32 to index
      %swap3A_208 = arith.constant 80 : index
      %swap3A_209 = tpu.vector_load %arg9[%swap3A_207, %swap3A_208] {strides = array<i32>} : memref<80x128xf32, #tpu.memory_space<vmem>>, vector<1x16xf32>,
      %swap3A_210 = vector.shape_cast %swap3A_209 : vector<1x16xf32> to vector<16xf32>
      %swap3A_211 = vector.shape_cast %broadcast_in_dim3A_8 : vector<16xf32> to vector<1x16xf32>
      tpu.vector_store %arg9[%swap3A_207, %swap3A_208], %swap3A_211 {strides = array<i32>} : memref<80x128xf32, #tpu.memory_space<vmem>>, vector<1x16xf32>,
      %swap3A_212 = arith.index_cast %scan3A_182 : i32 to index
      %swap3A_213 = arith.constant 96 : index
      %swap3A_214 = tpu.vector_load %arg9[%swap3A_212, %swap3A_213] {strides = array<i32>} : memref<80x128xf32, #tpu.memory_space<vmem>>, vector<1x16xf32>,
      %swap3A_215 = vector.shape_cast %swap3A_214 : vector<1x16xf32> to vector<16xf32>
      %swap3A_216 = vector.shape_cast %broadcast_in_dim3A_8 : vector<16xf32> to vector<1x16xf32>
      tpu.vector_store %arg9[%swap3A_212, %swap3A_213], %swap3A_216 {strides = array<i32>} : memref<80x128xf32, #tpu.memory_space<vmem>>, vector<1x16xf32>,
      %swap3A_217 = arith.index_cast %scan3A_182 : i32 to index
      %swap3A_218 = arith.constant 112 : index
      %swap3A_219 = tpu.vector_load %arg9[%swap3A_217, %swap3A_218] {strides = array<i32>} : memref<80x128xf32, #tpu.memory_space<vmem>>, vector<1x16xf32>,
      %swap3A_220 = vector.shape_cast %swap3A_219 : vector<1x16xf32> to vector<16xf32>
      %swap3A_221 = vector.shape_cast %broadcast_in_dim3A_8 : vector<16xf32> to vector<1x16xf32>
      tpu.vector_store %arg9[%swap3A_217, %swap3A_218], %swap3A_221 {strides = array<i32>} : memref<80x128xf32, #tpu.memory_space<vmem>>, vector<1x16xf32>,
    }
    %scan3A_13 = arith.constant 80 : i32
    %add3A_14 = arith.constant 0 : i32
    %add3A_15 = arith.addi %mul3A_2, %add3A_14 : i32
    "tpu.region"() ({
      %run_scoped3A = tpu.sem_alloc : memref<!tpu.dma_semaphore, #tpu.memory_space<semaphore_mem>>
      %dma_start3A_182 = arith.constant 0 : i32
      %dma_start3A_183 = tpu.memref_slice %arg19[%add3A_15, %dma_start3A_182] : memref<10240x128xf32, #tpu.memory_space<vmem_shared>> -> memref<80x128xf32, #tpu.memory_space<vmem_shared>>
      %dma_start3A_184 = arith.constant 0 : i32
      %dma_start3A_185 = tpu.memref_slice %arg19[%add3A_15, %dma_start3A_184] : memref<10240x128xf32, #tpu.memory_space<vmem_shared>> -> memref<80x128xf32, #tpu.memory_space<vmem_shared>>
      tpu.enqueue_dma source(%arg9 : memref<80x128xf32, #tpu.memory_space<vmem>>) target(%dma_start3A_185 : memref<80x128xf32, #tpu.memory_space<vmem_shared>>) target_semaphore(%run_scoped3A : memref<!tpu.dma_semaphore, #tpu.memory_space<semaphore_mem>>)
      %dma_wait3A_186 = arith.constant 0 : i32
      %dma_wait3A_187 = tpu.memref_slice %arg19[%add3A_15, %dma_wait3A_186] : memref<10240x128xf32, #tpu.memory_space<vmem_shared>> -> memref<80x128xf32, #tpu.memory_space<vmem_shared>>
      %dma_wait3A_188 = arith.constant 0 : i32
      %dma_wait3A_189 = tpu.memref_slice %arg19[%add3A_15, %dma_wait3A_188] : memref<10240x128xf32, #tpu.memory_space<vmem_shared>> -> memref<80x128xf32, #tpu.memory_space<vmem_shared>>
      tpu.wait_dma2 semaphore(%run_scoped3A : memref<!tpu.dma_semaphore, #tpu.memory_space<semaphore_mem>>) src(%arg9 : memref<80x128xf32, #tpu.memory_space<vmem>>) dst(%dma_wait3A_189 : memref<80x128xf32, #tpu.memory_space<vmem_shared>>)
      tpu.yield
    }) : () -> ()
    %add3A_16 = arith.constant 80 : i32
    %add3A_17 = arith.addi %mul3A_2, %add3A_16 : i32
    "tpu.region"() ({
      %run_scoped3A = tpu.sem_alloc : memref<!tpu.dma_semaphore, #tpu.memory_space<semaphore_mem>>
      %dma_start3A_182 = arith.constant 0 : i32
      %dma_start3A_183 = tpu.memref_slice %arg19[%add3A_17, %dma_start3A_182] : memref<10240x128xf32, #tpu.memory_space<vmem_shared>> -> memref<80x128xf32, #tpu.memory_space<vmem_shared>>
      %dma_start3A_184 = arith.constant 0 : i32
      %dma_start3A_185 = tpu.memref_slice %arg19[%add3A_17, %dma_start3A_184] : memref<10240x128xf32, #tpu.memory_space<vmem_shared>> -> memref<80x128xf32, #tpu.memory_space<vmem_shared>>
      tpu.enqueue_dma source(%arg9 : memref<80x128xf32, #tpu.memory_space<vmem>>) target(%dma_start3A_185 : memref<80x128xf32, #tpu.memory_space<vmem_shared>>) target_semaphore(%run_scoped3A : memref<!tpu.dma_semaphore, #tpu.memory_space<semaphore_mem>>)
      %dma_wait3A_186 = arith.constant 0 : i32
      %dma_wait3A_187 = tpu.memref_slice %arg19[%add3A_17, %dma_wait3A_186] : memref<10240x128xf32, #tpu.memory_space<vmem_shared>> -> memref<80x128xf32, #tpu.memory_space<vmem_shared>>
      %dma_wait3A_188 = arith.constant 0 : i32
      %dma_wait3A_189 = tpu.memref_slice %arg19[%add3A_17, %dma_wait3A_188] : memref<10240x128xf32, #tpu.memory_space<vmem_shared>> -> memref<80x128xf32, #tpu.memory_space<vmem_shared>>
      tpu.wait_dma2 semaphore(%run_scoped3A : memref<!tpu.dma_semaphore, #tpu.memory_space<semaphore_mem>>) src(%arg9 : memref<80x128xf32, #tpu.memory_space<vmem>>) dst(%dma_wait3A_189 : memref<80x128xf32, #tpu.memory_space<vmem_shared>>)
      tpu.yield
    }) : () -> ()
    %add3A_18 = arith.constant 160 : i32
    %add3A_19 = arith.addi %mul3A_2, %add3A_18 : i32
    "tpu.region"() ({
      %run_scoped3A = tpu.sem_alloc : memref<!tpu.dma_semaphore, #tpu.memory_space<semaphore_mem>>
      %dma_start3A_182 = arith.constant 0 : i32
      %dma_start3A_183 = tpu.memref_slice %arg19[%add3A_19, %dma_start3A_182] : memref<10240x128xf32, #tpu.memory_space<vmem_shared>> -> memref<80x128xf32, #tpu.memory_space<vmem_shared>>
      %dma_start3A_184 = arith.constant 0 : i32
      %dma_start3A_185 = tpu.memref_slice %arg19[%add3A_19, %dma_start3A_184] : memref<10240x128xf32, #tpu.memory_space<vmem_shared>> -> memref<80x128xf32, #tpu.memory_space<vmem_shared>>
      tpu.enqueue_dma source(%arg9 : memref<80x128xf32, #tpu.memory_space<vmem>>) target(%dma_start3A_185 : memref<80x128xf32, #tpu.memory_space<vmem_shared>>) target_semaphore(%run_scoped3A : memref<!tpu.dma_semaphore, #tpu.memory_space<semaphore_mem>>)
      %dma_wait3A_186 = arith.constant 0 : i32
      %dma_wait3A_187 = tpu.memref_slice %arg19[%add3A_19, %dma_wait3A_186] : memref<10240x128xf32, #tpu.memory_space<vmem_shared>> -> memref<80x128xf32, #tpu.memory_space<vmem_shared>>
      %dma_wait3A_188 = arith.constant 0 : i32
      %dma_wait3A_189 = tpu.memref_slice %arg19[%add3A_19, %dma_wait3A_188] : memref<10240x128xf32, #tpu.memory_space<vmem_shared>> -> memref<80x128xf32, #tpu.memory_space<vmem_shared>>
      tpu.wait_dma2 semaphore(%run_scoped3A : memref<!tpu.dma_semaphore, #tpu.memory_space<semaphore_mem>>) src(%arg9 : memref<80x128xf32, #tpu.memory_space<vmem>>) dst(%dma_wait3A_189 : memref<80x128xf32, #tpu.memory_space<vmem_shared>>)
      tpu.yield
    }) : () -> ()
    %add3A_20 = arith.constant 240 : i32
    %add3A_21 = arith.addi %mul3A_2, %add3A_20 : i32
    "tpu.region"() ({
      %run_scoped3A = tpu.sem_alloc : memref<!tpu.dma_semaphore, #tpu.memory_space<semaphore_mem>>
      %dma_start3A_182 = arith.constant 0 : i32
      %dma_start3A_183 = tpu.memref_slice %arg19[%add3A_21, %dma_start3A_182] : memref<10240x128xf32, #tpu.memory_space<vmem_shared>> -> memref<80x128xf32, #tpu.memory_space<vmem_shared>>
      %dma_start3A_184 = arith.constant 0 : i32
      %dma_start3A_185 = tpu.memref_slice %arg19[%add3A_21, %dma_start3A_184] : memref<10240x128xf32, #tpu.memory_space<vmem_shared>> -> memref<80x128xf32, #tpu.memory_space<vmem_shared>>
      tpu.enqueue_dma source(%arg9 : memref<80x128xf32, #tpu.memory_space<vmem>>) target(%dma_start3A_185 : memref<80x128xf32, #tpu.memory_space<vmem_shared>>) target_semaphore(%run_scoped3A : memref<!tpu.dma_semaphore, #tpu.memory_space<semaphore_mem>>)
      %dma_wait3A_186 = arith.constant 0 : i32
      %dma_wait3A_187 = tpu.memref_slice %arg19[%add3A_21, %dma_wait3A_186] : memref<10240x128xf32, #tpu.memory_space<vmem_shared>> -> memref<80x128xf32, #tpu.memory_space<vmem_shared>>
      %dma_wait3A_188 = arith.constant 0 : i32
      %dma_wait3A_189 = tpu.memref_slice %arg19[%add3A_21, %dma_wait3A_188] : memref<10240x128xf32, #tpu.memory_space<vmem_shared>> -> memref<80x128xf32, #tpu.memory_space<vmem_shared>>
      tpu.wait_dma2 semaphore(%run_scoped3A : memref<!tpu.dma_semaphore, #tpu.memory_space<semaphore_mem>>) src(%arg9 : memref<80x128xf32, #tpu.memory_space<vmem>>) dst(%dma_wait3A_189 : memref<80x128xf32, #tpu.memory_space<vmem_shared>>)
      tpu.yield
    }) : () -> ()
    %add3A_22 = arith.constant 320 : i32
    %add3A_23 = arith.addi %mul3A_2, %add3A_22 : i32
    "tpu.region"() ({
      %run_scoped3A = tpu.sem_alloc : memref<!tpu.dma_semaphore, #tpu.memory_space<semaphore_mem>>
      %dma_start3A_182 = arith.constant 0 : i32
      %dma_start3A_183 = tpu.memref_slice %arg19[%add3A_23, %dma_start3A_182] : memref<10240x128xf32, #tpu.memory_space<vmem_shared>> -> memref<80x128xf32, #tpu.memory_space<vmem_shared>>
      %dma_start3A_184 = arith.constant 0 : i32
      %dma_start3A_185 = tpu.memref_slice %arg19[%add3A_23, %dma_start3A_184] : memref<10240x128xf32, #tpu.memory_space<vmem_shared>> -> memref<80x128xf32, #tpu.memory_space<vmem_shared>>
      tpu.enqueue_dma source(%arg9 : memref<80x128xf32, #tpu.memory_space<vmem>>) target(%dma_start3A_185 : memref<80x128xf32, #tpu.memory_space<vmem_shared>>) target_semaphore(%run_scoped3A : memref<!tpu.dma_semaphore, #tpu.memory_space<semaphore_mem>>)
      %dma_wait3A_186 = arith.constant 0 : i32
      %dma_wait3A_187 = tpu.memref_slice %arg19[%add3A_23, %dma_wait3A_186] : memref<10240x128xf32, #tpu.memory_space<vmem_shared>> -> memref<80x128xf32, #tpu.memory_space<vmem_shared>>
      %dma_wait3A_188 = arith.constant 0 : i32
      %dma_wait3A_189 = tpu.memref_slice %arg19[%add3A_23, %dma_wait3A_188] : memref<10240x128xf32, #tpu.memory_space<vmem_shared>> -> memref<80x128xf32, #tpu.memory_space<vmem_shared>>
      tpu.wait_dma2 semaphore(%run_scoped3A : memref<!tpu.dma_semaphore, #tpu.memory_space<semaphore_mem>>) src(%arg9 : memref<80x128xf32, #tpu.memory_space<vmem>>) dst(%dma_wait3A_189 : memref<80x128xf32, #tpu.memory_space<vmem_shared>>)
      tpu.yield
    }) : () -> ()
    %add3A_24 = arith.constant 400 : i32
    %add3A_25 = arith.addi %mul3A_2, %add3A_24 : i32
    "tpu.region"() ({
      %run_scoped3A = tpu.sem_alloc : memref<!tpu.dma_semaphore, #tpu.memory_space<semaphore_mem>>
      %dma_start3A_182 = arith.constant 0 : i32
      %dma_start3A_183 = tpu.memref_slice %arg19[%add3A_25, %dma_start3A_182] : memref<10240x128xf32, #tpu.memory_space<vmem_shared>> -> memref<80x128xf32, #tpu.memory_space<vmem_shared>>
      %dma_start3A_184 = arith.constant 0 : i32
      %dma_start3A_185 = tpu.memref_slice %arg19[%add3A_25, %dma_start3A_184] : memref<10240x128xf32, #tpu.memory_space<vmem_shared>> -> memref<80x128xf32, #tpu.memory_space<vmem_shared>>
      tpu.enqueue_dma source(%arg9 : memref<80x128xf32, #tpu.memory_space<vmem>>) target(%dma_start3A_185 : memref<80x128xf32, #tpu.memory_space<vmem_shared>>) target_semaphore(%run_scoped3A : memref<!tpu.dma_semaphore, #tpu.memory_space<semaphore_mem>>)
      %dma_wait3A_186 = arith.constant 0 : i32
      %dma_wait3A_187 = tpu.memref_slice %arg19[%add3A_25, %dma_wait3A_186] : memref<10240x128xf32, #tpu.memory_space<vmem_shared>> -> memref<80x128xf32, #tpu.memory_space<vmem_shared>>
      %dma_wait3A_188 = arith.constant 0 : i32
      %dma_wait3A_189 = tpu.memref_slice %arg19[%add3A_25, %dma_wait3A_188] : memref<10240x128xf32, #tpu.memory_space<vmem_shared>> -> memref<80x128xf32, #tpu.memory_space<vmem_shared>>
      tpu.wait_dma2 semaphore(%run_scoped3A : memref<!tpu.dma_semaphore, #tpu.memory_space<semaphore_mem>>) src(%arg9 : memref<80x128xf32, #tpu.memory_space<vmem>>) dst(%dma_wait3A_189 : memref<80x128xf32, #tpu.memory_space<vmem_shared>>)
      tpu.yield
    }) : () -> ()
    %add3A_26 = arith.constant 480 : i32
    %add3A_27 = arith.addi %mul3A_2, %add3A_26 : i32
    "tpu.region"() ({
      %run_scoped3A = tpu.sem_alloc : memref<!tpu.dma_semaphore, #tpu.memory_space<semaphore_mem>>
      %dma_start3A_182 = arith.constant 0 : i32
      %dma_start3A_183 = tpu.memref_slice %arg19[%add3A_27, %dma_start3A_182] : memref<10240x128xf32, #tpu.memory_space<vmem_shared>> -> memref<80x128xf32, #tpu.memory_space<vmem_shared>>
      %dma_start3A_184 = arith.constant 0 : i32
      %dma_start3A_185 = tpu.memref_slice %arg19[%add3A_27, %dma_start3A_184] : memref<10240x128xf32, #tpu.memory_space<vmem_shared>> -> memref<80x128xf32, #tpu.memory_space<vmem_shared>>
      tpu.enqueue_dma source(%arg9 : memref<80x128xf32, #tpu.memory_space<vmem>>) target(%dma_start3A_185 : memref<80x128xf32, #tpu.memory_space<vmem_shared>>) target_semaphore(%run_scoped3A : memref<!tpu.dma_semaphore, #tpu.memory_space<semaphore_mem>>)
      %dma_wait3A_186 = arith.constant 0 : i32
      %dma_wait3A_187 = tpu.memref_slice %arg19[%add3A_27, %dma_wait3A_186] : memref<10240x128xf32, #tpu.memory_space<vmem_shared>> -> memref<80x128xf32, #tpu.memory_space<vmem_shared>>
      %dma_wait3A_188 = arith.constant 0 : i32
      %dma_wait3A_189 = tpu.memref_slice %arg19[%add3A_27, %dma_wait3A_188] : memref<10240x128xf32, #tpu.memory_space<vmem_shared>> -> memref<80x128xf32, #tpu.memory_space<vmem_shared>>
      tpu.wait_dma2 semaphore(%run_scoped3A : memref<!tpu.dma_semaphore, #tpu.memory_space<semaphore_mem>>) src(%arg9 : memref<80x128xf32, #tpu.memory_space<vmem>>) dst(%dma_wait3A_189 : memref<80x128xf32, #tpu.memory_space<vmem_shared>>)
      tpu.yield
    }) : () -> ()
    %add3A_28 = arith.constant 560 : i32
    %add3A_29 = arith.addi %mul3A_2, %add3A_28 : i32
    "tpu.region"() ({
      %run_scoped3A = tpu.sem_alloc : memref<!tpu.dma_semaphore, #tpu.memory_space<semaphore_mem>>
      %dma_start3A_182 = arith.constant 0 : i32
      %dma_start3A_183 = tpu.memref_slice %arg19[%add3A_29, %dma_start3A_182] : memref<10240x128xf32, #tpu.memory_space<vmem_shared>> -> memref<80x128xf32, #tpu.memory_space<vmem_shared>>
      %dma_start3A_184 = arith.constant 0 : i32
      %dma_start3A_185 = tpu.memref_slice %arg19[%add3A_29, %dma_start3A_184] : memref<10240x128xf32, #tpu.memory_space<vmem_shared>> -> memref<80x128xf32, #tpu.memory_space<vmem_shared>>
      tpu.enqueue_dma source(%arg9 : memref<80x128xf32, #tpu.memory_space<vmem>>) target(%dma_start3A_185 : memref<80x128xf32, #tpu.memory_space<vmem_shared>>) target_semaphore(%run_scoped3A : memref<!tpu.dma_semaphore, #tpu.memory_space<semaphore_mem>>)
      %dma_wait3A_186 = arith.constant 0 : i32
      %dma_wait3A_187 = tpu.memref_slice %arg19[%add3A_29, %dma_wait3A_186] : memref<10240x128xf32, #tpu.memory_space<vmem_shared>> -> memref<80x128xf32, #tpu.memory_space<vmem_shared>>
      %dma_wait3A_188 = arith.constant 0 : i32
      %dma_wait3A_189 = tpu.memref_slice %arg19[%add3A_29, %dma_wait3A_188] : memref<10240x128xf32, #tpu.memory_space<vmem_shared>> -> memref<80x128xf32, #tpu.memory_space<vmem_shared>>
      tpu.wait_dma2 semaphore(%run_scoped3A : memref<!tpu.dma_semaphore, #tpu.memory_space<semaphore_mem>>) src(%arg9 : memref<80x128xf32, #tpu.memory_space<vmem>>) dst(%dma_wait3A_189 : memref<80x128xf32, #tpu.memory_space<vmem_shared>>)
      tpu.yield
    }) : () -> ()
    %barrier3A = arith.constant 0 : index
    tpu.barrier barrier_id(%barrier3A)
    "tpu.region"() ({
      %run_scoped3A = tpu.sem_alloc : memref<!tpu.dma_semaphore, #tpu.memory_space<semaphore_mem>>
      %dma_start3A_182 = tpu.memref_slice %arg3[%mul3A_7] : memref<320000xi32, #tpu.memory_space<hbm>> -> memref<80xi32, #tpu.memory_space<hbm>>
      %dma_start3A_183 = tpu.memref_slice %arg3[%mul3A_7] : memref<320000xi32, #tpu.memory_space<hbm>> -> memref<80xi32, #tpu.memory_space<hbm>>
      tpu.enqueue_dma source(%dma_start3A_183 : memref<80xi32, #tpu.memory_space<hbm>>) target(%arg7 : memref<80xi32, #tpu.memory_space<vmem>>) target_semaphore(%run_scoped3A : memref<!tpu.dma_semaphore, #tpu.memory_space<semaphore_mem>>)
      %dma_wait3A_184 = tpu.memref_slice %arg3[%mul3A_7] : memref<320000xi32, #tpu.memory_space<hbm>> -> memref<80xi32, #tpu.memory_space<hbm>>
      %dma_wait3A_185 = tpu.memref_slice %arg3[%mul3A_7] : memref<320000xi32, #tpu.memory_space<hbm>> -> memref<80xi32, #tpu.memory_space<hbm>>
      tpu.wait_dma2 semaphore(%run_scoped3A : memref<!tpu.dma_semaphore, #tpu.memory_space<semaphore_mem>>) src(%dma_wait3A_185 : memref<80xi32, #tpu.memory_space<hbm>>) dst(%arg7 : memref<80xi32, #tpu.memory_space<vmem>>)
      tpu.yield
    }) : () -> ()
    "tpu.region"() ({
      %run_scoped3A = tpu.sem_alloc : memref<!tpu.dma_semaphore, #tpu.memory_space<semaphore_mem>>
      %dma_start3A_182 = tpu.memref_slice %arg4[%mul3A_7] : memref<320000xi32, #tpu.memory_space<hbm>> -> memref<80xi32, #tpu.memory_space<hbm>>
      %dma_start3A_183 = tpu.memref_slice %arg4[%mul3A_7] : memref<320000xi32, #tpu.memory_space<hbm>> -> memref<80xi32, #tpu.memory_space<hbm>>
      tpu.enqueue_dma source(%dma_start3A_183 : memref<80xi32, #tpu.memory_space<hbm>>) target(%arg8 : memref<80xi32, #tpu.memory_space<vmem>>) target_semaphore(%run_scoped3A : memref<!tpu.dma_semaphore, #tpu.memory_space<semaphore_mem>>)
      %dma_wait3A_184 = tpu.memref_slice %arg4[%mul3A_7] : memref<320000xi32, #tpu.memory_space<hbm>> -> memref<80xi32, #tpu.memory_space<hbm>>
      %dma_wait3A_185 = tpu.memref_slice %arg4[%mul3A_7] : memref<320000xi32, #tpu.memory_space<hbm>> -> memref<80xi32, #tpu.memory_space<hbm>>
      tpu.wait_dma2 semaphore(%run_scoped3A : memref<!tpu.dma_semaphore, #tpu.memory_space<semaphore_mem>>) src(%dma_wait3A_185 : memref<80xi32, #tpu.memory_space<hbm>>) dst(%arg8 : memref<80xi32, #tpu.memory_space<vmem>>)
      tpu.yield
    }) : () -> ()
    %dma_start3A = arith.constant 0 : i32
    %dma_start3A_30 = arith.constant 0 : i32
    %dma_start3A_31 = tpu.memref_slice %arg2[%dma_start3A, %dma_start3A_30] : memref<10000x128xf32, #tpu.memory_space<hbm>> -> memref<10000x128xf32, #tpu.memory_space<hbm>>
    tpu.enqueue_indirect_dma source(%dma_start3A_31 : memref<10000x128xf32, #tpu.memory_space<hbm>>) target(%arg9 : memref<80x128xf32, #tpu.memory_space<vmem>>) offsets(%arg7 : memref<80xi32, #tpu.memory_space<vmem>>) semaphore(%arg20 : memref<!tpu.dma_semaphore, #tpu.memory_space<semaphore_mem>>)
    %add3A_32 = arith.constant 80 : i32
    %add3A_33 = arith.addi %mul3A_7, %add3A_32 : i32
    "tpu.region"() ({
      %run_scoped3A = tpu.sem_alloc : memref<!tpu.dma_semaphore, #tpu.memory_space<semaphore_mem>>
      %dma_start3A_182 = tpu.memref_slice %arg3[%add3A_33] : memref<320000xi32, #tpu.memory_space<hbm>> -> memref<80xi32, #tpu.memory_space<hbm>>
      %dma_start3A_183 = tpu.memref_slice %arg3[%add3A_33] : memref<320000xi32, #tpu.memory_space<hbm>> -> memref<80xi32, #tpu.memory_space<hbm>>
      tpu.enqueue_dma source(%dma_start3A_183 : memref<80xi32, #tpu.memory_space<hbm>>) target(%arg10 : memref<80xi32, #tpu.memory_space<vmem>>) target_semaphore(%run_scoped3A : memref<!tpu.dma_semaphore, #tpu.memory_space<semaphore_mem>>)
      %dma_wait3A_184 = tpu.memref_slice %arg3[%add3A_33] : memref<320000xi32, #tpu.memory_space<hbm>> -> memref<80xi32, #tpu.memory_space<hbm>>
      %dma_wait3A_185 = tpu.memref_slice %arg3[%add3A_33] : memref<320000xi32, #tpu.memory_space<hbm>> -> memref<80xi32, #tpu.memory_space<hbm>>
      tpu.wait_dma2 semaphore(%run_scoped3A : memref<!tpu.dma_semaphore, #tpu.memory_space<semaphore_mem>>) src(%dma_wait3A_185 : memref<80xi32, #tpu.memory_space<hbm>>) dst(%arg10 : memref<80xi32, #tpu.memory_space<vmem>>)
      tpu.yield
    }) : () -> ()
    "tpu.region"() ({
      %run_scoped3A = tpu.sem_alloc : memref<!tpu.dma_semaphore, #tpu.memory_space<semaphore_mem>>
      %dma_start3A_182 = tpu.memref_slice %arg4[%add3A_33] : memref<320000xi32, #tpu.memory_space<hbm>> -> memref<80xi32, #tpu.memory_space<hbm>>
      %dma_start3A_183 = tpu.memref_slice %arg4[%add3A_33] : memref<320000xi32, #tpu.memory_space<hbm>> -> memref<80xi32, #tpu.memory_space<hbm>>
      tpu.enqueue_dma source(%dma_start3A_183 : memref<80xi32, #tpu.memory_space<hbm>>) target(%arg11 : memref<80xi32, #tpu.memory_space<vmem>>) target_semaphore(%run_scoped3A : memref<!tpu.dma_semaphore, #tpu.memory_space<semaphore_mem>>)
      %dma_wait3A_184 = tpu.memref_slice %arg4[%add3A_33] : memref<320000xi32, #tpu.memory_space<hbm>> -> memref<80xi32, #tpu.memory_space<hbm>>
      %dma_wait3A_185 = tpu.memref_slice %arg4[%add3A_33] : memref<320000xi32, #tpu.memory_space<hbm>> -> memref<80xi32, #tpu.memory_space<hbm>>
      tpu.wait_dma2 semaphore(%run_scoped3A : memref<!tpu.dma_semaphore, #tpu.memory_space<semaphore_mem>>) src(%dma_wait3A_185 : memref<80xi32, #tpu.memory_space<hbm>>) dst(%arg11 : memref<80xi32, #tpu.memory_space<vmem>>)
      tpu.yield
    }) : () -> ()
    %dma_start3A_34 = arith.constant 0 : i32
    %dma_start3A_35 = arith.constant 0 : i32
    %dma_start3A_36 = tpu.memref_slice %arg2[%dma_start3A_34, %dma_start3A_35] : memref<10000x128xf32, #tpu.memory_space<hbm>> -> memref<10000x128xf32, #tpu.memory_space<hbm>>
    tpu.enqueue_indirect_dma source(%dma_start3A_36 : memref<10000x128xf32, #tpu.memory_space<hbm>>) target(%arg12 : memref<80x128xf32, #tpu.memory_space<vmem>>) offsets(%arg10 : memref<80xi32, #tpu.memory_space<vmem>>) semaphore(%arg21 : memref<!tpu.dma_semaphore, #tpu.memory_space<semaphore_mem>>)
    %scan3A_37 = arith.constant 0 : i32
    %scan3A_38 = arith.constant 0 : i32
    %scan3A_39 = arith.constant 30 : i32
    %scan3A_40 = arith.addi %scan3A_38, %scan3A_39 : i32
    %scan3A_41 = arith.constant 1 : i32
    scf.for %scan3A_182 = %scan3A_38 to %scan3A_40 step %scan3A_41  : i32 {
      %mul3A_183 = arith.constant 4 : i32
      %mul3A_184 = arith.muli %mul3A_183, %scan3A_182 : i32
      %add3A_185 = arith.constant 0 : i32
      %add3A_186 = arith.addi %mul3A_184, %add3A_185 : i32
      %add3A_187 = arith.constant 2 : i32
      %add3A_188 = arith.addi %add3A_186, %add3A_187 : i32
      %mul3A_189 = arith.constant 80 : i32
      %mul3A_190 = arith.muli %add3A_188, %mul3A_189 : i32
      %add3A_191 = arith.addi %mul3A_7, %mul3A_190 : i32
      "tpu.region"() ({
        %run_scoped3A = tpu.sem_alloc : memref<!tpu.dma_semaphore, #tpu.memory_space<semaphore_mem>>
        %dma_start3A_243 = tpu.memref_slice %arg3[%add3A_191] : memref<320000xi32, #tpu.memory_space<hbm>> -> memref<80xi32, #tpu.memory_space<hbm>>
        %dma_start3A_244 = tpu.memref_slice %arg3[%add3A_191] : memref<320000xi32, #tpu.memory_space<hbm>> -> memref<80xi32, #tpu.memory_space<hbm>>
        tpu.enqueue_dma source(%dma_start3A_244 : memref<80xi32, #tpu.memory_space<hbm>>) target(%arg13 : memref<80xi32, #tpu.memory_space<vmem>>) target_semaphore(%run_scoped3A : memref<!tpu.dma_semaphore, #tpu.memory_space<semaphore_mem>>)
        %dma_wait3A_245 = tpu.memref_slice %arg3[%add3A_191] : memref<320000xi32, #tpu.memory_space<hbm>> -> memref<80xi32, #tpu.memory_space<hbm>>
        %dma_wait3A_246 = tpu.memref_slice %arg3[%add3A_191] : memref<320000xi32, #tpu.memory_space<hbm>> -> memref<80xi32, #tpu.memory_space<hbm>>
        tpu.wait_dma2 semaphore(%run_scoped3A : memref<!tpu.dma_semaphore, #tpu.memory_space<semaphore_mem>>) src(%dma_wait3A_246 : memref<80xi32, #tpu.memory_space<hbm>>) dst(%arg13 : memref<80xi32, #tpu.memory_space<vmem>>)
        tpu.yield
      }) : () -> ()
      "tpu.region"() ({
        %run_scoped3A = tpu.sem_alloc : memref<!tpu.dma_semaphore, #tpu.memory_space<semaphore_mem>>
        %dma_start3A_243 = tpu.memref_slice %arg4[%add3A_191] : memref<320000xi32, #tpu.memory_space<hbm>> -> memref<80xi32, #tpu.memory_space<hbm>>
        %dma_start3A_244 = tpu.memref_slice %arg4[%add3A_191] : memref<320000xi32, #tpu.memory_space<hbm>> -> memref<80xi32, #tpu.memory_space<hbm>>
        tpu.enqueue_dma source(%dma_start3A_244 : memref<80xi32, #tpu.memory_space<hbm>>) target(%arg14 : memref<80xi32, #tpu.memory_space<vmem>>) target_semaphore(%run_scoped3A : memref<!tpu.dma_semaphore, #tpu.memory_space<semaphore_mem>>)
        %dma_wait3A_245 = tpu.memref_slice %arg4[%add3A_191] : memref<320000xi32, #tpu.memory_space<hbm>> -> memref<80xi32, #tpu.memory_space<hbm>>
        %dma_wait3A_246 = tpu.memref_slice %arg4[%add3A_191] : memref<320000xi32, #tpu.memory_space<hbm>> -> memref<80xi32, #tpu.memory_space<hbm>>
        tpu.wait_dma2 semaphore(%run_scoped3A : memref<!tpu.dma_semaphore, #tpu.memory_space<semaphore_mem>>) src(%dma_wait3A_246 : memref<80xi32, #tpu.memory_space<hbm>>) dst(%arg14 : memref<80xi32, #tpu.memory_space<vmem>>)
        tpu.yield
      }) : () -> ()
      %dma_start3A_192 = arith.constant 0 : i32
      %dma_start3A_193 = arith.constant 0 : i32
      %dma_start3A_194 = tpu.memref_slice %arg2[%dma_start3A_192, %dma_start3A_193] : memref<10000x128xf32, #tpu.memory_space<hbm>> -> memref<10000x128xf32, #tpu.memory_space<hbm>>
      tpu.enqueue_indirect_dma source(%dma_start3A_194 : memref<10000x128xf32, #tpu.memory_space<hbm>>) target(%arg15 : memref<80x128xf32, #tpu.memory_space<vmem>>) offsets(%arg13 : memref<80xi32, #tpu.memory_space<vmem>>) semaphore(%arg22 : memref<!tpu.dma_semaphore, #tpu.memory_space<semaphore_mem>>)
      %dma_wait3A_195 = arith.constant 0 : i32
      %dma_wait3A_196 = arith.constant 0 : i32
      %dma_wait3A_197 = tpu.memref_slice %arg2[%dma_wait3A_195, %dma_wait3A_196] : memref<10000x128xf32, #tpu.memory_space<hbm>> -> memref<10000x128xf32, #tpu.memory_space<hbm>>
      tpu.wait_indirect_dma semaphore(%arg20 : memref<!tpu.dma_semaphore, #tpu.memory_space<semaphore_mem>>) src(%dma_wait3A_197 : memref<10000x128xf32, #tpu.memory_space<hbm>>) dst(%arg9 : memref<80x128xf32, #tpu.memory_space<vmem>>)
      "tpu.region"() ({
        %run_scoped3A = tpu.sem_alloc : memref<!tpu.dma_semaphore, #tpu.memory_space<semaphore_mem>>
        %dma_start3A_243 = arith.constant 0 : i32
        %dma_start3A_244 = arith.constant 0 : i32
        %dma_start3A_245 = tpu.memref_slice %arg19[%dma_start3A_243, %dma_start3A_244] : memref<10240x128xf32, #tpu.memory_space<vmem_shared>> -> memref<10240x128xf32, #tpu.memory_space<vmem_shared>>
        tpu.enqueue_indirect_dma source(%arg9 : memref<80x128xf32, #tpu.memory_space<vmem>>) target(%dma_start3A_245 : memref<10240x128xf32, #tpu.memory_space<vmem_shared>>) offsets(%arg8 : memref<80xi32, #tpu.memory_space<vmem>>) semaphore(%run_scoped3A : memref<!tpu.dma_semaphore, #tpu.memory_space<semaphore_mem>>) {add = true}
        %dma_wait3A_246 = arith.constant 0 : i32
        %dma_wait3A_247 = arith.constant 0 : i32
        %dma_wait3A_248 = tpu.memref_slice %arg19[%dma_wait3A_246, %dma_wait3A_247] : memref<10240x128xf32, #tpu.memory_space<vmem_shared>> -> memref<10240x128xf32, #tpu.memory_space<vmem_shared>>
        tpu.wait_indirect_dma semaphore(%run_scoped3A : memref<!tpu.dma_semaphore, #tpu.memory_space<semaphore_mem>>) src(%arg9 : memref<80x128xf32, #tpu.memory_space<vmem>>) dst(%dma_wait3A_248 : memref<10240x128xf32, #tpu.memory_space<vmem_shared>>)
        tpu.yield
      }) : () -> ()
      %mul3A_198 = arith.constant 4 : i32
      %mul3A_199 = arith.muli %mul3A_198, %scan3A_182 : i32
      %add3A_200 = arith.constant 1 : i32
      %add3A_201 = arith.addi %mul3A_199, %add3A_200 : i32
      %add3A_202 = arith.constant 2 : i32
      %add3A_203 = arith.addi %add3A_201, %add3A_202 : i32
      %mul3A_204 = arith.constant 80 : i32
      %mul3A_205 = arith.muli %add3A_203, %mul3A_204 : i32
      %add3A_206 = arith.addi %mul3A_7, %mul3A_205 : i32
      "tpu.region"() ({
        %run_scoped3A = tpu.sem_alloc : memref<!tpu.dma_semaphore, #tpu.memory_space<semaphore_mem>>
        %dma_start3A_243 = tpu.memref_slice %arg3[%add3A_206] : memref<320000xi32, #tpu.memory_space<hbm>> -> memref<80xi32, #tpu.memory_space<hbm>>
        %dma_start3A_244 = tpu.memref_slice %arg3[%add3A_206] : memref<320000xi32, #tpu.memory_space<hbm>> -> memref<80xi32, #tpu.memory_space<hbm>>
        tpu.enqueue_dma source(%dma_start3A_244 : memref<80xi32, #tpu.memory_space<hbm>>) target(%arg16 : memref<80xi32, #tpu.memory_space<vmem>>) target_semaphore(%run_scoped3A : memref<!tpu.dma_semaphore, #tpu.memory_space<semaphore_mem>>)
        %dma_wait3A_245 = tpu.memref_slice %arg3[%add3A_206] : memref<320000xi32, #tpu.memory_space<hbm>> -> memref<80xi32, #tpu.memory_space<hbm>>
        %dma_wait3A_246 = tpu.memref_slice %arg3[%add3A_206] : memref<320000xi32, #tpu.memory_space<hbm>> -> memref<80xi32, #tpu.memory_space<hbm>>
        tpu.wait_dma2 semaphore(%run_scoped3A : memref<!tpu.dma_semaphore, #tpu.memory_space<semaphore_mem>>) src(%dma_wait3A_246 : memref<80xi32, #tpu.memory_space<hbm>>) dst(%arg16 : memref<80xi32, #tpu.memory_space<vmem>>)
        tpu.yield
      }) : () -> ()
      "tpu.region"() ({
        %run_scoped3A = tpu.sem_alloc : memref<!tpu.dma_semaphore, #tpu.memory_space<semaphore_mem>>
        %dma_start3A_243 = tpu.memref_slice %arg4[%add3A_206] : memref<320000xi32, #tpu.memory_space<hbm>> -> memref<80xi32, #tpu.memory_space<hbm>>
        %dma_start3A_244 = tpu.memref_slice %arg4[%add3A_206] : memref<320000xi32, #tpu.memory_space<hbm>> -> memref<80xi32, #tpu.memory_space<hbm>>
        tpu.enqueue_dma source(%dma_start3A_244 : memref<80xi32, #tpu.memory_space<hbm>>) target(%arg17 : memref<80xi32, #tpu.memory_space<vmem>>) target_semaphore(%run_scoped3A : memref<!tpu.dma_semaphore, #tpu.memory_space<semaphore_mem>>)
        %dma_wait3A_245 = tpu.memref_slice %arg4[%add3A_206] : memref<320000xi32, #tpu.memory_space<hbm>> -> memref<80xi32, #tpu.memory_space<hbm>>
        %dma_wait3A_246 = tpu.memref_slice %arg4[%add3A_206] : memref<320000xi32, #tpu.memory_space<hbm>> -> memref<80xi32, #tpu.memory_space<hbm>>
        tpu.wait_dma2 semaphore(%run_scoped3A : memref<!tpu.dma_semaphore, #tpu.memory_space<semaphore_mem>>) src(%dma_wait3A_246 : memref<80xi32, #tpu.memory_space<hbm>>) dst(%arg17 : memref<80xi32, #tpu.memory_space<vmem>>)
        tpu.yield
      }) : () -> ()
      %dma_start3A_207 = arith.constant 0 : i32
      %dma_start3A_208 = arith.constant 0 : i32
      %dma_start3A_209 = tpu.memref_slice %arg2[%dma_start3A_207, %dma_start3A_208] : memref<10000x128xf32, #tpu.memory_space<hbm>> -> memref<10000x128xf32, #tpu.memory_space<hbm>>
      tpu.enqueue_indirect_dma source(%dma_start3A_209 : memref<10000x128xf32, #tpu.memory_space<hbm>>) target(%arg18 : memref<80x128xf32, #tpu.memory_space<vmem>>) offsets(%arg16 : memref<80xi32, #tpu.memory_space<vmem>>) semaphore(%arg23 : memref<!tpu.dma_semaphore, #tpu.memory_space<semaphore_mem>>)
      %dma_wait3A_210 = arith.constant 0 : i32
      %dma_wait3A_211 = arith.constant 0 : i32
      %dma_wait3A_212 = tpu.memref_slice %arg2[%dma_wait3A_210, %dma_wait3A_211] : memref<10000x128xf32, #tpu.memory_space<hbm>> -> memref<10000x128xf32, #tpu.memory_space<hbm>>
      tpu.wait_indirect_dma semaphore(%arg21 : memref<!tpu.dma_semaphore, #tpu.memory_space<semaphore_mem>>) src(%dma_wait3A_212 : memref<10000x128xf32, #tpu.memory_space<hbm>>) dst(%arg12 : memref<80x128xf32, #tpu.memory_space<vmem>>)
      "tpu.region"() ({
        %run_scoped3A = tpu.sem_alloc : memref<!tpu.dma_semaphore, #tpu.memory_space<semaphore_mem>>
        %dma_start3A_243 = arith.constant 0 : i32
        %dma_start3A_244 = arith.constant 0 : i32
        %dma_start3A_245 = tpu.memref_slice %arg19[%dma_start3A_243, %dma_start3A_244] : memref<10240x128xf32, #tpu.memory_space<vmem_shared>> -> memref<10240x128xf32, #tpu.memory_space<vmem_shared>>
        tpu.enqueue_indirect_dma source(%arg12 : memref<80x128xf32, #tpu.memory_space<vmem>>) target(%dma_start3A_245 : memref<10240x128xf32, #tpu.memory_space<vmem_shared>>) offsets(%arg11 : memref<80xi32, #tpu.memory_space<vmem>>) semaphore(%run_scoped3A : memref<!tpu.dma_semaphore, #tpu.memory_space<semaphore_mem>>) {add = true}
        %dma_wait3A_246 = arith.constant 0 : i32
        %dma_wait3A_247 = arith.constant 0 : i32
        %dma_wait3A_248 = tpu.memref_slice %arg19[%dma_wait3A_246, %dma_wait3A_247] : memref<10240x128xf32, #tpu.memory_space<vmem_shared>> -> memref<10240x128xf32, #tpu.memory_space<vmem_shared>>
        tpu.wait_indirect_dma semaphore(%run_scoped3A : memref<!tpu.dma_semaphore, #tpu.memory_space<semaphore_mem>>) src(%arg12 : memref<80x128xf32, #tpu.memory_space<vmem>>) dst(%dma_wait3A_248 : memref<10240x128xf32, #tpu.memory_space<vmem_shared>>)
        tpu.yield
      }) : () -> ()
      %mul3A_213 = arith.constant 4 : i32
      %mul3A_214 = arith.muli %mul3A_213, %scan3A_182 : i32
      %add3A_215 = arith.constant 2 : i32
      %add3A_216 = arith.addi %mul3A_214, %add3A_215 : i32
      %add3A_217 = arith.constant 2 : i32
      %add3A_218 = arith.addi %add3A_216, %add3A_217 : i32
      %mul3A_219 = arith.constant 80 : i32
      %mul3A_220 = arith.muli %add3A_218, %mul3A_219 : i32
      %add3A_221 = arith.addi %mul3A_7, %mul3A_220 : i32
      "tpu.region"() ({
        %run_scoped3A = tpu.sem_alloc : memref<!tpu.dma_semaphore, #tpu.memory_space<semaphore_mem>>
        %dma_start3A_243 = tpu.memref_slice %arg3[%add3A_221] : memref<320000xi32, #tpu.memory_space<hbm>> -> memref<80xi32, #tpu.memory_space<hbm>>
        %dma_start3A_244 = tpu.memref_slice %arg3[%add3A_221] : memref<320000xi32, #tpu.memory_space<hbm>> -> memref<80xi32, #tpu.memory_space<hbm>>
        tpu.enqueue_dma source(%dma_start3A_244 : memref<80xi32, #tpu.memory_space<hbm>>) target(%arg7 : memref<80xi32, #tpu.memory_space<vmem>>) target_semaphore(%run_scoped3A : memref<!tpu.dma_semaphore, #tpu.memory_space<semaphore_mem>>)
        %dma_wait3A_245 = tpu.memref_slice %arg3[%add3A_221] : memref<320000xi32, #tpu.memory_space<hbm>> -> memref<80xi32, #tpu.memory_space<hbm>>
        %dma_wait3A_246 = tpu.memref_slice %arg3[%add3A_221] : memref<320000xi32, #tpu.memory_space<hbm>> -> memref<80xi32, #tpu.memory_space<hbm>>
        tpu.wait_dma2 semaphore(%run_scoped3A : memref<!tpu.dma_semaphore, #tpu.memory_space<semaphore_mem>>) src(%dma_wait3A_246 : memref<80xi32, #tpu.memory_space<hbm>>) dst(%arg7 : memref<80xi32, #tpu.memory_space<vmem>>)
        tpu.yield
      }) : () -> ()
      "tpu.region"() ({
        %run_scoped3A = tpu.sem_alloc : memref<!tpu.dma_semaphore, #tpu.memory_space<semaphore_mem>>
        %dma_start3A_243 = tpu.memref_slice %arg4[%add3A_221] : memref<320000xi32, #tpu.memory_space<hbm>> -> memref<80xi32, #tpu.memory_space<hbm>>
        %dma_start3A_244 = tpu.memref_slice %arg4[%add3A_221] : memref<320000xi32, #tpu.memory_space<hbm>> -> memref<80xi32, #tpu.memory_space<hbm>>
        tpu.enqueue_dma source(%dma_start3A_244 : memref<80xi32, #tpu.memory_space<hbm>>) target(%arg8 : memref<80xi32, #tpu.memory_space<vmem>>) target_semaphore(%run_scoped3A : memref<!tpu.dma_semaphore, #tpu.memory_space<semaphore_mem>>)
        %dma_wait3A_245 = tpu.memref_slice %arg4[%add3A_221] : memref<320000xi32, #tpu.memory_space<hbm>> -> memref<80xi32, #tpu.memory_space<hbm>>
        %dma_wait3A_246 = tpu.memref_slice %arg4[%add3A_221] : memref<320000xi32, #tpu.memory_space<hbm>> -> memref<80xi32, #tpu.memory_space<hbm>>
        tpu.wait_dma2 semaphore(%run_scoped3A : memref<!tpu.dma_semaphore, #tpu.memory_space<semaphore_mem>>) src(%dma_wait3A_246 : memref<80xi32, #tpu.memory_space<hbm>>) dst(%arg8 : memref<80xi32, #tpu.memory_space<vmem>>)
        tpu.yield
      }) : () -> ()
      %dma_start3A_222 = arith.constant 0 : i32
      %dma_start3A_223 = arith.constant 0 : i32
      %dma_start3A_224 = tpu.memref_slice %arg2[%dma_start3A_222, %dma_start3A_223] : memref<10000x128xf32, #tpu.memory_space<hbm>> -> memref<10000x128xf32, #tpu.memory_space<hbm>>
      tpu.enqueue_indirect_dma source(%dma_start3A_224 : memref<10000x128xf32, #tpu.memory_space<hbm>>) target(%arg9 : memref<80x128xf32, #tpu.memory_space<vmem>>) offsets(%arg7 : memref<80xi32, #tpu.memory_space<vmem>>) semaphore(%arg20 : memref<!tpu.dma_semaphore, #tpu.memory_space<semaphore_mem>>)
      %dma_wait3A_225 = arith.constant 0 : i32
      %dma_wait3A_226 = arith.constant 0 : i32
      %dma_wait3A_227 = tpu.memref_slice %arg2[%dma_wait3A_225, %dma_wait3A_226] : memref<10000x128xf32, #tpu.memory_space<hbm>> -> memref<10000x128xf32, #tpu.memory_space<hbm>>
      tpu.wait_indirect_dma semaphore(%arg22 : memref<!tpu.dma_semaphore, #tpu.memory_space<semaphore_mem>>) src(%dma_wait3A_227 : memref<10000x128xf32, #tpu.memory_space<hbm>>) dst(%arg15 : memref<80x128xf32, #tpu.memory_space<vmem>>)
      "tpu.region"() ({
        %run_scoped3A = tpu.sem_alloc : memref<!tpu.dma_semaphore, #tpu.memory_space<semaphore_mem>>
        %dma_start3A_243 = arith.constant 0 : i32
        %dma_start3A_244 = arith.constant 0 : i32
        %dma_start3A_245 = tpu.memref_slice %arg19[%dma_start3A_243, %dma_start3A_244] : memref<10240x128xf32, #tpu.memory_space<vmem_shared>> -> memref<10240x128xf32, #tpu.memory_space<vmem_shared>>
        tpu.enqueue_indirect_dma source(%arg15 : memref<80x128xf32, #tpu.memory_space<vmem>>) target(%dma_start3A_245 : memref<10240x128xf32, #tpu.memory_space<vmem_shared>>) offsets(%arg14 : memref<80xi32, #tpu.memory_space<vmem>>) semaphore(%run_scoped3A : memref<!tpu.dma_semaphore, #tpu.memory_space<semaphore_mem>>) {add = true}
        %dma_wait3A_246 = arith.constant 0 : i32
        %dma_wait3A_247 = arith.constant 0 : i32
        %dma_wait3A_248 = tpu.memref_slice %arg19[%dma_wait3A_246, %dma_wait3A_247] : memref<10240x128xf32, #tpu.memory_space<vmem_shared>> -> memref<10240x128xf32, #tpu.memory_space<vmem_shared>>
        tpu.wait_indirect_dma semaphore(%run_scoped3A : memref<!tpu.dma_semaphore, #tpu.memory_space<semaphore_mem>>) src(%arg15 : memref<80x128xf32, #tpu.memory_space<vmem>>) dst(%dma_wait3A_248 : memref<10240x128xf32, #tpu.memory_space<vmem_shared>>)
        tpu.yield
      }) : () -> ()
      %mul3A_228 = arith.constant 4 : i32
      %mul3A_229 = arith.muli %mul3A_228, %scan3A_182 : i32
      %add3A_230 = arith.constant 3 : i32
      %add3A_231 = arith.addi %mul3A_229, %add3A_230 : i32
      %add3A_232 = arith.constant 2 : i32
      %add3A_233 = arith.addi %add3A_231, %add3A_232 : i32
      %mul3A_234 = arith.constant 80 : i32
      %mul3A_235 = arith.muli %add3A_233, %mul3A_234 : i32
      %add3A_236 = arith.addi %mul3A_7, %mul3A_235 : i32
      "tpu.region"() ({
        %run_scoped3A = tpu.sem_alloc : memref<!tpu.dma_semaphore, #tpu.memory_space<semaphore_mem>>
        %dma_start3A_243 = tpu.memref_slice %arg3[%add3A_236] : memref<320000xi32, #tpu.memory_space<hbm>> -> memref<80xi32, #tpu.memory_space<hbm>>
        %dma_start3A_244 = tpu.memref_slice %arg3[%add3A_236] : memref<320000xi32, #tpu.memory_space<hbm>> -> memref<80xi32, #tpu.memory_space<hbm>>
        tpu.enqueue_dma source(%dma_start3A_244 : memref<80xi32, #tpu.memory_space<hbm>>) target(%arg10 : memref<80xi32, #tpu.memory_space<vmem>>) target_semaphore(%run_scoped3A : memref<!tpu.dma_semaphore, #tpu.memory_space<semaphore_mem>>)
        %dma_wait3A_245 = tpu.memref_slice %arg3[%add3A_236] : memref<320000xi32, #tpu.memory_space<hbm>> -> memref<80xi32, #tpu.memory_space<hbm>>
        %dma_wait3A_246 = tpu.memref_slice %arg3[%add3A_236] : memref<320000xi32, #tpu.memory_space<hbm>> -> memref<80xi32, #tpu.memory_space<hbm>>
        tpu.wait_dma2 semaphore(%run_scoped3A : memref<!tpu.dma_semaphore, #tpu.memory_space<semaphore_mem>>) src(%dma_wait3A_246 : memref<80xi32, #tpu.memory_space<hbm>>) dst(%arg10 : memref<80xi32, #tpu.memory_space<vmem>>)
        tpu.yield
      }) : () -> ()
      "tpu.region"() ({
        %run_scoped3A = tpu.sem_alloc : memref<!tpu.dma_semaphore, #tpu.memory_space<semaphore_mem>>
        %dma_start3A_243 = tpu.memref_slice %arg4[%add3A_236] : memref<320000xi32, #tpu.memory_space<hbm>> -> memref<80xi32, #tpu.memory_space<hbm>>
        %dma_start3A_244 = tpu.memref_slice %arg4[%add3A_236] : memref<320000xi32, #tpu.memory_space<hbm>> -> memref<80xi32, #tpu.memory_space<hbm>>
        tpu.enqueue_dma source(%dma_start3A_244 : memref<80xi32, #tpu.memory_space<hbm>>) target(%arg11 : memref<80xi32, #tpu.memory_space<vmem>>) target_semaphore(%run_scoped3A : memref<!tpu.dma_semaphore, #tpu.memory_space<semaphore_mem>>)
        %dma_wait3A_245 = tpu.memref_slice %arg4[%add3A_236] : memref<320000xi32, #tpu.memory_space<hbm>> -> memref<80xi32, #tpu.memory_space<hbm>>
        %dma_wait3A_246 = tpu.memref_slice %arg4[%add3A_236] : memref<320000xi32, #tpu.memory_space<hbm>> -> memref<80xi32, #tpu.memory_space<hbm>>
        tpu.wait_dma2 semaphore(%run_scoped3A : memref<!tpu.dma_semaphore, #tpu.memory_space<semaphore_mem>>) src(%dma_wait3A_246 : memref<80xi32, #tpu.memory_space<hbm>>) dst(%arg11 : memref<80xi32, #tpu.memory_space<vmem>>)
        tpu.yield
      }) : () -> ()
      %dma_start3A_237 = arith.constant 0 : i32
      %dma_start3A_238 = arith.constant 0 : i32
      %dma_start3A_239 = tpu.memref_slice %arg2[%dma_start3A_237, %dma_start3A_238] : memref<10000x128xf32, #tpu.memory_space<hbm>> -> memref<10000x128xf32, #tpu.memory_space<hbm>>
      tpu.enqueue_indirect_dma source(%dma_start3A_239 : memref<10000x128xf32, #tpu.memory_space<hbm>>) target(%arg12 : memref<80x128xf32, #tpu.memory_space<vmem>>) offsets(%arg10 : memref<80xi32, #tpu.memory_space<vmem>>) semaphore(%arg21 : memref<!tpu.dma_semaphore, #tpu.memory_space<semaphore_mem>>)
      %dma_wait3A_240 = arith.constant 0 : i32
      %dma_wait3A_241 = arith.constant 0 : i32
      %dma_wait3A_242 = tpu.memref_slice %arg2[%dma_wait3A_240, %dma_wait3A_241] : memref<10000x128xf32, #tpu.memory_space<hbm>> -> memref<10000x128xf32, #tpu.memory_space<hbm>>
      tpu.wait_indirect_dma semaphore(%arg23 : memref<!tpu.dma_semaphore, #tpu.memory_space<semaphore_mem>>) src(%dma_wait3A_242 : memref<10000x128xf32, #tpu.memory_space<hbm>>) dst(%arg18 : memref<80x128xf32, #tpu.memory_space<vmem>>)
      "tpu.region"() ({
        %run_scoped3A = tpu.sem_alloc : memref<!tpu.dma_semaphore, #tpu.memory_space<semaphore_mem>>
        %dma_start3A_243 = arith.constant 0 : i32
        %dma_start3A_244 = arith.constant 0 : i32
        %dma_start3A_245 = tpu.memref_slice %arg19[%dma_start3A_243, %dma_start3A_244] : memref<10240x128xf32, #tpu.memory_space<vmem_shared>> -> memref<10240x128xf32, #tpu.memory_space<vmem_shared>>
        tpu.enqueue_indirect_dma source(%arg18 : memref<80x128xf32, #tpu.memory_space<vmem>>) target(%dma_start3A_245 : memref<10240x128xf32, #tpu.memory_space<vmem_shared>>) offsets(%arg17 : memref<80xi32, #tpu.memory_space<vmem>>) semaphore(%run_scoped3A : memref<!tpu.dma_semaphore, #tpu.memory_space<semaphore_mem>>) {add = true}
        %dma_wait3A_246 = arith.constant 0 : i32
        %dma_wait3A_247 = arith.constant 0 : i32
        %dma_wait3A_248 = tpu.memref_slice %arg19[%dma_wait3A_246, %dma_wait3A_247] : memref<10240x128xf32, #tpu.memory_space<vmem_shared>> -> memref<10240x128xf32, #tpu.memory_space<vmem_shared>>
        tpu.wait_indirect_dma semaphore(%run_scoped3A : memref<!tpu.dma_semaphore, #tpu.memory_space<semaphore_mem>>) src(%arg18 : memref<80x128xf32, #tpu.memory_space<vmem>>) dst(%dma_wait3A_248 : memref<10240x128xf32, #tpu.memory_space<vmem_shared>>)
        tpu.yield
      }) : () -> ()
    }
    %scan3A_42 = arith.constant 30 : i32
    %add3A_43 = arith.constant 9760 : i32
    %add3A_44 = arith.addi %mul3A_7, %add3A_43 : i32
    "tpu.region"() ({
      %run_scoped3A = tpu.sem_alloc : memref<!tpu.dma_semaphore, #tpu.memory_space<semaphore_mem>>
      %dma_start3A_182 = tpu.memref_slice %arg3[%add3A_44] : memref<320000xi32, #tpu.memory_space<hbm>> -> memref<80xi32, #tpu.memory_space<hbm>>
      %dma_start3A_183 = tpu.memref_slice %arg3[%add3A_44] : memref<320000xi32, #tpu.memory_space<hbm>> -> memref<80xi32, #tpu.memory_space<hbm>>
      tpu.enqueue_dma source(%dma_start3A_183 : memref<80xi32, #tpu.memory_space<hbm>>) target(%arg13 : memref<80xi32, #tpu.memory_space<vmem>>) target_semaphore(%run_scoped3A : memref<!tpu.dma_semaphore, #tpu.memory_space<semaphore_mem>>)
      %dma_wait3A_184 = tpu.memref_slice %arg3[%add3A_44] : memref<320000xi32, #tpu.memory_space<hbm>> -> memref<80xi32, #tpu.memory_space<hbm>>
      %dma_wait3A_185 = tpu.memref_slice %arg3[%add3A_44] : memref<320000xi32, #tpu.memory_space<hbm>> -> memref<80xi32, #tpu.memory_space<hbm>>
      tpu.wait_dma2 semaphore(%run_scoped3A : memref<!tpu.dma_semaphore, #tpu.memory_space<semaphore_mem>>) src(%dma_wait3A_185 : memref<80xi32, #tpu.memory_space<hbm>>) dst(%arg13 : memref<80xi32, #tpu.memory_space<vmem>>)
      tpu.yield
    }) : () -> ()
    "tpu.region"() ({
      %run_scoped3A = tpu.sem_alloc : memref<!tpu.dma_semaphore, #tpu.memory_space<semaphore_mem>>
      %dma_start3A_182 = tpu.memref_slice %arg4[%add3A_44] : memref<320000xi32, #tpu.memory_space<hbm>> -> memref<80xi32, #tpu.memory_space<hbm>>
      %dma_start3A_183 = tpu.memref_slice %arg4[%add3A_44] : memref<320000xi32, #tpu.memory_space<hbm>> -> memref<80xi32, #tpu.memory_space<hbm>>
      tpu.enqueue_dma source(%dma_start3A_183 : memref<80xi32, #tpu.memory_space<hbm>>) target(%arg14 : memref<80xi32, #tpu.memory_space<vmem>>) target_semaphore(%run_scoped3A : memref<!tpu.dma_semaphore, #tpu.memory_space<semaphore_mem>>)
      %dma_wait3A_184 = tpu.memref_slice %arg4[%add3A_44] : memref<320000xi32, #tpu.memory_space<hbm>> -> memref<80xi32, #tpu.memory_space<hbm>>
      %dma_wait3A_185 = tpu.memref_slice %arg4[%add3A_44] : memref<320000xi32, #tpu.memory_space<hbm>> -> memref<80xi32, #tpu.memory_space<hbm>>
      tpu.wait_dma2 semaphore(%run_scoped3A : memref<!tpu.dma_semaphore, #tpu.memory_space<semaphore_mem>>) src(%dma_wait3A_185 : memref<80xi32, #tpu.memory_space<hbm>>) dst(%arg14 : memref<80xi32, #tpu.memory_space<vmem>>)
      tpu.yield
    }) : () -> ()
    %dma_start3A_45 = arith.constant 0 : i32
    %dma_start3A_46 = arith.constant 0 : i32
    %dma_start3A_47 = tpu.memref_slice %arg2[%dma_start3A_45, %dma_start3A_46] : memref<10000x128xf32, #tpu.memory_space<hbm>> -> memref<10000x128xf32, #tpu.memory_space<hbm>>
    tpu.enqueue_indirect_dma source(%dma_start3A_47 : memref<10000x128xf32, #tpu.memory_space<hbm>>) target(%arg15 : memref<80x128xf32, #tpu.memory_space<vmem>>) offsets(%arg13 : memref<80xi32, #tpu.memory_space<vmem>>) semaphore(%arg22 : memref<!tpu.dma_semaphore, #tpu.memory_space<semaphore_mem>>)
    %dma_wait3A = arith.constant 0 : i32
    %dma_wait3A_48 = arith.constant 0 : i32
    %dma_wait3A_49 = tpu.memref_slice %arg2[%dma_wait3A, %dma_wait3A_48] : memref<10000x128xf32, #tpu.memory_space<hbm>> -> memref<10000x128xf32, #tpu.memory_space<hbm>>
    tpu.wait_indirect_dma semaphore(%arg20 : memref<!tpu.dma_semaphore, #tpu.memory_space<semaphore_mem>>) src(%dma_wait3A_49 : memref<10000x128xf32, #tpu.memory_space<hbm>>) dst(%arg9 : memref<80x128xf32, #tpu.memory_space<vmem>>)
    "tpu.region"() ({
      %run_scoped3A = tpu.sem_alloc : memref<!tpu.dma_semaphore, #tpu.memory_space<semaphore_mem>>
      %dma_start3A_182 = arith.constant 0 : i32
      %dma_start3A_183 = arith.constant 0 : i32
      %dma_start3A_184 = tpu.memref_slice %arg19[%dma_start3A_182, %dma_start3A_183] : memref<10240x128xf32, #tpu.memory_space<vmem_shared>> -> memref<10240x128xf32, #tpu.memory_space<vmem_shared>>
      tpu.enqueue_indirect_dma source(%arg9 : memref<80x128xf32, #tpu.memory_space<vmem>>) target(%dma_start3A_184 : memref<10240x128xf32, #tpu.memory_space<vmem_shared>>) offsets(%arg8 : memref<80xi32, #tpu.memory_space<vmem>>) semaphore(%run_scoped3A : memref<!tpu.dma_semaphore, #tpu.memory_space<semaphore_mem>>) {add = true}
      %dma_wait3A_185 = arith.constant 0 : i32
      %dma_wait3A_186 = arith.constant 0 : i32
      %dma_wait3A_187 = tpu.memref_slice %arg19[%dma_wait3A_185, %dma_wait3A_186] : memref<10240x128xf32, #tpu.memory_space<vmem_shared>> -> memref<10240x128xf32, #tpu.memory_space<vmem_shared>>
      tpu.wait_indirect_dma semaphore(%run_scoped3A : memref<!tpu.dma_semaphore, #tpu.memory_space<semaphore_mem>>) src(%arg9 : memref<80x128xf32, #tpu.memory_space<vmem>>) dst(%dma_wait3A_187 : memref<10240x128xf32, #tpu.memory_space<vmem_shared>>)
      tpu.yield
    }) : () -> ()
    %add3A_50 = arith.constant 9840 : i32
    %add3A_51 = arith.addi %mul3A_7, %add3A_50 : i32
    "tpu.region"() ({
      %run_scoped3A = tpu.sem_alloc : memref<!tpu.dma_semaphore, #tpu.memory_space<semaphore_mem>>
      %dma_start3A_182 = tpu.memref_slice %arg3[%add3A_51] : memref<320000xi32, #tpu.memory_space<hbm>> -> memref<80xi32, #tpu.memory_space<hbm>>
      %dma_start3A_183 = tpu.memref_slice %arg3[%add3A_51] : memref<320000xi32, #tpu.memory_space<hbm>> -> memref<80xi32, #tpu.memory_space<hbm>>
      tpu.enqueue_dma source(%dma_start3A_183 : memref<80xi32, #tpu.memory_space<hbm>>) target(%arg16 : memref<80xi32, #tpu.memory_space<vmem>>) target_semaphore(%run_scoped3A : memref<!tpu.dma_semaphore, #tpu.memory_space<semaphore_mem>>)
      %dma_wait3A_184 = tpu.memref_slice %arg3[%add3A_51] : memref<320000xi32, #tpu.memory_space<hbm>> -> memref<80xi32, #tpu.memory_space<hbm>>
      %dma_wait3A_185 = tpu.memref_slice %arg3[%add3A_51] : memref<320000xi32, #tpu.memory_space<hbm>> -> memref<80xi32, #tpu.memory_space<hbm>>
      tpu.wait_dma2 semaphore(%run_scoped3A : memref<!tpu.dma_semaphore, #tpu.memory_space<semaphore_mem>>) src(%dma_wait3A_185 : memref<80xi32, #tpu.memory_space<hbm>>) dst(%arg16 : memref<80xi32, #tpu.memory_space<vmem>>)
      tpu.yield
    }) : () -> ()
    "tpu.region"() ({
      %run_scoped3A = tpu.sem_alloc : memref<!tpu.dma_semaphore, #tpu.memory_space<semaphore_mem>>
      %dma_start3A_182 = tpu.memref_slice %arg4[%add3A_51] : memref<320000xi32, #tpu.memory_space<hbm>> -> memref<80xi32, #tpu.memory_space<hbm>>
      %dma_start3A_183 = tpu.memref_slice %arg4[%add3A_51] : memref<320000xi32, #tpu.memory_space<hbm>> -> memref<80xi32, #tpu.memory_space<hbm>>
      tpu.enqueue_dma source(%dma_start3A_183 : memref<80xi32, #tpu.memory_space<hbm>>) target(%arg17 : memref<80xi32, #tpu.memory_space<vmem>>) target_semaphore(%run_scoped3A : memref<!tpu.dma_semaphore, #tpu.memory_space<semaphore_mem>>)
      %dma_wait3A_184 = tpu.memref_slice %arg4[%add3A_51] : memref<320000xi32, #tpu.memory_space<hbm>> -> memref<80xi32, #tpu.memory_space<hbm>>
      %dma_wait3A_185 = tpu.memref_slice %arg4[%add3A_51] : memref<320000xi32, #tpu.memory_space<hbm>> -> memref<80xi32, #tpu.memory_space<hbm>>
      tpu.wait_dma2 semaphore(%run_scoped3A : memref<!tpu.dma_semaphore, #tpu.memory_space<semaphore_mem>>) src(%dma_wait3A_185 : memref<80xi32, #tpu.memory_space<hbm>>) dst(%arg17 : memref<80xi32, #tpu.memory_space<vmem>>)
      tpu.yield
    }) : () -> ()
    %dma_start3A_52 = arith.constant 0 : i32
    %dma_start3A_53 = arith.constant 0 : i32
    %dma_start3A_54 = tpu.memref_slice %arg2[%dma_start3A_52, %dma_start3A_53] : memref<10000x128xf32, #tpu.memory_space<hbm>> -> memref<10000x128xf32, #tpu.memory_space<hbm>>
    tpu.enqueue_indirect_dma source(%dma_start3A_54 : memref<10000x128xf32, #tpu.memory_space<hbm>>) target(%arg18 : memref<80x128xf32, #tpu.memory_space<vmem>>) offsets(%arg16 : memref<80xi32, #tpu.memory_space<vmem>>) semaphore(%arg23 : memref<!tpu.dma_semaphore, #tpu.memory_space<semaphore_mem>>)
    %dma_wait3A_55 = arith.constant 0 : i32
    %dma_wait3A_56 = arith.constant 0 : i32
    %dma_wait3A_57 = tpu.memref_slice %arg2[%dma_wait3A_55, %dma_wait3A_56] : memref<10000x128xf32, #tpu.memory_space<hbm>> -> memref<10000x128xf32, #tpu.memory_space<hbm>>
    tpu.wait_indirect_dma semaphore(%arg21 : memref<!tpu.dma_semaphore, #tpu.memory_space<semaphore_mem>>) src(%dma_wait3A_57 : memref<10000x128xf32, #tpu.memory_space<hbm>>) dst(%arg12 : memref<80x128xf32, #tpu.memory_space<vmem>>)
    "tpu.region"() ({
      %run_scoped3A = tpu.sem_alloc : memref<!tpu.dma_semaphore, #tpu.memory_space<semaphore_mem>>
      %dma_start3A_182 = arith.constant 0 : i32
      %dma_start3A_183 = arith.constant 0 : i32
      %dma_start3A_184 = tpu.memref_slice %arg19[%dma_start3A_182, %dma_start3A_183] : memref<10240x128xf32, #tpu.memory_space<vmem_shared>> -> memref<10240x128xf32, #tpu.memory_space<vmem_shared>>
      tpu.enqueue_indirect_dma source(%arg12 : memref<80x128xf32, #tpu.memory_space<vmem>>) target(%dma_start3A_184 : memref<10240x128xf32, #tpu.memory_space<vmem_shared>>) offsets(%arg11 : memref<80xi32, #tpu.memory_space<vmem>>) semaphore(%run_scoped3A : memref<!tpu.dma_semaphore, #tpu.memory_space<semaphore_mem>>) {add = true}
      %dma_wait3A_185 = arith.constant 0 : i32
      %dma_wait3A_186 = arith.constant 0 : i32
      %dma_wait3A_187 = tpu.memref_slice %arg19[%dma_wait3A_185, %dma_wait3A_186] : memref<10240x128xf32, #tpu.memory_space<vmem_shared>> -> memref<10240x128xf32, #tpu.memory_space<vmem_shared>>
      tpu.wait_indirect_dma semaphore(%run_scoped3A : memref<!tpu.dma_semaphore, #tpu.memory_space<semaphore_mem>>) src(%arg12 : memref<80x128xf32, #tpu.memory_space<vmem>>) dst(%dma_wait3A_187 : memref<10240x128xf32, #tpu.memory_space<vmem_shared>>)
      tpu.yield
    }) : () -> ()
    %add3A_58 = arith.constant 9920 : i32
    %add3A_59 = arith.addi %mul3A_7, %add3A_58 : i32
    "tpu.region"() ({
      %run_scoped3A = tpu.sem_alloc : memref<!tpu.dma_semaphore, #tpu.memory_space<semaphore_mem>>
      %dma_start3A_182 = tpu.memref_slice %arg3[%add3A_59] : memref<320000xi32, #tpu.memory_space<hbm>> -> memref<80xi32, #tpu.memory_space<hbm>>
      %dma_start3A_183 = tpu.memref_slice %arg3[%add3A_59] : memref<320000xi32, #tpu.memory_space<hbm>> -> memref<80xi32, #tpu.memory_space<hbm>>
      tpu.enqueue_dma source(%dma_start3A_183 : memref<80xi32, #tpu.memory_space<hbm>>) target(%arg7 : memref<80xi32, #tpu.memory_space<vmem>>) target_semaphore(%run_scoped3A : memref<!tpu.dma_semaphore, #tpu.memory_space<semaphore_mem>>)
      %dma_wait3A_184 = tpu.memref_slice %arg3[%add3A_59] : memref<320000xi32, #tpu.memory_space<hbm>> -> memref<80xi32, #tpu.memory_space<hbm>>
      %dma_wait3A_185 = tpu.memref_slice %arg3[%add3A_59] : memref<320000xi32, #tpu.memory_space<hbm>> -> memref<80xi32, #tpu.memory_space<hbm>>
      tpu.wait_dma2 semaphore(%run_scoped3A : memref<!tpu.dma_semaphore, #tpu.memory_space<semaphore_mem>>) src(%dma_wait3A_185 : memref<80xi32, #tpu.memory_space<hbm>>) dst(%arg7 : memref<80xi32, #tpu.memory_space<vmem>>)
      tpu.yield
    }) : () -> ()
    "tpu.region"() ({
      %run_scoped3A = tpu.sem_alloc : memref<!tpu.dma_semaphore, #tpu.memory_space<semaphore_mem>>
      %dma_start3A_182 = tpu.memref_slice %arg4[%add3A_59] : memref<320000xi32, #tpu.memory_space<hbm>> -> memref<80xi32, #tpu.memory_space<hbm>>
      %dma_start3A_183 = tpu.memref_slice %arg4[%add3A_59] : memref<320000xi32, #tpu.memory_space<hbm>> -> memref<80xi32, #tpu.memory_space<hbm>>
      tpu.enqueue_dma source(%dma_start3A_183 : memref<80xi32, #tpu.memory_space<hbm>>) target(%arg8 : memref<80xi32, #tpu.memory_space<vmem>>) target_semaphore(%run_scoped3A : memref<!tpu.dma_semaphore, #tpu.memory_space<semaphore_mem>>)
      %dma_wait3A_184 = tpu.memref_slice %arg4[%add3A_59] : memref<320000xi32, #tpu.memory_space<hbm>> -> memref<80xi32, #tpu.memory_space<hbm>>
      %dma_wait3A_185 = tpu.memref_slice %arg4[%add3A_59] : memref<320000xi32, #tpu.memory_space<hbm>> -> memref<80xi32, #tpu.memory_space<hbm>>
      tpu.wait_dma2 semaphore(%run_scoped3A : memref<!tpu.dma_semaphore, #tpu.memory_space<semaphore_mem>>) src(%dma_wait3A_185 : memref<80xi32, #tpu.memory_space<hbm>>) dst(%arg8 : memref<80xi32, #tpu.memory_space<vmem>>)
      tpu.yield
    }) : () -> ()
    %dma_start3A_60 = arith.constant 0 : i32
    %dma_start3A_61 = arith.constant 0 : i32
    %dma_start3A_62 = tpu.memref_slice %arg2[%dma_start3A_60, %dma_start3A_61] : memref<10000x128xf32, #tpu.memory_space<hbm>> -> memref<10000x128xf32, #tpu.memory_space<hbm>>
    tpu.enqueue_indirect_dma source(%dma_start3A_62 : memref<10000x128xf32, #tpu.memory_space<hbm>>) target(%arg9 : memref<80x128xf32, #tpu.memory_space<vmem>>) offsets(%arg7 : memref<80xi32, #tpu.memory_space<vmem>>) semaphore(%arg20 : memref<!tpu.dma_semaphore, #tpu.memory_space<semaphore_mem>>)
    %dma_wait3A_63 = arith.constant 0 : i32
    %dma_wait3A_64 = arith.constant 0 : i32
    %dma_wait3A_65 = tpu.memref_slice %arg2[%dma_wait3A_63, %dma_wait3A_64] : memref<10000x128xf32, #tpu.memory_space<hbm>> -> memref<10000x128xf32, #tpu.memory_space<hbm>>
    tpu.wait_indirect_dma semaphore(%arg22 : memref<!tpu.dma_semaphore, #tpu.memory_space<semaphore_mem>>) src(%dma_wait3A_65 : memref<10000x128xf32, #tpu.memory_space<hbm>>) dst(%arg15 : memref<80x128xf32, #tpu.memory_space<vmem>>)
    "tpu.region"() ({
      %run_scoped3A = tpu.sem_alloc : memref<!tpu.dma_semaphore, #tpu.memory_space<semaphore_mem>>
      %dma_start3A_182 = arith.constant 0 : i32
      %dma_start3A_183 = arith.constant 0 : i32
      %dma_start3A_184 = tpu.memref_slice %arg19[%dma_start3A_182, %dma_start3A_183] : memref<10240x128xf32, #tpu.memory_space<vmem_shared>> -> memref<10240x128xf32, #tpu.memory_space<vmem_shared>>
      tpu.enqueue_indirect_dma source(%arg15 : memref<80x128xf32, #tpu.memory_space<vmem>>) target(%dma_start3A_184 : memref<10240x128xf32, #tpu.memory_space<vmem_shared>>) offsets(%arg14 : memref<80xi32, #tpu.memory_space<vmem>>) semaphore(%run_scoped3A : memref<!tpu.dma_semaphore, #tpu.memory_space<semaphore_mem>>) {add = true}
      %dma_wait3A_185 = arith.constant 0 : i32
      %dma_wait3A_186 = arith.constant 0 : i32
      %dma_wait3A_187 = tpu.memref_slice %arg19[%dma_wait3A_185, %dma_wait3A_186] : memref<10240x128xf32, #tpu.memory_space<vmem_shared>> -> memref<10240x128xf32, #tpu.memory_space<vmem_shared>>
      tpu.wait_indirect_dma semaphore(%run_scoped3A : memref<!tpu.dma_semaphore, #tpu.memory_space<semaphore_mem>>) src(%arg15 : memref<80x128xf32, #tpu.memory_space<vmem>>) dst(%dma_wait3A_187 : memref<10240x128xf32, #tpu.memory_space<vmem_shared>>)
      tpu.yield
    }) : () -> ()
    %dma_wait3A_66 = arith.constant 0 : i32
    %dma_wait3A_67 = arith.constant 0 : i32
    %dma_wait3A_68 = tpu.memref_slice %arg2[%dma_wait3A_66, %dma_wait3A_67] : memref<10000x128xf32, #tpu.memory_space<hbm>> -> memref<10000x128xf32, #tpu.memory_space<hbm>>
    tpu.wait_indirect_dma semaphore(%arg23 : memref<!tpu.dma_semaphore, #tpu.memory_space<semaphore_mem>>) src(%dma_wait3A_68 : memref<10000x128xf32, #tpu.memory_space<hbm>>) dst(%arg18 : memref<80x128xf32, #tpu.memory_space<vmem>>)
    "tpu.region"() ({
      %run_scoped3A = tpu.sem_alloc : memref<!tpu.dma_semaphore, #tpu.memory_space<semaphore_mem>>
      %dma_start3A_182 = arith.constant 0 : i32
      %dma_start3A_183 = arith.constant 0 : i32
      %dma_start3A_184 = tpu.memref_slice %arg19[%dma_start3A_182, %dma_start3A_183] : memref<10240x128xf32, #tpu.memory_space<vmem_shared>> -> memref<10240x128xf32, #tpu.memory_space<vmem_shared>>
      tpu.enqueue_indirect_dma source(%arg18 : memref<80x128xf32, #tpu.memory_space<vmem>>) target(%dma_start3A_184 : memref<10240x128xf32, #tpu.memory_space<vmem_shared>>) offsets(%arg17 : memref<80xi32, #tpu.memory_space<vmem>>) semaphore(%run_scoped3A : memref<!tpu.dma_semaphore, #tpu.memory_space<semaphore_mem>>) {add = true}
      %dma_wait3A_185 = arith.constant 0 : i32
      %dma_wait3A_186 = arith.constant 0 : i32
      %dma_wait3A_187 = tpu.memref_slice %arg19[%dma_wait3A_185, %dma_wait3A_186] : memref<10240x128xf32, #tpu.memory_space<vmem_shared>> -> memref<10240x128xf32, #tpu.memory_space<vmem_shared>>
      tpu.wait_indirect_dma semaphore(%run_scoped3A : memref<!tpu.dma_semaphore, #tpu.memory_space<semaphore_mem>>) src(%arg18 : memref<80x128xf32, #tpu.memory_space<vmem>>) dst(%dma_wait3A_187 : memref<10240x128xf32, #tpu.memory_space<vmem_shared>>)
      tpu.yield
    }) : () -> ()
    %dma_wait3A_69 = arith.constant 0 : i32
    %dma_wait3A_70 = arith.constant 0 : i32
    %dma_wait3A_71 = tpu.memref_slice %arg2[%dma_wait3A_69, %dma_wait3A_70] : memref<10000x128xf32, #tpu.memory_space<hbm>> -> memref<10000x128xf32, #tpu.memory_space<hbm>>
    tpu.wait_indirect_dma semaphore(%arg20 : memref<!tpu.dma_semaphore, #tpu.memory_space<semaphore_mem>>) src(%dma_wait3A_71 : memref<10000x128xf32, #tpu.memory_space<hbm>>) dst(%arg9 : memref<80x128xf32, #tpu.memory_space<vmem>>)
    "tpu.region"() ({
      %run_scoped3A = tpu.sem_alloc : memref<!tpu.dma_semaphore, #tpu.memory_space<semaphore_mem>>
      %dma_start3A_182 = arith.constant 0 : i32
      %dma_start3A_183 = arith.constant 0 : i32
      %dma_start3A_184 = tpu.memref_slice %arg19[%dma_start3A_182, %dma_start3A_183] : memref<10240x128xf32, #tpu.memory_space<vmem_shared>> -> memref<10240x128xf32, #tpu.memory_space<vmem_shared>>
      tpu.enqueue_indirect_dma source(%arg9 : memref<80x128xf32, #tpu.memory_space<vmem>>) target(%dma_start3A_184 : memref<10240x128xf32, #tpu.memory_space<vmem_shared>>) offsets(%arg8 : memref<80xi32, #tpu.memory_space<vmem>>) semaphore(%run_scoped3A : memref<!tpu.dma_semaphore, #tpu.memory_space<semaphore_mem>>) {add = true}
      %dma_wait3A_185 = arith.constant 0 : i32
      %dma_wait3A_186 = arith.constant 0 : i32
      %dma_wait3A_187 = tpu.memref_slice %arg19[%dma_wait3A_185, %dma_wait3A_186] : memref<10240x128xf32, #tpu.memory_space<vmem_shared>> -> memref<10240x128xf32, #tpu.memory_space<vmem_shared>>
      tpu.wait_indirect_dma semaphore(%run_scoped3A : memref<!tpu.dma_semaphore, #tpu.memory_space<semaphore_mem>>) src(%arg9 : memref<80x128xf32, #tpu.memory_space<vmem>>) dst(%dma_wait3A_187 : memref<10240x128xf32, #tpu.memory_space<vmem_shared>>)
      tpu.yield
    }) : () -> ()
    %barrier3A_72 = arith.constant 0 : index
    tpu.barrier barrier_id(%barrier3A_72)
    %add3A_73 = arith.constant 0 : i32
    %add3A_74 = arith.addi %mul3A_2, %add3A_73 : i32
    "tpu.region"() ({
      %run_scoped3A = tpu.sem_alloc : memref<!tpu.dma_semaphore, #tpu.memory_space<semaphore_mem>>
      %dma_start3A_182 = arith.constant 0 : i32
      %dma_start3A_183 = tpu.memref_slice %arg19[%add3A_74, %dma_start3A_182] : memref<10240x128xf32, #tpu.memory_space<vmem_shared>> -> memref<80x128xf32, #tpu.memory_space<vmem_shared>>
      %dma_start3A_184 = arith.constant 0 : i32
      %dma_start3A_185 = tpu.memref_slice %arg19[%add3A_74, %dma_start3A_184] : memref<10240x128xf32, #tpu.memory_space<vmem_shared>> -> memref<80x128xf32, #tpu.memory_space<vmem_shared>>
      tpu.enqueue_dma source(%dma_start3A_185 : memref<80x128xf32, #tpu.memory_space<vmem_shared>>) target(%arg9 : memref<80x128xf32, #tpu.memory_space<vmem>>) target_semaphore(%run_scoped3A : memref<!tpu.dma_semaphore, #tpu.memory_space<semaphore_mem>>)
      %dma_wait3A_186 = arith.constant 0 : i32
      %dma_wait3A_187 = tpu.memref_slice %arg19[%add3A_74, %dma_wait3A_186] : memref<10240x128xf32, #tpu.memory_space<vmem_shared>> -> memref<80x128xf32, #tpu.memory_space<vmem_shared>>
      %dma_wait3A_188 = arith.constant 0 : i32
      %dma_wait3A_189 = tpu.memref_slice %arg19[%add3A_74, %dma_wait3A_188] : memref<10240x128xf32, #tpu.memory_space<vmem_shared>> -> memref<80x128xf32, #tpu.memory_space<vmem_shared>>
      tpu.wait_dma2 semaphore(%run_scoped3A : memref<!tpu.dma_semaphore, #tpu.memory_space<semaphore_mem>>) src(%dma_wait3A_189 : memref<80x128xf32, #tpu.memory_space<vmem_shared>>) dst(%arg9 : memref<80x128xf32, #tpu.memory_space<vmem>>)
      tpu.yield
    }) : () -> ()
    %add3A_75 = arith.constant 0 : i32
    %add3A_76 = arith.addi %add3A_5, %add3A_75 : i32
    "tpu.region"() ({
      %run_scoped3A = tpu.sem_alloc : memref<!tpu.dma_semaphore, #tpu.memory_space<semaphore_mem>>
      %dma_start3A_182 = arith.constant 0 : i32
      %dma_start3A_183 = tpu.memref_slice %arg5[%add3A_76, %dma_start3A_182] : memref<20480x128xf32, #tpu.memory_space<hbm>> -> memref<80x128xf32, #tpu.memory_space<hbm>>
      %dma_start3A_184 = arith.constant 0 : i32
      %dma_start3A_185 = tpu.memref_slice %arg5[%add3A_76, %dma_start3A_184] : memref<20480x128xf32, #tpu.memory_space<hbm>> -> memref<80x128xf32, #tpu.memory_space<hbm>>
      tpu.enqueue_dma source(%arg9 : memref<80x128xf32, #tpu.memory_space<vmem>>) target(%dma_start3A_185 : memref<80x128xf32, #tpu.memory_space<hbm>>) target_semaphore(%run_scoped3A : memref<!tpu.dma_semaphore, #tpu.memory_space<semaphore_mem>>)
      %dma_wait3A_186 = arith.constant 0 : i32
      %dma_wait3A_187 = tpu.memref_slice %arg5[%add3A_76, %dma_wait3A_186] : memref<20480x128xf32, #tpu.memory_space<hbm>> -> memref<80x128xf32, #tpu.memory_space<hbm>>
      %dma_wait3A_188 = arith.constant 0 : i32
      %dma_wait3A_189 = tpu.memref_slice %arg5[%add3A_76, %dma_wait3A_188] : memref<20480x128xf32, #tpu.memory_space<hbm>> -> memref<80x128xf32, #tpu.memory_space<hbm>>
      tpu.wait_dma2 semaphore(%run_scoped3A : memref<!tpu.dma_semaphore, #tpu.memory_space<semaphore_mem>>) src(%arg9 : memref<80x128xf32, #tpu.memory_space<vmem>>) dst(%dma_wait3A_189 : memref<80x128xf32, #tpu.memory_space<hbm>>)
      tpu.yield
    }) : () -> ()
    %add3A_77 = arith.constant 80 : i32
    %add3A_78 = arith.addi %mul3A_2, %add3A_77 : i32
    "tpu.region"() ({
      %run_scoped3A = tpu.sem_alloc : memref<!tpu.dma_semaphore, #tpu.memory_space<semaphore_mem>>
      %dma_start3A_182 = arith.constant 0 : i32
      %dma_start3A_183 = tpu.memref_slice %arg19[%add3A_78, %dma_start3A_182] : memref<10240x128xf32, #tpu.memory_space<vmem_shared>> -> memref<80x128xf32, #tpu.memory_space<vmem_shared>>
      %dma_start3A_184 = arith.constant 0 : i32
      %dma_start3A_185 = tpu.memref_slice %arg19[%add3A_78, %dma_start3A_184] : memref<10240x128xf32, #tpu.memory_space<vmem_shared>> -> memref<80x128xf32, #tpu.memory_space<vmem_shared>>
      tpu.enqueue_dma source(%dma_start3A_185 : memref<80x128xf32, #tpu.memory_space<vmem_shared>>) target(%arg9 : memref<80x128xf32, #tpu.memory_space<vmem>>) target_semaphore(%run_scoped3A : memref<!tpu.dma_semaphore, #tpu.memory_space<semaphore_mem>>)
      %dma_wait3A_186 = arith.constant 0 : i32
      %dma_wait3A_187 = tpu.memref_slice %arg19[%add3A_78, %dma_wait3A_186] : memref<10240x128xf32, #tpu.memory_space<vmem_shared>> -> memref<80x128xf32, #tpu.memory_space<vmem_shared>>
      %dma_wait3A_188 = arith.constant 0 : i32
      %dma_wait3A_189 = tpu.memref_slice %arg19[%add3A_78, %dma_wait3A_188] : memref<10240x128xf32, #tpu.memory_space<vmem_shared>> -> memref<80x128xf32, #tpu.memory_space<vmem_shared>>
      tpu.wait_dma2 semaphore(%run_scoped3A : memref<!tpu.dma_semaphore, #tpu.memory_space<semaphore_mem>>) src(%dma_wait3A_189 : memref<80x128xf32, #tpu.memory_space<vmem_shared>>) dst(%arg9 : memref<80x128xf32, #tpu.memory_space<vmem>>)
      tpu.yield
    }) : () -> ()
    %add3A_79 = arith.constant 80 : i32
    %add3A_80 = arith.addi %add3A_5, %add3A_79 : i32
    "tpu.region"() ({
      %run_scoped3A = tpu.sem_alloc : memref<!tpu.dma_semaphore, #tpu.memory_space<semaphore_mem>>
      %dma_start3A_182 = arith.constant 0 : i32
      %dma_start3A_183 = tpu.memref_slice %arg5[%add3A_80, %dma_start3A_182] : memref<20480x128xf32, #tpu.memory_space<hbm>> -> memref<80x128xf32, #tpu.memory_space<hbm>>
      %dma_start3A_184 = arith.constant 0 : i32
      %dma_start3A_185 = tpu.memref_slice %arg5[%add3A_80, %dma_start3A_184] : memref<20480x128xf32, #tpu.memory_space<hbm>> -> memref<80x128xf32, #tpu.memory_space<hbm>>
      tpu.enqueue_dma source(%arg9 : memref<80x128xf32, #tpu.memory_space<vmem>>) target(%dma_start3A_185 : memref<80x128xf32, #tpu.memory_space<hbm>>) target_semaphore(%run_scoped3A : memref<!tpu.dma_semaphore, #tpu.memory_space<semaphore_mem>>)
      %dma_wait3A_186 = arith.constant 0 : i32
      %dma_wait3A_187 = tpu.memref_slice %arg5[%add3A_80, %dma_wait3A_186] : memref<20480x128xf32, #tpu.memory_space<hbm>> -> memref<80x128xf32, #tpu.memory_space<hbm>>
      %dma_wait3A_188 = arith.constant 0 : i32
      %dma_wait3A_189 = tpu.memref_slice %arg5[%add3A_80, %dma_wait3A_188] : memref<20480x128xf32, #tpu.memory_space<hbm>> -> memref<80x128xf32, #tpu.memory_space<hbm>>
      tpu.wait_dma2 semaphore(%run_scoped3A : memref<!tpu.dma_semaphore, #tpu.memory_space<semaphore_mem>>) src(%arg9 : memref<80x128xf32, #tpu.memory_space<vmem>>) dst(%dma_wait3A_189 : memref<80x128xf32, #tpu.memory_space<hbm>>)
      tpu.yield
    }) : () -> ()
    %add3A_81 = arith.constant 160 : i32
    %add3A_82 = arith.addi %mul3A_2, %add3A_81 : i32
    "tpu.region"() ({
      %run_scoped3A = tpu.sem_alloc : memref<!tpu.dma_semaphore, #tpu.memory_space<semaphore_mem>>
      %dma_start3A_182 = arith.constant 0 : i32
      %dma_start3A_183 = tpu.memref_slice %arg19[%add3A_82, %dma_start3A_182] : memref<10240x128xf32, #tpu.memory_space<vmem_shared>> -> memref<80x128xf32, #tpu.memory_space<vmem_shared>>
      %dma_start3A_184 = arith.constant 0 : i32
      %dma_start3A_185 = tpu.memref_slice %arg19[%add3A_82, %dma_start3A_184] : memref<10240x128xf32, #tpu.memory_space<vmem_shared>> -> memref<80x128xf32, #tpu.memory_space<vmem_shared>>
      tpu.enqueue_dma source(%dma_start3A_185 : memref<80x128xf32, #tpu.memory_space<vmem_shared>>) target(%arg9 : memref<80x128xf32, #tpu.memory_space<vmem>>) target_semaphore(%run_scoped3A : memref<!tpu.dma_semaphore, #tpu.memory_space<semaphore_mem>>)
      %dma_wait3A_186 = arith.constant 0 : i32
      %dma_wait3A_187 = tpu.memref_slice %arg19[%add3A_82, %dma_wait3A_186] : memref<10240x128xf32, #tpu.memory_space<vmem_shared>> -> memref<80x128xf32, #tpu.memory_space<vmem_shared>>
      %dma_wait3A_188 = arith.constant 0 : i32
      %dma_wait3A_189 = tpu.memref_slice %arg19[%add3A_82, %dma_wait3A_188] : memref<10240x128xf32, #tpu.memory_space<vmem_shared>> -> memref<80x128xf32, #tpu.memory_space<vmem_shared>>
      tpu.wait_dma2 semaphore(%run_scoped3A : memref<!tpu.dma_semaphore, #tpu.memory_space<semaphore_mem>>) src(%dma_wait3A_189 : memref<80x128xf32, #tpu.memory_space<vmem_shared>>) dst(%arg9 : memref<80x128xf32, #tpu.memory_space<vmem>>)
      tpu.yield
    }) : () -> ()
    %add3A_83 = arith.constant 160 : i32
    %add3A_84 = arith.addi %add3A_5, %add3A_83 : i32
    "tpu.region"() ({
      %run_scoped3A = tpu.sem_alloc : memref<!tpu.dma_semaphore, #tpu.memory_space<semaphore_mem>>
      %dma_start3A_182 = arith.constant 0 : i32
      %dma_start3A_183 = tpu.memref_slice %arg5[%add3A_84, %dma_start3A_182] : memref<20480x128xf32, #tpu.memory_space<hbm>> -> memref<80x128xf32, #tpu.memory_space<hbm>>
      %dma_start3A_184 = arith.constant 0 : i32
      %dma_start3A_185 = tpu.memref_slice %arg5[%add3A_84, %dma_start3A_184] : memref<20480x128xf32, #tpu.memory_space<hbm>> -> memref<80x128xf32, #tpu.memory_space<hbm>>
      tpu.enqueue_dma source(%arg9 : memref<80x128xf32, #tpu.memory_space<vmem>>) target(%dma_start3A_185 : memref<80x128xf32, #tpu.memory_space<hbm>>) target_semaphore(%run_scoped3A : memref<!tpu.dma_semaphore, #tpu.memory_space<semaphore_mem>>)
      %dma_wait3A_186 = arith.constant 0 : i32
      %dma_wait3A_187 = tpu.memref_slice %arg5[%add3A_84, %dma_wait3A_186] : memref<20480x128xf32, #tpu.memory_space<hbm>> -> memref<80x128xf32, #tpu.memory_space<hbm>>
      %dma_wait3A_188 = arith.constant 0 : i32
      %dma_wait3A_189 = tpu.memref_slice %arg5[%add3A_84, %dma_wait3A_188] : memref<20480x128xf32, #tpu.memory_space<hbm>> -> memref<80x128xf32, #tpu.memory_space<hbm>>
      tpu.wait_dma2 semaphore(%run_scoped3A : memref<!tpu.dma_semaphore, #tpu.memory_space<semaphore_mem>>) src(%arg9 : memref<80x128xf32, #tpu.memory_space<vmem>>) dst(%dma_wait3A_189 : memref<80x128xf32, #tpu.memory_space<hbm>>)
      tpu.yield
    }) : () -> ()
    %add3A_85 = arith.constant 240 : i32
    %add3A_86 = arith.addi %mul3A_2, %add3A_85 : i32
    "tpu.region"() ({
      %run_scoped3A = tpu.sem_alloc : memref<!tpu.dma_semaphore, #tpu.memory_space<semaphore_mem>>
      %dma_start3A_182 = arith.constant 0 : i32
      %dma_start3A_183 = tpu.memref_slice %arg19[%add3A_86, %dma_start3A_182] : memref<10240x128xf32, #tpu.memory_space<vmem_shared>> -> memref<80x128xf32, #tpu.memory_space<vmem_shared>>
      %dma_start3A_184 = arith.constant 0 : i32
      %dma_start3A_185 = tpu.memref_slice %arg19[%add3A_86, %dma_start3A_184] : memref<10240x128xf32, #tpu.memory_space<vmem_shared>> -> memref<80x128xf32, #tpu.memory_space<vmem_shared>>
      tpu.enqueue_dma source(%dma_start3A_185 : memref<80x128xf32, #tpu.memory_space<vmem_shared>>) target(%arg9 : memref<80x128xf32, #tpu.memory_space<vmem>>) target_semaphore(%run_scoped3A : memref<!tpu.dma_semaphore, #tpu.memory_space<semaphore_mem>>)
      %dma_wait3A_186 = arith.constant 0 : i32
      %dma_wait3A_187 = tpu.memref_slice %arg19[%add3A_86, %dma_wait3A_186] : memref<10240x128xf32, #tpu.memory_space<vmem_shared>> -> memref<80x128xf32, #tpu.memory_space<vmem_shared>>
      %dma_wait3A_188 = arith.constant 0 : i32
      %dma_wait3A_189 = tpu.memref_slice %arg19[%add3A_86, %dma_wait3A_188] : memref<10240x128xf32, #tpu.memory_space<vmem_shared>> -> memref<80x128xf32, #tpu.memory_space<vmem_shared>>
      tpu.wait_dma2 semaphore(%run_scoped3A : memref<!tpu.dma_semaphore, #tpu.memory_space<semaphore_mem>>) src(%dma_wait3A_189 : memref<80x128xf32, #tpu.memory_space<vmem_shared>>) dst(%arg9 : memref<80x128xf32, #tpu.memory_space<vmem>>)
      tpu.yield
    }) : () -> ()
    %add3A_87 = arith.constant 240 : i32
    %add3A_88 = arith.addi %add3A_5, %add3A_87 : i32
    "tpu.region"() ({
      %run_scoped3A = tpu.sem_alloc : memref<!tpu.dma_semaphore, #tpu.memory_space<semaphore_mem>>
      %dma_start3A_182 = arith.constant 0 : i32
      %dma_start3A_183 = tpu.memref_slice %arg5[%add3A_88, %dma_start3A_182] : memref<20480x128xf32, #tpu.memory_space<hbm>> -> memref<80x128xf32, #tpu.memory_space<hbm>>
      %dma_start3A_184 = arith.constant 0 : i32
      %dma_start3A_185 = tpu.memref_slice %arg5[%add3A_88, %dma_start3A_184] : memref<20480x128xf32, #tpu.memory_space<hbm>> -> memref<80x128xf32, #tpu.memory_space<hbm>>
      tpu.enqueue_dma source(%arg9 : memref<80x128xf32, #tpu.memory_space<vmem>>) target(%dma_start3A_185 : memref<80x128xf32, #tpu.memory_space<hbm>>) target_semaphore(%run_scoped3A : memref<!tpu.dma_semaphore, #tpu.memory_space<semaphore_mem>>)
      %dma_wait3A_186 = arith.constant 0 : i32
      %dma_wait3A_187 = tpu.memref_slice %arg5[%add3A_88, %dma_wait3A_186] : memref<20480x128xf32, #tpu.memory_space<hbm>> -> memref<80x128xf32, #tpu.memory_space<hbm>>
      %dma_wait3A_188 = arith.constant 0 : i32
      %dma_wait3A_189 = tpu.memref_slice %arg5[%add3A_88, %dma_wait3A_188] : memref<20480x128xf32, #tpu.memory_space<hbm>> -> memref<80x128xf32, #tpu.memory_space<hbm>>
      tpu.wait_dma2 semaphore(%run_scoped3A : memref<!tpu.dma_semaphore, #tpu.memory_space<semaphore_mem>>) src(%arg9 : memref<80x128xf32, #tpu.memory_space<vmem>>) dst(%dma_wait3A_189 : memref<80x128xf32, #tpu.memory_space<hbm>>)
      tpu.yield
    }) : () -> ()
    %add3A_89 = arith.constant 320 : i32
    %add3A_90 = arith.addi %mul3A_2, %add3A_89 : i32
    "tpu.region"() ({
      %run_scoped3A = tpu.sem_alloc : memref<!tpu.dma_semaphore, #tpu.memory_space<semaphore_mem>>
      %dma_start3A_182 = arith.constant 0 : i32
      %dma_start3A_183 = tpu.memref_slice %arg19[%add3A_90, %dma_start3A_182] : memref<10240x128xf32, #tpu.memory_space<vmem_shared>> -> memref<80x128xf32, #tpu.memory_space<vmem_shared>>
      %dma_start3A_184 = arith.constant 0 : i32
      %dma_start3A_185 = tpu.memref_slice %arg19[%add3A_90, %dma_start3A_184] : memref<10240x128xf32, #tpu.memory_space<vmem_shared>> -> memref<80x128xf32, #tpu.memory_space<vmem_shared>>
      tpu.enqueue_dma source(%dma_start3A_185 : memref<80x128xf32, #tpu.memory_space<vmem_shared>>) target(%arg9 : memref<80x128xf32, #tpu.memory_space<vmem>>) target_semaphore(%run_scoped3A : memref<!tpu.dma_semaphore, #tpu.memory_space<semaphore_mem>>)
      %dma_wait3A_186 = arith.constant 0 : i32
      %dma_wait3A_187 = tpu.memref_slice %arg19[%add3A_90, %dma_wait3A_186] : memref<10240x128xf32, #tpu.memory_space<vmem_shared>> -> memref<80x128xf32, #tpu.memory_space<vmem_shared>>
      %dma_wait3A_188 = arith.constant 0 : i32
      %dma_wait3A_189 = tpu.memref_slice %arg19[%add3A_90, %dma_wait3A_188] : memref<10240x128xf32, #tpu.memory_space<vmem_shared>> -> memref<80x128xf32, #tpu.memory_space<vmem_shared>>
      tpu.wait_dma2 semaphore(%run_scoped3A : memref<!tpu.dma_semaphore, #tpu.memory_space<semaphore_mem>>) src(%dma_wait3A_189 : memref<80x128xf32, #tpu.memory_space<vmem_shared>>) dst(%arg9 : memref<80x128xf32, #tpu.memory_space<vmem>>)
      tpu.yield
    }) : () -> ()
    %add3A_91 = arith.constant 320 : i32
    %add3A_92 = arith.addi %add3A_5, %add3A_91 : i32
    "tpu.region"() ({
      %run_scoped3A = tpu.sem_alloc : memref<!tpu.dma_semaphore, #tpu.memory_space<semaphore_mem>>
      %dma_start3A_182 = arith.constant 0 : i32
      %dma_start3A_183 = tpu.memref_slice %arg5[%add3A_92, %dma_start3A_182] : memref<20480x128xf32, #tpu.memory_space<hbm>> -> memref<80x128xf32, #tpu.memory_space<hbm>>
      %dma_start3A_184 = arith.constant 0 : i32
      %dma_start3A_185 = tpu.memref_slice %arg5[%add3A_92, %dma_start3A_184] : memref<20480x128xf32, #tpu.memory_space<hbm>> -> memref<80x128xf32, #tpu.memory_space<hbm>>
      tpu.enqueue_dma source(%arg9 : memref<80x128xf32, #tpu.memory_space<vmem>>) target(%dma_start3A_185 : memref<80x128xf32, #tpu.memory_space<hbm>>) target_semaphore(%run_scoped3A : memref<!tpu.dma_semaphore, #tpu.memory_space<semaphore_mem>>)
      %dma_wait3A_186 = arith.constant 0 : i32
      %dma_wait3A_187 = tpu.memref_slice %arg5[%add3A_92, %dma_wait3A_186] : memref<20480x128xf32, #tpu.memory_space<hbm>> -> memref<80x128xf32, #tpu.memory_space<hbm>>
      %dma_wait3A_188 = arith.constant 0 : i32
      %dma_wait3A_189 = tpu.memref_slice %arg5[%add3A_92, %dma_wait3A_188] : memref<20480x128xf32, #tpu.memory_space<hbm>> -> memref<80x128xf32, #tpu.memory_space<hbm>>
      tpu.wait_dma2 semaphore(%run_scoped3A : memref<!tpu.dma_semaphore, #tpu.memory_space<semaphore_mem>>) src(%arg9 : memref<80x128xf32, #tpu.memory_space<vmem>>) dst(%dma_wait3A_189 : memref<80x128xf32, #tpu.memory_space<hbm>>)
      tpu.yield
    }) : () -> ()
    %add3A_93 = arith.constant 400 : i32
    %add3A_94 = arith.addi %mul3A_2, %add3A_93 : i32
    "tpu.region"() ({
      %run_scoped3A = tpu.sem_alloc : memref<!tpu.dma_semaphore, #tpu.memory_space<semaphore_mem>>
      %dma_start3A_182 = arith.constant 0 : i32
      %dma_start3A_183 = tpu.memref_slice %arg19[%add3A_94, %dma_start3A_182] : memref<10240x128xf32, #tpu.memory_space<vmem_shared>> -> memref<80x128xf32, #tpu.memory_space<vmem_shared>>
      %dma_start3A_184 = arith.constant 0 : i32
      %dma_start3A_185 = tpu.memref_slice %arg19[%add3A_94, %dma_start3A_184] : memref<10240x128xf32, #tpu.memory_space<vmem_shared>> -> memref<80x128xf32, #tpu.memory_space<vmem_shared>>
      tpu.enqueue_dma source(%dma_start3A_185 : memref<80x128xf32, #tpu.memory_space<vmem_shared>>) target(%arg9 : memref<80x128xf32, #tpu.memory_space<vmem>>) target_semaphore(%run_scoped3A : memref<!tpu.dma_semaphore, #tpu.memory_space<semaphore_mem>>)
      %dma_wait3A_186 = arith.constant 0 : i32
      %dma_wait3A_187 = tpu.memref_slice %arg19[%add3A_94, %dma_wait3A_186] : memref<10240x128xf32, #tpu.memory_space<vmem_shared>> -> memref<80x128xf32, #tpu.memory_space<vmem_shared>>
      %dma_wait3A_188 = arith.constant 0 : i32
      %dma_wait3A_189 = tpu.memref_slice %arg19[%add3A_94, %dma_wait3A_188] : memref<10240x128xf32, #tpu.memory_space<vmem_shared>> -> memref<80x128xf32, #tpu.memory_space<vmem_shared>>
      tpu.wait_dma2 semaphore(%run_scoped3A : memref<!tpu.dma_semaphore, #tpu.memory_space<semaphore_mem>>) src(%dma_wait3A_189 : memref<80x128xf32, #tpu.memory_space<vmem_shared>>) dst(%arg9 : memref<80x128xf32, #tpu.memory_space<vmem>>)
      tpu.yield
    }) : () -> ()
    %add3A_95 = arith.constant 400 : i32
    %add3A_96 = arith.addi %add3A_5, %add3A_95 : i32
    "tpu.region"() ({
      %run_scoped3A = tpu.sem_alloc : memref<!tpu.dma_semaphore, #tpu.memory_space<semaphore_mem>>
      %dma_start3A_182 = arith.constant 0 : i32
      %dma_start3A_183 = tpu.memref_slice %arg5[%add3A_96, %dma_start3A_182] : memref<20480x128xf32, #tpu.memory_space<hbm>> -> memref<80x128xf32, #tpu.memory_space<hbm>>
      %dma_start3A_184 = arith.constant 0 : i32
      %dma_start3A_185 = tpu.memref_slice %arg5[%add3A_96, %dma_start3A_184] : memref<20480x128xf32, #tpu.memory_space<hbm>> -> memref<80x128xf32, #tpu.memory_space<hbm>>
      tpu.enqueue_dma source(%arg9 : memref<80x128xf32, #tpu.memory_space<vmem>>) target(%dma_start3A_185 : memref<80x128xf32, #tpu.memory_space<hbm>>) target_semaphore(%run_scoped3A : memref<!tpu.dma_semaphore, #tpu.memory_space<semaphore_mem>>)
      %dma_wait3A_186 = arith.constant 0 : i32
      %dma_wait3A_187 = tpu.memref_slice %arg5[%add3A_96, %dma_wait3A_186] : memref<20480x128xf32, #tpu.memory_space<hbm>> -> memref<80x128xf32, #tpu.memory_space<hbm>>
      %dma_wait3A_188 = arith.constant 0 : i32
      %dma_wait3A_189 = tpu.memref_slice %arg5[%add3A_96, %dma_wait3A_188] : memref<20480x128xf32, #tpu.memory_space<hbm>> -> memref<80x128xf32, #tpu.memory_space<hbm>>
      tpu.wait_dma2 semaphore(%run_scoped3A : memref<!tpu.dma_semaphore, #tpu.memory_space<semaphore_mem>>) src(%arg9 : memref<80x128xf32, #tpu.memory_space<vmem>>) dst(%dma_wait3A_189 : memref<80x128xf32, #tpu.memory_space<hbm>>)
      tpu.yield
    }) : () -> ()
    %add3A_97 = arith.constant 480 : i32
    %add3A_98 = arith.addi %mul3A_2, %add3A_97 : i32
    "tpu.region"() ({
      %run_scoped3A = tpu.sem_alloc : memref<!tpu.dma_semaphore, #tpu.memory_space<semaphore_mem>>
      %dma_start3A_182 = arith.constant 0 : i32
      %dma_start3A_183 = tpu.memref_slice %arg19[%add3A_98, %dma_start3A_182] : memref<10240x128xf32, #tpu.memory_space<vmem_shared>> -> memref<80x128xf32, #tpu.memory_space<vmem_shared>>
      %dma_start3A_184 = arith.constant 0 : i32
      %dma_start3A_185 = tpu.memref_slice %arg19[%add3A_98, %dma_start3A_184] : memref<10240x128xf32, #tpu.memory_space<vmem_shared>> -> memref<80x128xf32, #tpu.memory_space<vmem_shared>>
      tpu.enqueue_dma source(%dma_start3A_185 : memref<80x128xf32, #tpu.memory_space<vmem_shared>>) target(%arg9 : memref<80x128xf32, #tpu.memory_space<vmem>>) target_semaphore(%run_scoped3A : memref<!tpu.dma_semaphore, #tpu.memory_space<semaphore_mem>>)
      %dma_wait3A_186 = arith.constant 0 : i32
      %dma_wait3A_187 = tpu.memref_slice %arg19[%add3A_98, %dma_wait3A_186] : memref<10240x128xf32, #tpu.memory_space<vmem_shared>> -> memref<80x128xf32, #tpu.memory_space<vmem_shared>>
      %dma_wait3A_188 = arith.constant 0 : i32
      %dma_wait3A_189 = tpu.memref_slice %arg19[%add3A_98, %dma_wait3A_188] : memref<10240x128xf32, #tpu.memory_space<vmem_shared>> -> memref<80x128xf32, #tpu.memory_space<vmem_shared>>
      tpu.wait_dma2 semaphore(%run_scoped3A : memref<!tpu.dma_semaphore, #tpu.memory_space<semaphore_mem>>) src(%dma_wait3A_189 : memref<80x128xf32, #tpu.memory_space<vmem_shared>>) dst(%arg9 : memref<80x128xf32, #tpu.memory_space<vmem>>)
      tpu.yield
    }) : () -> ()
    %add3A_99 = arith.constant 480 : i32
    %add3A_100 = arith.addi %add3A_5, %add3A_99 : i32
    "tpu.region"() ({
      %run_scoped3A = tpu.sem_alloc : memref<!tpu.dma_semaphore, #tpu.memory_space<semaphore_mem>>
      %dma_start3A_182 = arith.constant 0 : i32
      %dma_start3A_183 = tpu.memref_slice %arg5[%add3A_100, %dma_start3A_182] : memref<20480x128xf32, #tpu.memory_space<hbm>> -> memref<80x128xf32, #tpu.memory_space<hbm>>
      %dma_start3A_184 = arith.constant 0 : i32
      %dma_start3A_185 = tpu.memref_slice %arg5[%add3A_100, %dma_start3A_184] : memref<20480x128xf32, #tpu.memory_space<hbm>> -> memref<80x128xf32, #tpu.memory_space<hbm>>
      tpu.enqueue_dma source(%arg9 : memref<80x128xf32, #tpu.memory_space<vmem>>) target(%dma_start3A_185 : memref<80x128xf32, #tpu.memory_space<hbm>>) target_semaphore(%run_scoped3A : memref<!tpu.dma_semaphore, #tpu.memory_space<semaphore_mem>>)
      %dma_wait3A_186 = arith.constant 0 : i32
      %dma_wait3A_187 = tpu.memref_slice %arg5[%add3A_100, %dma_wait3A_186] : memref<20480x128xf32, #tpu.memory_space<hbm>> -> memref<80x128xf32, #tpu.memory_space<hbm>>
      %dma_wait3A_188 = arith.constant 0 : i32
      %dma_wait3A_189 = tpu.memref_slice %arg5[%add3A_100, %dma_wait3A_188] : memref<20480x128xf32, #tpu.memory_space<hbm>> -> memref<80x128xf32, #tpu.memory_space<hbm>>
      tpu.wait_dma2 semaphore(%run_scoped3A : memref<!tpu.dma_semaphore, #tpu.memory_space<semaphore_mem>>) src(%arg9 : memref<80x128xf32, #tpu.memory_space<vmem>>) dst(%dma_wait3A_189 : memref<80x128xf32, #tpu.memory_space<hbm>>)
      tpu.yield
    }) : () -> ()
    %add3A_101 = arith.constant 560 : i32
    %add3A_102 = arith.addi %mul3A_2, %add3A_101 : i32
    "tpu.region"() ({
      %run_scoped3A = tpu.sem_alloc : memref<!tpu.dma_semaphore, #tpu.memory_space<semaphore_mem>>
      %dma_start3A_182 = arith.constant 0 : i32
      %dma_start3A_183 = tpu.memref_slice %arg19[%add3A_102, %dma_start3A_182] : memref<10240x128xf32, #tpu.memory_space<vmem_shared>> -> memref<80x128xf32, #tpu.memory_space<vmem_shared>>
      %dma_start3A_184 = arith.constant 0 : i32
      %dma_start3A_185 = tpu.memref_slice %arg19[%add3A_102, %dma_start3A_184] : memref<10240x128xf32, #tpu.memory_space<vmem_shared>> -> memref<80x128xf32, #tpu.memory_space<vmem_shared>>
      tpu.enqueue_dma source(%dma_start3A_185 : memref<80x128xf32, #tpu.memory_space<vmem_shared>>) target(%arg9 : memref<80x128xf32, #tpu.memory_space<vmem>>) target_semaphore(%run_scoped3A : memref<!tpu.dma_semaphore, #tpu.memory_space<semaphore_mem>>)
      %dma_wait3A_186 = arith.constant 0 : i32
      %dma_wait3A_187 = tpu.memref_slice %arg19[%add3A_102, %dma_wait3A_186] : memref<10240x128xf32, #tpu.memory_space<vmem_shared>> -> memref<80x128xf32, #tpu.memory_space<vmem_shared>>
      %dma_wait3A_188 = arith.constant 0 : i32
      %dma_wait3A_189 = tpu.memref_slice %arg19[%add3A_102, %dma_wait3A_188] : memref<10240x128xf32, #tpu.memory_space<vmem_shared>> -> memref<80x128xf32, #tpu.memory_space<vmem_shared>>
      tpu.wait_dma2 semaphore(%run_scoped3A : memref<!tpu.dma_semaphore, #tpu.memory_space<semaphore_mem>>) src(%dma_wait3A_189 : memref<80x128xf32, #tpu.memory_space<vmem_shared>>) dst(%arg9 : memref<80x128xf32, #tpu.memory_space<vmem>>)
      tpu.yield
    }) : () -> ()
    %add3A_103 = arith.constant 560 : i32
    %add3A_104 = arith.addi %add3A_5, %add3A_103 : i32
    "tpu.region"() ({
      %run_scoped3A = tpu.sem_alloc : memref<!tpu.dma_semaphore, #tpu.memory_space<semaphore_mem>>
      %dma_start3A_182 = arith.constant 0 : i32
      %dma_start3A_183 = tpu.memref_slice %arg5[%add3A_104, %dma_start3A_182] : memref<20480x128xf32, #tpu.memory_space<hbm>> -> memref<80x128xf32, #tpu.memory_space<hbm>>
      %dma_start3A_184 = arith.constant 0 : i32
      %dma_start3A_185 = tpu.memref_slice %arg5[%add3A_104, %dma_start3A_184] : memref<20480x128xf32, #tpu.memory_space<hbm>> -> memref<80x128xf32, #tpu.memory_space<hbm>>
      tpu.enqueue_dma source(%arg9 : memref<80x128xf32, #tpu.memory_space<vmem>>) target(%dma_start3A_185 : memref<80x128xf32, #tpu.memory_space<hbm>>) target_semaphore(%run_scoped3A : memref<!tpu.dma_semaphore, #tpu.memory_space<semaphore_mem>>)
      %dma_wait3A_186 = arith.constant 0 : i32
      %dma_wait3A_187 = tpu.memref_slice %arg5[%add3A_104, %dma_wait3A_186] : memref<20480x128xf32, #tpu.memory_space<hbm>> -> memref<80x128xf32, #tpu.memory_space<hbm>>
      %dma_wait3A_188 = arith.constant 0 : i32
      %dma_wait3A_189 = tpu.memref_slice %arg5[%add3A_104, %dma_wait3A_188] : memref<20480x128xf32, #tpu.memory_space<hbm>> -> memref<80x128xf32, #tpu.memory_space<hbm>>
      tpu.wait_dma2 semaphore(%run_scoped3A : memref<!tpu.dma_semaphore, #tpu.memory_space<semaphore_mem>>) src(%arg9 : memref<80x128xf32, #tpu.memory_space<vmem>>) dst(%dma_wait3A_189 : memref<80x128xf32, #tpu.memory_space<hbm>>)
      tpu.yield
    }) : () -> ()
    %barrier3A_105 = arith.constant 0 : index
    tpu.barrier barrier_id(%barrier3A_105)
    %broadcast_in_dim3A_106 = arith.constant 0.000000e+00 : f32
    %broadcast_in_dim3A_107 = vector.broadcast %broadcast_in_dim3A_106 : f32 to vector<16xf32>
    %scan3A_108 = arith.constant 0 : i32
    %scan3A_109 = arith.constant 0 : i32
    %scan3A_110 = arith.constant 80 : i32
    %scan3A_111 = arith.addi %scan3A_109, %scan3A_110 : i32
    %scan3A_112 = arith.constant 1 : i32
    scf.for %scan3A_182 = %scan3A_109 to %scan3A_111 step %scan3A_112  : i32 {
      %swap3A = arith.index_cast %scan3A_182 : i32 to index
      %swap3A_183 = arith.constant 0 : index
      %swap3A_184 = tpu.vector_load %arg9[%swap3A, %swap3A_183] {strides = array<i32>} : memref<80x128xf32, #tpu.memory_space<vmem>>, vector<1x16xf32>,
      %swap3A_185 = vector.shape_cast %swap3A_184 : vector<1x16xf32> to vector<16xf32>
      %swap3A_186 = vector.shape_cast %broadcast_in_dim3A_107 : vector<16xf32> to vector<1x16xf32>
      tpu.vector_store %arg9[%swap3A, %swap3A_183], %swap3A_186 {strides = array<i32>} : memref<80x128xf32, #tpu.memory_space<vmem>>, vector<1x16xf32>,
      %swap3A_187 = arith.index_cast %scan3A_182 : i32 to index
      %swap3A_188 = arith.constant 16 : index
      %swap3A_189 = tpu.vector_load %arg9[%swap3A_187, %swap3A_188] {strides = array<i32>} : memref<80x128xf32, #tpu.memory_space<vmem>>, vector<1x16xf32>,
      %swap3A_190 = vector.shape_cast %swap3A_189 : vector<1x16xf32> to vector<16xf32>
      %swap3A_191 = vector.shape_cast %broadcast_in_dim3A_107 : vector<16xf32> to vector<1x16xf32>
      tpu.vector_store %arg9[%swap3A_187, %swap3A_188], %swap3A_191 {strides = array<i32>} : memref<80x128xf32, #tpu.memory_space<vmem>>, vector<1x16xf32>,
      %swap3A_192 = arith.index_cast %scan3A_182 : i32 to index
      %swap3A_193 = arith.constant 32 : index
      %swap3A_194 = tpu.vector_load %arg9[%swap3A_192, %swap3A_193] {strides = array<i32>} : memref<80x128xf32, #tpu.memory_space<vmem>>, vector<1x16xf32>,
      %swap3A_195 = vector.shape_cast %swap3A_194 : vector<1x16xf32> to vector<16xf32>
      %swap3A_196 = vector.shape_cast %broadcast_in_dim3A_107 : vector<16xf32> to vector<1x16xf32>
      tpu.vector_store %arg9[%swap3A_192, %swap3A_193], %swap3A_196 {strides = array<i32>} : memref<80x128xf32, #tpu.memory_space<vmem>>, vector<1x16xf32>,
      %swap3A_197 = arith.index_cast %scan3A_182 : i32 to index
      %swap3A_198 = arith.constant 48 : index
      %swap3A_199 = tpu.vector_load %arg9[%swap3A_197, %swap3A_198] {strides = array<i32>} : memref<80x128xf32, #tpu.memory_space<vmem>>, vector<1x16xf32>,
      %swap3A_200 = vector.shape_cast %swap3A_199 : vector<1x16xf32> to vector<16xf32>
      %swap3A_201 = vector.shape_cast %broadcast_in_dim3A_107 : vector<16xf32> to vector<1x16xf32>
      tpu.vector_store %arg9[%swap3A_197, %swap3A_198], %swap3A_201 {strides = array<i32>} : memref<80x128xf32, #tpu.memory_space<vmem>>, vector<1x16xf32>,
      %swap3A_202 = arith.index_cast %scan3A_182 : i32 to index
      %swap3A_203 = arith.constant 64 : index
      %swap3A_204 = tpu.vector_load %arg9[%swap3A_202, %swap3A_203] {strides = array<i32>} : memref<80x128xf32, #tpu.memory_space<vmem>>, vector<1x16xf32>,
      %swap3A_205 = vector.shape_cast %swap3A_204 : vector<1x16xf32> to vector<16xf32>
      %swap3A_206 = vector.shape_cast %broadcast_in_dim3A_107 : vector<16xf32> to vector<1x16xf32>
      tpu.vector_store %arg9[%swap3A_202, %swap3A_203], %swap3A_206 {strides = array<i32>} : memref<80x128xf32, #tpu.memory_space<vmem>>, vector<1x16xf32>,
      %swap3A_207 = arith.index_cast %scan3A_182 : i32 to index
      %swap3A_208 = arith.constant 80 : index
      %swap3A_209 = tpu.vector_load %arg9[%swap3A_207, %swap3A_208] {strides = array<i32>} : memref<80x128xf32, #tpu.memory_space<vmem>>, vector<1x16xf32>,
      %swap3A_210 = vector.shape_cast %swap3A_209 : vector<1x16xf32> to vector<16xf32>
      %swap3A_211 = vector.shape_cast %broadcast_in_dim3A_107 : vector<16xf32> to vector<1x16xf32>
      tpu.vector_store %arg9[%swap3A_207, %swap3A_208], %swap3A_211 {strides = array<i32>} : memref<80x128xf32, #tpu.memory_space<vmem>>, vector<1x16xf32>,
      %swap3A_212 = arith.index_cast %scan3A_182 : i32 to index
      %swap3A_213 = arith.constant 96 : index
      %swap3A_214 = tpu.vector_load %arg9[%swap3A_212, %swap3A_213] {strides = array<i32>} : memref<80x128xf32, #tpu.memory_space<vmem>>, vector<1x16xf32>,
      %swap3A_215 = vector.shape_cast %swap3A_214 : vector<1x16xf32> to vector<16xf32>
      %swap3A_216 = vector.shape_cast %broadcast_in_dim3A_107 : vector<16xf32> to vector<1x16xf32>
      tpu.vector_store %arg9[%swap3A_212, %swap3A_213], %swap3A_216 {strides = array<i32>} : memref<80x128xf32, #tpu.memory_space<vmem>>, vector<1x16xf32>,
      %swap3A_217 = arith.index_cast %scan3A_182 : i32 to index
      %swap3A_218 = arith.constant 112 : index
      %swap3A_219 = tpu.vector_load %arg9[%swap3A_217, %swap3A_218] {strides = array<i32>} : memref<80x128xf32, #tpu.memory_space<vmem>>, vector<1x16xf32>,
      %swap3A_220 = vector.shape_cast %swap3A_219 : vector<1x16xf32> to vector<16xf32>
      %swap3A_221 = vector.shape_cast %broadcast_in_dim3A_107 : vector<16xf32> to vector<1x16xf32>
      tpu.vector_store %arg9[%swap3A_217, %swap3A_218], %swap3A_221 {strides = array<i32>} : memref<80x128xf32, #tpu.memory_space<vmem>>, vector<1x16xf32>,
    }
    %scan3A_113 = arith.constant 80 : i32
    %add3A_114 = arith.constant 0 : i32
    %add3A_115 = arith.addi %mul3A_2, %add3A_114 : i32
    "tpu.region"() ({
      %run_scoped3A = tpu.sem_alloc : memref<!tpu.dma_semaphore, #tpu.memory_space<semaphore_mem>>
      %dma_start3A_182 = arith.constant 0 : i32
      %dma_start3A_183 = tpu.memref_slice %arg19[%add3A_115, %dma_start3A_182] : memref<10240x128xf32, #tpu.memory_space<vmem_shared>> -> memref<80x128xf32, #tpu.memory_space<vmem_shared>>
      %dma_start3A_184 = arith.constant 0 : i32
      %dma_start3A_185 = tpu.memref_slice %arg19[%add3A_115, %dma_start3A_184] : memref<10240x128xf32, #tpu.memory_space<vmem_shared>> -> memref<80x128xf32, #tpu.memory_space<vmem_shared>>
      tpu.enqueue_dma source(%arg9 : memref<80x128xf32, #tpu.memory_space<vmem>>) target(%dma_start3A_185 : memref<80x128xf32, #tpu.memory_space<vmem_shared>>) target_semaphore(%run_scoped3A : memref<!tpu.dma_semaphore, #tpu.memory_space<semaphore_mem>>)
      %dma_wait3A_186 = arith.constant 0 : i32
      %dma_wait3A_187 = tpu.memref_slice %arg19[%add3A_115, %dma_wait3A_186] : memref<10240x128xf32, #tpu.memory_space<vmem_shared>> -> memref<80x128xf32, #tpu.memory_space<vmem_shared>>
      %dma_wait3A_188 = arith.constant 0 : i32
      %dma_wait3A_189 = tpu.memref_slice %arg19[%add3A_115, %dma_wait3A_188] : memref<10240x128xf32, #tpu.memory_space<vmem_shared>> -> memref<80x128xf32, #tpu.memory_space<vmem_shared>>
      tpu.wait_dma2 semaphore(%run_scoped3A : memref<!tpu.dma_semaphore, #tpu.memory_space<semaphore_mem>>) src(%arg9 : memref<80x128xf32, #tpu.memory_space<vmem>>) dst(%dma_wait3A_189 : memref<80x128xf32, #tpu.memory_space<vmem_shared>>)
      tpu.yield
    }) : () -> ()
    %add3A_116 = arith.constant 80 : i32
    %add3A_117 = arith.addi %mul3A_2, %add3A_116 : i32
    "tpu.region"() ({
      %run_scoped3A = tpu.sem_alloc : memref<!tpu.dma_semaphore, #tpu.memory_space<semaphore_mem>>
      %dma_start3A_182 = arith.constant 0 : i32
      %dma_start3A_183 = tpu.memref_slice %arg19[%add3A_117, %dma_start3A_182] : memref<10240x128xf32, #tpu.memory_space<vmem_shared>> -> memref<80x128xf32, #tpu.memory_space<vmem_shared>>
      %dma_start3A_184 = arith.constant 0 : i32
      %dma_start3A_185 = tpu.memref_slice %arg19[%add3A_117, %dma_start3A_184] : memref<10240x128xf32, #tpu.memory_space<vmem_shared>> -> memref<80x128xf32, #tpu.memory_space<vmem_shared>>
      tpu.enqueue_dma source(%arg9 : memref<80x128xf32, #tpu.memory_space<vmem>>) target(%dma_start3A_185 : memref<80x128xf32, #tpu.memory_space<vmem_shared>>) target_semaphore(%run_scoped3A : memref<!tpu.dma_semaphore, #tpu.memory_space<semaphore_mem>>)
      %dma_wait3A_186 = arith.constant 0 : i32
      %dma_wait3A_187 = tpu.memref_slice %arg19[%add3A_117, %dma_wait3A_186] : memref<10240x128xf32, #tpu.memory_space<vmem_shared>> -> memref<80x128xf32, #tpu.memory_space<vmem_shared>>
      %dma_wait3A_188 = arith.constant 0 : i32
      %dma_wait3A_189 = tpu.memref_slice %arg19[%add3A_117, %dma_wait3A_188] : memref<10240x128xf32, #tpu.memory_space<vmem_shared>> -> memref<80x128xf32, #tpu.memory_space<vmem_shared>>
      tpu.wait_dma2 semaphore(%run_scoped3A : memref<!tpu.dma_semaphore, #tpu.memory_space<semaphore_mem>>) src(%arg9 : memref<80x128xf32, #tpu.memory_space<vmem>>) dst(%dma_wait3A_189 : memref<80x128xf32, #tpu.memory_space<vmem_shared>>)
      tpu.yield
    }) : () -> ()
    %add3A_118 = arith.constant 160 : i32
    %add3A_119 = arith.addi %mul3A_2, %add3A_118 : i32
    "tpu.region"() ({
      %run_scoped3A = tpu.sem_alloc : memref<!tpu.dma_semaphore, #tpu.memory_space<semaphore_mem>>
      %dma_start3A_182 = arith.constant 0 : i32
      %dma_start3A_183 = tpu.memref_slice %arg19[%add3A_119, %dma_start3A_182] : memref<10240x128xf32, #tpu.memory_space<vmem_shared>> -> memref<80x128xf32, #tpu.memory_space<vmem_shared>>
      %dma_start3A_184 = arith.constant 0 : i32
      %dma_start3A_185 = tpu.memref_slice %arg19[%add3A_119, %dma_start3A_184] : memref<10240x128xf32, #tpu.memory_space<vmem_shared>> -> memref<80x128xf32, #tpu.memory_space<vmem_shared>>
      tpu.enqueue_dma source(%arg9 : memref<80x128xf32, #tpu.memory_space<vmem>>) target(%dma_start3A_185 : memref<80x128xf32, #tpu.memory_space<vmem_shared>>) target_semaphore(%run_scoped3A : memref<!tpu.dma_semaphore, #tpu.memory_space<semaphore_mem>>)
      %dma_wait3A_186 = arith.constant 0 : i32
      %dma_wait3A_187 = tpu.memref_slice %arg19[%add3A_119, %dma_wait3A_186] : memref<10240x128xf32, #tpu.memory_space<vmem_shared>> -> memref<80x128xf32, #tpu.memory_space<vmem_shared>>
      %dma_wait3A_188 = arith.constant 0 : i32
      %dma_wait3A_189 = tpu.memref_slice %arg19[%add3A_119, %dma_wait3A_188] : memref<10240x128xf32, #tpu.memory_space<vmem_shared>> -> memref<80x128xf32, #tpu.memory_space<vmem_shared>>
      tpu.wait_dma2 semaphore(%run_scoped3A : memref<!tpu.dma_semaphore, #tpu.memory_space<semaphore_mem>>) src(%arg9 : memref<80x128xf32, #tpu.memory_space<vmem>>) dst(%dma_wait3A_189 : memref<80x128xf32, #tpu.memory_space<vmem_shared>>)
      tpu.yield
    }) : () -> ()
    %add3A_120 = arith.constant 240 : i32
    %add3A_121 = arith.addi %mul3A_2, %add3A_120 : i32
    "tpu.region"() ({
      %run_scoped3A = tpu.sem_alloc : memref<!tpu.dma_semaphore, #tpu.memory_space<semaphore_mem>>
      %dma_start3A_182 = arith.constant 0 : i32
      %dma_start3A_183 = tpu.memref_slice %arg19[%add3A_121, %dma_start3A_182] : memref<10240x128xf32, #tpu.memory_space<vmem_shared>> -> memref<80x128xf32, #tpu.memory_space<vmem_shared>>
      %dma_start3A_184 = arith.constant 0 : i32
      %dma_start3A_185 = tpu.memref_slice %arg19[%add3A_121, %dma_start3A_184] : memref<10240x128xf32, #tpu.memory_space<vmem_shared>> -> memref<80x128xf32, #tpu.memory_space<vmem_shared>>
      tpu.enqueue_dma source(%arg9 : memref<80x128xf32, #tpu.memory_space<vmem>>) target(%dma_start3A_185 : memref<80x128xf32, #tpu.memory_space<vmem_shared>>) target_semaphore(%run_scoped3A : memref<!tpu.dma_semaphore, #tpu.memory_space<semaphore_mem>>)
      %dma_wait3A_186 = arith.constant 0 : i32
      %dma_wait3A_187 = tpu.memref_slice %arg19[%add3A_121, %dma_wait3A_186] : memref<10240x128xf32, #tpu.memory_space<vmem_shared>> -> memref<80x128xf32, #tpu.memory_space<vmem_shared>>
      %dma_wait3A_188 = arith.constant 0 : i32
      %dma_wait3A_189 = tpu.memref_slice %arg19[%add3A_121, %dma_wait3A_188] : memref<10240x128xf32, #tpu.memory_space<vmem_shared>> -> memref<80x128xf32, #tpu.memory_space<vmem_shared>>
      tpu.wait_dma2 semaphore(%run_scoped3A : memref<!tpu.dma_semaphore, #tpu.memory_space<semaphore_mem>>) src(%arg9 : memref<80x128xf32, #tpu.memory_space<vmem>>) dst(%dma_wait3A_189 : memref<80x128xf32, #tpu.memory_space<vmem_shared>>)
      tpu.yield
    }) : () -> ()
    %add3A_122 = arith.constant 320 : i32
    %add3A_123 = arith.addi %mul3A_2, %add3A_122 : i32
    "tpu.region"() ({
      %run_scoped3A = tpu.sem_alloc : memref<!tpu.dma_semaphore, #tpu.memory_space<semaphore_mem>>
      %dma_start3A_182 = arith.constant 0 : i32
      %dma_start3A_183 = tpu.memref_slice %arg19[%add3A_123, %dma_start3A_182] : memref<10240x128xf32, #tpu.memory_space<vmem_shared>> -> memref<80x128xf32, #tpu.memory_space<vmem_shared>>
      %dma_start3A_184 = arith.constant 0 : i32
      %dma_start3A_185 = tpu.memref_slice %arg19[%add3A_123, %dma_start3A_184] : memref<10240x128xf32, #tpu.memory_space<vmem_shared>> -> memref<80x128xf32, #tpu.memory_space<vmem_shared>>
      tpu.enqueue_dma source(%arg9 : memref<80x128xf32, #tpu.memory_space<vmem>>) target(%dma_start3A_185 : memref<80x128xf32, #tpu.memory_space<vmem_shared>>) target_semaphore(%run_scoped3A : memref<!tpu.dma_semaphore, #tpu.memory_space<semaphore_mem>>)
      %dma_wait3A_186 = arith.constant 0 : i32
      %dma_wait3A_187 = tpu.memref_slice %arg19[%add3A_123, %dma_wait3A_186] : memref<10240x128xf32, #tpu.memory_space<vmem_shared>> -> memref<80x128xf32, #tpu.memory_space<vmem_shared>>
      %dma_wait3A_188 = arith.constant 0 : i32
      %dma_wait3A_189 = tpu.memref_slice %arg19[%add3A_123, %dma_wait3A_188] : memref<10240x128xf32, #tpu.memory_space<vmem_shared>> -> memref<80x128xf32, #tpu.memory_space<vmem_shared>>
      tpu.wait_dma2 semaphore(%run_scoped3A : memref<!tpu.dma_semaphore, #tpu.memory_space<semaphore_mem>>) src(%arg9 : memref<80x128xf32, #tpu.memory_space<vmem>>) dst(%dma_wait3A_189 : memref<80x128xf32, #tpu.memory_space<vmem_shared>>)
      tpu.yield
    }) : () -> ()
    %add3A_124 = arith.constant 400 : i32
    %add3A_125 = arith.addi %mul3A_2, %add3A_124 : i32
    "tpu.region"() ({
      %run_scoped3A = tpu.sem_alloc : memref<!tpu.dma_semaphore, #tpu.memory_space<semaphore_mem>>
      %dma_start3A_182 = arith.constant 0 : i32
      %dma_start3A_183 = tpu.memref_slice %arg19[%add3A_125, %dma_start3A_182] : memref<10240x128xf32, #tpu.memory_space<vmem_shared>> -> memref<80x128xf32, #tpu.memory_space<vmem_shared>>
      %dma_start3A_184 = arith.constant 0 : i32
      %dma_start3A_185 = tpu.memref_slice %arg19[%add3A_125, %dma_start3A_184] : memref<10240x128xf32, #tpu.memory_space<vmem_shared>> -> memref<80x128xf32, #tpu.memory_space<vmem_shared>>
      tpu.enqueue_dma source(%arg9 : memref<80x128xf32, #tpu.memory_space<vmem>>) target(%dma_start3A_185 : memref<80x128xf32, #tpu.memory_space<vmem_shared>>) target_semaphore(%run_scoped3A : memref<!tpu.dma_semaphore, #tpu.memory_space<semaphore_mem>>)
      %dma_wait3A_186 = arith.constant 0 : i32
      %dma_wait3A_187 = tpu.memref_slice %arg19[%add3A_125, %dma_wait3A_186] : memref<10240x128xf32, #tpu.memory_space<vmem_shared>> -> memref<80x128xf32, #tpu.memory_space<vmem_shared>>
      %dma_wait3A_188 = arith.constant 0 : i32
      %dma_wait3A_189 = tpu.memref_slice %arg19[%add3A_125, %dma_wait3A_188] : memref<10240x128xf32, #tpu.memory_space<vmem_shared>> -> memref<80x128xf32, #tpu.memory_space<vmem_shared>>
      tpu.wait_dma2 semaphore(%run_scoped3A : memref<!tpu.dma_semaphore, #tpu.memory_space<semaphore_mem>>) src(%arg9 : memref<80x128xf32, #tpu.memory_space<vmem>>) dst(%dma_wait3A_189 : memref<80x128xf32, #tpu.memory_space<vmem_shared>>)
      tpu.yield
    }) : () -> ()
    %add3A_126 = arith.constant 480 : i32
    %add3A_127 = arith.addi %mul3A_2, %add3A_126 : i32
    "tpu.region"() ({
      %run_scoped3A = tpu.sem_alloc : memref<!tpu.dma_semaphore, #tpu.memory_space<semaphore_mem>>
      %dma_start3A_182 = arith.constant 0 : i32
      %dma_start3A_183 = tpu.memref_slice %arg19[%add3A_127, %dma_start3A_182] : memref<10240x128xf32, #tpu.memory_space<vmem_shared>> -> memref<80x128xf32, #tpu.memory_space<vmem_shared>>
      %dma_start3A_184 = arith.constant 0 : i32
      %dma_start3A_185 = tpu.memref_slice %arg19[%add3A_127, %dma_start3A_184] : memref<10240x128xf32, #tpu.memory_space<vmem_shared>> -> memref<80x128xf32, #tpu.memory_space<vmem_shared>>
      tpu.enqueue_dma source(%arg9 : memref<80x128xf32, #tpu.memory_space<vmem>>) target(%dma_start3A_185 : memref<80x128xf32, #tpu.memory_space<vmem_shared>>) target_semaphore(%run_scoped3A : memref<!tpu.dma_semaphore, #tpu.memory_space<semaphore_mem>>)
      %dma_wait3A_186 = arith.constant 0 : i32
      %dma_wait3A_187 = tpu.memref_slice %arg19[%add3A_127, %dma_wait3A_186] : memref<10240x128xf32, #tpu.memory_space<vmem_shared>> -> memref<80x128xf32, #tpu.memory_space<vmem_shared>>
      %dma_wait3A_188 = arith.constant 0 : i32
      %dma_wait3A_189 = tpu.memref_slice %arg19[%add3A_127, %dma_wait3A_188] : memref<10240x128xf32, #tpu.memory_space<vmem_shared>> -> memref<80x128xf32, #tpu.memory_space<vmem_shared>>
      tpu.wait_dma2 semaphore(%run_scoped3A : memref<!tpu.dma_semaphore, #tpu.memory_space<semaphore_mem>>) src(%arg9 : memref<80x128xf32, #tpu.memory_space<vmem>>) dst(%dma_wait3A_189 : memref<80x128xf32, #tpu.memory_space<vmem_shared>>)
      tpu.yield
    }) : () -> ()
    %add3A_128 = arith.constant 560 : i32
    %add3A_129 = arith.addi %mul3A_2, %add3A_128 : i32
    "tpu.region"() ({
      %run_scoped3A = tpu.sem_alloc : memref<!tpu.dma_semaphore, #tpu.memory_space<semaphore_mem>>
      %dma_start3A_182 = arith.constant 0 : i32
      %dma_start3A_183 = tpu.memref_slice %arg19[%add3A_129, %dma_start3A_182] : memref<10240x128xf32, #tpu.memory_space<vmem_shared>> -> memref<80x128xf32, #tpu.memory_space<vmem_shared>>
      %dma_start3A_184 = arith.constant 0 : i32
      %dma_start3A_185 = tpu.memref_slice %arg19[%add3A_129, %dma_start3A_184] : memref<10240x128xf32, #tpu.memory_space<vmem_shared>> -> memref<80x128xf32, #tpu.memory_space<vmem_shared>>
      tpu.enqueue_dma source(%arg9 : memref<80x128xf32, #tpu.memory_space<vmem>>) target(%dma_start3A_185 : memref<80x128xf32, #tpu.memory_space<vmem_shared>>) target_semaphore(%run_scoped3A : memref<!tpu.dma_semaphore, #tpu.memory_space<semaphore_mem>>)
      %dma_wait3A_186 = arith.constant 0 : i32
      %dma_wait3A_187 = tpu.memref_slice %arg19[%add3A_129, %dma_wait3A_186] : memref<10240x128xf32, #tpu.memory_space<vmem_shared>> -> memref<80x128xf32, #tpu.memory_space<vmem_shared>>
      %dma_wait3A_188 = arith.constant 0 : i32
      %dma_wait3A_189 = tpu.memref_slice %arg19[%add3A_129, %dma_wait3A_188] : memref<10240x128xf32, #tpu.memory_space<vmem_shared>> -> memref<80x128xf32, #tpu.memory_space<vmem_shared>>
      tpu.wait_dma2 semaphore(%run_scoped3A : memref<!tpu.dma_semaphore, #tpu.memory_space<semaphore_mem>>) src(%arg9 : memref<80x128xf32, #tpu.memory_space<vmem>>) dst(%dma_wait3A_189 : memref<80x128xf32, #tpu.memory_space<vmem_shared>>)
      tpu.yield
    }) : () -> ()
    %barrier3A_130 = arith.constant 0 : index
    tpu.barrier barrier_id(%barrier3A_130)
    %broadcast_in_dim3A_131 = arith.constant 1.000000e+00 : f32
    %broadcast_in_dim3A_132 = vector.broadcast %broadcast_in_dim3A_131 : f32 to vector<16xf32>
    %scan3A_133 = arith.constant 0 : i32
    %scan3A_134 = arith.constant 0 : i32
    %scan3A_135 = arith.constant 80 : i32
    %scan3A_136 = arith.addi %scan3A_134, %scan3A_135 : i32
    %scan3A_137 = arith.constant 1 : i32
    scf.for %scan3A_182 = %scan3A_134 to %scan3A_136 step %scan3A_137  : i32 {
      %swap3A = arith.index_cast %scan3A_182 : i32 to index
      %swap3A_183 = arith.constant 0 : index
      %swap3A_184 = tpu.vector_load %arg9[%swap3A, %swap3A_183] {strides = array<i32>} : memref<80x128xf32, #tpu.memory_space<vmem>>, vector<1x16xf32>,
      %swap3A_185 = vector.shape_cast %swap3A_184 : vector<1x16xf32> to vector<16xf32>
      %swap3A_186 = vector.shape_cast %broadcast_in_dim3A_132 : vector<16xf32> to vector<1x16xf32>
      tpu.vector_store %arg9[%swap3A, %swap3A_183], %swap3A_186 {strides = array<i32>} : memref<80x128xf32, #tpu.memory_space<vmem>>, vector<1x16xf32>,
      %swap3A_187 = arith.index_cast %scan3A_182 : i32 to index
      %swap3A_188 = arith.constant 16 : index
      %swap3A_189 = tpu.vector_load %arg9[%swap3A_187, %swap3A_188] {strides = array<i32>} : memref<80x128xf32, #tpu.memory_space<vmem>>, vector<1x16xf32>,
      %swap3A_190 = vector.shape_cast %swap3A_189 : vector<1x16xf32> to vector<16xf32>
      %swap3A_191 = vector.shape_cast %broadcast_in_dim3A_132 : vector<16xf32> to vector<1x16xf32>
      tpu.vector_store %arg9[%swap3A_187, %swap3A_188], %swap3A_191 {strides = array<i32>} : memref<80x128xf32, #tpu.memory_space<vmem>>, vector<1x16xf32>,
      %swap3A_192 = arith.index_cast %scan3A_182 : i32 to index
      %swap3A_193 = arith.constant 32 : index
      %swap3A_194 = tpu.vector_load %arg9[%swap3A_192, %swap3A_193] {strides = array<i32>} : memref<80x128xf32, #tpu.memory_space<vmem>>, vector<1x16xf32>,
      %swap3A_195 = vector.shape_cast %swap3A_194 : vector<1x16xf32> to vector<16xf32>
      %swap3A_196 = vector.shape_cast %broadcast_in_dim3A_132 : vector<16xf32> to vector<1x16xf32>
      tpu.vector_store %arg9[%swap3A_192, %swap3A_193], %swap3A_196 {strides = array<i32>} : memref<80x128xf32, #tpu.memory_space<vmem>>, vector<1x16xf32>,
      %swap3A_197 = arith.index_cast %scan3A_182 : i32 to index
      %swap3A_198 = arith.constant 48 : index
      %swap3A_199 = tpu.vector_load %arg9[%swap3A_197, %swap3A_198] {strides = array<i32>} : memref<80x128xf32, #tpu.memory_space<vmem>>, vector<1x16xf32>,
      %swap3A_200 = vector.shape_cast %swap3A_199 : vector<1x16xf32> to vector<16xf32>
      %swap3A_201 = vector.shape_cast %broadcast_in_dim3A_132 : vector<16xf32> to vector<1x16xf32>
      tpu.vector_store %arg9[%swap3A_197, %swap3A_198], %swap3A_201 {strides = array<i32>} : memref<80x128xf32, #tpu.memory_space<vmem>>, vector<1x16xf32>,
      %swap3A_202 = arith.index_cast %scan3A_182 : i32 to index
      %swap3A_203 = arith.constant 64 : index
      %swap3A_204 = tpu.vector_load %arg9[%swap3A_202, %swap3A_203] {strides = array<i32>} : memref<80x128xf32, #tpu.memory_space<vmem>>, vector<1x16xf32>,
      %swap3A_205 = vector.shape_cast %swap3A_204 : vector<1x16xf32> to vector<16xf32>
      %swap3A_206 = vector.shape_cast %broadcast_in_dim3A_132 : vector<16xf32> to vector<1x16xf32>
      tpu.vector_store %arg9[%swap3A_202, %swap3A_203], %swap3A_206 {strides = array<i32>} : memref<80x128xf32, #tpu.memory_space<vmem>>, vector<1x16xf32>,
      %swap3A_207 = arith.index_cast %scan3A_182 : i32 to index
      %swap3A_208 = arith.constant 80 : index
      %swap3A_209 = tpu.vector_load %arg9[%swap3A_207, %swap3A_208] {strides = array<i32>} : memref<80x128xf32, #tpu.memory_space<vmem>>, vector<1x16xf32>,
      %swap3A_210 = vector.shape_cast %swap3A_209 : vector<1x16xf32> to vector<16xf32>
      %swap3A_211 = vector.shape_cast %broadcast_in_dim3A_132 : vector<16xf32> to vector<1x16xf32>
      tpu.vector_store %arg9[%swap3A_207, %swap3A_208], %swap3A_211 {strides = array<i32>} : memref<80x128xf32, #tpu.memory_space<vmem>>, vector<1x16xf32>,
      %swap3A_212 = arith.index_cast %scan3A_182 : i32 to index
      %swap3A_213 = arith.constant 96 : index
      %swap3A_214 = tpu.vector_load %arg9[%swap3A_212, %swap3A_213] {strides = array<i32>} : memref<80x128xf32, #tpu.memory_space<vmem>>, vector<1x16xf32>,
      %swap3A_215 = vector.shape_cast %swap3A_214 : vector<1x16xf32> to vector<16xf32>
      %swap3A_216 = vector.shape_cast %broadcast_in_dim3A_132 : vector<16xf32> to vector<1x16xf32>
      tpu.vector_store %arg9[%swap3A_212, %swap3A_213], %swap3A_216 {strides = array<i32>} : memref<80x128xf32, #tpu.memory_space<vmem>>, vector<1x16xf32>,
      %swap3A_217 = arith.index_cast %scan3A_182 : i32 to index
      %swap3A_218 = arith.constant 112 : index
      %swap3A_219 = tpu.vector_load %arg9[%swap3A_217, %swap3A_218] {strides = array<i32>} : memref<80x128xf32, #tpu.memory_space<vmem>>, vector<1x16xf32>,
      %swap3A_220 = vector.shape_cast %swap3A_219 : vector<1x16xf32> to vector<16xf32>
      %swap3A_221 = vector.shape_cast %broadcast_in_dim3A_132 : vector<16xf32> to vector<1x16xf32>
      tpu.vector_store %arg9[%swap3A_217, %swap3A_218], %swap3A_221 {strides = array<i32>} : memref<80x128xf32, #tpu.memory_space<vmem>>, vector<1x16xf32>,
    }
    %scan3A_138 = arith.constant 80 : i32
    %dma_start3A_139 = tpu.memref_slice %arg4[%mul3A_7] : memref<320000xi32, #tpu.memory_space<hbm>> -> memref<80xi32, #tpu.memory_space<hbm>>
    %dma_start3A_140 = tpu.memref_slice %arg4[%mul3A_7] : memref<320000xi32, #tpu.memory_space<hbm>> -> memref<80xi32, #tpu.memory_space<hbm>>
    tpu.enqueue_dma source(%dma_start3A_140 : memref<80xi32, #tpu.memory_space<hbm>>) target(%arg8 : memref<80xi32, #tpu.memory_space<vmem>>) target_semaphore(%arg20 : memref<!tpu.dma_semaphore, #tpu.memory_space<semaphore_mem>>)
    %scan3A_141 = arith.constant 0 : i32
    %scan3A_142 = arith.constant 0 : i32
    %scan3A_143 = arith.constant 62 : i32
    %scan3A_144 = arith.addi %scan3A_142, %scan3A_143 : i32
    %scan3A_145 = arith.constant 1 : i32
    scf.for %scan3A_182 = %scan3A_142 to %scan3A_144 step %scan3A_145  : i32 {
      %mul3A_183 = arith.constant 2 : i32
      %mul3A_184 = arith.muli %mul3A_183, %scan3A_182 : i32
      %add3A_185 = arith.constant 1 : i32
      %add3A_186 = arith.addi %mul3A_184, %add3A_185 : i32
      %mul3A_187 = arith.constant 80 : i32
      %mul3A_188 = arith.muli %add3A_186, %mul3A_187 : i32
      %add3A_189 = arith.addi %mul3A_7, %mul3A_188 : i32
      %dma_start3A_190 = tpu.memref_slice %arg4[%add3A_189] : memref<320000xi32, #tpu.memory_space<hbm>> -> memref<80xi32, #tpu.memory_space<hbm>>
      %dma_start3A_191 = tpu.memref_slice %arg4[%add3A_189] : memref<320000xi32, #tpu.memory_space<hbm>> -> memref<80xi32, #tpu.memory_space<hbm>>
      tpu.enqueue_dma source(%dma_start3A_191 : memref<80xi32, #tpu.memory_space<hbm>>) target(%arg11 : memref<80xi32, #tpu.memory_space<vmem>>) target_semaphore(%arg21 : memref<!tpu.dma_semaphore, #tpu.memory_space<semaphore_mem>>)
      %dma_wait3A_192 = tpu.memref_slice %arg4[%mul3A_7] : memref<320000xi32, #tpu.memory_space<hbm>> -> memref<80xi32, #tpu.memory_space<hbm>>
      %dma_wait3A_193 = tpu.memref_slice %arg4[%mul3A_7] : memref<320000xi32, #tpu.memory_space<hbm>> -> memref<80xi32, #tpu.memory_space<hbm>>
      tpu.wait_dma2 semaphore(%arg20 : memref<!tpu.dma_semaphore, #tpu.memory_space<semaphore_mem>>) src(%dma_wait3A_193 : memref<80xi32, #tpu.memory_space<hbm>>) dst(%arg8 : memref<80xi32, #tpu.memory_space<vmem>>)
      "tpu.region"() ({
        %run_scoped3A = tpu.sem_alloc : memref<!tpu.dma_semaphore, #tpu.memory_space<semaphore_mem>>
        %dma_start3A_205 = arith.constant 0 : i32
        %dma_start3A_206 = arith.constant 0 : i32
        %dma_start3A_207 = tpu.memref_slice %arg19[%dma_start3A_205, %dma_start3A_206] : memref<10240x128xf32, #tpu.memory_space<vmem_shared>> -> memref<10240x128xf32, #tpu.memory_space<vmem_shared>>
        tpu.enqueue_indirect_dma source(%arg9 : memref<80x128xf32, #tpu.memory_space<vmem>>) target(%dma_start3A_207 : memref<10240x128xf32, #tpu.memory_space<vmem_shared>>) offsets(%arg8 : memref<80xi32, #tpu.memory_space<vmem>>) semaphore(%run_scoped3A : memref<!tpu.dma_semaphore, #tpu.memory_space<semaphore_mem>>) {add = true}
        %dma_wait3A_208 = arith.constant 0 : i32
        %dma_wait3A_209 = arith.constant 0 : i32
        %dma_wait3A_210 = tpu.memref_slice %arg19[%dma_wait3A_208, %dma_wait3A_209] : memref<10240x128xf32, #tpu.memory_space<vmem_shared>> -> memref<10240x128xf32, #tpu.memory_space<vmem_shared>>
        tpu.wait_indirect_dma semaphore(%run_scoped3A : memref<!tpu.dma_semaphore, #tpu.memory_space<semaphore_mem>>) src(%arg9 : memref<80x128xf32, #tpu.memory_space<vmem>>) dst(%dma_wait3A_210 : memref<10240x128xf32, #tpu.memory_space<vmem_shared>>)
        tpu.yield
      }) : () -> ()
      %mul3A_194 = arith.constant 2 : i32
      %mul3A_195 = arith.muli %mul3A_194, %scan3A_182 : i32
      %add3A_196 = arith.constant 2 : i32
      %add3A_197 = arith.addi %mul3A_195, %add3A_196 : i32
      %mul3A_198 = arith.constant 80 : i32
      %mul3A_199 = arith.muli %add3A_197, %mul3A_198 : i32
      %add3A_200 = arith.addi %mul3A_7, %mul3A_199 : i32
      %dma_start3A_201 = tpu.memref_slice %arg4[%add3A_200] : memref<320000xi32, #tpu.memory_space<hbm>> -> memref<80xi32, #tpu.memory_space<hbm>>
      %dma_start3A_202 = tpu.memref_slice %arg4[%add3A_200] : memref<320000xi32, #tpu.memory_space<hbm>> -> memref<80xi32, #tpu.memory_space<hbm>>
      tpu.enqueue_dma source(%dma_start3A_202 : memref<80xi32, #tpu.memory_space<hbm>>) target(%arg8 : memref<80xi32, #tpu.memory_space<vmem>>) target_semaphore(%arg20 : memref<!tpu.dma_semaphore, #tpu.memory_space<semaphore_mem>>)
      %dma_wait3A_203 = tpu.memref_slice %arg4[%mul3A_7] : memref<320000xi32, #tpu.memory_space<hbm>> -> memref<80xi32, #tpu.memory_space<hbm>>
      %dma_wait3A_204 = tpu.memref_slice %arg4[%mul3A_7] : memref<320000xi32, #tpu.memory_space<hbm>> -> memref<80xi32, #tpu.memory_space<hbm>>
      tpu.wait_dma2 semaphore(%arg21 : memref<!tpu.dma_semaphore, #tpu.memory_space<semaphore_mem>>) src(%dma_wait3A_204 : memref<80xi32, #tpu.memory_space<hbm>>) dst(%arg11 : memref<80xi32, #tpu.memory_space<vmem>>)
      "tpu.region"() ({
        %run_scoped3A = tpu.sem_alloc : memref<!tpu.dma_semaphore, #tpu.memory_space<semaphore_mem>>
        %dma_start3A_205 = arith.constant 0 : i32
        %dma_start3A_206 = arith.constant 0 : i32
        %dma_start3A_207 = tpu.memref_slice %arg19[%dma_start3A_205, %dma_start3A_206] : memref<10240x128xf32, #tpu.memory_space<vmem_shared>> -> memref<10240x128xf32, #tpu.memory_space<vmem_shared>>
        tpu.enqueue_indirect_dma source(%arg9 : memref<80x128xf32, #tpu.memory_space<vmem>>) target(%dma_start3A_207 : memref<10240x128xf32, #tpu.memory_space<vmem_shared>>) offsets(%arg11 : memref<80xi32, #tpu.memory_space<vmem>>) semaphore(%run_scoped3A : memref<!tpu.dma_semaphore, #tpu.memory_space<semaphore_mem>>) {add = true}
        %dma_wait3A_208 = arith.constant 0 : i32
        %dma_wait3A_209 = arith.constant 0 : i32
        %dma_wait3A_210 = tpu.memref_slice %arg19[%dma_wait3A_208, %dma_wait3A_209] : memref<10240x128xf32, #tpu.memory_space<vmem_shared>> -> memref<10240x128xf32, #tpu.memory_space<vmem_shared>>
        tpu.wait_indirect_dma semaphore(%run_scoped3A : memref<!tpu.dma_semaphore, #tpu.memory_space<semaphore_mem>>) src(%arg9 : memref<80x128xf32, #tpu.memory_space<vmem>>) dst(%dma_wait3A_210 : memref<10240x128xf32, #tpu.memory_space<vmem_shared>>)
        tpu.yield
      }) : () -> ()
    }
    %scan3A_146 = arith.constant 62 : i32
    %dma_wait3A_147 = tpu.memref_slice %arg4[%mul3A_7] : memref<320000xi32, #tpu.memory_space<hbm>> -> memref<80xi32, #tpu.memory_space<hbm>>
    %dma_wait3A_148 = tpu.memref_slice %arg4[%mul3A_7] : memref<320000xi32, #tpu.memory_space<hbm>> -> memref<80xi32, #tpu.memory_space<hbm>>
    tpu.wait_dma2 semaphore(%arg20 : memref<!tpu.dma_semaphore, #tpu.memory_space<semaphore_mem>>) src(%dma_wait3A_148 : memref<80xi32, #tpu.memory_space<hbm>>) dst(%arg8 : memref<80xi32, #tpu.memory_space<vmem>>)
    "tpu.region"() ({
      %run_scoped3A = tpu.sem_alloc : memref<!tpu.dma_semaphore, #tpu.memory_space<semaphore_mem>>
      %dma_start3A_182 = arith.constant 0 : i32
      %dma_start3A_183 = arith.constant 0 : i32
      %dma_start3A_184 = tpu.memref_slice %arg19[%dma_start3A_182, %dma_start3A_183] : memref<10240x128xf32, #tpu.memory_space<vmem_shared>> -> memref<10240x128xf32, #tpu.memory_space<vmem_shared>>
      tpu.enqueue_indirect_dma source(%arg9 : memref<80x128xf32, #tpu.memory_space<vmem>>) target(%dma_start3A_184 : memref<10240x128xf32, #tpu.memory_space<vmem_shared>>) offsets(%arg8 : memref<80xi32, #tpu.memory_space<vmem>>) semaphore(%run_scoped3A : memref<!tpu.dma_semaphore, #tpu.memory_space<semaphore_mem>>) {add = true}
      %dma_wait3A_185 = arith.constant 0 : i32
      %dma_wait3A_186 = arith.constant 0 : i32
      %dma_wait3A_187 = tpu.memref_slice %arg19[%dma_wait3A_185, %dma_wait3A_186] : memref<10240x128xf32, #tpu.memory_space<vmem_shared>> -> memref<10240x128xf32, #tpu.memory_space<vmem_shared>>
      tpu.wait_indirect_dma semaphore(%run_scoped3A : memref<!tpu.dma_semaphore, #tpu.memory_space<semaphore_mem>>) src(%arg9 : memref<80x128xf32, #tpu.memory_space<vmem>>) dst(%dma_wait3A_187 : memref<10240x128xf32, #tpu.memory_space<vmem_shared>>)
      tpu.yield
    }) : () -> ()
    %barrier3A_149 = arith.constant 0 : index
    tpu.barrier barrier_id(%barrier3A_149)
    %add3A_150 = arith.constant 0 : i32
    %add3A_151 = arith.addi %mul3A_2, %add3A_150 : i32
    "tpu.region"() ({
      %run_scoped3A = tpu.sem_alloc : memref<!tpu.dma_semaphore, #tpu.memory_space<semaphore_mem>>
      %dma_start3A_182 = arith.constant 0 : i32
      %dma_start3A_183 = tpu.memref_slice %arg19[%add3A_151, %dma_start3A_182] : memref<10240x128xf32, #tpu.memory_space<vmem_shared>> -> memref<80x128xf32, #tpu.memory_space<vmem_shared>>
      %dma_start3A_184 = arith.constant 0 : i32
      %dma_start3A_185 = tpu.memref_slice %arg19[%add3A_151, %dma_start3A_184] : memref<10240x128xf32, #tpu.memory_space<vmem_shared>> -> memref<80x128xf32, #tpu.memory_space<vmem_shared>>
      tpu.enqueue_dma source(%dma_start3A_185 : memref<80x128xf32, #tpu.memory_space<vmem_shared>>) target(%arg12 : memref<80x128xf32, #tpu.memory_space<vmem>>) target_semaphore(%run_scoped3A : memref<!tpu.dma_semaphore, #tpu.memory_space<semaphore_mem>>)
      %dma_wait3A_186 = arith.constant 0 : i32
      %dma_wait3A_187 = tpu.memref_slice %arg19[%add3A_151, %dma_wait3A_186] : memref<10240x128xf32, #tpu.memory_space<vmem_shared>> -> memref<80x128xf32, #tpu.memory_space<vmem_shared>>
      %dma_wait3A_188 = arith.constant 0 : i32
      %dma_wait3A_189 = tpu.memref_slice %arg19[%add3A_151, %dma_wait3A_188] : memref<10240x128xf32, #tpu.memory_space<vmem_shared>> -> memref<80x128xf32, #tpu.memory_space<vmem_shared>>
      tpu.wait_dma2 semaphore(%run_scoped3A : memref<!tpu.dma_semaphore, #tpu.memory_space<semaphore_mem>>) src(%dma_wait3A_189 : memref<80x128xf32, #tpu.memory_space<vmem_shared>>) dst(%arg12 : memref<80x128xf32, #tpu.memory_space<vmem>>)
      tpu.yield
    }) : () -> ()
    %add3A_152 = arith.constant 0 : i32
    %add3A_153 = arith.addi %add3A_5, %add3A_152 : i32
    "tpu.region"() ({
      %run_scoped3A = tpu.sem_alloc : memref<!tpu.dma_semaphore, #tpu.memory_space<semaphore_mem>>
      %dma_start3A_182 = arith.constant 0 : i32
      %dma_start3A_183 = tpu.memref_slice %arg6[%add3A_153, %dma_start3A_182] : memref<20480x128xf32, #tpu.memory_space<hbm>> -> memref<80x128xf32, #tpu.memory_space<hbm>>
      %dma_start3A_184 = arith.constant 0 : i32
      %dma_start3A_185 = tpu.memref_slice %arg6[%add3A_153, %dma_start3A_184] : memref<20480x128xf32, #tpu.memory_space<hbm>> -> memref<80x128xf32, #tpu.memory_space<hbm>>
      tpu.enqueue_dma source(%arg12 : memref<80x128xf32, #tpu.memory_space<vmem>>) target(%dma_start3A_185 : memref<80x128xf32, #tpu.memory_space<hbm>>) target_semaphore(%run_scoped3A : memref<!tpu.dma_semaphore, #tpu.memory_space<semaphore_mem>>)
      %dma_wait3A_186 = arith.constant 0 : i32
      %dma_wait3A_187 = tpu.memref_slice %arg6[%add3A_153, %dma_wait3A_186] : memref<20480x128xf32, #tpu.memory_space<hbm>> -> memref<80x128xf32, #tpu.memory_space<hbm>>
      %dma_wait3A_188 = arith.constant 0 : i32
      %dma_wait3A_189 = tpu.memref_slice %arg6[%add3A_153, %dma_wait3A_188] : memref<20480x128xf32, #tpu.memory_space<hbm>> -> memref<80x128xf32, #tpu.memory_space<hbm>>
      tpu.wait_dma2 semaphore(%run_scoped3A : memref<!tpu.dma_semaphore, #tpu.memory_space<semaphore_mem>>) src(%arg12 : memref<80x128xf32, #tpu.memory_space<vmem>>) dst(%dma_wait3A_189 : memref<80x128xf32, #tpu.memory_space<hbm>>)
      tpu.yield
    }) : () -> ()
    %add3A_154 = arith.constant 80 : i32
    %add3A_155 = arith.addi %mul3A_2, %add3A_154 : i32
    "tpu.region"() ({
      %run_scoped3A = tpu.sem_alloc : memref<!tpu.dma_semaphore, #tpu.memory_space<semaphore_mem>>
      %dma_start3A_182 = arith.constant 0 : i32
      %dma_start3A_183 = tpu.memref_slice %arg19[%add3A_155, %dma_start3A_182] : memref<10240x128xf32, #tpu.memory_space<vmem_shared>> -> memref<80x128xf32, #tpu.memory_space<vmem_shared>>
      %dma_start3A_184 = arith.constant 0 : i32
      %dma_start3A_185 = tpu.memref_slice %arg19[%add3A_155, %dma_start3A_184] : memref<10240x128xf32, #tpu.memory_space<vmem_shared>> -> memref<80x128xf32, #tpu.memory_space<vmem_shared>>
      tpu.enqueue_dma source(%dma_start3A_185 : memref<80x128xf32, #tpu.memory_space<vmem_shared>>) target(%arg12 : memref<80x128xf32, #tpu.memory_space<vmem>>) target_semaphore(%run_scoped3A : memref<!tpu.dma_semaphore, #tpu.memory_space<semaphore_mem>>)
      %dma_wait3A_186 = arith.constant 0 : i32
      %dma_wait3A_187 = tpu.memref_slice %arg19[%add3A_155, %dma_wait3A_186] : memref<10240x128xf32, #tpu.memory_space<vmem_shared>> -> memref<80x128xf32, #tpu.memory_space<vmem_shared>>
      %dma_wait3A_188 = arith.constant 0 : i32
      %dma_wait3A_189 = tpu.memref_slice %arg19[%add3A_155, %dma_wait3A_188] : memref<10240x128xf32, #tpu.memory_space<vmem_shared>> -> memref<80x128xf32, #tpu.memory_space<vmem_shared>>
      tpu.wait_dma2 semaphore(%run_scoped3A : memref<!tpu.dma_semaphore, #tpu.memory_space<semaphore_mem>>) src(%dma_wait3A_189 : memref<80x128xf32, #tpu.memory_space<vmem_shared>>) dst(%arg12 : memref<80x128xf32, #tpu.memory_space<vmem>>)
      tpu.yield
    }) : () -> ()
    %add3A_156 = arith.constant 80 : i32
    %add3A_157 = arith.addi %add3A_5, %add3A_156 : i32
    "tpu.region"() ({
      %run_scoped3A = tpu.sem_alloc : memref<!tpu.dma_semaphore, #tpu.memory_space<semaphore_mem>>
      %dma_start3A_182 = arith.constant 0 : i32
      %dma_start3A_183 = tpu.memref_slice %arg6[%add3A_157, %dma_start3A_182] : memref<20480x128xf32, #tpu.memory_space<hbm>> -> memref<80x128xf32, #tpu.memory_space<hbm>>
      %dma_start3A_184 = arith.constant 0 : i32
      %dma_start3A_185 = tpu.memref_slice %arg6[%add3A_157, %dma_start3A_184] : memref<20480x128xf32, #tpu.memory_space<hbm>> -> memref<80x128xf32, #tpu.memory_space<hbm>>
      tpu.enqueue_dma source(%arg12 : memref<80x128xf32, #tpu.memory_space<vmem>>) target(%dma_start3A_185 : memref<80x128xf32, #tpu.memory_space<hbm>>) target_semaphore(%run_scoped3A : memref<!tpu.dma_semaphore, #tpu.memory_space<semaphore_mem>>)
      %dma_wait3A_186 = arith.constant 0 : i32
      %dma_wait3A_187 = tpu.memref_slice %arg6[%add3A_157, %dma_wait3A_186] : memref<20480x128xf32, #tpu.memory_space<hbm>> -> memref<80x128xf32, #tpu.memory_space<hbm>>
      %dma_wait3A_188 = arith.constant 0 : i32
      %dma_wait3A_189 = tpu.memref_slice %arg6[%add3A_157, %dma_wait3A_188] : memref<20480x128xf32, #tpu.memory_space<hbm>> -> memref<80x128xf32, #tpu.memory_space<hbm>>
      tpu.wait_dma2 semaphore(%run_scoped3A : memref<!tpu.dma_semaphore, #tpu.memory_space<semaphore_mem>>) src(%arg12 : memref<80x128xf32, #tpu.memory_space<vmem>>) dst(%dma_wait3A_189 : memref<80x128xf32, #tpu.memory_space<hbm>>)
      tpu.yield
    }) : () -> ()
    %add3A_158 = arith.constant 160 : i32
    %add3A_159 = arith.addi %mul3A_2, %add3A_158 : i32
    "tpu.region"() ({
      %run_scoped3A = tpu.sem_alloc : memref<!tpu.dma_semaphore, #tpu.memory_space<semaphore_mem>>
      %dma_start3A_182 = arith.constant 0 : i32
      %dma_start3A_183 = tpu.memref_slice %arg19[%add3A_159, %dma_start3A_182] : memref<10240x128xf32, #tpu.memory_space<vmem_shared>> -> memref<80x128xf32, #tpu.memory_space<vmem_shared>>
      %dma_start3A_184 = arith.constant 0 : i32
      %dma_start3A_185 = tpu.memref_slice %arg19[%add3A_159, %dma_start3A_184] : memref<10240x128xf32, #tpu.memory_space<vmem_shared>> -> memref<80x128xf32, #tpu.memory_space<vmem_shared>>
      tpu.enqueue_dma source(%dma_start3A_185 : memref<80x128xf32, #tpu.memory_space<vmem_shared>>) target(%arg12 : memref<80x128xf32, #tpu.memory_space<vmem>>) target_semaphore(%run_scoped3A : memref<!tpu.dma_semaphore, #tpu.memory_space<semaphore_mem>>)
      %dma_wait3A_186 = arith.constant 0 : i32
      %dma_wait3A_187 = tpu.memref_slice %arg19[%add3A_159, %dma_wait3A_186] : memref<10240x128xf32, #tpu.memory_space<vmem_shared>> -> memref<80x128xf32, #tpu.memory_space<vmem_shared>>
      %dma_wait3A_188 = arith.constant 0 : i32
      %dma_wait3A_189 = tpu.memref_slice %arg19[%add3A_159, %dma_wait3A_188] : memref<10240x128xf32, #tpu.memory_space<vmem_shared>> -> memref<80x128xf32, #tpu.memory_space<vmem_shared>>
      tpu.wait_dma2 semaphore(%run_scoped3A : memref<!tpu.dma_semaphore, #tpu.memory_space<semaphore_mem>>) src(%dma_wait3A_189 : memref<80x128xf32, #tpu.memory_space<vmem_shared>>) dst(%arg12 : memref<80x128xf32, #tpu.memory_space<vmem>>)
      tpu.yield
    }) : () -> ()
    %add3A_160 = arith.constant 160 : i32
    %add3A_161 = arith.addi %add3A_5, %add3A_160 : i32
    "tpu.region"() ({
      %run_scoped3A = tpu.sem_alloc : memref<!tpu.dma_semaphore, #tpu.memory_space<semaphore_mem>>
      %dma_start3A_182 = arith.constant 0 : i32
      %dma_start3A_183 = tpu.memref_slice %arg6[%add3A_161, %dma_start3A_182] : memref<20480x128xf32, #tpu.memory_space<hbm>> -> memref<80x128xf32, #tpu.memory_space<hbm>>
      %dma_start3A_184 = arith.constant 0 : i32
      %dma_start3A_185 = tpu.memref_slice %arg6[%add3A_161, %dma_start3A_184] : memref<20480x128xf32, #tpu.memory_space<hbm>> -> memref<80x128xf32, #tpu.memory_space<hbm>>
      tpu.enqueue_dma source(%arg12 : memref<80x128xf32, #tpu.memory_space<vmem>>) target(%dma_start3A_185 : memref<80x128xf32, #tpu.memory_space<hbm>>) target_semaphore(%run_scoped3A : memref<!tpu.dma_semaphore, #tpu.memory_space<semaphore_mem>>)
      %dma_wait3A_186 = arith.constant 0 : i32
      %dma_wait3A_187 = tpu.memref_slice %arg6[%add3A_161, %dma_wait3A_186] : memref<20480x128xf32, #tpu.memory_space<hbm>> -> memref<80x128xf32, #tpu.memory_space<hbm>>
      %dma_wait3A_188 = arith.constant 0 : i32
      %dma_wait3A_189 = tpu.memref_slice %arg6[%add3A_161, %dma_wait3A_188] : memref<20480x128xf32, #tpu.memory_space<hbm>> -> memref<80x128xf32, #tpu.memory_space<hbm>>
      tpu.wait_dma2 semaphore(%run_scoped3A : memref<!tpu.dma_semaphore, #tpu.memory_space<semaphore_mem>>) src(%arg12 : memref<80x128xf32, #tpu.memory_space<vmem>>) dst(%dma_wait3A_189 : memref<80x128xf32, #tpu.memory_space<hbm>>)
      tpu.yield
    }) : () -> ()
    %add3A_162 = arith.constant 240 : i32
    %add3A_163 = arith.addi %mul3A_2, %add3A_162 : i32
    "tpu.region"() ({
      %run_scoped3A = tpu.sem_alloc : memref<!tpu.dma_semaphore, #tpu.memory_space<semaphore_mem>>
      %dma_start3A_182 = arith.constant 0 : i32
      %dma_start3A_183 = tpu.memref_slice %arg19[%add3A_163, %dma_start3A_182] : memref<10240x128xf32, #tpu.memory_space<vmem_shared>> -> memref<80x128xf32, #tpu.memory_space<vmem_shared>>
      %dma_start3A_184 = arith.constant 0 : i32
      %dma_start3A_185 = tpu.memref_slice %arg19[%add3A_163, %dma_start3A_184] : memref<10240x128xf32, #tpu.memory_space<vmem_shared>> -> memref<80x128xf32, #tpu.memory_space<vmem_shared>>
      tpu.enqueue_dma source(%dma_start3A_185 : memref<80x128xf32, #tpu.memory_space<vmem_shared>>) target(%arg12 : memref<80x128xf32, #tpu.memory_space<vmem>>) target_semaphore(%run_scoped3A : memref<!tpu.dma_semaphore, #tpu.memory_space<semaphore_mem>>)
      %dma_wait3A_186 = arith.constant 0 : i32
      %dma_wait3A_187 = tpu.memref_slice %arg19[%add3A_163, %dma_wait3A_186] : memref<10240x128xf32, #tpu.memory_space<vmem_shared>> -> memref<80x128xf32, #tpu.memory_space<vmem_shared>>
      %dma_wait3A_188 = arith.constant 0 : i32
      %dma_wait3A_189 = tpu.memref_slice %arg19[%add3A_163, %dma_wait3A_188] : memref<10240x128xf32, #tpu.memory_space<vmem_shared>> -> memref<80x128xf32, #tpu.memory_space<vmem_shared>>
      tpu.wait_dma2 semaphore(%run_scoped3A : memref<!tpu.dma_semaphore, #tpu.memory_space<semaphore_mem>>) src(%dma_wait3A_189 : memref<80x128xf32, #tpu.memory_space<vmem_shared>>) dst(%arg12 : memref<80x128xf32, #tpu.memory_space<vmem>>)
      tpu.yield
    }) : () -> ()
    %add3A_164 = arith.constant 240 : i32
    %add3A_165 = arith.addi %add3A_5, %add3A_164 : i32
    "tpu.region"() ({
      %run_scoped3A = tpu.sem_alloc : memref<!tpu.dma_semaphore, #tpu.memory_space<semaphore_mem>>
      %dma_start3A_182 = arith.constant 0 : i32
      %dma_start3A_183 = tpu.memref_slice %arg6[%add3A_165, %dma_start3A_182] : memref<20480x128xf32, #tpu.memory_space<hbm>> -> memref<80x128xf32, #tpu.memory_space<hbm>>
      %dma_start3A_184 = arith.constant 0 : i32
      %dma_start3A_185 = tpu.memref_slice %arg6[%add3A_165, %dma_start3A_184] : memref<20480x128xf32, #tpu.memory_space<hbm>> -> memref<80x128xf32, #tpu.memory_space<hbm>>
      tpu.enqueue_dma source(%arg12 : memref<80x128xf32, #tpu.memory_space<vmem>>) target(%dma_start3A_185 : memref<80x128xf32, #tpu.memory_space<hbm>>) target_semaphore(%run_scoped3A : memref<!tpu.dma_semaphore, #tpu.memory_space<semaphore_mem>>)
      %dma_wait3A_186 = arith.constant 0 : i32
      %dma_wait3A_187 = tpu.memref_slice %arg6[%add3A_165, %dma_wait3A_186] : memref<20480x128xf32, #tpu.memory_space<hbm>> -> memref<80x128xf32, #tpu.memory_space<hbm>>
      %dma_wait3A_188 = arith.constant 0 : i32
      %dma_wait3A_189 = tpu.memref_slice %arg6[%add3A_165, %dma_wait3A_188] : memref<20480x128xf32, #tpu.memory_space<hbm>> -> memref<80x128xf32, #tpu.memory_space<hbm>>
      tpu.wait_dma2 semaphore(%run_scoped3A : memref<!tpu.dma_semaphore, #tpu.memory_space<semaphore_mem>>) src(%arg12 : memref<80x128xf32, #tpu.memory_space<vmem>>) dst(%dma_wait3A_189 : memref<80x128xf32, #tpu.memory_space<hbm>>)
      tpu.yield
    }) : () -> ()
    %add3A_166 = arith.constant 320 : i32
    %add3A_167 = arith.addi %mul3A_2, %add3A_166 : i32
    "tpu.region"() ({
      %run_scoped3A = tpu.sem_alloc : memref<!tpu.dma_semaphore, #tpu.memory_space<semaphore_mem>>
      %dma_start3A_182 = arith.constant 0 : i32
      %dma_start3A_183 = tpu.memref_slice %arg19[%add3A_167, %dma_start3A_182] : memref<10240x128xf32, #tpu.memory_space<vmem_shared>> -> memref<80x128xf32, #tpu.memory_space<vmem_shared>>
      %dma_start3A_184 = arith.constant 0 : i32
      %dma_start3A_185 = tpu.memref_slice %arg19[%add3A_167, %dma_start3A_184] : memref<10240x128xf32, #tpu.memory_space<vmem_shared>> -> memref<80x128xf32, #tpu.memory_space<vmem_shared>>
      tpu.enqueue_dma source(%dma_start3A_185 : memref<80x128xf32, #tpu.memory_space<vmem_shared>>) target(%arg12 : memref<80x128xf32, #tpu.memory_space<vmem>>) target_semaphore(%run_scoped3A : memref<!tpu.dma_semaphore, #tpu.memory_space<semaphore_mem>>)
      %dma_wait3A_186 = arith.constant 0 : i32
      %dma_wait3A_187 = tpu.memref_slice %arg19[%add3A_167, %dma_wait3A_186] : memref<10240x128xf32, #tpu.memory_space<vmem_shared>> -> memref<80x128xf32, #tpu.memory_space<vmem_shared>>
      %dma_wait3A_188 = arith.constant 0 : i32
      %dma_wait3A_189 = tpu.memref_slice %arg19[%add3A_167, %dma_wait3A_188] : memref<10240x128xf32, #tpu.memory_space<vmem_shared>> -> memref<80x128xf32, #tpu.memory_space<vmem_shared>>
      tpu.wait_dma2 semaphore(%run_scoped3A : memref<!tpu.dma_semaphore, #tpu.memory_space<semaphore_mem>>) src(%dma_wait3A_189 : memref<80x128xf32, #tpu.memory_space<vmem_shared>>) dst(%arg12 : memref<80x128xf32, #tpu.memory_space<vmem>>)
      tpu.yield
    }) : () -> ()
    %add3A_168 = arith.constant 320 : i32
    %add3A_169 = arith.addi %add3A_5, %add3A_168 : i32
    "tpu.region"() ({
      %run_scoped3A = tpu.sem_alloc : memref<!tpu.dma_semaphore, #tpu.memory_space<semaphore_mem>>
      %dma_start3A_182 = arith.constant 0 : i32
      %dma_start3A_183 = tpu.memref_slice %arg6[%add3A_169, %dma_start3A_182] : memref<20480x128xf32, #tpu.memory_space<hbm>> -> memref<80x128xf32, #tpu.memory_space<hbm>>
      %dma_start3A_184 = arith.constant 0 : i32
      %dma_start3A_185 = tpu.memref_slice %arg6[%add3A_169, %dma_start3A_184] : memref<20480x128xf32, #tpu.memory_space<hbm>> -> memref<80x128xf32, #tpu.memory_space<hbm>>
      tpu.enqueue_dma source(%arg12 : memref<80x128xf32, #tpu.memory_space<vmem>>) target(%dma_start3A_185 : memref<80x128xf32, #tpu.memory_space<hbm>>) target_semaphore(%run_scoped3A : memref<!tpu.dma_semaphore, #tpu.memory_space<semaphore_mem>>)
      %dma_wait3A_186 = arith.constant 0 : i32
      %dma_wait3A_187 = tpu.memref_slice %arg6[%add3A_169, %dma_wait3A_186] : memref<20480x128xf32, #tpu.memory_space<hbm>> -> memref<80x128xf32, #tpu.memory_space<hbm>>
      %dma_wait3A_188 = arith.constant 0 : i32
      %dma_wait3A_189 = tpu.memref_slice %arg6[%add3A_169, %dma_wait3A_188] : memref<20480x128xf32, #tpu.memory_space<hbm>> -> memref<80x128xf32, #tpu.memory_space<hbm>>
      tpu.wait_dma2 semaphore(%run_scoped3A : memref<!tpu.dma_semaphore, #tpu.memory_space<semaphore_mem>>) src(%arg12 : memref<80x128xf32, #tpu.memory_space<vmem>>) dst(%dma_wait3A_189 : memref<80x128xf32, #tpu.memory_space<hbm>>)
      tpu.yield
    }) : () -> ()
    %add3A_170 = arith.constant 400 : i32
    %add3A_171 = arith.addi %mul3A_2, %add3A_170 : i32
    "tpu.region"() ({
      %run_scoped3A = tpu.sem_alloc : memref<!tpu.dma_semaphore, #tpu.memory_space<semaphore_mem>>
      %dma_start3A_182 = arith.constant 0 : i32
      %dma_start3A_183 = tpu.memref_slice %arg19[%add3A_171, %dma_start3A_182] : memref<10240x128xf32, #tpu.memory_space<vmem_shared>> -> memref<80x128xf32, #tpu.memory_space<vmem_shared>>
      %dma_start3A_184 = arith.constant 0 : i32
      %dma_start3A_185 = tpu.memref_slice %arg19[%add3A_171, %dma_start3A_184] : memref<10240x128xf32, #tpu.memory_space<vmem_shared>> -> memref<80x128xf32, #tpu.memory_space<vmem_shared>>
      tpu.enqueue_dma source(%dma_start3A_185 : memref<80x128xf32, #tpu.memory_space<vmem_shared>>) target(%arg12 : memref<80x128xf32, #tpu.memory_space<vmem>>) target_semaphore(%run_scoped3A : memref<!tpu.dma_semaphore, #tpu.memory_space<semaphore_mem>>)
      %dma_wait3A_186 = arith.constant 0 : i32
      %dma_wait3A_187 = tpu.memref_slice %arg19[%add3A_171, %dma_wait3A_186] : memref<10240x128xf32, #tpu.memory_space<vmem_shared>> -> memref<80x128xf32, #tpu.memory_space<vmem_shared>>
      %dma_wait3A_188 = arith.constant 0 : i32
      %dma_wait3A_189 = tpu.memref_slice %arg19[%add3A_171, %dma_wait3A_188] : memref<10240x128xf32, #tpu.memory_space<vmem_shared>> -> memref<80x128xf32, #tpu.memory_space<vmem_shared>>
      tpu.wait_dma2 semaphore(%run_scoped3A : memref<!tpu.dma_semaphore, #tpu.memory_space<semaphore_mem>>) src(%dma_wait3A_189 : memref<80x128xf32, #tpu.memory_space<vmem_shared>>) dst(%arg12 : memref<80x128xf32, #tpu.memory_space<vmem>>)
      tpu.yield
    }) : () -> ()
    %add3A_172 = arith.constant 400 : i32
    %add3A_173 = arith.addi %add3A_5, %add3A_172 : i32
    "tpu.region"() ({
      %run_scoped3A = tpu.sem_alloc : memref<!tpu.dma_semaphore, #tpu.memory_space<semaphore_mem>>
      %dma_start3A_182 = arith.constant 0 : i32
      %dma_start3A_183 = tpu.memref_slice %arg6[%add3A_173, %dma_start3A_182] : memref<20480x128xf32, #tpu.memory_space<hbm>> -> memref<80x128xf32, #tpu.memory_space<hbm>>
      %dma_start3A_184 = arith.constant 0 : i32
      %dma_start3A_185 = tpu.memref_slice %arg6[%add3A_173, %dma_start3A_184] : memref<20480x128xf32, #tpu.memory_space<hbm>> -> memref<80x128xf32, #tpu.memory_space<hbm>>
      tpu.enqueue_dma source(%arg12 : memref<80x128xf32, #tpu.memory_space<vmem>>) target(%dma_start3A_185 : memref<80x128xf32, #tpu.memory_space<hbm>>) target_semaphore(%run_scoped3A : memref<!tpu.dma_semaphore, #tpu.memory_space<semaphore_mem>>)
      %dma_wait3A_186 = arith.constant 0 : i32
      %dma_wait3A_187 = tpu.memref_slice %arg6[%add3A_173, %dma_wait3A_186] : memref<20480x128xf32, #tpu.memory_space<hbm>> -> memref<80x128xf32, #tpu.memory_space<hbm>>
      %dma_wait3A_188 = arith.constant 0 : i32
      %dma_wait3A_189 = tpu.memref_slice %arg6[%add3A_173, %dma_wait3A_188] : memref<20480x128xf32, #tpu.memory_space<hbm>> -> memref<80x128xf32, #tpu.memory_space<hbm>>
      tpu.wait_dma2 semaphore(%run_scoped3A : memref<!tpu.dma_semaphore, #tpu.memory_space<semaphore_mem>>) src(%arg12 : memref<80x128xf32, #tpu.memory_space<vmem>>) dst(%dma_wait3A_189 : memref<80x128xf32, #tpu.memory_space<hbm>>)
      tpu.yield
    }) : () -> ()
    %add3A_174 = arith.constant 480 : i32
    %add3A_175 = arith.addi %mul3A_2, %add3A_174 : i32
    "tpu.region"() ({
      %run_scoped3A = tpu.sem_alloc : memref<!tpu.dma_semaphore, #tpu.memory_space<semaphore_mem>>
      %dma_start3A_182 = arith.constant 0 : i32
      %dma_start3A_183 = tpu.memref_slice %arg19[%add3A_175, %dma_start3A_182] : memref<10240x128xf32, #tpu.memory_space<vmem_shared>> -> memref<80x128xf32, #tpu.memory_space<vmem_shared>>
      %dma_start3A_184 = arith.constant 0 : i32
      %dma_start3A_185 = tpu.memref_slice %arg19[%add3A_175, %dma_start3A_184] : memref<10240x128xf32, #tpu.memory_space<vmem_shared>> -> memref<80x128xf32, #tpu.memory_space<vmem_shared>>
      tpu.enqueue_dma source(%dma_start3A_185 : memref<80x128xf32, #tpu.memory_space<vmem_shared>>) target(%arg12 : memref<80x128xf32, #tpu.memory_space<vmem>>) target_semaphore(%run_scoped3A : memref<!tpu.dma_semaphore, #tpu.memory_space<semaphore_mem>>)
      %dma_wait3A_186 = arith.constant 0 : i32
      %dma_wait3A_187 = tpu.memref_slice %arg19[%add3A_175, %dma_wait3A_186] : memref<10240x128xf32, #tpu.memory_space<vmem_shared>> -> memref<80x128xf32, #tpu.memory_space<vmem_shared>>
      %dma_wait3A_188 = arith.constant 0 : i32
      %dma_wait3A_189 = tpu.memref_slice %arg19[%add3A_175, %dma_wait3A_188] : memref<10240x128xf32, #tpu.memory_space<vmem_shared>> -> memref<80x128xf32, #tpu.memory_space<vmem_shared>>
      tpu.wait_dma2 semaphore(%run_scoped3A : memref<!tpu.dma_semaphore, #tpu.memory_space<semaphore_mem>>) src(%dma_wait3A_189 : memref<80x128xf32, #tpu.memory_space<vmem_shared>>) dst(%arg12 : memref<80x128xf32, #tpu.memory_space<vmem>>)
      tpu.yield
    }) : () -> ()
    %add3A_176 = arith.constant 480 : i32
    %add3A_177 = arith.addi %add3A_5, %add3A_176 : i32
    "tpu.region"() ({
      %run_scoped3A = tpu.sem_alloc : memref<!tpu.dma_semaphore, #tpu.memory_space<semaphore_mem>>
      %dma_start3A_182 = arith.constant 0 : i32
      %dma_start3A_183 = tpu.memref_slice %arg6[%add3A_177, %dma_start3A_182] : memref<20480x128xf32, #tpu.memory_space<hbm>> -> memref<80x128xf32, #tpu.memory_space<hbm>>
      %dma_start3A_184 = arith.constant 0 : i32
      %dma_start3A_185 = tpu.memref_slice %arg6[%add3A_177, %dma_start3A_184] : memref<20480x128xf32, #tpu.memory_space<hbm>> -> memref<80x128xf32, #tpu.memory_space<hbm>>
      tpu.enqueue_dma source(%arg12 : memref<80x128xf32, #tpu.memory_space<vmem>>) target(%dma_start3A_185 : memref<80x128xf32, #tpu.memory_space<hbm>>) target_semaphore(%run_scoped3A : memref<!tpu.dma_semaphore, #tpu.memory_space<semaphore_mem>>)
      %dma_wait3A_186 = arith.constant 0 : i32
      %dma_wait3A_187 = tpu.memref_slice %arg6[%add3A_177, %dma_wait3A_186] : memref<20480x128xf32, #tpu.memory_space<hbm>> -> memref<80x128xf32, #tpu.memory_space<hbm>>
      %dma_wait3A_188 = arith.constant 0 : i32
      %dma_wait3A_189 = tpu.memref_slice %arg6[%add3A_177, %dma_wait3A_188] : memref<20480x128xf32, #tpu.memory_space<hbm>> -> memref<80x128xf32, #tpu.memory_space<hbm>>
      tpu.wait_dma2 semaphore(%run_scoped3A : memref<!tpu.dma_semaphore, #tpu.memory_space<semaphore_mem>>) src(%arg12 : memref<80x128xf32, #tpu.memory_space<vmem>>) dst(%dma_wait3A_189 : memref<80x128xf32, #tpu.memory_space<hbm>>)
      tpu.yield
    }) : () -> ()
    %add3A_178 = arith.constant 560 : i32
    %add3A_179 = arith.addi %mul3A_2, %add3A_178 : i32
    "tpu.region"() ({
      %run_scoped3A = tpu.sem_alloc : memref<!tpu.dma_semaphore, #tpu.memory_space<semaphore_mem>>
      %dma_start3A_182 = arith.constant 0 : i32
      %dma_start3A_183 = tpu.memref_slice %arg19[%add3A_179, %dma_start3A_182] : memref<10240x128xf32, #tpu.memory_space<vmem_shared>> -> memref<80x128xf32, #tpu.memory_space<vmem_shared>>
      %dma_start3A_184 = arith.constant 0 : i32
      %dma_start3A_185 = tpu.memref_slice %arg19[%add3A_179, %dma_start3A_184] : memref<10240x128xf32, #tpu.memory_space<vmem_shared>> -> memref<80x128xf32, #tpu.memory_space<vmem_shared>>
      tpu.enqueue_dma source(%dma_start3A_185 : memref<80x128xf32, #tpu.memory_space<vmem_shared>>) target(%arg12 : memref<80x128xf32, #tpu.memory_space<vmem>>) target_semaphore(%run_scoped3A : memref<!tpu.dma_semaphore, #tpu.memory_space<semaphore_mem>>)
      %dma_wait3A_186 = arith.constant 0 : i32
      %dma_wait3A_187 = tpu.memref_slice %arg19[%add3A_179, %dma_wait3A_186] : memref<10240x128xf32, #tpu.memory_space<vmem_shared>> -> memref<80x128xf32, #tpu.memory_space<vmem_shared>>
      %dma_wait3A_188 = arith.constant 0 : i32
      %dma_wait3A_189 = tpu.memref_slice %arg19[%add3A_179, %dma_wait3A_188] : memref<10240x128xf32, #tpu.memory_space<vmem_shared>> -> memref<80x128xf32, #tpu.memory_space<vmem_shared>>
      tpu.wait_dma2 semaphore(%run_scoped3A : memref<!tpu.dma_semaphore, #tpu.memory_space<semaphore_mem>>) src(%dma_wait3A_189 : memref<80x128xf32, #tpu.memory_space<vmem_shared>>) dst(%arg12 : memref<80x128xf32, #tpu.memory_space<vmem>>)
      tpu.yield
    }) : () -> ()
    %add3A_180 = arith.constant 560 : i32
    %add3A_181 = arith.addi %add3A_5, %add3A_180 : i32
    "tpu.region"() ({
      %run_scoped3A = tpu.sem_alloc : memref<!tpu.dma_semaphore, #tpu.memory_space<semaphore_mem>>
      %dma_start3A_182 = arith.constant 0 : i32
      %dma_start3A_183 = tpu.memref_slice %arg6[%add3A_181, %dma_start3A_182] : memref<20480x128xf32, #tpu.memory_space<hbm>> -> memref<80x128xf32, #tpu.memory_space<hbm>>
      %dma_start3A_184 = arith.constant 0 : i32
      %dma_start3A_185 = tpu.memref_slice %arg6[%add3A_181, %dma_start3A_184] : memref<20480x128xf32, #tpu.memory_space<hbm>> -> memref<80x128xf32, #tpu.memory_space<hbm>>
      tpu.enqueue_dma source(%arg12 : memref<80x128xf32, #tpu.memory_space<vmem>>) target(%dma_start3A_185 : memref<80x128xf32, #tpu.memory_space<hbm>>) target_semaphore(%run_scoped3A : memref<!tpu.dma_semaphore, #tpu.memory_space<semaphore_mem>>)
      %dma_wait3A_186 = arith.constant 0 : i32
      %dma_wait3A_187 = tpu.memref_slice %arg6[%add3A_181, %dma_wait3A_186] : memref<20480x128xf32, #tpu.memory_space<hbm>> -> memref<80x128xf32, #tpu.memory_space<hbm>>
      %dma_wait3A_188 = arith.constant 0 : i32
      %dma_wait3A_189 = tpu.memref_slice %arg6[%add3A_181, %dma_wait3A_188] : memref<20480x128xf32, #tpu.memory_space<hbm>> -> memref<80x128xf32, #tpu.memory_space<hbm>>
      tpu.wait_dma2 semaphore(%run_scoped3A : memref<!tpu.dma_semaphore, #tpu.memory_space<semaphore_mem>>) src(%arg12 : memref<80x128xf32, #tpu.memory_space<vmem>>) dst(%dma_wait3A_189 : memref<80x128xf32, #tpu.memory_space<hbm>>)
      tpu.yield
    }) : () -> ()
    return
  }
}

module attributes {stable_mosaic.version = 14 : i64} {
  func.func @_dense_body(%arg0: i32, %arg1: memref<1x1000x128xf32, #tpu.memory_space<vmem>>, %arg2: memref<1x1000x128xf32, #tpu.memory_space<vmem>>, %arg3: memref<1x1000x128xf32, #tpu.memory_space<vmem>>, %arg4: memref<1x1000x128xf32, #tpu.memory_space<vmem>>, %arg5: memref<1000x128xf32, #tpu.memory_space<vmem>>, %arg6: memref<128x128xf32, #tpu.memory_space<vmem>>, %arg7: memref<128x128xf32, #tpu.memory_space<vmem>>, %arg8: memref<1x128xf32, #tpu.memory_space<vmem>>, %arg9: memref<1000x128xf32, #tpu.memory_space<vmem>>, %arg10: memref<8x128xf32, #tpu.memory_space<vmem>>) attributes {dimension_semantics = [#tpu.dimension_semantics<arbitrary>], iteration_bounds = array<i64: 10>, scalar_prefetch = 0 : i64, scratch_operands = 0 : i64, tpu.core_type = #tpu.core_type<tc>, window_params = [{transform_indices = @transform_0, window_bounds = array<i64: 1, 1000, 128>}, {transform_indices = @transform_1, window_bounds = array<i64: 1, 1000, 128>}, {transform_indices = @transform_2, window_bounds = array<i64: 1, 1000, 128>}, {transform_indices = @transform_3, window_bounds = array<i64: 1, 1000, 128>}, {transform_indices = @transform_4, window_bounds = array<i64: 1000, 128>}, {pipeline_mode = #tpu.pipeline_mode<synchronous>, transform_indices = @transform_5, window_bounds = array<i64: 128, 128>}, {pipeline_mode = #tpu.pipeline_mode<synchronous>, transform_indices = @transform_6, window_bounds = array<i64: 128, 128>}, {pipeline_mode = #tpu.pipeline_mode<synchronous>, transform_indices = @transform_7, window_bounds = array<i64: 1, 128>}, {transform_indices = @transform_8, window_bounds = array<i64: 1000, 128>}, {pipeline_mode = #tpu.pipeline_mode<synchronous>, transform_indices = @transform_9, window_bounds = array<i64: 8, 128>}]} {
    %get3A = arith.constant 0 : index
    %get3A_0 = arith.constant 0 : index
    %get3A_1 = arith.constant 0 : index
    %get3A_2 = vector.load %arg3[%get3A, %get3A_0, %get3A_1] : memref<1x1000x128xf32, #tpu.memory_space<vmem>>, vector<1x1000x1xf32>
    %get3A_3 = vector.shape_cast %get3A_2 : vector<1x1000x1xf32> to vector<1000x1xf32>
    %get3A_4 = arith.constant 0 : index
    %get3A_5 = arith.constant 0 : index
    %get3A_6 = arith.constant 0 : index
    %get3A_7 = vector.load %arg4[%get3A_4, %get3A_5, %get3A_6] : memref<1x1000x128xf32, #tpu.memory_space<vmem>>, vector<1x1000x1xf32>
    %get3A_8 = vector.shape_cast %get3A_7 : vector<1x1000x1xf32> to vector<1000x1xf32>
    %add3A = arith.addf %get3A_3, %get3A_8 : vector<1000x1xf32>
    %max3A = arith.constant 1.000000e+00 : f32
    %max3A_9 = vector.broadcast %max3A : f32 to vector<1000x1xf32>
    %max3A_10 = arith.maximumf %add3A, %max3A_9 : vector<1000x1xf32>
    %get3A_11 = arith.constant 0 : index
    %get3A_12 = arith.constant 0 : index
    %get3A_13 = arith.constant 0 : index
    %get3A_14 = vector.load %arg1[%get3A_11, %get3A_12, %get3A_13] : memref<1x1000x128xf32, #tpu.memory_space<vmem>>, vector<1x1000x128xf32>
    %get3A_15 = vector.shape_cast %get3A_14 : vector<1x1000x128xf32> to vector<1000x128xf32>
    %get3A_16 = arith.constant 0 : index
    %get3A_17 = arith.constant 0 : index
    %get3A_18 = arith.constant 0 : index
    %get3A_19 = vector.load %arg2[%get3A_16, %get3A_17, %get3A_18] : memref<1x1000x128xf32, #tpu.memory_space<vmem>>, vector<1x1000x128xf32>
    %get3A_20 = vector.shape_cast %get3A_19 : vector<1x1000x128xf32> to vector<1000x128xf32>
    %add3A_21 = arith.addf %get3A_15, %get3A_20 : vector<1000x128xf32>
    %div3A = vector.broadcast %max3A_10 : vector<1000x1xf32> to vector<1000x128xf32>
    %div3A_22 = arith.divf %add3A_21, %div3A : vector<1000x128xf32>
    %get3A_23 = arith.constant 0 : index
    %get3A_24 = arith.constant 0 : index
    %get3A_25 = vector.load %arg6[%get3A_23, %get3A_24] : memref<128x128xf32, #tpu.memory_space<vmem>>, vector<128x128xf32>
    %dot_general3A = arith.constant dense<0.000000e+00> : vector<1000x128xf32>
    %dot_general3A_26 = tpu.matmul %div3A_22, %get3A_25, %dot_general3A {dimension_numbers = #tpu.dot_dimension_numbers<[1], [0], [0], [1], [0, 0, 1, 1], [], []>, transpose_lhs_hint = false} : vector<1000x128xf32>, vector<128x128xf32>, vector<1000x128xf32> -> vector<1000x128xf32>
    %get3A_27 = arith.constant 0 : index
    %get3A_28 = arith.constant 0 : index
    %get3A_29 = vector.load %arg5[%get3A_27, %get3A_28] : memref<1000x128xf32, #tpu.memory_space<vmem>>, vector<1000x128xf32>
    %get3A_30 = arith.constant 0 : index
    %get3A_31 = arith.constant 0 : index
    %get3A_32 = vector.load %arg7[%get3A_30, %get3A_31] : memref<128x128xf32, #tpu.memory_space<vmem>>, vector<128x128xf32>
    %dot_general3A_33 = arith.constant dense<0.000000e+00> : vector<1000x128xf32>
    %dot_general3A_34 = tpu.matmul %get3A_29, %get3A_32, %dot_general3A_33 {dimension_numbers = #tpu.dot_dimension_numbers<[1], [0], [0], [1], [0, 0, 1, 1], [], []>, transpose_lhs_hint = false} : vector<1000x128xf32>, vector<128x128xf32>, vector<1000x128xf32> -> vector<1000x128xf32>
    %add3A_35 = arith.addf %dot_general3A_26, %dot_general3A_34 : vector<1000x128xf32>
    %get3A_36 = arith.constant 0 : index
    %get3A_37 = arith.constant 0 : index
    %get3A_38 = vector.load %arg8[%get3A_36, %get3A_37] : memref<1x128xf32, #tpu.memory_space<vmem>>, vector<1x128xf32>
    %add3A_39 = vector.broadcast %get3A_38 : vector<1x128xf32> to vector<1000x128xf32>
    %add3A_40 = arith.addf %add3A_35, %add3A_39 : vector<1000x128xf32>
    %swap3A = arith.constant 0 : index
    %swap3A_41 = arith.constant 0 : index
    %swap3A_42 = vector.load %arg9[%swap3A, %swap3A_41] : memref<1000x128xf32, #tpu.memory_space<vmem>>, vector<1000x128xf32>
    tpu.vector_store %arg9[%swap3A, %swap3A_41], %add3A_40 {strides = array<i32>} : memref<1000x128xf32, #tpu.memory_space<vmem>>, vector<1000x128xf32>,
    %eq3A = arith.constant 0 : i32
    %eq3A_43 = arith.cmpi eq, %arg0, %eq3A : i32
    %convert_element_type3A = arith.extui %eq3A_43 : i1 to i32
    %cond3A = arith.constant 0 : i32
    %cond3A_44 = arith.cmpi ne, %convert_element_type3A, %cond3A : i32
    scf.if %cond3A_44 {
      %broadcast_in_dim3A_63 = arith.constant 0.000000e+00 : f32
      %broadcast_in_dim3A_64 = vector.broadcast %broadcast_in_dim3A_63 : f32 to vector<8x128xf32>
      %swap3A_65 = arith.constant 0 : index
      %swap3A_66 = arith.constant 0 : index
      %swap3A_67 = vector.load %arg10[%swap3A_65, %swap3A_66] : memref<8x128xf32, #tpu.memory_space<vmem>>, vector<8x128xf32>
      tpu.vector_store %arg10[%swap3A_65, %swap3A_66], %broadcast_in_dim3A_64 {strides = array<i32>} : memref<8x128xf32, #tpu.memory_space<vmem>>, vector<8x128xf32>,
    } else {
    }
    %get3A_45 = arith.constant 0 : index
    %get3A_46 = arith.constant 0 : index
    %get3A_47 = vector.load %arg10[%get3A_45, %get3A_46] : memref<8x128xf32, #tpu.memory_space<vmem>>, vector<1x128xf32>
    %reduce_sum3A = arith.constant dense<0.000000e+00> : vector<128xf32>
    %reduce_sum3A_48 = vector.multi_reduction <add>, %add3A_40, %reduce_sum3A [0] : vector<1000x128xf32> to vector<128xf32>
    %broadcast_in_dim3A = vector.shape_cast %reduce_sum3A_48 : vector<128xf32> to vector<1x128xf32>
    %add3A_49 = arith.addf %get3A_47, %broadcast_in_dim3A : vector<1x128xf32>
    %swap3A_50 = arith.constant 0 : index
    %swap3A_51 = arith.constant 0 : index
    %swap3A_52 = vector.load %arg10[%swap3A_50, %swap3A_51] : memref<8x128xf32, #tpu.memory_space<vmem>>, vector<1x128xf32>
    tpu.vector_store %arg10[%swap3A_50, %swap3A_51], %add3A_49 {strides = array<i32>} : memref<8x128xf32, #tpu.memory_space<vmem>>, vector<1x128xf32>,
    %get3A_53 = arith.constant 1 : index
    %get3A_54 = arith.constant 0 : index
    %get3A_55 = vector.load %arg10[%get3A_53, %get3A_54] : memref<8x128xf32, #tpu.memory_space<vmem>>, vector<1x128xf32>
    %mul3A = arith.mulf %add3A_40, %add3A_40 : vector<1000x128xf32>
    %reduce_sum3A_56 = arith.constant dense<0.000000e+00> : vector<128xf32>
    %reduce_sum3A_57 = vector.multi_reduction <add>, %mul3A, %reduce_sum3A_56 [0] : vector<1000x128xf32> to vector<128xf32>
    %broadcast_in_dim3A_58 = vector.shape_cast %reduce_sum3A_57 : vector<128xf32> to vector<1x128xf32>
    %add3A_59 = arith.addf %get3A_55, %broadcast_in_dim3A_58 : vector<1x128xf32>
    %swap3A_60 = arith.constant 1 : index
    %swap3A_61 = arith.constant 0 : index
    %swap3A_62 = vector.load %arg10[%swap3A_60, %swap3A_61] : memref<8x128xf32, #tpu.memory_space<vmem>>, vector<1x128xf32>
    tpu.vector_store %arg10[%swap3A_60, %swap3A_61], %add3A_59 {strides = array<i32>} : memref<8x128xf32, #tpu.memory_space<vmem>>, vector<1x128xf32>,
    return
  }
  func.func @transform_0(%arg0: i32) -> (i32, i32, i32) {
    %c0_i32 = arith.constant 0 : i32
    %c0_i32_0 = arith.constant 0 : i32
    %c0_i32_1 = arith.constant 0 : i32
    return %c0_i32, %arg0, %c0_i32_0 : i32, i32, i32
  }
  func.func @transform_1(%arg0: i32) -> (i32, i32, i32) {
    %c1_i32 = arith.constant 1 : i32
    %c0_i32 = arith.constant 0 : i32
    %c0_i32_0 = arith.constant 0 : i32
    return %c1_i32, %arg0, %c0_i32 : i32, i32, i32
  }
  func.func @transform_2(%arg0: i32) -> (i32, i32, i32) {
    %c0_i32 = arith.constant 0 : i32
    %c0_i32_0 = arith.constant 0 : i32
    %c0_i32_1 = arith.constant 0 : i32
    return %c0_i32, %arg0, %c0_i32_0 : i32, i32, i32
  }
  func.func @transform_3(%arg0: i32) -> (i32, i32, i32) {
    %c1_i32 = arith.constant 1 : i32
    %c0_i32 = arith.constant 0 : i32
    %c0_i32_0 = arith.constant 0 : i32
    return %c1_i32, %arg0, %c0_i32 : i32, i32, i32
  }
  func.func @transform_4(%arg0: i32) -> (i32, i32) {
    %c0_i32 = arith.constant 0 : i32
    %c0_i32_0 = arith.constant 0 : i32
    return %arg0, %c0_i32 : i32, i32
  }
  func.func @transform_5(%arg0: i32) -> (i32, i32) {
    %c0_i32 = arith.constant 0 : i32
    %c0_i32_0 = arith.constant 0 : i32
    %c0_i32_1 = arith.constant 0 : i32
    return %c0_i32, %c0_i32_0 : i32, i32
  }
  func.func @transform_6(%arg0: i32) -> (i32, i32) {
    %c0_i32 = arith.constant 0 : i32
    %c0_i32_0 = arith.constant 0 : i32
    %c0_i32_1 = arith.constant 0 : i32
    return %c0_i32, %c0_i32_0 : i32, i32
  }
  func.func @transform_7(%arg0: i32) -> (i32, i32) {
    %c0_i32 = arith.constant 0 : i32
    %c0_i32_0 = arith.constant 0 : i32
    %c0_i32_1 = arith.constant 0 : i32
    return %c0_i32, %c0_i32_0 : i32, i32
  }
  func.func @transform_8(%arg0: i32) -> (i32, i32) {
    %c0_i32 = arith.constant 0 : i32
    %c0_i32_0 = arith.constant 0 : i32
    return %arg0, %c0_i32 : i32, i32
  }
  func.func @transform_9(%arg0: i32) -> (i32, i32) {
    %c0_i32 = arith.constant 0 : i32
    %c0_i32_0 = arith.constant 0 : i32
    %c0_i32_1 = arith.constant 0 : i32
    return %c0_i32, %c0_i32_0 : i32, i32
  }
}

module attributes {stable_mosaic.version = 14 : i64} {
  func.func @_lambda_(%arg0: i32, %arg1: memref<1000x128xf32, #tpu.memory_space<vmem>>, %arg2: memref<8x128xf32, #tpu.memory_space<vmem>>, %arg3: memref<1x128xf32, #tpu.memory_space<vmem>>, %arg4: memref<1x128xf32, #tpu.memory_space<vmem>>, %arg5: memref<1000x128xf32, #tpu.memory_space<vmem>>) attributes {dimension_semantics = [#tpu.dimension_semantics<arbitrary>], iteration_bounds = array<i64: 10>, scalar_prefetch = 0 : i64, scratch_operands = 0 : i64, tpu.core_type = #tpu.core_type<tc>, window_params = [{transform_indices = @transform_0, window_bounds = array<i64: 1000, 128>}, {pipeline_mode = #tpu.pipeline_mode<synchronous>, transform_indices = @transform_1, window_bounds = array<i64: 8, 128>}, {pipeline_mode = #tpu.pipeline_mode<synchronous>, transform_indices = @transform_2, window_bounds = array<i64: 1, 128>}, {pipeline_mode = #tpu.pipeline_mode<synchronous>, transform_indices = @transform_3, window_bounds = array<i64: 1, 128>}, {transform_indices = @transform_4, window_bounds = array<i64: 1000, 128>}]} {
    %get3A = arith.constant 0 : index
    %get3A_0 = arith.constant 0 : index
    %get3A_1 = vector.load %arg2[%get3A, %get3A_0] : memref<8x128xf32, #tpu.memory_space<vmem>>, vector<1x128xf32>
    %mul3A = arith.constant 9.99999974E-5 : f32
    %mul3A_2 = vector.broadcast %mul3A : f32 to vector<1x128xf32>
    %mul3A_3 = arith.mulf %get3A_1, %mul3A_2 : vector<1x128xf32>
    %get3A_4 = arith.constant 1 : index
    %get3A_5 = arith.constant 0 : index
    %get3A_6 = vector.load %arg2[%get3A_4, %get3A_5] : memref<8x128xf32, #tpu.memory_space<vmem>>, vector<1x128xf32>
    %mul3A_7 = arith.constant 9.99999974E-5 : f32
    %mul3A_8 = vector.broadcast %mul3A_7 : f32 to vector<1x128xf32>
    %mul3A_9 = arith.mulf %get3A_6, %mul3A_8 : vector<1x128xf32>
    %mul3A_10 = arith.mulf %mul3A_3, %mul3A_3 : vector<1x128xf32>
    %sub3A = arith.subf %mul3A_9, %mul3A_10 : vector<1x128xf32>
    %get3A_11 = arith.constant 0 : index
    %get3A_12 = arith.constant 0 : index
    %get3A_13 = vector.load %arg3[%get3A_11, %get3A_12] : memref<1x128xf32, #tpu.memory_space<vmem>>, vector<1x128xf32>
    %add3A = arith.constant 9.99999974E-6 : f32
    %add3A_14 = vector.broadcast %add3A : f32 to vector<1x128xf32>
    %add3A_15 = arith.addf %sub3A, %add3A_14 : vector<1x128xf32>
    %rsqrt3A = math.rsqrt %add3A_15 : vector<1x128xf32>
    %mul3A_16 = arith.mulf %get3A_13, %rsqrt3A : vector<1x128xf32>
    %get3A_17 = arith.constant 0 : index
    %get3A_18 = arith.constant 0 : index
    %get3A_19 = vector.load %arg4[%get3A_17, %get3A_18] : memref<1x128xf32, #tpu.memory_space<vmem>>, vector<1x128xf32>
    %mul3A_20 = arith.mulf %mul3A_3, %mul3A_16 : vector<1x128xf32>
    %sub3A_21 = arith.subf %get3A_19, %mul3A_20 : vector<1x128xf32>
    %get3A_22 = arith.constant 0 : index
    %get3A_23 = arith.constant 0 : index
    %get3A_24 = vector.load %arg1[%get3A_22, %get3A_23] : memref<1000x128xf32, #tpu.memory_space<vmem>>, vector<1000x128xf32>
    %mul3A_25 = vector.broadcast %mul3A_16 : vector<1x128xf32> to vector<1000x128xf32>
    %mul3A_26 = arith.mulf %get3A_24, %mul3A_25 : vector<1000x128xf32>
    %add3A_27 = vector.broadcast %sub3A_21 : vector<1x128xf32> to vector<1000x128xf32>
    %add3A_28 = arith.addf %mul3A_26, %add3A_27 : vector<1000x128xf32>
    %swap3A = arith.constant 0 : index
    %swap3A_29 = arith.constant 0 : index
    %swap3A_30 = vector.load %arg5[%swap3A, %swap3A_29] : memref<1000x128xf32, #tpu.memory_space<vmem>>, vector<1000x128xf32>
    tpu.vector_store %arg5[%swap3A, %swap3A_29], %add3A_28 {strides = array<i32>} : memref<1000x128xf32, #tpu.memory_space<vmem>>, vector<1000x128xf32>,
    return
  }
  func.func @transform_0(%arg0: i32) -> (i32, i32) {
    %c0_i32 = arith.constant 0 : i32
    %c0_i32_0 = arith.constant 0 : i32
    return %arg0, %c0_i32 : i32, i32
  }
  func.func @transform_1(%arg0: i32) -> (i32, i32) {
    %c0_i32 = arith.constant 0 : i32
    %c0_i32_0 = arith.constant 0 : i32
    %c0_i32_1 = arith.constant 0 : i32
    return %c0_i32, %c0_i32_0 : i32, i32
  }
  func.func @transform_2(%arg0: i32) -> (i32, i32) {
    %c0_i32 = arith.constant 0 : i32
    %c0_i32_0 = arith.constant 0 : i32
    %c0_i32_1 = arith.constant 0 : i32
    return %c0_i32, %c0_i32_0 : i32, i32
  }
  func.func @transform_3(%arg0: i32) -> (i32, i32) {
    %c0_i32 = arith.constant 0 : i32
    %c0_i32_0 = arith.constant 0 : i32
    %c0_i32_1 = arith.constant 0 : i32
    return %c0_i32, %c0_i32_0 : i32, i32
  }
  func.func @transform_4(%arg0: i32) -> (i32, i32) {
    %c0_i32 = arith.constant 0 : i32
    %c0_i32_0 = arith.constant 0 : i32
    return %arg0, %c0_i32 : i32, i32
  }
}

module attributes {stable_mosaic.version = 14 : i64} {
  func.func @_affine_body(%arg0: i32, %arg1: memref<1000x128xf32, #tpu.memory_space<vmem>>, %arg2: memref<8x128xf32, #tpu.memory_space<vmem>>, %arg3: memref<1x128xf32, #tpu.memory_space<vmem>>, %arg4: memref<1x128xf32, #tpu.memory_space<vmem>>, %arg5: memref<1000x128xf32, #tpu.memory_space<vmem>>, %arg6: memref<1000x128xf32, #tpu.memory_space<vmem>>) attributes {dimension_semantics = [#tpu.dimension_semantics<arbitrary>], iteration_bounds = array<i64: 10>, scalar_prefetch = 0 : i64, scratch_operands = 0 : i64, tpu.core_type = #tpu.core_type<tc>, window_params = [{transform_indices = @transform_0, window_bounds = array<i64: 1000, 128>}, {pipeline_mode = #tpu.pipeline_mode<synchronous>, transform_indices = @transform_1, window_bounds = array<i64: 8, 128>}, {pipeline_mode = #tpu.pipeline_mode<synchronous>, transform_indices = @transform_2, window_bounds = array<i64: 1, 128>}, {pipeline_mode = #tpu.pipeline_mode<synchronous>, transform_indices = @transform_3, window_bounds = array<i64: 1, 128>}, {transform_indices = @transform_4, window_bounds = array<i64: 1000, 128>}, {transform_indices = @transform_5, window_bounds = array<i64: 1000, 128>}]} {
    %get3A = arith.constant 0 : index
    %get3A_0 = arith.constant 0 : index
    %get3A_1 = vector.load %arg2[%get3A, %get3A_0] : memref<8x128xf32, #tpu.memory_space<vmem>>, vector<1x128xf32>
    %mul3A = arith.constant 9.99999974E-5 : f32
    %mul3A_2 = vector.broadcast %mul3A : f32 to vector<1x128xf32>
    %mul3A_3 = arith.mulf %get3A_1, %mul3A_2 : vector<1x128xf32>
    %get3A_4 = arith.constant 1 : index
    %get3A_5 = arith.constant 0 : index
    %get3A_6 = vector.load %arg2[%get3A_4, %get3A_5] : memref<8x128xf32, #tpu.memory_space<vmem>>, vector<1x128xf32>
    %mul3A_7 = arith.constant 9.99999974E-5 : f32
    %mul3A_8 = vector.broadcast %mul3A_7 : f32 to vector<1x128xf32>
    %mul3A_9 = arith.mulf %get3A_6, %mul3A_8 : vector<1x128xf32>
    %mul3A_10 = arith.mulf %mul3A_3, %mul3A_3 : vector<1x128xf32>
    %sub3A = arith.subf %mul3A_9, %mul3A_10 : vector<1x128xf32>
    %get3A_11 = arith.constant 0 : index
    %get3A_12 = arith.constant 0 : index
    %get3A_13 = vector.load %arg3[%get3A_11, %get3A_12] : memref<1x128xf32, #tpu.memory_space<vmem>>, vector<1x128xf32>
    %add3A = arith.constant 9.99999974E-6 : f32
    %add3A_14 = vector.broadcast %add3A : f32 to vector<1x128xf32>
    %add3A_15 = arith.addf %sub3A, %add3A_14 : vector<1x128xf32>
    %rsqrt3A = math.rsqrt %add3A_15 : vector<1x128xf32>
    %mul3A_16 = arith.mulf %get3A_13, %rsqrt3A : vector<1x128xf32>
    %get3A_17 = arith.constant 0 : index
    %get3A_18 = arith.constant 0 : index
    %get3A_19 = vector.load %arg4[%get3A_17, %get3A_18] : memref<1x128xf32, #tpu.memory_space<vmem>>, vector<1x128xf32>
    %mul3A_20 = arith.mulf %mul3A_3, %mul3A_16 : vector<1x128xf32>
    %sub3A_21 = arith.subf %get3A_19, %mul3A_20 : vector<1x128xf32>
    %get3A_22 = arith.constant 0 : index
    %get3A_23 = arith.constant 0 : index
    %get3A_24 = vector.load %arg1[%get3A_22, %get3A_23] : memref<1000x128xf32, #tpu.memory_space<vmem>>, vector<1000x128xf32>
    %mul3A_25 = vector.broadcast %mul3A_16 : vector<1x128xf32> to vector<1000x128xf32>
    %mul3A_26 = arith.mulf %get3A_24, %mul3A_25 : vector<1000x128xf32>
    %add3A_27 = vector.broadcast %sub3A_21 : vector<1x128xf32> to vector<1000x128xf32>
    %add3A_28 = arith.addf %mul3A_26, %add3A_27 : vector<1000x128xf32>
    %get3A_29 = arith.constant 0 : index
    %get3A_30 = arith.constant 0 : index
    %get3A_31 = vector.load %arg5[%get3A_29, %get3A_30] : memref<1000x128xf32, #tpu.memory_space<vmem>>, vector<1000x128xf32>
    %add3A_32 = arith.addf %add3A_28, %get3A_31 : vector<1000x128xf32>
    %swap3A = arith.constant 0 : index
    %swap3A_33 = arith.constant 0 : index
    %swap3A_34 = vector.load %arg6[%swap3A, %swap3A_33] : memref<1000x128xf32, #tpu.memory_space<vmem>>, vector<1000x128xf32>
    tpu.vector_store %arg6[%swap3A, %swap3A_33], %add3A_32 {strides = array<i32>} : memref<1000x128xf32, #tpu.memory_space<vmem>>, vector<1000x128xf32>,
    return
  }
  func.func @transform_0(%arg0: i32) -> (i32, i32) {
    %c0_i32 = arith.constant 0 : i32
    %c0_i32_0 = arith.constant 0 : i32
    return %arg0, %c0_i32 : i32, i32
  }
  func.func @transform_1(%arg0: i32) -> (i32, i32) {
    %c0_i32 = arith.constant 0 : i32
    %c0_i32_0 = arith.constant 0 : i32
    %c0_i32_1 = arith.constant 0 : i32
    return %c0_i32, %c0_i32_0 : i32, i32
  }
  func.func @transform_2(%arg0: i32) -> (i32, i32) {
    %c0_i32 = arith.constant 0 : i32
    %c0_i32_0 = arith.constant 0 : i32
    %c0_i32_1 = arith.constant 0 : i32
    return %c0_i32, %c0_i32_0 : i32, i32
  }
  func.func @transform_3(%arg0: i32) -> (i32, i32) {
    %c0_i32 = arith.constant 0 : i32
    %c0_i32_0 = arith.constant 0 : i32
    %c0_i32_1 = arith.constant 0 : i32
    return %c0_i32, %c0_i32_0 : i32, i32
  }
  func.func @transform_4(%arg0: i32) -> (i32, i32) {
    %c0_i32 = arith.constant 0 : i32
    %c0_i32_0 = arith.constant 0 : i32
    return %arg0, %c0_i32 : i32, i32
  }
  func.func @transform_5(%arg0: i32) -> (i32, i32) {
    %c0_i32 = arith.constant 0 : i32
    %c0_i32_0 = arith.constant 0 : i32
    return %arg0, %c0_i32 : i32, i32
  }
}

</mosaic_0001>

<sc_bundles>
// kernel: kernel.11.cloned.1.call-start
scs
__scs_entry_jumppad:
0x0: {  	(pc) =	sbr.rel $0x88, $3  }
0x1: {  	(tag) =	ssettag $0x0;
	lr =	simm.s32 $0x1  }
0x2: {  	[smem:$0x3F95] =	sst lr;
	_ =	strace $0xD0000000  }
0x3: {  	_ = 	snop  }
0x4: {  	_ = 	snop  }
0x5: {  	_ = 	snop  }
0x6: {  	_ = 	snop  }
0x7: {  	_ = 	snop  }
__scs_overlays_trampoline_lowered:
0x8: {  	[smem:$0x3FA4] =	sst s0  }
0x9: {  	[smem:$0x3FA5] =	sst s1  }
0xa: {  	[smem:$0x3FA6] =	sst s2  }
0xb: {  	[smem:$0x3FA7] =	sst s3  }
0xc: {  	[smem:$0x3FA8] =	sst s4  }
0xd: {  	[smem:$0x3FA9] =	sst s5  }
0xe: {  	[smem:$0x3FAA] =	sst s6  }
0xf: {  	[smem:$0x3FAB] =	sst s7  }
0x10: {  	[smem:$0x3FAC] =	sst s8  }
0x11: {  	[smem:$0x3FAD] =	sst s9;
	s0 =	simm.s32 @!p0 $0x0  }
0x12: {  	s1 =	sld [smem:$0x3F93];
	s0 =	simm.s32 @p0 $0x1  }
0x13: {  	[smem:$0x3FAE] =	sst s0;
	s0 =	simm.s32 @!p1 $0x0  }
0x14: {  	s2 =	sld [smem:$0x3F92];
	s0 =	simm.s32 @p1 $0x1  }
0x15: {  	[smem:$0x3FAF] =	sst s0;
	s0 =	simm.s32 @!p2 $0x0  }
0x16: {  	s3 =	sld [smem:$0x3FDB];
	s0 =	simm.s32 @p2 $0x1  }
0x17: {  	s4 =	simm.s32 $0x1BF5;
	[smem:$0x3FB1] =	sst s0  }
0x18: {  	s0 =	sld [smem:$0x3F94];
	_ =	swait.ge [sflag:s4], $0x0  }
0x19: {  	s7 =	sld [smem:$0x3F95]  }
0x1a: {  	s8 =	sadd.s32 $0xFFFFE003, lr  }
0x1b: {  	s9 =	sadd.s32 $0xFFFFFEF7, lr;
	s5 =	simm.s32 $0xFFFFFFFF;
	p2 =	slt.u32 s8, $0xFFFFF086  }
0x1c: {  	p1 =	slt.u32 s9, $0xF7A;
	s5 =	simm.s32 @!p2 $0x0  }
0x1d: {  	s5 =	simm.s32 @p1 $0x1;
	p0 =	seq.s32 s7, s2  }
0x1e: {  	s7 =	smul.u32 @!p0 $0xF7A, s2;
	p2 =	seq.s32 @!p0 s5, $0x0  }
0x1f: {  	s9 =	smul.u32 $0xF7A, s1;
	s8 =	simm.s32 @!p0 $0x1BF5;
	p2 =	por !p2, p0  }
0x20: {  	[sflag:s8] =	ssyncset.s32 @!p0 $0xFFFFF086;
	s6 =	sadd.s32 @!p0 s3, s7;
	s7 =	simm.s32 @!p0 $0x108  }
0x21: {  	s3 =	sadd.s32 s3, s9;
	s6 =	sadd.s32 @!p0 $0x88, s6;
	s7 =	simm.s32 @p2 $0x1082  }
0x22: {  	[simem:s7], [sflag:s8] =	dma.local @!p0 [hbm:s6], $0xF7A  }
0x23: {  	s9 =	sor.u32 $0xD0000000, s2;
	s6 =	simm.s32 $0x108;
	_ =	swait.ge @!p0 [sflag:s8], $0x0  }
0x24: {  	s3 =	sadd.s32 $0x88, s3;
	s6 =	simm.s32 @!p1 $0x1082;
	[sflag:s4] =	ssyncset.s32 $0xFFFFF086  }
0x25: {  	[simem:s6], [sflag:s4] =	dma.local [hbm:s3], $0xF7A  }
0x26: {  	[smem:$0x3F95] =	sst s1;
	(tag) =	ssettag s2;
	_ =	strace s9  }
0x27: {  	s1 =	sld [smem:$0x3FA5]  }
0x28: {  	s2 =	sld [smem:$0x3FA6]  }
0x29: {  	s4 =	sld [smem:$0x3FA8]  }
0x2a: {  	p0 =	seq.s32 s5, $0x0;
	s5 =	sld [smem:$0x3FA9]  }
0x2b: {  	s6 =	sld [smem:$0x3FAA]  }
0x2c: {  	s7 =	sld [smem:$0x3FAB]  }
0x2d: {  	s3 =	simm.s32 $0x108;
	s8 =	sld [smem:$0x3FAC]  }
0x2e: {  	s3 =	simm.s32 @!p0 $0x1082;
	s9 =	sld [smem:$0x3FAD]  }
0x2f: {  	lr =	sadd.s32 s0, s3;
	s0 =	sld [smem:$0x3FA4]  }
0x30: {  	s3 =	sld [smem:$0x3FA7]  }
0x31: {  	[smem:$0x3FB0] =	sst s10  }
0x32: {  	s10 =	sld [smem:$0x3FAE];
	_ =	sdelay $0x3  }
0x33: {  	p0 =	seq.s32 s10, $0x1;
	s10 =	sld [smem:$0x3FB0];
	_ =	sdelay $0x3  }
0x34: {  	[smem:$0x3FB0] =	sst s10  }
0x35: {  	s10 =	sld [smem:$0x3FAF];
	_ =	sdelay $0x3  }
0x36: {  	p1 =	seq.s32 s10, $0x1;
	s10 =	sld [smem:$0x3FB0];
	_ =	sdelay $0x3  }
0x37: {  	[smem:$0x3FB0] =	sst s10  }
0x38: {  	s10 =	sld [smem:$0x3FB1]  }
0x39: {  	_ = 	snop;
	(pc) =	sbr.ind lr, $3  }
0x3a: {  	_ = 	snop  }
0x3b: {  	_ = 	snop  }
0x3c: {  	p2 =	seq.s32 s10, $0x1;
	s10 =	sld [smem:$0x3FB0]  }
0x3d: {  	_ =	shalt  }
0x3e: {  	_ =	shalt  }
0x3f: {  	_ =	shalt  }
0x40: {  	_ =	shalt  }
0x41: {  	_ =	shalt  }
0x42: {  	_ =	shalt  }
0x43: {  	_ =	shalt  }
0x44: {  	_ =	shalt  }
0x45: {  	_ =	shalt  }
0x46: {  	_ =	shalt  }
0x47: {  	_ =	shalt  }
0x48: {  	_ =	shalt  }
0x49: {  	_ =	shalt  }
0x4a: {  	_ =	shalt  }
0x4b: {  	_ =	shalt  }
0x4c: {  	_ =	shalt  }
0x4d: {  	_ =	shalt  }
0x4e: {  	_ =	shalt  }
0x4f: {  	_ =	shalt  }
0x50: {  	_ =	shalt  }
0x51: {  	_ =	shalt  }
0x52: {  	_ =	shalt  }
0x53: {  	_ =	shalt  }
0x54: {  	_ =	shalt  }
0x55: {  	_ =	shalt  }
0x56: {  	_ =	shalt  }
0x57: {  	_ =	shalt  }
0x58: {  	_ =	shalt  }
0x59: {  	_ =	shalt  }
0x5a: {  	_ =	shalt  }
0x5b: {  	_ =	shalt  }
0x5c: {  	_ =	shalt  }
0x5d: {  	_ =	shalt  }
0x5e: {  	_ =	shalt  }
0x5f: {  	_ =	shalt  }
0x60: {  	_ =	shalt  }
0x61: {  	_ =	shalt  }
0x62: {  	_ =	shalt  }
0x63: {  	_ =	shalt  }
0x64: {  	_ =	shalt  }
0x65: {  	_ =	shalt  }
0x66: {  	_ =	shalt  }
0x67: {  	_ =	shalt  }
0x68: {  	_ =	shalt  }
0x69: {  	_ =	shalt  }
0x6a: {  	_ =	shalt  }
0x6b: {  	_ =	shalt  }
0x6c: {  	_ =	shalt  }
0x6d: {  	_ =	shalt  }
0x6e: {  	_ =	shalt  }
0x6f: {  	_ =	shalt  }
0x70: {  	_ =	shalt  }
0x71: {  	_ =	shalt  }
0x72: {  	_ =	shalt  }
0x73: {  	_ =	shalt  }
0x74: {  	_ =	shalt  }
0x75: {  	_ =	shalt  }
0x76: {  	_ =	shalt  }
0x77: {  	_ =	shalt  }
0x78: {  	_ =	shalt  }
0x79: {  	_ =	shalt  }
0x7a: {  	_ =	shalt  }
0x7b: {  	_ =	shalt  }
0x7c: {  	_ =	shalt  }
0x7d: {  	_ =	shalt  }
0x7e: {  	_ =	shalt  }
0x7f: {  	_ =	shalt  }
0x80: {  	_ =	shalt  }
0x81: {  	_ =	shalt  }
0x82: {  	_ =	shalt  }
0x83: {  	_ =	shalt  }
0x84: {  	_ =	shalt  }
0x85: {  	_ =	shalt  }
0x86: {  	_ =	shalt  }
0x87: {  	_ =	shalt  }
.Lfunc_end0:
.L_simem_size_0:
called_computation.1_lowered:
.L_overlay_start_0:
0x88: {  	s2 =	sld [smem:$0x3FD9]  }
0x89: {  	s3 =	sld [smem:$0x3FFE];
	_ =	sdelay $0x1  }
0x8a: {  	s1 =	srdreg.scid  }
0x8b: {  	s0 =	sand.u32 $0x1, s1  }
0x8c: {  	s17 =	sshll.u32 s0, $0xA;
	s2 =	sadd.s32 s3, s2  }
0x8d: {  	s2 =	sadd.s32 s2, s17  }
0x8e: {  	[smem:$0x3FBC] =	sst s2  }
0x8f: {  	_ = 	snop  }
0x90: {  	s2 =	sld [smem:$0x3FD0];
	(tm) =	ssettm $0x1  }
0x91: {  	s18 =	sld [smem:$0x3FFB];
	_ =	sdelay $0x3  }
0x92: {  	_ =	strace s18  }
0x93: {  	s3 =	sld [smem:$0x3FFC];
	_ =	sdelay $0x3  }
0x94: {  	_ =	strace s3  }
0x95: {  	s3 =	sld [smem:$0x3FFD];
	_ =	sdelay $0x3  }
0x96: {  	_ =	strace s3  }
0x97: {  	_ =	strace $0x8FFFFFFF  }
0x98: {  	s19 =	sld [smem:$0x3FDB];
	_ =	sdelay $0x1  }
0x99: {  	s4 =	simm.s32 $_scs_section_size  }
0x9a: {  	s5 =	simm.s32 $_size__tile_overlayer_lowered;
	s6 =	simm.s32 $_tile_overlayer_lowered  }
0x9b: {  	s22 =	simm.s32 $0x1BFF;
	s21 =	sshll.u32 s6, $0x1;
	s3 =	sadd.s32 s4, s19  }
0x9c: {  	s7 =	simm.s32 $0x0;
	s20 =	sshll.u32 s5, $0x1;
	s5 =	sadd.s32 s21, s3  }
0x9d: {  	[timem:s7], [sflag:s22] =	dma.local [hbm:s5], s20  }
0x9e: {  	_ =	swait.ge [sflag:s22], s20  }
0x9f: {  	s4 =	ssub.s32 $0x0, s20;
	[sflag:s22] =	ssyncset.done $0x0  }
0xa0: {  	[sflag:s22] =	ssyncadd.s32 s4;
	_ =	sdelay $0x1  }
0xa1: {  	s23 =	simm.s32 $0x1B8B  }
0xa2: {  	_ =	swait.ge [sflag:s23], $0x1  }
0xa3: {  	[sflag:s23] =	ssyncset.done $0x0  }
0xa4: {  	s25 =	simm.s32 $0x1B8E;
	s24 =	sld [smem:$0x3FFE];
	[sflag:s23] =	ssyncadd.s32 $0xFFFFFFFF  }
0xa5: {  	s26 =	simm.s32 $execute0_lowered;
	[smem:$0x3FD2] =	sst s25  }
0xa6: {  	s5 =	sshll.u32 s26, $0x1;
	_ =	strace $0x80000049;
	[dreg:$0x1] =	wrdreg $0xFFFFFFFF  }
0xa7: {  	s28 =	simm.s32 $_size_execute0_lowered;
	s3 =	sadd.s32 s3, s5;
	[dreg:$0x0] =	wrdreg $0x0  }
0xa8: {  	s5 =	sshll.u32 s28, $0x1;
	[dreg:$0x2] =	wrdreg s3  }
0xa9: {  	[dreg:$0x3] =	wrdreg s5  }
0xaa: {  	[dreg:$0x4] =	wrdreg $0xC0  }
0xab: {  	_ =	task [dreg:s7], $0x5FFFF  }
0xac: {  	[dreg:$0x1] =	wrdreg $0xFFFFFFFF  }
0xad: {  	[dreg:$0x0] =	wrdreg $0x60  }
0xae: {  	[dreg:$0x2] =	wrdreg s2  }
0xaf: {  	[dreg:$0x3] =	wrdreg s24  }
0xb0: {  	[dreg:$0x4] =	wrdreg $0xA4000  }
0xb1: {  	[dreg:$0x5] =	wrdreg $0x9  }
0xb2: {  	_ =	task.clear_ibuf [dreg:s7], $0x6FFFF;
	_ =	strace $0x90000049  }
0xb3: {  	s29 =	simm.s32 $0x9;
	_ =	strace $0x8000004B  }
0xb4: {  	_ =	swait.ge [sflag:s29], $0x1  }
0xb5: {  	[sflag:s29] =	ssyncadd.s32 $0xFFFFFFFF  }
0xb6: {  	_ =	strace $0x9000004B  }
0xb7: {  	_ =	sfence  }
0xb8: {  	s30 =	sld [smem:$0x0];
	_ =	sdelay $0x2  }
0xb9: {  	s31 =	sshll.u32 s1, $0xD;
	s1 =	sshrl.u32 s1, $0x2  }
0xba: {  	s3 =	sand.u32 $0x4000, s31;
	s1 =	sadd.s32 s1, s30  }
0xbb: {  	s0 =	sor.u32 s3, s0;
	s1 =	sshll.u32 s1, $0x11  }
0xbc: {  	s0 =	sor.u32 s1, s0  }
0xbd: {  	s0 =	sadd.s32 $0x8F2B, s0  }
0xbe: {  	[sflag:s0] =	ssyncadd.remote.s32 $0x1  }
0xbf: {  	_ =	sfence.sel $0xFFFF  }
0xc0: {  	[dreg:$0x0] =	wrdreg $0xFFFFFFFF;
	(pc) =	sbr.abs _section_cstart, $3  }
0xc1: {  	[dreg:$0x1] =	wrdreg $0xFFFFFFFF  }
0xc2: {  	_ =	task.clear_ibuf [dreg:s7], $0x2FFFF;
	_ =	strace $0x9FFFFFFF  }
0xc3: {  	(tm) =	ssettm $0x7FFFFFFF  }
tec
execute0_lowered:
.L_overlay_start_1:
0x0: {  	(tag) =	ssettag $0x1  }
0x1: {  	s2 =	rddreg [dreg:$0x0]  }
0x2: {  	s0 =	rddreg [dreg:$0x1]  }
0x3: {  	s3 =	rddreg [dreg:$0x2];
	s12 =	stileid.u32  }
0x4: {  	s1 =	srdreg.scid;
	s5 =	smul.u32 $0x280, s12  }
0x5: {  	s4 =	simm.s32 $0x0;
	s1 =	sand.u32 $0x1, s1;
	s9 =	smul.u32 $0x50000, s12  }
0x6: {  	[smem:$0x7FF] =	sst s4;
	s6 =	smul.u32 $0x2800, s1  }
0x7: {  	s7 =	sshll.u32 s1, $0x4;
	_ =	strace $0x8000004A;
	s26 =	ssub.s32 $0x2, s1  }
0x8: {  	s1 =	smul.u32 $0x27100, s1;
	s7 =	sor.u32 s12, s7;
	s10 =	sshrl.u32 s26, $0x1  }
0x9: {  	s9 =	sshrl.u32 s9, $0x2;
	s12 =	smul.u32 $0x2710, s12;
	s6 =	sadd.s32 s5, s6  }
0xa: {  	s7 =	smul.u32 $0x2710, s7;
	s5 =	sadd.s32 $0xCA00, s0;
	s30 =	sadd.s32 s9, s3  }
0xb: {  	s8 =	sshll.u32 s6, $0x4;
	s6 =	sadd.s32 $0x2C00, s0;
	s1 =	sadd.s32 s12, s1  }
0xc: {  	s28 =	sadd.s32 $0x5000, s30;
	s31 =	sadd.s32 $0x7800, s30;
	s0 =	sadd.s32 s8, s0  }
0xd: {  	s11 =	sshrl.u32 s7, $0x3;
	s8 =	ssub.s32 s26, s10;
	[dreg:$0x1e] =	wrdreg s28  }
0xe: {  	s20 =	sadd.s32 $0x190, s1;
	[dreg:$0x1f] =	wrdreg s31;
	s7 =	sadd.s32 s5, s11  }
0xf: {  	s24 =	sadd.s32 $0xF0, s1;
	s10 =	sadd.s32 s6, s11;
	[dreg:$0xa] =	wrdreg s7  }
0x10: {  	s13 =	sadd.s32 $0xA, s11;
	s22 =	sadd.s32 $0x16800, s0;
	[dreg:$0xb] =	wrdreg s10  }
0x11: {  	s21 =	sshrl.u32 s20, $0x3;
	s20 =	sadd.s32 $0x18600, s0;
	[dreg:$0x14] =	wrdreg s22  }
0x12: {  	s25 =	sshrl.u32 s24, $0x3;
	s24 =	sadd.s32 $0xC800, s30;
	[dreg:$0x1a] =	wrdreg s20  }
0x13: {  	s14 =	sadd.s32 s5, s13;
	[smem:$0x7FB] =	sst s24  }
0x14: {  	s15 =	sadd.s32 $0x4C4, s11;
	s9 =	sadd.s32 s6, s13;
	[dreg:$0xc] =	wrdreg s14  }
0x15: {  	s16 =	sadd.s32 s5, s15;
	[dreg:$0xd] =	wrdreg s9  }
0x16: {  	s17 =	sadd.s32 $0x4CE, s11;
	s10 =	sadd.s32 s6, s15;
	[dreg:$0xe] =	wrdreg s16  }
0x17: {  	s19 =	sadd.s32 $0x4D8, s11;
	s18 =	sadd.s32 s5, s17;
	[dreg:$0xf] =	wrdreg s10  }
0x18: {  	s11 =	sadd.s32 s5, s19;
	[dreg:$0x10] =	wrdreg s18  }
0x19: {  	s29 =	simm.s32 $0x0;
	s23 =	sadd.s32 s21, s6;
	[dreg:$0x12] =	wrdreg s11  }
0x1a: {  	s26 =	sadd.s32 s25, s6;
	s7 =	sadd.s32 $0xA0, s1;
	[dreg:$0x4] =	wrdreg s23  }
0x1b: {  	s13 =	sadd.s32 $0x16D00, s0;
	s15 =	sadd.s32 $0x17200, s0;
	[dreg:$0x6] =	wrdreg s26  }
0x1c: {  	s22 =	sadd.s32 $0x140, s1;
	s20 =	simm.s32 $0x1;
	[dreg:$0x15] =	wrdreg s13  }
0x1d: {  	s24 =	simm.s32 $0x2;
	s9 =	sadd.s32 s6, s17;
	[dreg:$0x16] =	wrdreg s15  }
0x1e: {  	s10 =	sadd.s32 s25, s5;
	s12 =	sshrl.u32 s7, $0x3;
	[dreg:$0x1d] =	wrdreg s22  }
0x1f: {  	s17 =	sadd.s32 $0x17700, s0;
	s18 =	sadd.s32 $0x17C00, s0;
	[dreg:$0x11] =	wrdreg s9  }
0x20: {  	s23 =	sadd.s32 $0xA000, s30;
	s25 =	sadd.s32 $0xF000, s30;
	[dreg:$0x7] =	wrdreg s10  }
0x21: {  	s26 =	sadd.s32 $0x11800, s30;
	s11 =	simm.s32 $0x5;
	[dreg:$0x17] =	wrdreg s17  }
0x22: {  	s13 =	simm.s32 $0x50;
	s15 =	simm.s32 $0x2980;
	[dreg:$0x18] =	wrdreg s18  }
0x23: {  	s22 =	simm.s32 $0x7B80;
	s9 =	sadd.s32 s6, s19;
	[smem:$0x7FA] =	sst s23  }
0x24: {  	s14 =	sadd.s32 s12, s6;
	s16 =	sadd.s32 s12, s5;
	[smem:$0x7FC] =	sst s25  }
0x25: {  	s19 =	sadd.s32 $0x18100, s0;
	s0 =	sadd.s32 $0x18B00, s0;
	[smem:$0x7FD] =	sst s26  }
0x26: {  	s10 =	simm.s32 $0x100;
	s12 =	simm.s32 $0x80;
	[dreg:$0x13] =	wrdreg s9  }
0x27: {  	s17 =	simm.s32 $0x5200;
	s18 =	simm.s32 $0x5280;
	[dreg:$0x8] =	wrdreg s14  }
0x28: {  	s23 =	simm.s32 $0x7C00;
	s25 =	simm.s32 $0x3;
	[dreg:$0x9] =	wrdreg s16  }
0x29: {  	s26 =	simm.s32 $0x4;
	s9 =	sadd.s32 s21, s5;
	[dreg:$0x19] =	wrdreg s19  }
0x2a: {  	[dreg:$0x1b] =	wrdreg s0;
	s21 =	smax.u32 s8, $0x1;
	s8 =	sadd.s32 $0x2800, s30  }
0x2b: {  	s14 =	simm.s32 $0x2900;
	s16 =	simm.s32 $0x2A00;
	[dreg:$0x5] =	wrdreg s9  }
0x2c: {  	v0 =	vimm.f32 $0.0e+00;
	s19 =	simm.s32 $0x5300;
	[dreg:$0x1c] =	wrdreg s21;
	s21 =	simm.s32 $0x7B00  }
.LBB2_1:
0x2d: {  	s0 =	simm.s32 $0x0;
	s1 =	simm.s32 $0x200  }
.LBB2_2:
0x2e: {  	p0 =	sne.s32 s1, $0x9E00;
	[tilespmem:s0+$0x170] =	vst v0  }
0x2f: {  	[tilespmem:s0+$0x100] =	vst v0  }
0x30: {  	[tilespmem:s0+$0x110] =	vst v0  }
.Ltmp0:
0x31: {  	[tilespmem:s0+$0x120] =	vst v0;
	(pc) =	sbr.rel @p0 .LBB2_2-.Ltmp0, $4  }
0x32: {  	[tilespmem:s0+$0x130] =	vst v0  }
0x33: {  	[tilespmem:s0+$0x140] =	vst v0  }
0x34: {  	[tilespmem:s0+$0x150] =	vst v0  }
0x35: {  	[tilespmem:s0+$0x160] =	vst v0;
	s0 =	sshra.s32 s1, $0x2;
	s1 =	sadd.s32 $0x200, s1  }
0x36: {  	[tilespmem:s0+$0x170] =	vst v0  }
0x37: {  	[tilespmem:s0+$0x100] =	vst v0  }
0x38: {  	[tilespmem:s0+$0x110] =	vst v0  }
0x39: {  	[tilespmem:s0+$0x120] =	vst v0  }
0x3a: {  	[tilespmem:s0+$0x130] =	vst v0  }
0x3b: {  	[tilespmem:s0+$0x140] =	vst v0  }
0x3c: {  	[tilespmem:s0+$0x150] =	vst v0  }
0x3d: {  	[tilespmem:s0+$0x160] =	vst v0  }
0x3e: {  	[spmem:s30] =	stream.linear.scatter [tilespmem:s10], [sflag:$0x5], $0x2800, $0x38;
	[tilespmem:$0x1E400] =	vst v63  }
0x3f: {  	_ =	swait.ge [sflag:s11], $0x2800  }
0x40: {  	[sflag:s11] =	ssyncset.done $0x0  }
0x41: {  	[sflag:s11] =	ssyncadd.s32 $0xFFFFD800  }
0x42: {  	[spmem:s8] =	stream.linear.scatter [tilespmem:s10], [sflag:$0x5], $0x2800, $0x38;
	[tilespmem:$0x1E400] =	vst v63  }
0x43: {  	_ =	swait.ge [sflag:s11], $0x2800  }
0x44: {  	[sflag:s11] =	ssyncset.done $0x0  }
0x45: {  	[sflag:s11] =	ssyncadd.s32 $0xFFFFD800  }
0x46: {  	[spmem:s28] =	stream.linear.scatter [tilespmem:s10], [sflag:$0x5], $0x2800, $0x38;
	[tilespmem:$0x1E400] =	vst v63  }
0x47: {  	_ =	swait.ge [sflag:s11], $0x2800  }
0x48: {  	[sflag:s11] =	ssyncset.done $0x0  }
0x49: {  	[sflag:s11] =	ssyncadd.s32 $0xFFFFD800  }
0x4a: {  	[spmem:s31] =	stream.linear.scatter [tilespmem:s10], [sflag:$0x5], $0x2800, $0x38;
	[tilespmem:$0x1E400] =	vst v63  }
0x4b: {  	_ =	swait.ge [sflag:s11], $0x2800  }
0x4c: {  	s9 =	smov.u32 s8;
	s8 =	sld [smem:$0x7FA]  }
0x4d: {  	[sflag:s11] =	ssyncset.done $0x0  }
0x4e: {  	[sflag:s11] =	ssyncadd.s32 $0xFFFFD800  }
0x4f: {  	[spmem:s8] =	stream.linear.scatter [tilespmem:s10], [sflag:$0x5], $0x2800, $0x38;
	[tilespmem:$0x1E400] =	vst v63  }
0x50: {  	_ =	swait.ge [sflag:s11], $0x2800  }
0x51: {  	s1 =	sld [smem:$0x7FB]  }
0x52: {  	[sflag:s11] =	ssyncset.done $0x0  }
0x53: {  	[sflag:s11] =	ssyncadd.s32 $0xFFFFD800  }
0x54: {  	[spmem:s1] =	stream.linear.scatter [tilespmem:s10], [sflag:$0x5], $0x2800, $0x38;
	[tilespmem:$0x1E400] =	vst v63  }
0x55: {  	_ =	swait.ge [sflag:s11], $0x2800  }
0x56: {  	s8 =	sld [smem:$0x7FC]  }
0x57: {  	[sflag:s11] =	ssyncset.done $0x0  }
0x58: {  	[sflag:s11] =	ssyncadd.s32 $0xFFFFD800  }
0x59: {  	[spmem:s8] =	stream.linear.scatter [tilespmem:s10], [sflag:$0x5], $0x2800, $0x38;
	[tilespmem:$0x1E400] =	vst v63  }
0x5a: {  	_ =	swait.ge [sflag:s11], $0x2800  }
0x5b: {  	s1 =	sld [smem:$0x7FD]  }
0x5c: {  	[sflag:s11] =	ssyncset.done $0x0  }
0x5d: {  	[sflag:s11] =	ssyncadd.s32 $0xFFFFD800  }
0x5e: {  	[spmem:s1] =	stream.linear.scatter [tilespmem:s10], [sflag:$0x5], $0x2800, $0x38;
	[tilespmem:$0x1E400] =	vst v63  }
0x5f: {  	_ =	swait.ge [sflag:s11], $0x2800  }
0x60: {  	[sflag:s11] =	ssyncset.done $0x0  }
0x61: {  	[sflag:s11] =	ssyncadd.s32 $0xFFFFD800  }
0x62: {  	[bflag:$0x0] =	sbarrier.arrive $0xFFFF  }
0x63: {  	s0 =	simm.s32 $0x0;
	s1 =	rddreg [dreg:$0xa]  }
0x64: {  	[tilespmem:s0], [sflag:$0x5] =	stream.linear.gather [hbm4b:s1+s0], $0x50, $0x38;
	[tilespmem:$0x1E400] =	vst v63  }
0x65: {  	_ =	swait.ge [sflag:s11], $0x50  }
0x66: {  	[sflag:s11] =	ssyncset.done $0x0  }
0x67: {  	s8 =	rddreg [dreg:$0xb];
	[sflag:s11] =	ssyncadd.s32 $0xFFFFFFB0  }
0x68: {  	[tilespmem:s12], [sflag:$0x5] =	stream.linear.gather [hbm4b:s8+s0], $0x50, $0x38;
	[tilespmem:$0x1E400] =	vst v63  }
0x69: {  	_ =	swait.ge [sflag:s11], $0x50  }
0x6a: {  	[sflag:s11] =	ssyncset.done $0x0  }
0x6b: {  	[sflag:s11] =	ssyncadd.s32 $0xFFFFFFB0  }
0x6c: {  	[tilespmem:s10], [sflag:$0x1] =	stream.indirect.gather [hbm4b:s2+s13], $0x80, s0, s13, $0xb8;
	[tilespmem:$0x1E400] =	vst v63  }
0x6d: {  	s8 =	rddreg [dreg:$0xc]  }
0x6e: {  	[tilespmem:s14], [sflag:$0x5] =	stream.linear.gather [hbm4b:s8+s0], $0x50, $0x38;
	[tilespmem:$0x1E400] =	vst v63  }
0x6f: {  	_ =	swait.ge [sflag:s11], $0x50  }
0x70: {  	[sflag:s11] =	ssyncset.done $0x0  }
0x71: {  	s8 =	rddreg [dreg:$0xd];
	[sflag:s11] =	ssyncadd.s32 $0xFFFFFFB0  }
0x72: {  	[tilespmem:s15], [sflag:$0x5] =	stream.linear.gather [hbm4b:s8+s0], $0x50, $0x38;
	[tilespmem:$0x1E400] =	vst v63  }
0x73: {  	_ =	swait.ge [sflag:s11], $0x50  }
0x74: {  	[sflag:s11] =	ssyncset.done $0x0  }
0x75: {  	s8 =	rddreg [dreg:$0x9];
	[sflag:s11] =	ssyncadd.s32 $0xFFFFFFB0  }
0x76: {  	[tilespmem:s16], [sflag:$0x2] =	stream.indirect.gather [hbm4b:s2+s13], $0x80, s14, s13, $0xb8;
	[tilespmem:$0x1E400] =	vst v63  }
0x77: {  	s0 =	sadd.s32 $0x0, s8  }
0x78: {  	[tilespmem:s17], [sflag:$0x5] =	stream.linear.gather [hbm4b:s0+s4], $0x50, $0x38;
	[tilespmem:$0x1E400] =	vst v63  }
0x79: {  	_ =	swait.ge [sflag:s11], $0x50  }
0x7a: {  	s1 =	rddreg [dreg:$0x8];
	[sflag:s11] =	ssyncset.done $0x0  }
0x7b: {  	[sflag:s11] =	ssyncadd.s32 $0xFFFFFFB0;
	s0 =	sadd.s32 $0x0, s1  }
0x7c: {  	[tilespmem:s18], [sflag:$0x5] =	stream.linear.gather [hbm4b:s0+s4], $0x50, $0x38;
	[tilespmem:$0x1E400] =	vst v63  }
0x7d: {  	_ =	swait.ge [sflag:s11], $0x50  }
0x7e: {  	[sflag:s11] =	ssyncset.done $0x0  }
0x7f: {  	[sflag:s11] =	ssyncadd.s32 $0xFFFFFFB0  }
0x80: {  	[tilespmem:s19], [sflag:$0x3] =	stream.indirect.gather [hbm4b:s2+s13], $0x80, s17, s13, $0xb8;
	[tilespmem:$0x1E400] =	vst v63  }
0x81: {  	_ =	swait.ge [sflag:s20], $0x2800  }
0x82: {  	[sflag:s20] =	ssyncset.done $0x0  }
0x83: {  	[sflag:s20] =	ssyncadd.s32 $0xFFFFD800  }
0x84: {  	[spmem:s3] =	stream.indirect.scatter.add.f32 [tilespmem:s10], [sflag:$0x5], $0x80, s12, s13, $0xb8;
	[tilespmem:$0x1E400] =	vst v63  }
0x85: {  	_ =	swait.ge [sflag:s11], $0x2800  }
0x86: {  	s8 =	rddreg [dreg:$0x7];
	[sflag:s11] =	ssyncset.done $0x0  }
0x87: {  	[sflag:s11] =	ssyncadd.s32 $0xFFFFD800;
	s0 =	sadd.s32 $0x0, s8  }
0x88: {  	[tilespmem:s21], [sflag:$0x5] =	stream.linear.gather [hbm4b:s0+s4], $0x50, $0x38;
	[tilespmem:$0x1E400] =	vst v63  }
0x89: {  	_ =	swait.ge [sflag:s11], $0x50  }
0x8a: {  	s1 =	rddreg [dreg:$0x6];
	[sflag:s11] =	ssyncset.done $0x0  }
0x8b: {  	[sflag:s11] =	ssyncadd.s32 $0xFFFFFFB0;
	s0 =	sadd.s32 $0x0, s1  }
0x8c: {  	[tilespmem:s22], [sflag:$0x5] =	stream.linear.gather [hbm4b:s0+s4], $0x50, $0x38;
	[tilespmem:$0x1E400] =	vst v63  }
0x8d: {  	_ =	swait.ge [sflag:s11], $0x50  }
0x8e: {  	[sflag:s11] =	ssyncset.done $0x0  }
0x8f: {  	[sflag:s11] =	ssyncadd.s32 $0xFFFFFFB0  }
0x90: {  	[tilespmem:s23], [sflag:$0x4] =	stream.indirect.gather [hbm4b:s2+s13], $0x80, s21, s13, $0xb8;
	[tilespmem:$0x1E400] =	vst v63  }
0x91: {  	_ =	swait.ge [sflag:s24], $0x2800  }
0x92: {  	[sflag:s24] =	ssyncset.done $0x0  }
0x93: {  	[sflag:s24] =	ssyncadd.s32 $0xFFFFD800  }
0x94: {  	[spmem:s3] =	stream.indirect.scatter.add.f32 [tilespmem:s16], [sflag:$0x5], $0x80, s15, s13, $0xb8;
	[tilespmem:$0x1E400] =	vst v63  }
0x95: {  	_ =	swait.ge [sflag:s11], $0x2800  }
0x96: {  	s28 =	rddreg [dreg:$0x1d]  }
0x97: {  	[sflag:s11] =	ssyncset.done $0x0;
	s0 =	sshrl.u32 s28, $0x3  }
0x98: {  	[sflag:s11] =	ssyncadd.s32 $0xFFFFD800;
	s8 =	sadd.s32 s5, s0  }
0x99: {  	[tilespmem:s4], [sflag:$0x5] =	stream.linear.gather [hbm4b:s8+s4], $0x50, $0x38;
	[tilespmem:$0x1E400] =	vst v63  }
0x9a: {  	_ =	swait.ge [sflag:s11], $0x50  }
0x9b: {  	[sflag:s11] =	ssyncset.done $0x0  }
0x9c: {  	s0 =	sadd.s32 s6, s0;
	[sflag:s11] =	ssyncadd.s32 $0xFFFFFFB0  }
0x9d: {  	[tilespmem:s12], [sflag:$0x5] =	stream.linear.gather [hbm4b:s0+s4], $0x50, $0x38;
	[tilespmem:$0x1E400] =	vst v63  }
0x9e: {  	_ =	swait.ge [sflag:s11], $0x50  }
0x9f: {  	[sflag:s11] =	ssyncset.done $0x0  }
0xa0: {  	[sflag:s11] =	ssyncadd.s32 $0xFFFFFFB0  }
0xa1: {  	[tilespmem:s10], [sflag:$0x1] =	stream.indirect.gather [hbm4b:s2+s13], $0x80, s4, s13, $0xb8;
	[tilespmem:$0x1E400] =	vst v63  }
0xa2: {  	_ =	swait.ge [sflag:s25], $0x2800  }
0xa3: {  	[sflag:s25] =	ssyncset.done $0x0  }
0xa4: {  	[sflag:s25] =	ssyncadd.s32 $0xFFFFD800  }
0xa5: {  	[spmem:s3] =	stream.indirect.scatter.add.f32 [tilespmem:s19], [sflag:$0x5], $0x80, s18, s13, $0xb8;
	[tilespmem:$0x1E400] =	vst v63  }
0xa6: {  	_ =	swait.ge [sflag:s11], $0x2800  }
0xa7: {  	s1 =	rddreg [dreg:$0x5];
	[sflag:s11] =	ssyncset.done $0x0  }
0xa8: {  	[sflag:s11] =	ssyncadd.s32 $0xFFFFD800;
	s0 =	sadd.s32 $0x0, s1  }
0xa9: {  	[tilespmem:s14], [sflag:$0x5] =	stream.linear.gather [hbm4b:s0+s4], $0x50, $0x38;
	[tilespmem:$0x1E400] =	vst v63  }
0xaa: {  	_ =	swait.ge [sflag:s11], $0x50  }
0xab: {  	s8 =	rddreg [dreg:$0x4];
	[sflag:s11] =	ssyncset.done $0x0  }
0xac: {  	[sflag:s11] =	ssyncadd.s32 $0xFFFFFFB0;
	s0 =	sadd.s32 $0x0, s8  }
0xad: {  	[tilespmem:s15], [sflag:$0x5] =	stream.linear.gather [hbm4b:s0+s4], $0x50, $0x38;
	[tilespmem:$0x1E400] =	vst v63  }
0xae: {  	_ =	swait.ge [sflag:s11], $0x50  }
0xaf: {  	[sflag:s11] =	ssyncset.done $0x0  }
0xb0: {  	[sflag:s11] =	ssyncadd.s32 $0xFFFFFFB0  }
0xb1: {  	[tilespmem:s16], [sflag:$0x2] =	stream.indirect.gather [hbm4b:s2+s13], $0x80, s14, s13, $0xb8;
	[tilespmem:$0x1E400] =	vst v63  }
0xb2: {  	_ =	swait.ge [sflag:s26], $0x2800  }
0xb3: {  	[sflag:s26] =	ssyncset.done $0x0  }
0xb4: {  	[sflag:s26] =	ssyncadd.s32 $0xFFFFD800  }
0xb5: {  	[spmem:s3] =	stream.indirect.scatter.add.f32 [tilespmem:s23], [sflag:$0x5], $0x80, s22, s13, $0xb8;
	[tilespmem:$0x1E400] =	vst v63  }
0xb6: {  	s7 =	smov.u32 s30;
	s30 =	simm.s32 $0x28;
	_ =	swait.ge [sflag:s11], $0x2800  }
0xb7: {  	s0 =	simm.s32 $0x50;
	s31 =	rddreg [dreg:$0x9];
	[sflag:s11] =	ssyncset.done $0x0  }
.LBB2_4:
0xb8: {  	[sflag:s11] =	ssyncadd.s32 $0xFFFFD800;
	s31 =	sadd.s32 s30, s31  }
0xb9: {  	[tilespmem:s17], [sflag:$0x5] =	stream.linear.gather [hbm4b:s31+s4], $0x50, $0x38;
	[tilespmem:$0x1E400] =	vst v63  }
0xba: {  	_ =	swait.ge [sflag:s11], $0x50  }
0xbb: {  	s31 =	rddreg [dreg:$0x8];
	[sflag:s11] =	ssyncset.done $0x0  }
0xbc: {  	[sflag:s11] =	ssyncadd.s32 $0xFFFFFFB0;
	s31 =	sadd.s32 s30, s31  }
0xbd: {  	[tilespmem:s18], [sflag:$0x5] =	stream.linear.gather [hbm4b:s31+s4], $0x50, $0x38;
	[tilespmem:$0x1E400] =	vst v63  }
0xbe: {  	_ =	swait.ge [sflag:s11], $0x50  }
0xbf: {  	[sflag:s11] =	ssyncset.done $0x0  }
0xc0: {  	[sflag:s11] =	ssyncadd.s32 $0xFFFFFFB0  }
0xc1: {  	[tilespmem:s19], [sflag:$0x3] =	stream.indirect.gather [hbm4b:s2+s13], $0x80, s17, s13, $0xb8;
	[tilespmem:$0x1E400] =	vst v63  }
0xc2: {  	_ =	swait.ge [sflag:s20], $0x2800  }
0xc3: {  	[sflag:s20] =	ssyncset.done $0x0  }
0xc4: {  	[sflag:s20] =	ssyncadd.s32 $0xFFFFD800  }
0xc5: {  	[spmem:s3] =	stream.indirect.scatter.add.f32 [tilespmem:s10], [sflag:$0x5], $0x80, s12, s13, $0xb8;
	[tilespmem:$0x1E400] =	vst v63  }
0xc6: {  	_ =	swait.ge [sflag:s11], $0x2800  }
0xc7: {  	s31 =	rddreg [dreg:$0x7];
	[sflag:s11] =	ssyncset.done $0x0  }
0xc8: {  	[sflag:s11] =	ssyncadd.s32 $0xFFFFD800;
	s31 =	sadd.s32 s30, s31  }
0xc9: {  	[tilespmem:s21], [sflag:$0x5] =	stream.linear.gather [hbm4b:s31+s4], $0x50, $0x38;
	[tilespmem:$0x1E400] =	vst v63  }
0xca: {  	_ =	swait.ge [sflag:s11], $0x50  }
0xcb: {  	s31 =	rddreg [dreg:$0x6];
	[sflag:s11] =	ssyncset.done $0x0  }
0xcc: {  	[sflag:s11] =	ssyncadd.s32 $0xFFFFFFB0;
	s31 =	sadd.s32 s30, s31  }
0xcd: {  	[tilespmem:s22], [sflag:$0x5] =	stream.linear.gather [hbm4b:s31+s4], $0x50, $0x38;
	[tilespmem:$0x1E400] =	vst v63  }
0xce: {  	_ =	swait.ge [sflag:s11], $0x50  }
0xcf: {  	[sflag:s11] =	ssyncset.done $0x0  }
0xd0: {  	[sflag:s11] =	ssyncadd.s32 $0xFFFFFFB0  }
0xd1: {  	[tilespmem:s23], [sflag:$0x4] =	stream.indirect.gather [hbm4b:s2+s13], $0x80, s21, s13, $0xb8;
	[tilespmem:$0x1E400] =	vst v63  }
0xd2: {  	_ =	swait.ge [sflag:s24], $0x2800  }
0xd3: {  	[sflag:s24] =	ssyncset.done $0x0  }
0xd4: {  	[sflag:s24] =	ssyncadd.s32 $0xFFFFD800  }
0xd5: {  	[spmem:s3] =	stream.indirect.scatter.add.f32 [tilespmem:s16], [sflag:$0x5], $0x80, s15, s13, $0xb8;
	[tilespmem:$0x1E400] =	vst v63  }
0xd6: {  	s28 =	sadd.s32 $0x140, s28;
	_ =	swait.ge [sflag:s11], $0x2800  }
0xd7: {  	s31 =	sshrl.u32 s28, $0x3;
	[sflag:s11] =	ssyncset.done $0x0  }
0xd8: {  	s8 =	sadd.s32 s5, s31;
	[sflag:s11] =	ssyncadd.s32 $0xFFFFD800  }
0xd9: {  	[tilespmem:s4], [sflag:$0x5] =	stream.linear.gather [hbm4b:s8+s4], $0x50, $0x38;
	[tilespmem:$0x1E400] =	vst v63  }
0xda: {  	_ =	swait.ge [sflag:s11], $0x50  }
0xdb: {  	[sflag:s11] =	ssyncset.done $0x0  }
0xdc: {  	s8 =	sadd.s32 s6, s31;
	[sflag:s11] =	ssyncadd.s32 $0xFFFFFFB0  }
0xdd: {  	[tilespmem:s12], [sflag:$0x5] =	stream.linear.gather [hbm4b:s8+s4], $0x50, $0x38;
	[tilespmem:$0x1E400] =	vst v63  }
0xde: {  	_ =	swait.ge [sflag:s11], $0x50  }
0xdf: {  	[sflag:s11] =	ssyncset.done $0x0  }
0xe0: {  	[sflag:s11] =	ssyncadd.s32 $0xFFFFFFB0  }
0xe1: {  	[tilespmem:s10], [sflag:$0x1] =	stream.indirect.gather [hbm4b:s2+s13], $0x80, s4, s13, $0xb8;
	[tilespmem:$0x1E400] =	vst v63  }
0xe2: {  	_ =	swait.ge [sflag:s25], $0x2800  }
0xe3: {  	[sflag:s25] =	ssyncset.done $0x0  }
0xe4: {  	[sflag:s25] =	ssyncadd.s32 $0xFFFFD800  }
0xe5: {  	[spmem:s3] =	stream.indirect.scatter.add.f32 [tilespmem:s19], [sflag:$0x5], $0x80, s18, s13, $0xb8;
	[tilespmem:$0x1E400] =	vst v63  }
0xe6: {  	_ =	swait.ge [sflag:s11], $0x2800  }
0xe7: {  	s8 =	rddreg [dreg:$0x5];
	[sflag:s11] =	ssyncset.done $0x0  }
0xe8: {  	[sflag:s11] =	ssyncadd.s32 $0xFFFFD800;
	s8 =	sadd.s32 s30, s8  }
0xe9: {  	[tilespmem:s14], [sflag:$0x5] =	stream.linear.gather [hbm4b:s8+s4], $0x50, $0x38;
	[tilespmem:$0x1E400] =	vst v63  }
0xea: {  	_ =	swait.ge [sflag:s11], $0x50  }
0xeb: {  	s8 =	rddreg [dreg:$0x4];
	[sflag:s11] =	ssyncset.done $0x0  }
0xec: {  	[sflag:s11] =	ssyncadd.s32 $0xFFFFFFB0;
	s8 =	sadd.s32 s30, s8  }
0xed: {  	[tilespmem:s15], [sflag:$0x5] =	stream.linear.gather [hbm4b:s8+s4], $0x50, $0x38;
	[tilespmem:$0x1E400] =	vst v63  }
0xee: {  	_ =	swait.ge [sflag:s11], $0x50  }
0xef: {  	[sflag:s11] =	ssyncset.done $0x0  }
0xf0: {  	[sflag:s11] =	ssyncadd.s32 $0xFFFFFFB0  }
0xf1: {  	[tilespmem:s16], [sflag:$0x2] =	stream.indirect.gather [hbm4b:s2+s13], $0x80, s14, s13, $0xb8;
	[tilespmem:$0x1E400] =	vst v63  }
0xf2: {  	p0 =	sne.s32 s0, $0x488;
	_ =	swait.ge [sflag:s26], $0x2800  }
.Ltmp1:
0xf3: {  	[sflag:s26] =	ssyncset.done $0x0;
	(pc) =	sbr.rel @p0 .LBB2_4-.Ltmp1, $4  }
0xf4: {  	[sflag:s26] =	ssyncadd.s32 $0xFFFFD800  }
0xf5: {  	[spmem:s3] =	stream.indirect.scatter.add.f32 [tilespmem:s23], [sflag:$0x5], $0x80, s22, s13, $0xb8;
	[tilespmem:$0x1E400] =	vst v63  }
0xf6: {  	s1 =	smov.u32 s0;
	s0 =	sadd.s32 $0x28, s0;
	_ =	swait.ge [sflag:s11], $0x2800  }
0xf7: {  	s30 =	smov.u32 s1;
	s31 =	rddreg [dreg:$0x9];
	[sflag:s11] =	ssyncset.done $0x0  }
0xf8: {  	[sflag:s11] =	ssyncadd.s32 $0xFFFFD800;
	s0 =	sadd.s32 s30, s31  }
0xf9: {  	[tilespmem:s17], [sflag:$0x5] =	stream.linear.gather [hbm4b:s0+s4], $0x50, $0x38;
	[tilespmem:$0x1E400] =	vst v63  }
0xfa: {  	_ =	swait.ge [sflag:s11], $0x50  }
0xfb: {  	s8 =	rddreg [dreg:$0x8];
	[sflag:s11] =	ssyncset.done $0x0  }
0xfc: {  	[sflag:s11] =	ssyncadd.s32 $0xFFFFFFB0;
	s0 =	sadd.s32 s30, s8  }
0xfd: {  	[tilespmem:s18], [sflag:$0x5] =	stream.linear.gather [hbm4b:s0+s4], $0x50, $0x38;
	[tilespmem:$0x1E400] =	vst v63  }
0xfe: {  	_ =	swait.ge [sflag:s11], $0x50  }
0xff: {  	[sflag:s11] =	ssyncset.done $0x0  }
0x100: {  	[sflag:s11] =	ssyncadd.s32 $0xFFFFFFB0  }
0x101: {  	[tilespmem:s19], [sflag:$0x3] =	stream.indirect.gather [hbm4b:s2+s13], $0x80, s17, s13, $0xb8;
	[tilespmem:$0x1E400] =	vst v63  }
0x102: {  	_ =	swait.ge [sflag:s20], $0x2800  }
0x103: {  	[sflag:s20] =	ssyncset.done $0x0  }
0x104: {  	[sflag:s20] =	ssyncadd.s32 $0xFFFFD800  }
0x105: {  	[spmem:s3] =	stream.indirect.scatter.add.f32 [tilespmem:s10], [sflag:$0x5], $0x80, s12, s13, $0xb8;
	[tilespmem:$0x1E400] =	vst v63  }
0x106: {  	_ =	swait.ge [sflag:s11], $0x2800  }
0x107: {  	s1 =	rddreg [dreg:$0x7];
	[sflag:s11] =	ssyncset.done $0x0  }
0x108: {  	[sflag:s11] =	ssyncadd.s32 $0xFFFFD800;
	s0 =	sadd.s32 s30, s1  }
0x109: {  	[tilespmem:s21], [sflag:$0x5] =	stream.linear.gather [hbm4b:s0+s4], $0x50, $0x38;
	[tilespmem:$0x1E400] =	vst v63  }
0x10a: {  	_ =	swait.ge [sflag:s11], $0x50  }
0x10b: {  	s8 =	rddreg [dreg:$0x6];
	[sflag:s11] =	ssyncset.done $0x0  }
0x10c: {  	[sflag:s11] =	ssyncadd.s32 $0xFFFFFFB0;
	s0 =	sadd.s32 s30, s8  }
0x10d: {  	[tilespmem:s22], [sflag:$0x5] =	stream.linear.gather [hbm4b:s0+s4], $0x50, $0x38;
	[tilespmem:$0x1E400] =	vst v63  }
0x10e: {  	_ =	swait.ge [sflag:s11], $0x50  }
0x10f: {  	[sflag:s11] =	ssyncset.done $0x0  }
0x110: {  	[sflag:s11] =	ssyncadd.s32 $0xFFFFFFB0  }
0x111: {  	[tilespmem:s23], [sflag:$0x4] =	stream.indirect.gather [hbm4b:s2+s13], $0x80, s21, s13, $0xb8;
	[tilespmem:$0x1E400] =	vst v63  }
0x112: {  	_ =	swait.ge [sflag:s24], $0x2800  }
0x113: {  	[sflag:s24] =	ssyncset.done $0x0  }
0x114: {  	[sflag:s24] =	ssyncadd.s32 $0xFFFFD800  }
0x115: {  	[spmem:s3] =	stream.indirect.scatter.add.f32 [tilespmem:s16], [sflag:$0x5], $0x80, s15, s13, $0xb8;
	[tilespmem:$0x1E400] =	vst v63  }
0x116: {  	s1 =	sadd.s32 $0x140, s28;
	_ =	swait.ge [sflag:s11], $0x2800  }
0x117: {  	s0 =	sshrl.u32 s1, $0x3;
	[sflag:s11] =	ssyncset.done $0x0  }
0x118: {  	s1 =	sadd.s32 s5, s0;
	[sflag:s11] =	ssyncadd.s32 $0xFFFFD800  }
0x119: {  	[tilespmem:s4], [sflag:$0x5] =	stream.linear.gather [hbm4b:s1+s4], $0x50, $0x38;
	[tilespmem:$0x1E400] =	vst v63  }
0x11a: {  	_ =	swait.ge [sflag:s11], $0x50  }
0x11b: {  	[sflag:s11] =	ssyncset.done $0x0  }
0x11c: {  	s0 =	sadd.s32 s6, s0;
	[sflag:s11] =	ssyncadd.s32 $0xFFFFFFB0  }
0x11d: {  	[tilespmem:s12], [sflag:$0x5] =	stream.linear.gather [hbm4b:s0+s4], $0x50, $0x38;
	[tilespmem:$0x1E400] =	vst v63  }
0x11e: {  	_ =	swait.ge [sflag:s11], $0x50  }
0x11f: {  	[sflag:s11] =	ssyncset.done $0x0  }
0x120: {  	[sflag:s11] =	ssyncadd.s32 $0xFFFFFFB0  }
0x121: {  	[tilespmem:s10], [sflag:$0x1] =	stream.indirect.gather [hbm4b:s2+s13], $0x80, s4, s13, $0xb8;
	[tilespmem:$0x1E400] =	vst v63  }
0x122: {  	_ =	swait.ge [sflag:s25], $0x2800  }
0x123: {  	[sflag:s25] =	ssyncset.done $0x0  }
0x124: {  	[sflag:s25] =	ssyncadd.s32 $0xFFFFD800  }
0x125: {  	[spmem:s3] =	stream.indirect.scatter.add.f32 [tilespmem:s19], [sflag:$0x5], $0x80, s18, s13, $0xb8;
	[tilespmem:$0x1E400] =	vst v63  }
0x126: {  	_ =	swait.ge [sflag:s11], $0x2800  }
0x127: {  	s8 =	rddreg [dreg:$0x5];
	[sflag:s11] =	ssyncset.done $0x0  }
0x128: {  	[sflag:s11] =	ssyncadd.s32 $0xFFFFD800;
	s0 =	sadd.s32 s30, s8  }
0x129: {  	[tilespmem:s14], [sflag:$0x5] =	stream.linear.gather [hbm4b:s0+s4], $0x50, $0x38;
	[tilespmem:$0x1E400] =	vst v63  }
0x12a: {  	_ =	swait.ge [sflag:s11], $0x50  }
0x12b: {  	s1 =	rddreg [dreg:$0x4];
	[sflag:s11] =	ssyncset.done $0x0  }
0x12c: {  	s0 =	sadd.s32 s30, s1;
	[sflag:s11] =	ssyncadd.s32 $0xFFFFFFB0  }
0x12d: {  	[tilespmem:s15], [sflag:$0x5] =	stream.linear.gather [hbm4b:s0+s4], $0x50, $0x38;
	[tilespmem:$0x1E400] =	vst v63  }
0x12e: {  	_ =	swait.ge [sflag:s11], $0x50  }
0x12f: {  	[sflag:s11] =	ssyncset.done $0x0  }
0x130: {  	[sflag:s11] =	ssyncadd.s32 $0xFFFFFFB0  }
0x131: {  	[tilespmem:s16], [sflag:$0x2] =	stream.indirect.gather [hbm4b:s2+s13], $0x80, s14, s13, $0xb8;
	[tilespmem:$0x1E400] =	vst v63  }
0x132: {  	_ =	swait.ge [sflag:s26], $0x2800  }
0x133: {  	[sflag:s26] =	ssyncset.done $0x0  }
0x134: {  	[sflag:s26] =	ssyncadd.s32 $0xFFFFD800  }
0x135: {  	[spmem:s3] =	stream.indirect.scatter.add.f32 [tilespmem:s23], [sflag:$0x5], $0x80, s22, s13, $0xb8;
	[tilespmem:$0x1E400] =	vst v63  }
0x136: {  	_ =	swait.ge [sflag:s11], $0x2800  }
0x137: {  	[sflag:s11] =	ssyncset.done $0x0  }
0x138: {  	s8 =	rddreg [dreg:$0xe];
	[sflag:s11] =	ssyncadd.s32 $0xFFFFD800  }
0x139: {  	[tilespmem:s17], [sflag:$0x5] =	stream.linear.gather [hbm4b:s8+s4], $0x50, $0x38;
	[tilespmem:$0x1E400] =	vst v63  }
0x13a: {  	_ =	swait.ge [sflag:s11], $0x50  }
0x13b: {  	[sflag:s11] =	ssyncset.done $0x0  }
0x13c: {  	s1 =	rddreg [dreg:$0xf];
	[sflag:s11] =	ssyncadd.s32 $0xFFFFFFB0  }
0x13d: {  	[tilespmem:s18], [sflag:$0x5] =	stream.linear.gather [hbm4b:s1+s4], $0x50, $0x38;
	[tilespmem:$0x1E400] =	vst v63  }
0x13e: {  	_ =	swait.ge [sflag:s11], $0x50  }
0x13f: {  	[sflag:s11] =	ssyncset.done $0x0  }
0x140: {  	[sflag:s11] =	ssyncadd.s32 $0xFFFFFFB0  }
0x141: {  	[tilespmem:s19], [sflag:$0x3] =	stream.indirect.gather [hbm4b:s2+s13], $0x80, s17, s13, $0xb8;
	[tilespmem:$0x1E400] =	vst v63  }
0x142: {  	_ =	swait.ge [sflag:s20], $0x2800  }
0x143: {  	[sflag:s20] =	ssyncset.done $0x0  }
0x144: {  	[sflag:s20] =	ssyncadd.s32 $0xFFFFD800  }
0x145: {  	[spmem:s3] =	stream.indirect.scatter.add.f32 [tilespmem:s10], [sflag:$0x5], $0x80, s12, s13, $0xb8;
	[tilespmem:$0x1E400] =	vst v63  }
0x146: {  	_ =	swait.ge [sflag:s11], $0x2800  }
0x147: {  	[sflag:s11] =	ssyncset.done $0x0  }
0x148: {  	s8 =	rddreg [dreg:$0x10];
	[sflag:s11] =	ssyncadd.s32 $0xFFFFD800  }
0x149: {  	[tilespmem:s21], [sflag:$0x5] =	stream.linear.gather [hbm4b:s8+s4], $0x50, $0x38;
	[tilespmem:$0x1E400] =	vst v63  }
0x14a: {  	_ =	swait.ge [sflag:s11], $0x50  }
0x14b: {  	[sflag:s11] =	ssyncset.done $0x0  }
0x14c: {  	s1 =	rddreg [dreg:$0x11];
	[sflag:s11] =	ssyncadd.s32 $0xFFFFFFB0  }
0x14d: {  	[tilespmem:s22], [sflag:$0x5] =	stream.linear.gather [hbm4b:s1+s4], $0x50, $0x38;
	[tilespmem:$0x1E400] =	vst v63  }
0x14e: {  	_ =	swait.ge [sflag:s11], $0x50  }
0x14f: {  	[sflag:s11] =	ssyncset.done $0x0  }
0x150: {  	[sflag:s11] =	ssyncadd.s32 $0xFFFFFFB0  }
0x151: {  	[tilespmem:s23], [sflag:$0x4] =	stream.indirect.gather [hbm4b:s2+s13], $0x80, s21, s13, $0xb8;
	[tilespmem:$0x1E400] =	vst v63  }
0x152: {  	_ =	swait.ge [sflag:s24], $0x2800  }
0x153: {  	[sflag:s24] =	ssyncset.done $0x0  }
0x154: {  	[sflag:s24] =	ssyncadd.s32 $0xFFFFD800  }
0x155: {  	[spmem:s3] =	stream.indirect.scatter.add.f32 [tilespmem:s16], [sflag:$0x5], $0x80, s15, s13, $0xb8;
	[tilespmem:$0x1E400] =	vst v63  }
0x156: {  	_ =	swait.ge [sflag:s11], $0x2800  }
0x157: {  	[sflag:s11] =	ssyncset.done $0x0  }
0x158: {  	s8 =	rddreg [dreg:$0x12];
	[sflag:s11] =	ssyncadd.s32 $0xFFFFD800  }
0x159: {  	[tilespmem:s4], [sflag:$0x5] =	stream.linear.gather [hbm4b:s8+s4], $0x50, $0x38;
	[tilespmem:$0x1E400] =	vst v63  }
0x15a: {  	_ =	swait.ge [sflag:s11], $0x50  }
0x15b: {  	[sflag:s11] =	ssyncset.done $0x0  }
0x15c: {  	s1 =	rddreg [dreg:$0x13];
	[sflag:s11] =	ssyncadd.s32 $0xFFFFFFB0  }
0x15d: {  	[tilespmem:s12], [sflag:$0x5] =	stream.linear.gather [hbm4b:s1+s4], $0x50, $0x38;
	[tilespmem:$0x1E400] =	vst v63  }
0x15e: {  	_ =	swait.ge [sflag:s11], $0x50  }
0x15f: {  	[sflag:s11] =	ssyncset.done $0x0  }
0x160: {  	[sflag:s11] =	ssyncadd.s32 $0xFFFFFFB0  }
0x161: {  	[tilespmem:s10], [sflag:$0x1] =	stream.indirect.gather [hbm4b:s2+s13], $0x80, s4, s13, $0xb8;
	[tilespmem:$0x1E400] =	vst v63  }
0x162: {  	_ =	swait.ge [sflag:s25], $0x2800  }
0x163: {  	[sflag:s25] =	ssyncset.done $0x0  }
0x164: {  	[sflag:s25] =	ssyncadd.s32 $0xFFFFD800  }
0x165: {  	[spmem:s3] =	stream.indirect.scatter.add.f32 [tilespmem:s19], [sflag:$0x5], $0x80, s18, s13, $0xb8;
	[tilespmem:$0x1E400] =	vst v63  }
0x166: {  	_ =	swait.ge [sflag:s11], $0x2800  }
0x167: {  	[sflag:s11] =	ssyncset.done $0x0  }
0x168: {  	[sflag:s11] =	ssyncadd.s32 $0xFFFFD800  }
0x169: {  	_ =	swait.ge [sflag:s26], $0x2800  }
0x16a: {  	[sflag:s26] =	ssyncset.done $0x0  }
0x16b: {  	[sflag:s26] =	ssyncadd.s32 $0xFFFFD800  }
0x16c: {  	[spmem:s3] =	stream.indirect.scatter.add.f32 [tilespmem:s23], [sflag:$0x5], $0x80, s22, s13, $0xb8;
	[tilespmem:$0x1E400] =	vst v63  }
0x16d: {  	_ =	swait.ge [sflag:s11], $0x2800  }
0x16e: {  	[sflag:s11] =	ssyncset.done $0x0  }
0x16f: {  	[sflag:s11] =	ssyncadd.s32 $0xFFFFD800  }
0x170: {  	_ =	swait.ge [sflag:s20], $0x2800  }
0x171: {  	[sflag:s20] =	ssyncset.done $0x0  }
0x172: {  	[sflag:s20] =	ssyncadd.s32 $0xFFFFD800  }
0x173: {  	[spmem:s3] =	stream.indirect.scatter.add.f32 [tilespmem:s10], [sflag:$0x5], $0x80, s12, s13, $0xb8;
	[tilespmem:$0x1E400] =	vst v63  }
0x174: {  	_ =	swait.ge [sflag:s11], $0x2800  }
0x175: {  	[sflag:s11] =	ssyncset.done $0x0  }
0x176: {  	[sflag:s11] =	ssyncadd.s32 $0xFFFFD800  }
0x177: {  	[bflag:$0x0] =	sbarrier.arrive $0xFFFF  }
0x178: {  	[tilespmem:s10], [sflag:$0x5] =	stream.linear.gather [spmem:s7], $0x2800, $0x38;
	[tilespmem:$0x1E400] =	vst v63  }
0x179: {  	_ =	swait.ge [sflag:s11], $0x2800  }
0x17a: {  	[sflag:s11] =	ssyncset.done $0x0  }
0x17b: {  	s8 =	rddreg [dreg:$0x14];
	[sflag:s11] =	ssyncadd.s32 $0xFFFFD800  }
0x17c: {  	[hbm4b:s8+s4] =	stream.linear.scatter [tilespmem:s10], [sflag:$0x5], $0x2800, $0x38;
	[tilespmem:$0x1E400] =	vst v63  }
0x17d: {  	_ =	swait.ge [sflag:s11], $0x2800  }
0x17e: {  	[sflag:s11] =	ssyncset.done $0x0  }
0x17f: {  	[sflag:s11] =	ssyncadd.s32 $0xFFFFD800  }
0x180: {  	[tilespmem:s10], [sflag:$0x5] =	stream.linear.gather [spmem:s9], $0x2800, $0x38;
	[tilespmem:$0x1E400] =	vst v63  }
0x181: {  	_ =	swait.ge [sflag:s11], $0x2800  }
0x182: {  	[sflag:s11] =	ssyncset.done $0x0  }
0x183: {  	s1 =	rddreg [dreg:$0x15];
	[sflag:s11] =	ssyncadd.s32 $0xFFFFD800  }
0x184: {  	[hbm4b:s1+s4] =	stream.linear.scatter [tilespmem:s10], [sflag:$0x5], $0x2800, $0x38;
	[tilespmem:$0x1E400] =	vst v63  }
0x185: {  	_ =	swait.ge [sflag:s11], $0x2800  }
0x186: {  	[sflag:s11] =	ssyncset.done $0x0  }
0x187: {  	s28 =	rddreg [dreg:$0x1e];
	[sflag:s11] =	ssyncadd.s32 $0xFFFFD800  }
0x188: {  	[tilespmem:s10], [sflag:$0x5] =	stream.linear.gather [spmem:s28], $0x2800, $0x38;
	[tilespmem:$0x1E400] =	vst v63  }
0x189: {  	_ =	swait.ge [sflag:s11], $0x2800  }
0x18a: {  	[sflag:s11] =	ssyncset.done $0x0  }
0x18b: {  	s30 =	smov.u32 s7;
	s7 =	rddreg [dreg:$0x16];
	[sflag:s11] =	ssyncadd.s32 $0xFFFFD800  }
0x18c: {  	[hbm4b:s7+s4] =	stream.linear.scatter [tilespmem:s10], [sflag:$0x5], $0x2800, $0x38;
	[tilespmem:$0x1E400] =	vst v63  }
0x18d: {  	_ =	swait.ge [sflag:s11], $0x2800  }
0x18e: {  	[sflag:s11] =	ssyncset.done $0x0  }
0x18f: {  	s31 =	rddreg [dreg:$0x1f];
	[sflag:s11] =	ssyncadd.s32 $0xFFFFD800  }
0x190: {  	[tilespmem:s10], [sflag:$0x5] =	stream.linear.gather [spmem:s31], $0x2800, $0x38;
	[tilespmem:$0x1E400] =	vst v63  }
0x191: {  	_ =	swait.ge [sflag:s11], $0x2800  }
0x192: {  	[sflag:s11] =	ssyncset.done $0x0  }
0x193: {  	s8 =	smov.u32 s9;
	s9 =	rddreg [dreg:$0x17];
	[sflag:s11] =	ssyncadd.s32 $0xFFFFD800  }
0x194: {  	[hbm4b:s9+s4] =	stream.linear.scatter [tilespmem:s10], [sflag:$0x5], $0x2800, $0x38;
	[tilespmem:$0x1E400] =	vst v63  }
0x195: {  	_ =	swait.ge [sflag:s11], $0x2800  }
0x196: {  	s1 =	sld [smem:$0x7FA]  }
0x197: {  	[sflag:s11] =	ssyncset.done $0x0  }
0x198: {  	[sflag:s11] =	ssyncadd.s32 $0xFFFFD800  }
0x199: {  	[tilespmem:s10], [sflag:$0x5] =	stream.linear.gather [spmem:s1], $0x2800, $0x38;
	[tilespmem:$0x1E400] =	vst v63  }
0x19a: {  	_ =	swait.ge [sflag:s11], $0x2800  }
0x19b: {  	[sflag:s11] =	ssyncset.done $0x0  }
0x19c: {  	s7 =	rddreg [dreg:$0x18];
	[sflag:s11] =	ssyncadd.s32 $0xFFFFD800  }
0x19d: {  	[hbm4b:s7+s4] =	stream.linear.scatter [tilespmem:s10], [sflag:$0x5], $0x2800, $0x38;
	[tilespmem:$0x1E400] =	vst v63  }
0x19e: {  	_ =	swait.ge [sflag:s11], $0x2800  }
0x19f: {  	s9 =	sld [smem:$0x7FB]  }
0x1a0: {  	[sflag:s11] =	ssyncset.done $0x0  }
0x1a1: {  	[sflag:s11] =	ssyncadd.s32 $0xFFFFD800  }
0x1a2: {  	[tilespmem:s10], [sflag:$0x5] =	stream.linear.gather [spmem:s9], $0x2800, $0x38;
	[tilespmem:$0x1E400] =	vst v63  }
0x1a3: {  	_ =	swait.ge [sflag:s11], $0x2800  }
0x1a4: {  	[sflag:s11] =	ssyncset.done $0x0  }
0x1a5: {  	s1 =	rddreg [dreg:$0x19];
	[sflag:s11] =	ssyncadd.s32 $0xFFFFD800  }
0x1a6: {  	[hbm4b:s1+s4] =	stream.linear.scatter [tilespmem:s10], [sflag:$0x5], $0x2800, $0x38;
	[tilespmem:$0x1E400] =	vst v63  }
0x1a7: {  	_ =	swait.ge [sflag:s11], $0x2800  }
0x1a8: {  	s7 =	sld [smem:$0x7FC]  }
0x1a9: {  	[sflag:s11] =	ssyncset.done $0x0  }
0x1aa: {  	[sflag:s11] =	ssyncadd.s32 $0xFFFFD800  }
0x1ab: {  	[tilespmem:s10], [sflag:$0x5] =	stream.linear.gather [spmem:s7], $0x2800, $0x38;
	[tilespmem:$0x1E400] =	vst v63  }
0x1ac: {  	_ =	swait.ge [sflag:s11], $0x2800  }
0x1ad: {  	[sflag:s11] =	ssyncset.done $0x0  }
0x1ae: {  	s9 =	rddreg [dreg:$0x1a];
	[sflag:s11] =	ssyncadd.s32 $0xFFFFD800  }
0x1af: {  	[hbm4b:s9+s4] =	stream.linear.scatter [tilespmem:s10], [sflag:$0x5], $0x2800, $0x38;
	[tilespmem:$0x1E400] =	vst v63  }
0x1b0: {  	_ =	swait.ge [sflag:s11], $0x2800  }
0x1b1: {  	s1 =	sld [smem:$0x7FD]  }
0x1b2: {  	[sflag:s11] =	ssyncset.done $0x0  }
0x1b3: {  	[sflag:s11] =	ssyncadd.s32 $0xFFFFD800  }
0x1b4: {  	[tilespmem:s10], [sflag:$0x5] =	stream.linear.gather [spmem:s1], $0x2800, $0x38;
	[tilespmem:$0x1E400] =	vst v63  }
0x1b5: {  	_ =	swait.ge [sflag:s11], $0x2800  }
0x1b6: {  	[sflag:s11] =	ssyncset.done $0x0  }
0x1b7: {  	s7 =	rddreg [dreg:$0x1b];
	[sflag:s11] =	ssyncadd.s32 $0xFFFFD800  }
0x1b8: {  	[hbm4b:s7+s4] =	stream.linear.scatter [tilespmem:s10], [sflag:$0x5], $0x2800, $0x38;
	[tilespmem:$0x1E400] =	vst v63  }
0x1b9: {  	_ =	swait.ge [sflag:s11], $0x2800  }
0x1ba: {  	s29 =	sadd.s32 $0x1, s29;
	s9 =	rddreg [dreg:$0x1c]  }
0x1bb: {  	p0 =	sne.s32 s29, s9  }
.Ltmp2:
0x1bc: {  	_ = 	snop;
	(pc) =	sbr.rel @p0 .LBB2_1-.Ltmp2, $3  }
0x1bd: {  	_ =	sdelay $0x1  }
0x1be: {  	[sflag:s11] =	ssyncset.done $0x0  }
0x1bf: {  	[sflag:s11] =	ssyncadd.s32 $0xFFFFD800  }
0x1c0: {  	_ =	sfence.sel $0x180000  }
0x1c1: {  	[bflag:$0x0] =	sbarrier.arrive $0xFFFF  }
0x1c2: {  	_ =	strace $0x9000004A  }
0x1c3: {  	s0 =	stileid.u32;
	[bflag:$0x2] =	sbarrier.arrive $0xFFFF  }
0x1c4: {  	p0 =	sne.s32 s0, $0x0;
	s0 =	rddreg [dreg:$0x3]  }
0x1c5: {  	s0 =	sadd.s32 @!p0 $0x100000, s0  }
0x1c6: {  	[sflag:s0] =	ssyncadd.tile.s32 @!p0 $0x1;
	_ =	shalt  }
.Lfunc_end2:
_tile_overlayer_lowered:
.L_overlay_start_2:
0x1c7: {  	(tag) =	ssettag $0x2  }
0x1c8: {  	s0 =	rddreg [dreg:$0x0];
	s2 =	stileid.u32  }
0x1c9: {  	s1 =	rddreg [dreg:$0x1];
	p0 =	sne.s32 s2, $0x0  }
0x1ca: {  	s3 =	rddreg [dreg:$0x2];
	[bflag:$0x3] =	sbarrier.arrive $0xFFFF;
	s2 =	simm.s32 @!p0 $0x1C05  }
0x1cb: {  	[timem:s3], [sflag:s2] =	dma.local @!p0 [hbm:s0], s1  }
0x1cc: {  	s0 =	simm.s32 @!p0 $0x5  }
0x1cd: {  	_ =	swait.ge @!p0 [sflag:s0], s1  }
0x1ce: {  	s1 =	ssub.s32 @!p0 $0x0, s1;
	[sflag:s0] =	ssyncset.done @!p0 $0x0  }
0x1cf: {  	[sflag:s0] =	ssyncadd.s32 @!p0 s1  }
0x1d0: {  	[bflag:$0x3] =	sbarrier.arrive $0xFFFF  }
0x1d1: {  	_ =	shalt  }

// kernel: kernel.8.cloned.1.call-start
scs
__scs_entry_jumppad:
0x0: {  	(pc) =	sbr.rel $0x88, $3  }
0x1: {  	(tag) =	ssettag $0x0;
	lr =	simm.s32 $0x1  }
0x2: {  	[smem:$0x3F95] =	sst lr;
	_ =	strace $0xD0000000  }
0x3: {  	_ = 	snop  }
0x4: {  	_ = 	snop  }
0x5: {  	_ = 	snop  }
0x6: {  	_ = 	snop  }
0x7: {  	_ = 	snop  }
__scs_overlays_trampoline_lowered:
0x8: {  	[smem:$0x3FA4] =	sst s0  }
0x9: {  	[smem:$0x3FA5] =	sst s1  }
0xa: {  	[smem:$0x3FA6] =	sst s2  }
0xb: {  	[smem:$0x3FA7] =	sst s3  }
0xc: {  	[smem:$0x3FA8] =	sst s4  }
0xd: {  	[smem:$0x3FA9] =	sst s5  }
0xe: {  	[smem:$0x3FAA] =	sst s6  }
0xf: {  	[smem:$0x3FAB] =	sst s7  }
0x10: {  	[smem:$0x3FAC] =	sst s8  }
0x11: {  	[smem:$0x3FAD] =	sst s9;
	s0 =	simm.s32 @!p0 $0x0  }
0x12: {  	s1 =	sld [smem:$0x3F93];
	s0 =	simm.s32 @p0 $0x1  }
0x13: {  	[smem:$0x3FAE] =	sst s0;
	s0 =	simm.s32 @!p1 $0x0  }
0x14: {  	s2 =	sld [smem:$0x3F92];
	s0 =	simm.s32 @p1 $0x1  }
0x15: {  	[smem:$0x3FAF] =	sst s0;
	s0 =	simm.s32 @!p2 $0x0  }
0x16: {  	s3 =	sld [smem:$0x3FDB];
	s0 =	simm.s32 @p2 $0x1  }
0x17: {  	s4 =	simm.s32 $0x1BF5;
	[smem:$0x3FB1] =	sst s0  }
0x18: {  	s0 =	sld [smem:$0x3F94];
	_ =	swait.ge [sflag:s4], $0x0  }
0x19: {  	s7 =	sld [smem:$0x3F95]  }
0x1a: {  	s8 =	sadd.s32 $0xFFFFE003, lr  }
0x1b: {  	s9 =	sadd.s32 $0xFFFFFEF7, lr;
	s5 =	simm.s32 $0xFFFFFFFF;
	p2 =	slt.u32 s8, $0xFFFFF086  }
0x1c: {  	p1 =	slt.u32 s9, $0xF7A;
	s5 =	simm.s32 @!p2 $0x0  }
0x1d: {  	s5 =	simm.s32 @p1 $0x1;
	p0 =	seq.s32 s7, s2  }
0x1e: {  	s7 =	smul.u32 @!p0 $0xF7A, s2;
	p2 =	seq.s32 @!p0 s5, $0x0  }
0x1f: {  	s9 =	smul.u32 $0xF7A, s1;
	s8 =	simm.s32 @!p0 $0x1BF5;
	p2 =	por !p2, p0  }
0x20: {  	[sflag:s8] =	ssyncset.s32 @!p0 $0xFFFFF086;
	s6 =	sadd.s32 @!p0 s3, s7;
	s7 =	simm.s32 @!p0 $0x108  }
0x21: {  	s3 =	sadd.s32 s3, s9;
	s6 =	sadd.s32 @!p0 $0x88, s6;
	s7 =	simm.s32 @p2 $0x1082  }
0x22: {  	[simem:s7], [sflag:s8] =	dma.local @!p0 [hbm:s6], $0xF7A  }
0x23: {  	s9 =	sor.u32 $0xD0000000, s2;
	s6 =	simm.s32 $0x108;
	_ =	swait.ge @!p0 [sflag:s8], $0x0  }
0x24: {  	s3 =	sadd.s32 $0x88, s3;
	s6 =	simm.s32 @!p1 $0x1082;
	[sflag:s4] =	ssyncset.s32 $0xFFFFF086  }
0x25: {  	[simem:s6], [sflag:s4] =	dma.local [hbm:s3], $0xF7A  }
0x26: {  	[smem:$0x3F95] =	sst s1;
	(tag) =	ssettag s2;
	_ =	strace s9  }
0x27: {  	s1 =	sld [smem:$0x3FA5]  }
0x28: {  	s2 =	sld [smem:$0x3FA6]  }
0x29: {  	s4 =	sld [smem:$0x3FA8]  }
0x2a: {  	p0 =	seq.s32 s5, $0x0;
	s5 =	sld [smem:$0x3FA9]  }
0x2b: {  	s6 =	sld [smem:$0x3FAA]  }
0x2c: {  	s7 =	sld [smem:$0x3FAB]  }
0x2d: {  	s3 =	simm.s32 $0x108;
	s8 =	sld [smem:$0x3FAC]  }
0x2e: {  	s3 =	simm.s32 @!p0 $0x1082;
	s9 =	sld [smem:$0x3FAD]  }
0x2f: {  	lr =	sadd.s32 s0, s3;
	s0 =	sld [smem:$0x3FA4]  }
0x30: {  	s3 =	sld [smem:$0x3FA7]  }
0x31: {  	[smem:$0x3FB0] =	sst s10  }
0x32: {  	s10 =	sld [smem:$0x3FAE];
	_ =	sdelay $0x3  }
0x33: {  	p0 =	seq.s32 s10, $0x1;
	s10 =	sld [smem:$0x3FB0];
	_ =	sdelay $0x3  }
0x34: {  	[smem:$0x3FB0] =	sst s10  }
0x35: {  	s10 =	sld [smem:$0x3FAF];
	_ =	sdelay $0x3  }
0x36: {  	p1 =	seq.s32 s10, $0x1;
	s10 =	sld [smem:$0x3FB0];
	_ =	sdelay $0x3  }
0x37: {  	[smem:$0x3FB0] =	sst s10  }
0x38: {  	s10 =	sld [smem:$0x3FB1]  }
0x39: {  	_ = 	snop;
	(pc) =	sbr.ind lr, $3  }
0x3a: {  	_ = 	snop  }
0x3b: {  	_ = 	snop  }
0x3c: {  	p2 =	seq.s32 s10, $0x1;
	s10 =	sld [smem:$0x3FB0]  }
0x3d: {  	_ =	shalt  }
0x3e: {  	_ =	shalt  }
0x3f: {  	_ =	shalt  }
0x40: {  	_ =	shalt  }
0x41: {  	_ =	shalt  }
0x42: {  	_ =	shalt  }
0x43: {  	_ =	shalt  }
0x44: {  	_ =	shalt  }
0x45: {  	_ =	shalt  }
0x46: {  	_ =	shalt  }
0x47: {  	_ =	shalt  }
0x48: {  	_ =	shalt  }
0x49: {  	_ =	shalt  }
0x4a: {  	_ =	shalt  }
0x4b: {  	_ =	shalt  }
0x4c: {  	_ =	shalt  }
0x4d: {  	_ =	shalt  }
0x4e: {  	_ =	shalt  }
0x4f: {  	_ =	shalt  }
0x50: {  	_ =	shalt  }
0x51: {  	_ =	shalt  }
0x52: {  	_ =	shalt  }
0x53: {  	_ =	shalt  }
0x54: {  	_ =	shalt  }
0x55: {  	_ =	shalt  }
0x56: {  	_ =	shalt  }
0x57: {  	_ =	shalt  }
0x58: {  	_ =	shalt  }
0x59: {  	_ =	shalt  }
0x5a: {  	_ =	shalt  }
0x5b: {  	_ =	shalt  }
0x5c: {  	_ =	shalt  }
0x5d: {  	_ =	shalt  }
0x5e: {  	_ =	shalt  }
0x5f: {  	_ =	shalt  }
0x60: {  	_ =	shalt  }
0x61: {  	_ =	shalt  }
0x62: {  	_ =	shalt  }
0x63: {  	_ =	shalt  }
0x64: {  	_ =	shalt  }
0x65: {  	_ =	shalt  }
0x66: {  	_ =	shalt  }
0x67: {  	_ =	shalt  }
0x68: {  	_ =	shalt  }
0x69: {  	_ =	shalt  }
0x6a: {  	_ =	shalt  }
0x6b: {  	_ =	shalt  }
0x6c: {  	_ =	shalt  }
0x6d: {  	_ =	shalt  }
0x6e: {  	_ =	shalt  }
0x6f: {  	_ =	shalt  }
0x70: {  	_ =	shalt  }
0x71: {  	_ =	shalt  }
0x72: {  	_ =	shalt  }
0x73: {  	_ =	shalt  }
0x74: {  	_ =	shalt  }
0x75: {  	_ =	shalt  }
0x76: {  	_ =	shalt  }
0x77: {  	_ =	shalt  }
0x78: {  	_ =	shalt  }
0x79: {  	_ =	shalt  }
0x7a: {  	_ =	shalt  }
0x7b: {  	_ =	shalt  }
0x7c: {  	_ =	shalt  }
0x7d: {  	_ =	shalt  }
0x7e: {  	_ =	shalt  }
0x7f: {  	_ =	shalt  }
0x80: {  	_ =	shalt  }
0x81: {  	_ =	shalt  }
0x82: {  	_ =	shalt  }
0x83: {  	_ =	shalt  }
0x84: {  	_ =	shalt  }
0x85: {  	_ =	shalt  }
0x86: {  	_ =	shalt  }
0x87: {  	_ =	shalt  }
.Lfunc_end0:
.L_simem_size_0:
called_computation_lowered:
.L_overlay_start_0:
0x88: {  	s2 =	sld [smem:$0x3FD9]  }
0x89: {  	s3 =	sld [smem:$0x3FFE];
	_ =	sdelay $0x1  }
0x8a: {  	s1 =	srdreg.scid  }
0x8b: {  	s0 =	sand.u32 $0x1, s1  }
0x8c: {  	s17 =	sshll.u32 s0, $0xA;
	s2 =	sadd.s32 s3, s2  }
0x8d: {  	s2 =	sadd.s32 s2, s17  }
0x8e: {  	[smem:$0x3FBC] =	sst s2  }
0x8f: {  	_ = 	snop  }
0x90: {  	s2 =	sld [smem:$0x3FC9];
	(tm) =	ssettm $0x1  }
0x91: {  	s18 =	sld [smem:$0x3FFB];
	_ =	sdelay $0x3  }
0x92: {  	_ =	strace s18  }
0x93: {  	s3 =	sld [smem:$0x3FFC];
	_ =	sdelay $0x3  }
0x94: {  	_ =	strace s3  }
0x95: {  	s3 =	sld [smem:$0x3FFD];
	_ =	sdelay $0x3  }
0x96: {  	_ =	strace s3  }
0x97: {  	_ =	strace $0x8FFFFFFF  }
0x98: {  	s19 =	sld [smem:$0x3FDB];
	_ =	sdelay $0x1  }
0x99: {  	s4 =	simm.s32 $_scs_section_size  }
0x9a: {  	s5 =	simm.s32 $_size__tile_overlayer_lowered;
	s6 =	simm.s32 $_tile_overlayer_lowered  }
0x9b: {  	s22 =	simm.s32 $0x1BFF;
	s21 =	sshll.u32 s6, $0x1;
	s3 =	sadd.s32 s4, s19  }
0x9c: {  	s7 =	simm.s32 $0x0;
	s20 =	sshll.u32 s5, $0x1;
	s5 =	sadd.s32 s21, s3  }
0x9d: {  	[timem:s7], [sflag:s22] =	dma.local [hbm:s5], s20  }
0x9e: {  	_ =	swait.ge [sflag:s22], s20  }
0x9f: {  	s4 =	ssub.s32 $0x0, s20;
	[sflag:s22] =	ssyncset.done $0x0  }
0xa0: {  	[sflag:s22] =	ssyncadd.s32 s4;
	_ =	sdelay $0x1  }
0xa1: {  	s23 =	simm.s32 $0x1B8B  }
0xa2: {  	_ =	swait.ge [sflag:s23], $0x1  }
0xa3: {  	[sflag:s23] =	ssyncset.done $0x0  }
0xa4: {  	s25 =	simm.s32 $0x1B8E;
	s24 =	sld [smem:$0x3FFE];
	[sflag:s23] =	ssyncadd.s32 $0xFFFFFFFF  }
0xa5: {  	s26 =	simm.s32 $execute0_lowered;
	[smem:$0x3FD2] =	sst s25  }
0xa6: {  	s5 =	sshll.u32 s26, $0x1;
	_ =	strace $0x80000046;
	[dreg:$0x1] =	wrdreg $0xFFFFFFFF  }
0xa7: {  	s28 =	simm.s32 $_size_execute0_lowered;
	s3 =	sadd.s32 s3, s5;
	[dreg:$0x0] =	wrdreg $0x0  }
0xa8: {  	s5 =	sshll.u32 s28, $0x1;
	[dreg:$0x2] =	wrdreg s3  }
0xa9: {  	[dreg:$0x3] =	wrdreg s5  }
0xaa: {  	[dreg:$0x4] =	wrdreg $0xC0  }
0xab: {  	_ =	task [dreg:s7], $0x5FFFF  }
0xac: {  	[dreg:$0x1] =	wrdreg $0xFFFFFFFF  }
0xad: {  	[dreg:$0x0] =	wrdreg $0x60  }
0xae: {  	[dreg:$0x2] =	wrdreg s2  }
0xaf: {  	[dreg:$0x3] =	wrdreg s24  }
0xb0: {  	[dreg:$0x4] =	wrdreg $0xA4000  }
0xb1: {  	[dreg:$0x5] =	wrdreg $0x9  }
0xb2: {  	_ =	task.clear_ibuf [dreg:s7], $0x6FFFF;
	_ =	strace $0x90000046  }
0xb3: {  	s29 =	simm.s32 $0x9;
	_ =	strace $0x80000048  }
0xb4: {  	_ =	swait.ge [sflag:s29], $0x1  }
0xb5: {  	[sflag:s29] =	ssyncadd.s32 $0xFFFFFFFF  }
0xb6: {  	_ =	strace $0x90000048  }
0xb7: {  	_ =	sfence  }
0xb8: {  	s30 =	sld [smem:$0x0];
	_ =	sdelay $0x2  }
0xb9: {  	s31 =	sshll.u32 s1, $0xD;
	s1 =	sshrl.u32 s1, $0x2  }
0xba: {  	s3 =	sand.u32 $0x4000, s31;
	s1 =	sadd.s32 s1, s30  }
0xbb: {  	s0 =	sor.u32 s3, s0;
	s1 =	sshll.u32 s1, $0x11  }
0xbc: {  	s0 =	sor.u32 s1, s0  }
0xbd: {  	s0 =	sadd.s32 $0x8F2B, s0  }
0xbe: {  	[sflag:s0] =	ssyncadd.remote.s32 $0x1  }
0xbf: {  	_ =	sfence.sel $0xFFFF  }
0xc0: {  	[dreg:$0x0] =	wrdreg $0xFFFFFFFF;
	(pc) =	sbr.abs _section_cstart, $3  }
0xc1: {  	[dreg:$0x1] =	wrdreg $0xFFFFFFFF  }
0xc2: {  	_ =	task.clear_ibuf [dreg:s7], $0x2FFFF;
	_ =	strace $0x9FFFFFFF  }
0xc3: {  	(tm) =	ssettm $0x7FFFFFFF  }
tec
execute0_lowered:
.L_overlay_start_1:
0x0: {  	(tag) =	ssettag $0x1  }
0x1: {  	s1 =	rddreg [dreg:$0x0]  }
0x2: {  	s0 =	rddreg [dreg:$0x1]  }
0x3: {  	s2 =	rddreg [dreg:$0x2];
	s3 =	simm.s32 $0x0;
	s4 =	srdreg.scid  }
0x4: {  	s19 =	stileid.u32;
	[smem:$0x7FF] =	sst s3;
	s5 =	sadd.s32 $0xCA00, s0  }
0x5: {  	s4 =	sand.u32 $0x1, s4;
	s6 =	sadd.s32 $0x2C00, s0;
	s8 =	smul.u32 $0x280, s19  }
0x6: {  	s9 =	sadd.s32 $0x16800, s0;
	s11 =	sadd.s32 $0x66800, s0;
	s16 =	smul.u32 $0x2710, s19  }
0x7: {  	_ =	strace $0x80000047;
	s7 =	sshll.u32 s4, $0x4;
	s10 =	smul.u32 $0x2800, s4  }
0x8: {  	s15 =	ssub.s32 $0x2, s4;
	s4 =	smul.u32 $0x27100, s4;
	s7 =	sor.u32 s19, s7  }
0x9: {  	s12 =	sshrl.u32 s15, $0x1;
	s7 =	smul.u32 $0x2710, s7;
	s8 =	sadd.s32 s8, s10  }
0xa: {  	s0 =	ssub.s32 s15, s12;
	s4 =	sadd.s32 s16, s4;
	s8 =	sshll.u32 s8, $0x4  }
0xb: {  	s15 =	sadd.s32 $0x190, s4;
	s0 =	smax.u32 s0, $0x1;
	s17 =	sadd.s32 s9, s8  }
0xc: {  	s12 =	sor.u32 $0x500, s8;
	s13 =	sadd.s32 $0xA00, s8;
	[smem:$0x7F4] =	sst s0  }
0xd: {  	s10 =	sadd.s32 $0xF00, s8;
	[dreg:$0xa] =	wrdreg s17;
	s14 =	sadd.s32 s9, s12  }
0xe: {  	s15 =	sshrl.u32 s15, $0x3;
	s18 =	sadd.s32 s9, s13;
	[dreg:$0xb] =	wrdreg s14  }
0xf: {  	s24 =	sadd.s32 $0x1E00, s8;
	s16 =	sadd.s32 s9, s10;
	[dreg:$0xc] =	wrdreg s18  }
0x10: {  	s26 =	sadd.s32 $0x2300, s8;
	s17 =	sadd.s32 s15, s6;
	[dreg:$0xd] =	wrdreg s16  }
0x11: {  	s7 =	sshrl.u32 s7, $0x3;
	s15 =	sadd.s32 s15, s5;
	[dreg:$0x4] =	wrdreg s17  }
0x12: {  	s25 =	sadd.s32 s9, s24;
	s14 =	sadd.s32 $0x1400, s8;
	[dreg:$0x5] =	wrdreg s15  }
0x13: {  	s16 =	sadd.s32 $0x1900, s8;
	[dreg:$0x10] =	wrdreg s25;
	s8 =	sadd.s32 s11, s8  }
0x14: {  	s15 =	sadd.s32 s5, s7;
	[dreg:$0x12] =	wrdreg s8  }
0x15: {  	s20 =	sadd.s32 s9, s14;
	[smem:$0x7EF] =	sst s15  }
0x16: {  	s22 =	sadd.s32 s9, s16;
	[dreg:$0xe] =	wrdreg s20  }
0x17: {  	s18 =	sadd.s32 $0xF0, s4;
	s9 =	sadd.s32 s9, s26;
	[dreg:$0xf] =	wrdreg s22  }
0x18: {  	s21 =	sshrl.u32 s18, $0x3;
	s18 =	sadd.s32 $0xA0, s4;
	[dreg:$0x11] =	wrdreg s9  }
0x19: {  	s23 =	sadd.s32 s21, s6;
	[dreg:$0x16] =	wrdreg s18  }
0x1a: {  	s17 =	sadd.s32 s21, s5;
	[dreg:$0x6] =	wrdreg s23  }
0x1b: {  	s9 =	sadd.s32 s11, s12;
	[dreg:$0x7] =	wrdreg s17  }
0x1c: {  	s28 =	simm.s32 $0x2900;
	s12 =	sadd.s32 s11, s13;
	[dreg:$0x13] =	wrdreg s9  }
0x1d: {  	s29 =	simm.s32 $0x2980;
	s13 =	sadd.s32 s11, s10;
	[dreg:$0x14] =	wrdreg s12  }
0x1e: {  	s30 =	simm.s32 $0x2A00;
	s20 =	sadd.s32 s11, s14;
	[dreg:$0x15] =	wrdreg s13  }
0x1f: {  	s31 =	simm.s32 $0x5200;
	s21 =	sadd.s32 s11, s16;
	[dreg:$0x17] =	wrdreg s20  }
0x20: {  	s0 =	simm.s32 $0x3;
	s22 =	sshrl.u32 s18, $0x3;
	[dreg:$0x18] =	wrdreg s21  }
0x21: {  	s16 =	sadd.s32 $0x4CE, s7;
	s23 =	sadd.s32 s11, s24;
	[dreg:$0x19] =	wrdreg s22  }
0x22: {  	s10 =	simm.s32 $0x7C00;
	s11 =	sadd.s32 s11, s26;
	[dreg:$0x1a] =	wrdreg s23  }
0x23: {  	s24 =	smul.u32 $0x50000, s19;
	s25 =	sadd.s32 s22, s6;
	[dreg:$0x1b] =	wrdreg s11  }
0x24: {  	s26 =	sadd.s32 s22, s5;
	s9 =	sadd.s32 $0xA, s7;
	[dreg:$0x8] =	wrdreg s25  }
0x25: {  	s20 =	sadd.s32 s6, s7;
	s17 =	sadd.s32 s5, s16;
	[dreg:$0x9] =	wrdreg s26  }
0x26: {  	s19 =	sadd.s32 $0x50, s4;
	s4 =	sadd.s32 $0x140, s4;
	[smem:$0x7F0] =	sst s17  }
0x27: {  	s11 =	sadd.s32 $0x4C4, s7;
	s12 =	sadd.s32 s5, s9;
	[smem:$0x7F5] =	sst s4  }
0x28: {  	s7 =	sadd.s32 $0x4D8, s7;
	s21 =	sshrl.u32 s19, $0x3;
	[smem:$0x7FA] =	sst s20  }
0x29: {  	s4 =	simm.s32 $0x5280;
	[dreg:$0x1c] =	wrdreg s12;
	s13 =	sadd.s32 s5, s11  }
0x2a: {  	s19 =	simm.s32 $0x7B00;
	s14 =	sadd.s32 s6, s11;
	[dreg:$0x1e] =	wrdreg s13  }
0x2b: {  	s8 =	sshrl.u32 s24, $0x2;
	s18 =	sadd.s32 s5, s7;
	[dreg:$0x1f] =	wrdreg s14  }
0x2c: {  	s7 =	sadd.s32 s6, s7;
	s12 =	sadd.s32 s21, s6;
	[smem:$0x7F2] =	sst s18  }
0x2d: {  	s25 =	sadd.s32 s8, s2;
	s8 =	sadd.s32 s6, s9;
	[smem:$0x7F3] =	sst s7  }
0x2e: {  	s21 =	simm.s32 $0x100;
	[dreg:$0x1d] =	wrdreg s8;
	s8 =	sadd.s32 s6, s16  }
0x2f: {  	s11 =	simm.s32 $0x4;
	s22 =	sadd.s32 $0xA000, s25;
	[smem:$0x7F1] =	sst s8  }
0x30: {  	s7 =	simm.s32 $0x5300;
	s23 =	sadd.s32 $0xC800, s25;
	[smem:$0x7F6] =	sst s22  }
0x31: {  	s9 =	simm.s32 $0x7B80;
	s24 =	sadd.s32 $0xF000, s25;
	[smem:$0x7F7] =	sst s23  }
0x32: {  	s13 =	simm.s32 $0x0;
	s26 =	sadd.s32 $0x11800, s25;
	[smem:$0x7F8] =	sst s24  }
0x33: {  	s16 =	sadd.s32 $0x2800, s25;
	s17 =	sadd.s32 $0x5000, s25;
	[smem:$0x7F9] =	sst s26  }
0x34: {  	s18 =	sadd.s32 $0x7800, s25;
	s23 =	simm.s32 $0x5;
	[smem:$0x7FB] =	sst s16  }
0x35: {  	s24 =	simm.s32 $0x80;
	s26 =	simm.s32 $0x50;
	[smem:$0x7FC] =	sst s17  }
0x36: {  	v0 =	vimm.f32 $0.0e+00;
	v1 =	vimm.f32 $1.000000000e+00;
	s8 =	simm.s32 $0x1;
	s22 =	simm.s32 $0x2;
	[smem:$0x7FD] =	sst s18  }
.LBB2_1:
0x37: {  	s14 =	simm.s32 $0x0;
	s15 =	simm.s32 $0x200  }
.LBB2_2:
0x38: {  	p0 =	sne.s32 s15, $0x9E00;
	[tilespmem:s14+$0x170] =	vst v0  }
0x39: {  	[tilespmem:s14+$0x100] =	vst v0  }
0x3a: {  	[tilespmem:s14+$0x110] =	vst v0  }
.Ltmp0:
0x3b: {  	[tilespmem:s14+$0x120] =	vst v0;
	(pc) =	sbr.rel @p0 .LBB2_2-.Ltmp0, $4  }
0x3c: {  	[tilespmem:s14+$0x130] =	vst v0  }
0x3d: {  	[tilespmem:s14+$0x140] =	vst v0  }
0x3e: {  	[tilespmem:s14+$0x150] =	vst v0  }
0x3f: {  	[tilespmem:s14+$0x160] =	vst v0;
	s14 =	sshra.s32 s15, $0x2;
	s15 =	sadd.s32 $0x200, s15  }
0x40: {  	[tilespmem:s14+$0x170] =	vst v0  }
0x41: {  	[tilespmem:s14+$0x100] =	vst v0  }
0x42: {  	[tilespmem:s14+$0x110] =	vst v0  }
0x43: {  	[tilespmem:s14+$0x120] =	vst v0  }
0x44: {  	[tilespmem:s14+$0x130] =	vst v0  }
0x45: {  	[tilespmem:s14+$0x140] =	vst v0  }
0x46: {  	[tilespmem:s14+$0x150] =	vst v0  }
0x47: {  	[tilespmem:s14+$0x160] =	vst v0  }
0x48: {  	[spmem:s25] =	stream.linear.scatter [tilespmem:s21], [sflag:$0x5], $0x2800, $0x38;
	[tilespmem:$0x1E400] =	vst v63  }
0x49: {  	_ =	swait.ge [sflag:s23], $0x2800  }
0x4a: {  	[sflag:s23] =	ssyncset.done $0x0  }
0x4b: {  	[sflag:s23] =	ssyncadd.s32 $0xFFFFD800  }
0x4c: {  	[spmem:s16] =	stream.linear.scatter [tilespmem:s21], [sflag:$0x5], $0x2800, $0x38;
	[tilespmem:$0x1E400] =	vst v63  }
0x4d: {  	_ =	swait.ge [sflag:s23], $0x2800  }
0x4e: {  	[sflag:s23] =	ssyncset.done $0x0  }
0x4f: {  	[sflag:s23] =	ssyncadd.s32 $0xFFFFD800  }
0x50: {  	[spmem:s17] =	stream.linear.scatter [tilespmem:s21], [sflag:$0x5], $0x2800, $0x38;
	[tilespmem:$0x1E400] =	vst v63  }
0x51: {  	_ =	swait.ge [sflag:s23], $0x2800  }
0x52: {  	[sflag:s23] =	ssyncset.done $0x0  }
0x53: {  	[sflag:s23] =	ssyncadd.s32 $0xFFFFD800  }
0x54: {  	[spmem:s18] =	stream.linear.scatter [tilespmem:s21], [sflag:$0x5], $0x2800, $0x38;
	[tilespmem:$0x1E400] =	vst v63  }
0x55: {  	_ =	swait.ge [sflag:s23], $0x2800  }
0x56: {  	s17 =	sld [smem:$0x7F6]  }
0x57: {  	[sflag:s23] =	ssyncset.done $0x0  }
0x58: {  	[sflag:s23] =	ssyncadd.s32 $0xFFFFD800  }
0x59: {  	[spmem:s17] =	stream.linear.scatter [tilespmem:s21], [sflag:$0x5], $0x2800, $0x38;
	[tilespmem:$0x1E400] =	vst v63  }
0x5a: {  	_ =	swait.ge [sflag:s23], $0x2800  }
0x5b: {  	s18 =	sld [smem:$0x7F7]  }
0x5c: {  	[sflag:s23] =	ssyncset.done $0x0  }
0x5d: {  	[sflag:s23] =	ssyncadd.s32 $0xFFFFD800  }
0x5e: {  	[spmem:s18] =	stream.linear.scatter [tilespmem:s21], [sflag:$0x5], $0x2800, $0x38;
	[tilespmem:$0x1E400] =	vst v63  }
0x5f: {  	_ =	swait.ge [sflag:s23], $0x2800  }
0x60: {  	s15 =	sld [smem:$0x7F8]  }
0x61: {  	[sflag:s23] =	ssyncset.done $0x0  }
0x62: {  	[sflag:s23] =	ssyncadd.s32 $0xFFFFD800  }
0x63: {  	[spmem:s15] =	stream.linear.scatter [tilespmem:s21], [sflag:$0x5], $0x2800, $0x38;
	[tilespmem:$0x1E400] =	vst v63  }
0x64: {  	_ =	swait.ge [sflag:s23], $0x2800  }
0x65: {  	s16 =	sld [smem:$0x7F9]  }
0x66: {  	[sflag:s23] =	ssyncset.done $0x0  }
0x67: {  	[sflag:s23] =	ssyncadd.s32 $0xFFFFD800  }
0x68: {  	[spmem:s16] =	stream.linear.scatter [tilespmem:s21], [sflag:$0x5], $0x2800, $0x38;
	[tilespmem:$0x1E400] =	vst v63  }
0x69: {  	_ =	swait.ge [sflag:s23], $0x2800  }
0x6a: {  	[sflag:s23] =	ssyncset.done $0x0  }
0x6b: {  	[sflag:s23] =	ssyncadd.s32 $0xFFFFD800  }
0x6c: {  	[bflag:$0x0] =	sbarrier.arrive $0xFFFF  }
0x6d: {  	s15 =	sld [smem:$0x7EF];
	_ =	sdelay $0x1  }
0x6e: {  	s17 =	simm.s32 $0x0  }
0x6f: {  	[tilespmem:s17], [sflag:$0x5] =	stream.linear.gather [hbm4b:s15+s17], $0x50, $0x38;
	[tilespmem:$0x1E400] =	vst v63  }
0x70: {  	_ =	swait.ge [sflag:s23], $0x50  }
0x71: {  	[sflag:s23] =	ssyncset.done $0x0  }
0x72: {  	[sflag:s23] =	ssyncadd.s32 $0xFFFFFFB0  }
0x73: {  	[tilespmem:s24], [sflag:$0x5] =	stream.linear.gather [hbm4b:s20+s17], $0x50, $0x38;
	[tilespmem:$0x1E400] =	vst v63  }
0x74: {  	_ =	swait.ge [sflag:s23], $0x50  }
0x75: {  	[sflag:s23] =	ssyncset.done $0x0  }
0x76: {  	[sflag:s23] =	ssyncadd.s32 $0xFFFFFFB0  }
0x77: {  	[tilespmem:s21], [sflag:$0x1] =	stream.indirect.gather [hbm4b:s1+s26], $0x80, s17, s26, $0xb8;
	[tilespmem:$0x1E400] =	vst v63  }
0x78: {  	s18 =	rddreg [dreg:$0x1c]  }
0x79: {  	[tilespmem:s28], [sflag:$0x5] =	stream.linear.gather [hbm4b:s18+s17], $0x50, $0x38;
	[tilespmem:$0x1E400] =	vst v63  }
0x7a: {  	_ =	swait.ge [sflag:s23], $0x50  }
0x7b: {  	[sflag:s23] =	ssyncset.done $0x0  }
0x7c: {  	s20 =	rddreg [dreg:$0x1d];
	[sflag:s23] =	ssyncadd.s32 $0xFFFFFFB0  }
0x7d: {  	[tilespmem:s29], [sflag:$0x5] =	stream.linear.gather [hbm4b:s20+s17], $0x50, $0x38;
	[tilespmem:$0x1E400] =	vst v63  }
0x7e: {  	_ =	swait.ge [sflag:s23], $0x50  }
0x7f: {  	[sflag:s23] =	ssyncset.done $0x0  }
0x80: {  	s15 =	rddreg [dreg:$0x9];
	[sflag:s23] =	ssyncadd.s32 $0xFFFFFFB0  }
0x81: {  	[tilespmem:s30], [sflag:$0x2] =	stream.indirect.gather [hbm4b:s1+s26], $0x80, s28, s26, $0xb8;
	[tilespmem:$0x1E400] =	vst v63  }
0x82: {  	s14 =	sadd.s32 $0x0, s15  }
0x83: {  	[tilespmem:s31], [sflag:$0x5] =	stream.linear.gather [hbm4b:s14+s3], $0x50, $0x38;
	[tilespmem:$0x1E400] =	vst v63  }
0x84: {  	_ =	swait.ge [sflag:s23], $0x50  }
0x85: {  	s16 =	rddreg [dreg:$0x8];
	[sflag:s23] =	ssyncset.done $0x0  }
0x86: {  	[sflag:s23] =	ssyncadd.s32 $0xFFFFFFB0;
	s14 =	sadd.s32 $0x0, s16  }
0x87: {  	[tilespmem:s4], [sflag:$0x5] =	stream.linear.gather [hbm4b:s14+s3], $0x50, $0x38;
	[tilespmem:$0x1E400] =	vst v63  }
0x88: {  	_ =	swait.ge [sflag:s23], $0x50  }
0x89: {  	[sflag:s23] =	ssyncset.done $0x0  }
0x8a: {  	[sflag:s23] =	ssyncadd.s32 $0xFFFFFFB0  }
0x8b: {  	[tilespmem:s7], [sflag:$0x3] =	stream.indirect.gather [hbm4b:s1+s26], $0x80, s31, s26, $0xb8;
	[tilespmem:$0x1E400] =	vst v63  }
0x8c: {  	_ =	swait.ge [sflag:s8], $0x2800  }
0x8d: {  	[sflag:s8] =	ssyncset.done $0x0  }
0x8e: {  	[sflag:s8] =	ssyncadd.s32 $0xFFFFD800  }
0x8f: {  	[spmem:s2] =	stream.indirect.scatter.add.f32 [tilespmem:s21], [sflag:$0x5], $0x80, s24, s26, $0xb8;
	[tilespmem:$0x1E400] =	vst v63  }
0x90: {  	_ =	swait.ge [sflag:s23], $0x2800  }
0x91: {  	s17 =	rddreg [dreg:$0x7];
	[sflag:s23] =	ssyncset.done $0x0  }
0x92: {  	[sflag:s23] =	ssyncadd.s32 $0xFFFFD800;
	s14 =	sadd.s32 $0x0, s17  }
0x93: {  	[tilespmem:s19], [sflag:$0x5] =	stream.linear.gather [hbm4b:s14+s3], $0x50, $0x38;
	[tilespmem:$0x1E400] =	vst v63  }
0x94: {  	_ =	swait.ge [sflag:s23], $0x50  }
0x95: {  	s18 =	rddreg [dreg:$0x6];
	[sflag:s23] =	ssyncset.done $0x0  }
0x96: {  	[sflag:s23] =	ssyncadd.s32 $0xFFFFFFB0;
	s14 =	sadd.s32 $0x0, s18  }
0x97: {  	[tilespmem:s9], [sflag:$0x5] =	stream.linear.gather [hbm4b:s14+s3], $0x50, $0x38;
	[tilespmem:$0x1E400] =	vst v63  }
0x98: {  	_ =	swait.ge [sflag:s23], $0x50  }
0x99: {  	[sflag:s23] =	ssyncset.done $0x0  }
0x9a: {  	[sflag:s23] =	ssyncadd.s32 $0xFFFFFFB0  }
0x9b: {  	[tilespmem:s10], [sflag:$0x4] =	stream.indirect.gather [hbm4b:s1+s26], $0x80, s19, s26, $0xb8;
	[tilespmem:$0x1E400] =	vst v63  }
0x9c: {  	_ =	swait.ge [sflag:s22], $0x2800  }
0x9d: {  	[sflag:s22] =	ssyncset.done $0x0  }
0x9e: {  	[sflag:s22] =	ssyncadd.s32 $0xFFFFD800  }
0x9f: {  	[spmem:s2] =	stream.indirect.scatter.add.f32 [tilespmem:s30], [sflag:$0x5], $0x80, s29, s26, $0xb8;
	[tilespmem:$0x1E400] =	vst v63  }
0xa0: {  	_ =	swait.ge [sflag:s23], $0x2800  }
0xa1: {  	s17 =	sld [smem:$0x7F5];
	_ =	sdelay $0x2  }
0xa2: {  	[sflag:s23] =	ssyncset.done $0x0;
	s20 =	sshrl.u32 s17, $0x3  }
0xa3: {  	[sflag:s23] =	ssyncadd.s32 $0xFFFFD800;
	s16 =	sadd.s32 s5, s20  }
0xa4: {  	[tilespmem:s3], [sflag:$0x5] =	stream.linear.gather [hbm4b:s16+s3], $0x50, $0x38;
	[tilespmem:$0x1E400] =	vst v63  }
0xa5: {  	_ =	swait.ge [sflag:s23], $0x50  }
0xa6: {  	[sflag:s23] =	ssyncset.done $0x0  }
0xa7: {  	s14 =	sadd.s32 s6, s20;
	[sflag:s23] =	ssyncadd.s32 $0xFFFFFFB0  }
0xa8: {  	[tilespmem:s24], [sflag:$0x5] =	stream.linear.gather [hbm4b:s14+s3], $0x50, $0x38;
	[tilespmem:$0x1E400] =	vst v63  }
0xa9: {  	_ =	swait.ge [sflag:s23], $0x50  }
0xaa: {  	[sflag:s23] =	ssyncset.done $0x0  }
0xab: {  	[sflag:s23] =	ssyncadd.s32 $0xFFFFFFB0  }
0xac: {  	[tilespmem:s21], [sflag:$0x1] =	stream.indirect.gather [hbm4b:s1+s26], $0x80, s3, s26, $0xb8;
	[tilespmem:$0x1E400] =	vst v63  }
0xad: {  	_ =	swait.ge [sflag:s0], $0x2800  }
0xae: {  	[sflag:s0] =	ssyncset.done $0x0  }
0xaf: {  	[sflag:s0] =	ssyncadd.s32 $0xFFFFD800  }
0xb0: {  	[spmem:s2] =	stream.indirect.scatter.add.f32 [tilespmem:s7], [sflag:$0x5], $0x80, s4, s26, $0xb8;
	[tilespmem:$0x1E400] =	vst v63  }
0xb1: {  	_ =	swait.ge [sflag:s23], $0x2800  }
0xb2: {  	s18 =	rddreg [dreg:$0x5];
	[sflag:s23] =	ssyncset.done $0x0  }
0xb3: {  	[sflag:s23] =	ssyncadd.s32 $0xFFFFD800;
	s14 =	sadd.s32 $0x0, s18  }
0xb4: {  	[tilespmem:s28], [sflag:$0x5] =	stream.linear.gather [hbm4b:s14+s3], $0x50, $0x38;
	[tilespmem:$0x1E400] =	vst v63  }
0xb5: {  	_ =	swait.ge [sflag:s23], $0x50  }
0xb6: {  	s20 =	rddreg [dreg:$0x4];
	[sflag:s23] =	ssyncset.done $0x0  }
0xb7: {  	[sflag:s23] =	ssyncadd.s32 $0xFFFFFFB0;
	s14 =	sadd.s32 $0x0, s20  }
0xb8: {  	[tilespmem:s29], [sflag:$0x5] =	stream.linear.gather [hbm4b:s14+s3], $0x50, $0x38;
	[tilespmem:$0x1E400] =	vst v63  }
0xb9: {  	_ =	swait.ge [sflag:s23], $0x50  }
0xba: {  	[sflag:s23] =	ssyncset.done $0x0  }
0xbb: {  	[sflag:s23] =	ssyncadd.s32 $0xFFFFFFB0  }
0xbc: {  	[tilespmem:s30], [sflag:$0x2] =	stream.indirect.gather [hbm4b:s1+s26], $0x80, s28, s26, $0xb8;
	[tilespmem:$0x1E400] =	vst v63  }
0xbd: {  	_ =	swait.ge [sflag:s11], $0x2800  }
0xbe: {  	[sflag:s11] =	ssyncset.done $0x0  }
0xbf: {  	[sflag:s11] =	ssyncadd.s32 $0xFFFFD800  }
0xc0: {  	[spmem:s2] =	stream.indirect.scatter.add.f32 [tilespmem:s10], [sflag:$0x5], $0x80, s9, s26, $0xb8;
	[tilespmem:$0x1E400] =	vst v63  }
0xc1: {  	s15 =	smov.u32 s17;
	s16 =	simm.s32 $0x50;
	_ =	swait.ge [sflag:s23], $0x2800  }
0xc2: {  	s14 =	simm.s32 $0x28;
	s18 =	rddreg [dreg:$0x9];
	[sflag:s23] =	ssyncset.done $0x0  }
.LBB2_4:
0xc3: {  	[sflag:s23] =	ssyncadd.s32 $0xFFFFD800;
	s18 =	sadd.s32 s14, s18  }
0xc4: {  	[tilespmem:s31], [sflag:$0x5] =	stream.linear.gather [hbm4b:s18+s3], $0x50, $0x38;
	[tilespmem:$0x1E400] =	vst v63  }
0xc5: {  	_ =	swait.ge [sflag:s23], $0x50  }
0xc6: {  	s20 =	rddreg [dreg:$0x8];
	[sflag:s23] =	ssyncset.done $0x0  }
0xc7: {  	[sflag:s23] =	ssyncadd.s32 $0xFFFFFFB0;
	s18 =	sadd.s32 s14, s20  }
0xc8: {  	[tilespmem:s4], [sflag:$0x5] =	stream.linear.gather [hbm4b:s18+s3], $0x50, $0x38;
	[tilespmem:$0x1E400] =	vst v63  }
0xc9: {  	_ =	swait.ge [sflag:s23], $0x50  }
0xca: {  	[sflag:s23] =	ssyncset.done $0x0  }
0xcb: {  	[sflag:s23] =	ssyncadd.s32 $0xFFFFFFB0  }
0xcc: {  	[tilespmem:s7], [sflag:$0x3] =	stream.indirect.gather [hbm4b:s1+s26], $0x80, s31, s26, $0xb8;
	[tilespmem:$0x1E400] =	vst v63  }
0xcd: {  	_ =	swait.ge [sflag:s8], $0x2800  }
0xce: {  	[sflag:s8] =	ssyncset.done $0x0  }
0xcf: {  	[sflag:s8] =	ssyncadd.s32 $0xFFFFD800  }
0xd0: {  	[spmem:s2] =	stream.indirect.scatter.add.f32 [tilespmem:s21], [sflag:$0x5], $0x80, s24, s26, $0xb8;
	[tilespmem:$0x1E400] =	vst v63  }
0xd1: {  	_ =	swait.ge [sflag:s23], $0x2800  }
0xd2: {  	s20 =	rddreg [dreg:$0x7];
	[sflag:s23] =	ssyncset.done $0x0  }
0xd3: {  	[sflag:s23] =	ssyncadd.s32 $0xFFFFD800;
	s18 =	sadd.s32 s14, s20  }
0xd4: {  	[tilespmem:s19], [sflag:$0x5] =	stream.linear.gather [hbm4b:s18+s3], $0x50, $0x38;
	[tilespmem:$0x1E400] =	vst v63  }
0xd5: {  	_ =	swait.ge [sflag:s23], $0x50  }
0xd6: {  	s20 =	rddreg [dreg:$0x6];
	[sflag:s23] =	ssyncset.done $0x0  }
0xd7: {  	[sflag:s23] =	ssyncadd.s32 $0xFFFFFFB0;
	s18 =	sadd.s32 s14, s20  }
0xd8: {  	[tilespmem:s9], [sflag:$0x5] =	stream.linear.gather [hbm4b:s18+s3], $0x50, $0x38;
	[tilespmem:$0x1E400] =	vst v63  }
0xd9: {  	_ =	swait.ge [sflag:s23], $0x50  }
0xda: {  	[sflag:s23] =	ssyncset.done $0x0  }
0xdb: {  	[sflag:s23] =	ssyncadd.s32 $0xFFFFFFB0  }
0xdc: {  	[tilespmem:s10], [sflag:$0x4] =	stream.indirect.gather [hbm4b:s1+s26], $0x80, s19, s26, $0xb8;
	[tilespmem:$0x1E400] =	vst v63  }
0xdd: {  	_ =	swait.ge [sflag:s22], $0x2800  }
0xde: {  	[sflag:s22] =	ssyncset.done $0x0  }
0xdf: {  	[sflag:s22] =	ssyncadd.s32 $0xFFFFD800  }
0xe0: {  	[spmem:s2] =	stream.indirect.scatter.add.f32 [tilespmem:s30], [sflag:$0x5], $0x80, s29, s26, $0xb8;
	[tilespmem:$0x1E400] =	vst v63  }
0xe1: {  	s15 =	sadd.s32 $0x140, s15;
	_ =	swait.ge [sflag:s23], $0x2800  }
0xe2: {  	s18 =	sshrl.u32 s15, $0x3;
	[sflag:s23] =	ssyncset.done $0x0  }
0xe3: {  	s20 =	sadd.s32 s5, s18;
	[sflag:s23] =	ssyncadd.s32 $0xFFFFD800  }
0xe4: {  	[tilespmem:s3], [sflag:$0x5] =	stream.linear.gather [hbm4b:s20+s3], $0x50, $0x38;
	[tilespmem:$0x1E400] =	vst v63  }
0xe5: {  	_ =	swait.ge [sflag:s23], $0x50  }
0xe6: {  	[sflag:s23] =	ssyncset.done $0x0  }
0xe7: {  	s18 =	sadd.s32 s6, s18;
	[sflag:s23] =	ssyncadd.s32 $0xFFFFFFB0  }
0xe8: {  	[tilespmem:s24], [sflag:$0x5] =	stream.linear.gather [hbm4b:s18+s3], $0x50, $0x38;
	[tilespmem:$0x1E400] =	vst v63  }
0xe9: {  	_ =	swait.ge [sflag:s23], $0x50  }
0xea: {  	[sflag:s23] =	ssyncset.done $0x0  }
0xeb: {  	[sflag:s23] =	ssyncadd.s32 $0xFFFFFFB0  }
0xec: {  	[tilespmem:s21], [sflag:$0x1] =	stream.indirect.gather [hbm4b:s1+s26], $0x80, s3, s26, $0xb8;
	[tilespmem:$0x1E400] =	vst v63  }
0xed: {  	_ =	swait.ge [sflag:s0], $0x2800  }
0xee: {  	[sflag:s0] =	ssyncset.done $0x0  }
0xef: {  	[sflag:s0] =	ssyncadd.s32 $0xFFFFD800  }
0xf0: {  	[spmem:s2] =	stream.indirect.scatter.add.f32 [tilespmem:s7], [sflag:$0x5], $0x80, s4, s26, $0xb8;
	[tilespmem:$0x1E400] =	vst v63  }
0xf1: {  	_ =	swait.ge [sflag:s23], $0x2800  }
0xf2: {  	s20 =	rddreg [dreg:$0x5];
	[sflag:s23] =	ssyncset.done $0x0  }
0xf3: {  	[sflag:s23] =	ssyncadd.s32 $0xFFFFD800;
	s18 =	sadd.s32 s14, s20  }
0xf4: {  	[tilespmem:s28], [sflag:$0x5] =	stream.linear.gather [hbm4b:s18+s3], $0x50, $0x38;
	[tilespmem:$0x1E400] =	vst v63  }
0xf5: {  	_ =	swait.ge [sflag:s23], $0x50  }
0xf6: {  	s20 =	rddreg [dreg:$0x4];
	[sflag:s23] =	ssyncset.done $0x0  }
0xf7: {  	[sflag:s23] =	ssyncadd.s32 $0xFFFFFFB0;
	s18 =	sadd.s32 s14, s20  }
0xf8: {  	[tilespmem:s29], [sflag:$0x5] =	stream.linear.gather [hbm4b:s18+s3], $0x50, $0x38;
	[tilespmem:$0x1E400] =	vst v63  }
0xf9: {  	_ =	swait.ge [sflag:s23], $0x50  }
0xfa: {  	[sflag:s23] =	ssyncset.done $0x0  }
0xfb: {  	[sflag:s23] =	ssyncadd.s32 $0xFFFFFFB0  }
0xfc: {  	[tilespmem:s30], [sflag:$0x2] =	stream.indirect.gather [hbm4b:s1+s26], $0x80, s28, s26, $0xb8;
	[tilespmem:$0x1E400] =	vst v63  }
0xfd: {  	p0 =	sne.s32 s16, $0x488;
	_ =	swait.ge [sflag:s11], $0x2800  }
.Ltmp1:
0xfe: {  	[sflag:s11] =	ssyncset.done $0x0;
	(pc) =	sbr.rel @p0 .LBB2_4-.Ltmp1, $4  }
0xff: {  	[sflag:s11] =	ssyncadd.s32 $0xFFFFD800  }
0x100: {  	[spmem:s2] =	stream.indirect.scatter.add.f32 [tilespmem:s10], [sflag:$0x5], $0x80, s9, s26, $0xb8;
	[tilespmem:$0x1E400] =	vst v63  }
0x101: {  	s17 =	smov.u32 s16;
	s16 =	sadd.s32 $0x28, s16;
	_ =	swait.ge [sflag:s23], $0x2800  }
0x102: {  	s14 =	smov.u32 s17;
	s18 =	rddreg [dreg:$0x9];
	[sflag:s23] =	ssyncset.done $0x0  }
0x103: {  	[sflag:s23] =	ssyncadd.s32 $0xFFFFD800;
	s16 =	sadd.s32 s14, s18  }
0x104: {  	[tilespmem:s31], [sflag:$0x5] =	stream.linear.gather [hbm4b:s16+s3], $0x50, $0x38;
	[tilespmem:$0x1E400] =	vst v63  }
0x105: {  	_ =	swait.ge [sflag:s23], $0x50  }
0x106: {  	s18 =	rddreg [dreg:$0x8];
	[sflag:s23] =	ssyncset.done $0x0  }
0x107: {  	[sflag:s23] =	ssyncadd.s32 $0xFFFFFFB0;
	s16 =	sadd.s32 s14, s18  }
0x108: {  	[tilespmem:s4], [sflag:$0x5] =	stream.linear.gather [hbm4b:s16+s3], $0x50, $0x38;
	[tilespmem:$0x1E400] =	vst v63  }
0x109: {  	_ =	swait.ge [sflag:s23], $0x50  }
0x10a: {  	[sflag:s23] =	ssyncset.done $0x0  }
0x10b: {  	[sflag:s23] =	ssyncadd.s32 $0xFFFFFFB0  }
0x10c: {  	[tilespmem:s7], [sflag:$0x3] =	stream.indirect.gather [hbm4b:s1+s26], $0x80, s31, s26, $0xb8;
	[tilespmem:$0x1E400] =	vst v63  }
0x10d: {  	_ =	swait.ge [sflag:s8], $0x2800  }
0x10e: {  	[sflag:s8] =	ssyncset.done $0x0  }
0x10f: {  	[sflag:s8] =	ssyncadd.s32 $0xFFFFD800  }
0x110: {  	[spmem:s2] =	stream.indirect.scatter.add.f32 [tilespmem:s21], [sflag:$0x5], $0x80, s24, s26, $0xb8;
	[tilespmem:$0x1E400] =	vst v63  }
0x111: {  	_ =	swait.ge [sflag:s23], $0x2800  }
0x112: {  	s20 =	rddreg [dreg:$0x7];
	[sflag:s23] =	ssyncset.done $0x0  }
0x113: {  	[sflag:s23] =	ssyncadd.s32 $0xFFFFD800;
	s16 =	sadd.s32 s14, s20  }
0x114: {  	[tilespmem:s19], [sflag:$0x5] =	stream.linear.gather [hbm4b:s16+s3], $0x50, $0x38;
	[tilespmem:$0x1E400] =	vst v63  }
0x115: {  	_ =	swait.ge [sflag:s23], $0x50  }
0x116: {  	s17 =	rddreg [dreg:$0x6];
	[sflag:s23] =	ssyncset.done $0x0  }
0x117: {  	[sflag:s23] =	ssyncadd.s32 $0xFFFFFFB0;
	s16 =	sadd.s32 s14, s17  }
0x118: {  	[tilespmem:s9], [sflag:$0x5] =	stream.linear.gather [hbm4b:s16+s3], $0x50, $0x38;
	[tilespmem:$0x1E400] =	vst v63  }
0x119: {  	_ =	swait.ge [sflag:s23], $0x50  }
0x11a: {  	[sflag:s23] =	ssyncset.done $0x0  }
0x11b: {  	[sflag:s23] =	ssyncadd.s32 $0xFFFFFFB0  }
0x11c: {  	[tilespmem:s10], [sflag:$0x4] =	stream.indirect.gather [hbm4b:s1+s26], $0x80, s19, s26, $0xb8;
	[tilespmem:$0x1E400] =	vst v63  }
0x11d: {  	_ =	swait.ge [sflag:s22], $0x2800  }
0x11e: {  	[sflag:s22] =	ssyncset.done $0x0  }
0x11f: {  	[sflag:s22] =	ssyncadd.s32 $0xFFFFD800  }
0x120: {  	[spmem:s2] =	stream.indirect.scatter.add.f32 [tilespmem:s30], [sflag:$0x5], $0x80, s29, s26, $0xb8;
	[tilespmem:$0x1E400] =	vst v63  }
0x121: {  	s15 =	sadd.s32 $0x140, s15;
	_ =	swait.ge [sflag:s23], $0x2800  }
0x122: {  	s15 =	sshrl.u32 s15, $0x3;
	[sflag:s23] =	ssyncset.done $0x0  }
0x123: {  	s18 =	sadd.s32 s5, s15;
	[sflag:s23] =	ssyncadd.s32 $0xFFFFD800  }
0x124: {  	[tilespmem:s3], [sflag:$0x5] =	stream.linear.gather [hbm4b:s18+s3], $0x50, $0x38;
	[tilespmem:$0x1E400] =	vst v63  }
0x125: {  	_ =	swait.ge [sflag:s23], $0x50  }
0x126: {  	[sflag:s23] =	ssyncset.done $0x0  }
0x127: {  	s15 =	sadd.s32 s6, s15;
	[sflag:s23] =	ssyncadd.s32 $0xFFFFFFB0  }
0x128: {  	[tilespmem:s24], [sflag:$0x5] =	stream.linear.gather [hbm4b:s15+s3], $0x50, $0x38;
	[tilespmem:$0x1E400] =	vst v63  }
0x129: {  	_ =	swait.ge [sflag:s23], $0x50  }
0x12a: {  	[sflag:s23] =	ssyncset.done $0x0  }
0x12b: {  	[sflag:s23] =	ssyncadd.s32 $0xFFFFFFB0  }
0x12c: {  	[tilespmem:s21], [sflag:$0x1] =	stream.indirect.gather [hbm4b:s1+s26], $0x80, s3, s26, $0xb8;
	[tilespmem:$0x1E400] =	vst v63  }
0x12d: {  	_ =	swait.ge [sflag:s0], $0x2800  }
0x12e: {  	[sflag:s0] =	ssyncset.done $0x0  }
0x12f: {  	[sflag:s0] =	ssyncadd.s32 $0xFFFFD800  }
0x130: {  	[spmem:s2] =	stream.indirect.scatter.add.f32 [tilespmem:s7], [sflag:$0x5], $0x80, s4, s26, $0xb8;
	[tilespmem:$0x1E400] =	vst v63  }
0x131: {  	_ =	swait.ge [sflag:s23], $0x2800  }
0x132: {  	s20 =	rddreg [dreg:$0x5];
	[sflag:s23] =	ssyncset.done $0x0  }
0x133: {  	[sflag:s23] =	ssyncadd.s32 $0xFFFFD800;
	s15 =	sadd.s32 s14, s20  }
0x134: {  	[tilespmem:s28], [sflag:$0x5] =	stream.linear.gather [hbm4b:s15+s3], $0x50, $0x38;
	[tilespmem:$0x1E400] =	vst v63  }
0x135: {  	_ =	swait.ge [sflag:s23], $0x50  }
0x136: {  	s16 =	rddreg [dreg:$0x4];
	[sflag:s23] =	ssyncset.done $0x0  }
0x137: {  	[sflag:s23] =	ssyncadd.s32 $0xFFFFFFB0;
	s17 =	sadd.s32 s14, s16  }
0x138: {  	[tilespmem:s29], [sflag:$0x5] =	stream.linear.gather [hbm4b:s17+s3], $0x50, $0x38;
	[tilespmem:$0x1E400] =	vst v63  }
0x139: {  	_ =	swait.ge [sflag:s23], $0x50  }
0x13a: {  	[sflag:s23] =	ssyncset.done $0x0  }
0x13b: {  	[sflag:s23] =	ssyncadd.s32 $0xFFFFFFB0  }
0x13c: {  	[tilespmem:s30], [sflag:$0x2] =	stream.indirect.gather [hbm4b:s1+s26], $0x80, s28, s26, $0xb8;
	[tilespmem:$0x1E400] =	vst v63  }
0x13d: {  	_ =	swait.ge [sflag:s11], $0x2800  }
0x13e: {  	[sflag:s11] =	ssyncset.done $0x0  }
0x13f: {  	[sflag:s11] =	ssyncadd.s32 $0xFFFFD800  }
0x140: {  	[spmem:s2] =	stream.indirect.scatter.add.f32 [tilespmem:s10], [sflag:$0x5], $0x80, s9, s26, $0xb8;
	[tilespmem:$0x1E400] =	vst v63  }
0x141: {  	_ =	swait.ge [sflag:s23], $0x2800  }
0x142: {  	[sflag:s23] =	ssyncset.done $0x0  }
0x143: {  	s14 =	simm.s32 $0x0;
	s18 =	rddreg [dreg:$0x1e];
	[sflag:s23] =	ssyncadd.s32 $0xFFFFD800  }
0x144: {  	[tilespmem:s31], [sflag:$0x5] =	stream.linear.gather [hbm4b:s18+s14], $0x50, $0x38;
	[tilespmem:$0x1E400] =	vst v63  }
0x145: {  	_ =	swait.ge [sflag:s23], $0x50  }
0x146: {  	[sflag:s23] =	ssyncset.done $0x0  }
0x147: {  	s20 =	rddreg [dreg:$0x1f];
	[sflag:s23] =	ssyncadd.s32 $0xFFFFFFB0  }
0x148: {  	[tilespmem:s4], [sflag:$0x5] =	stream.linear.gather [hbm4b:s20+s14], $0x50, $0x38;
	[tilespmem:$0x1E400] =	vst v63  }
0x149: {  	_ =	swait.ge [sflag:s23], $0x50  }
0x14a: {  	[sflag:s23] =	ssyncset.done $0x0  }
0x14b: {  	[sflag:s23] =	ssyncadd.s32 $0xFFFFFFB0  }
0x14c: {  	[tilespmem:s7], [sflag:$0x3] =	stream.indirect.gather [hbm4b:s1+s26], $0x80, s31, s26, $0xb8;
	[tilespmem:$0x1E400] =	vst v63  }
0x14d: {  	_ =	swait.ge [sflag:s8], $0x2800  }
0x14e: {  	[sflag:s8] =	ssyncset.done $0x0  }
0x14f: {  	[sflag:s8] =	ssyncadd.s32 $0xFFFFD800  }
0x150: {  	[spmem:s2] =	stream.indirect.scatter.add.f32 [tilespmem:s21], [sflag:$0x5], $0x80, s24, s26, $0xb8;
	[tilespmem:$0x1E400] =	vst v63  }
0x151: {  	_ =	swait.ge [sflag:s23], $0x2800  }
0x152: {  	s16 =	sld [smem:$0x7F0]  }
0x153: {  	[sflag:s23] =	ssyncset.done $0x0  }
0x154: {  	[sflag:s23] =	ssyncadd.s32 $0xFFFFD800  }
0x155: {  	[tilespmem:s19], [sflag:$0x5] =	stream.linear.gather [hbm4b:s16+s14], $0x50, $0x38;
	[tilespmem:$0x1E400] =	vst v63  }
0x156: {  	_ =	swait.ge [sflag:s23], $0x50  }
0x157: {  	s17 =	sld [smem:$0x7F1]  }
0x158: {  	[sflag:s23] =	ssyncset.done $0x0  }
0x159: {  	[sflag:s23] =	ssyncadd.s32 $0xFFFFFFB0  }
0x15a: {  	[tilespmem:s9], [sflag:$0x5] =	stream.linear.gather [hbm4b:s17+s14], $0x50, $0x38;
	[tilespmem:$0x1E400] =	vst v63  }
0x15b: {  	_ =	swait.ge [sflag:s23], $0x50  }
0x15c: {  	[sflag:s23] =	ssyncset.done $0x0  }
0x15d: {  	[sflag:s23] =	ssyncadd.s32 $0xFFFFFFB0  }
0x15e: {  	[tilespmem:s10], [sflag:$0x4] =	stream.indirect.gather [hbm4b:s1+s26], $0x80, s19, s26, $0xb8;
	[tilespmem:$0x1E400] =	vst v63  }
0x15f: {  	_ =	swait.ge [sflag:s22], $0x2800  }
0x160: {  	[sflag:s22] =	ssyncset.done $0x0  }
0x161: {  	[sflag:s22] =	ssyncadd.s32 $0xFFFFD800  }
0x162: {  	[spmem:s2] =	stream.indirect.scatter.add.f32 [tilespmem:s30], [sflag:$0x5], $0x80, s29, s26, $0xb8;
	[tilespmem:$0x1E400] =	vst v63  }
0x163: {  	_ =	swait.ge [sflag:s23], $0x2800  }
0x164: {  	s18 =	sld [smem:$0x7F2]  }
0x165: {  	[sflag:s23] =	ssyncset.done $0x0  }
0x166: {  	[sflag:s23] =	ssyncadd.s32 $0xFFFFD800  }
0x167: {  	[tilespmem:s14], [sflag:$0x5] =	stream.linear.gather [hbm4b:s18+s14], $0x50, $0x38;
	[tilespmem:$0x1E400] =	vst v63  }
0x168: {  	_ =	swait.ge [sflag:s23], $0x50  }
0x169: {  	s20 =	sld [smem:$0x7F3]  }
0x16a: {  	[sflag:s23] =	ssyncset.done $0x0  }
0x16b: {  	[sflag:s23] =	ssyncadd.s32 $0xFFFFFFB0  }
0x16c: {  	[tilespmem:s24], [sflag:$0x5] =	stream.linear.gather [hbm4b:s20+s14], $0x50, $0x38;
	[tilespmem:$0x1E400] =	vst v63  }
0x16d: {  	_ =	swait.ge [sflag:s23], $0x50  }
0x16e: {  	[sflag:s23] =	ssyncset.done $0x0  }
0x16f: {  	[sflag:s23] =	ssyncadd.s32 $0xFFFFFFB0  }
0x170: {  	[tilespmem:s21], [sflag:$0x1] =	stream.indirect.gather [hbm4b:s1+s26], $0x80, s14, s26, $0xb8;
	[tilespmem:$0x1E400] =	vst v63  }
0x171: {  	_ =	swait.ge [sflag:s0], $0x2800  }
0x172: {  	[sflag:s0] =	ssyncset.done $0x0  }
0x173: {  	[sflag:s0] =	ssyncadd.s32 $0xFFFFD800  }
0x174: {  	[spmem:s2] =	stream.indirect.scatter.add.f32 [tilespmem:s7], [sflag:$0x5], $0x80, s4, s26, $0xb8;
	[tilespmem:$0x1E400] =	vst v63  }
0x175: {  	_ =	swait.ge [sflag:s23], $0x2800  }
0x176: {  	[sflag:s23] =	ssyncset.done $0x0  }
0x177: {  	[sflag:s23] =	ssyncadd.s32 $0xFFFFD800  }
0x178: {  	_ =	swait.ge [sflag:s11], $0x2800  }
0x179: {  	[sflag:s11] =	ssyncset.done $0x0  }
0x17a: {  	[sflag:s11] =	ssyncadd.s32 $0xFFFFD800  }
0x17b: {  	[spmem:s2] =	stream.indirect.scatter.add.f32 [tilespmem:s10], [sflag:$0x5], $0x80, s9, s26, $0xb8;
	[tilespmem:$0x1E400] =	vst v63  }
0x17c: {  	_ =	swait.ge [sflag:s23], $0x2800  }
0x17d: {  	[sflag:s23] =	ssyncset.done $0x0  }
0x17e: {  	[sflag:s23] =	ssyncadd.s32 $0xFFFFD800  }
0x17f: {  	_ =	swait.ge [sflag:s8], $0x2800  }
0x180: {  	[sflag:s8] =	ssyncset.done $0x0  }
0x181: {  	[sflag:s8] =	ssyncadd.s32 $0xFFFFD800  }
0x182: {  	[spmem:s2] =	stream.indirect.scatter.add.f32 [tilespmem:s21], [sflag:$0x5], $0x80, s24, s26, $0xb8;
	[tilespmem:$0x1E400] =	vst v63  }
0x183: {  	_ =	swait.ge [sflag:s23], $0x2800  }
0x184: {  	[sflag:s23] =	ssyncset.done $0x0  }
0x185: {  	[sflag:s23] =	ssyncadd.s32 $0xFFFFD800  }
0x186: {  	[bflag:$0x0] =	sbarrier.arrive $0xFFFF  }
0x187: {  	[tilespmem:s21], [sflag:$0x5] =	stream.linear.gather [spmem:s25], $0x2800, $0x38;
	[tilespmem:$0x1E400] =	vst v63  }
0x188: {  	_ =	swait.ge [sflag:s23], $0x2800  }
0x189: {  	[sflag:s23] =	ssyncset.done $0x0  }
0x18a: {  	s16 =	rddreg [dreg:$0xa];
	[sflag:s23] =	ssyncadd.s32 $0xFFFFD800  }
0x18b: {  	[hbm4b:s16+s14] =	stream.linear.scatter [tilespmem:s21], [sflag:$0x5], $0x2800, $0x38;
	[tilespmem:$0x1E400] =	vst v63  }
0x18c: {  	_ =	swait.ge [sflag:s23], $0x2800  }
0x18d: {  	s16 =	sld [smem:$0x7FB]  }
0x18e: {  	[sflag:s23] =	ssyncset.done $0x0  }
0x18f: {  	[sflag:s23] =	ssyncadd.s32 $0xFFFFD800  }
0x190: {  	[tilespmem:s21], [sflag:$0x5] =	stream.linear.gather [spmem:s16], $0x2800, $0x38;
	[tilespmem:$0x1E400] =	vst v63  }
0x191: {  	_ =	swait.ge [sflag:s23], $0x2800  }
0x192: {  	[sflag:s23] =	ssyncset.done $0x0  }
0x193: {  	s17 =	rddreg [dreg:$0xb];
	[sflag:s23] =	ssyncadd.s32 $0xFFFFD800  }
0x194: {  	[hbm4b:s17+s14] =	stream.linear.scatter [tilespmem:s21], [sflag:$0x5], $0x2800, $0x38;
	[tilespmem:$0x1E400] =	vst v63  }
0x195: {  	_ =	swait.ge [sflag:s23], $0x2800  }
0x196: {  	s17 =	sld [smem:$0x7FC]  }
0x197: {  	[sflag:s23] =	ssyncset.done $0x0  }
0x198: {  	[sflag:s23] =	ssyncadd.s32 $0xFFFFD800  }
0x199: {  	[tilespmem:s21], [sflag:$0x5] =	stream.linear.gather [spmem:s17], $0x2800, $0x38;
	[tilespmem:$0x1E400] =	vst v63  }
0x19a: {  	_ =	swait.ge [sflag:s23], $0x2800  }
0x19b: {  	[sflag:s23] =	ssyncset.done $0x0  }
0x19c: {  	s18 =	rddreg [dreg:$0xc];
	[sflag:s23] =	ssyncadd.s32 $0xFFFFD800  }
0x19d: {  	[hbm4b:s18+s14] =	stream.linear.scatter [tilespmem:s21], [sflag:$0x5], $0x2800, $0x38;
	[tilespmem:$0x1E400] =	vst v63  }
0x19e: {  	_ =	swait.ge [sflag:s23], $0x2800  }
0x19f: {  	s18 =	sld [smem:$0x7FD]  }
0x1a0: {  	[sflag:s23] =	ssyncset.done $0x0  }
0x1a1: {  	[sflag:s23] =	ssyncadd.s32 $0xFFFFD800  }
0x1a2: {  	[tilespmem:s21], [sflag:$0x5] =	stream.linear.gather [spmem:s18], $0x2800, $0x38;
	[tilespmem:$0x1E400] =	vst v63  }
0x1a3: {  	_ =	swait.ge [sflag:s23], $0x2800  }
0x1a4: {  	[sflag:s23] =	ssyncset.done $0x0  }
0x1a5: {  	s20 =	rddreg [dreg:$0xd];
	[sflag:s23] =	ssyncadd.s32 $0xFFFFD800  }
0x1a6: {  	[hbm4b:s20+s14] =	stream.linear.scatter [tilespmem:s21], [sflag:$0x5], $0x2800, $0x38;
	[tilespmem:$0x1E400] =	vst v63  }
0x1a7: {  	_ =	swait.ge [sflag:s23], $0x2800  }
0x1a8: {  	s20 =	sld [smem:$0x7F6]  }
0x1a9: {  	[sflag:s23] =	ssyncset.done $0x0  }
0x1aa: {  	[sflag:s23] =	ssyncadd.s32 $0xFFFFD800  }
0x1ab: {  	[tilespmem:s21], [sflag:$0x5] =	stream.linear.gather [spmem:s20], $0x2800, $0x38;
	[tilespmem:$0x1E400] =	vst v63  }
0x1ac: {  	_ =	swait.ge [sflag:s23], $0x2800  }
0x1ad: {  	[sflag:s23] =	ssyncset.done $0x0  }
0x1ae: {  	s20 =	rddreg [dreg:$0xe];
	[sflag:s23] =	ssyncadd.s32 $0xFFFFD800  }
0x1af: {  	[hbm4b:s20+s14] =	stream.linear.scatter [tilespmem:s21], [sflag:$0x5], $0x2800, $0x38;
	[tilespmem:$0x1E400] =	vst v63  }
0x1b0: {  	_ =	swait.ge [sflag:s23], $0x2800  }
0x1b1: {  	s20 =	sld [smem:$0x7F7]  }
0x1b2: {  	[sflag:s23] =	ssyncset.done $0x0  }
0x1b3: {  	[sflag:s23] =	ssyncadd.s32 $0xFFFFD800  }
0x1b4: {  	[tilespmem:s21], [sflag:$0x5] =	stream.linear.gather [spmem:s20], $0x2800, $0x38;
	[tilespmem:$0x1E400] =	vst v63  }
0x1b5: {  	_ =	swait.ge [sflag:s23], $0x2800  }
0x1b6: {  	[sflag:s23] =	ssyncset.done $0x0  }
0x1b7: {  	s20 =	rddreg [dreg:$0xf];
	[sflag:s23] =	ssyncadd.s32 $0xFFFFD800  }
0x1b8: {  	[hbm4b:s20+s14] =	stream.linear.scatter [tilespmem:s21], [sflag:$0x5], $0x2800, $0x38;
	[tilespmem:$0x1E400] =	vst v63  }
0x1b9: {  	_ =	swait.ge [sflag:s23], $0x2800  }
0x1ba: {  	s20 =	sld [smem:$0x7F8]  }
0x1bb: {  	[sflag:s23] =	ssyncset.done $0x0  }
0x1bc: {  	[sflag:s23] =	ssyncadd.s32 $0xFFFFD800  }
0x1bd: {  	[tilespmem:s21], [sflag:$0x5] =	stream.linear.gather [spmem:s20], $0x2800, $0x38;
	[tilespmem:$0x1E400] =	vst v63  }
0x1be: {  	_ =	swait.ge [sflag:s23], $0x2800  }
0x1bf: {  	[sflag:s23] =	ssyncset.done $0x0  }
0x1c0: {  	s20 =	rddreg [dreg:$0x10];
	[sflag:s23] =	ssyncadd.s32 $0xFFFFD800  }
0x1c1: {  	[hbm4b:s20+s14] =	stream.linear.scatter [tilespmem:s21], [sflag:$0x5], $0x2800, $0x38;
	[tilespmem:$0x1E400] =	vst v63  }
0x1c2: {  	_ =	swait.ge [sflag:s23], $0x2800  }
0x1c3: {  	s20 =	sld [smem:$0x7F9]  }
0x1c4: {  	[sflag:s23] =	ssyncset.done $0x0  }
0x1c5: {  	[sflag:s23] =	ssyncadd.s32 $0xFFFFD800  }
0x1c6: {  	[tilespmem:s21], [sflag:$0x5] =	stream.linear.gather [spmem:s20], $0x2800, $0x38;
	[tilespmem:$0x1E400] =	vst v63  }
0x1c7: {  	_ =	swait.ge [sflag:s23], $0x2800  }
0x1c8: {  	[sflag:s23] =	ssyncset.done $0x0  }
0x1c9: {  	s20 =	rddreg [dreg:$0x11];
	[sflag:s23] =	ssyncadd.s32 $0xFFFFD800  }
0x1ca: {  	[hbm4b:s20+s14] =	stream.linear.scatter [tilespmem:s21], [sflag:$0x5], $0x2800, $0x38;
	[tilespmem:$0x1E400] =	vst v63  }
0x1cb: {  	_ =	swait.ge [sflag:s23], $0x2800  }
0x1cc: {  	[sflag:s23] =	ssyncset.done $0x0  }
0x1cd: {  	[sflag:s23] =	ssyncadd.s32 $0xFFFFD800  }
0x1ce: {  	s15 =	simm.s32 $0x200;
	s14 =	simm.s32 $0x0;
	[bflag:$0x0] =	sbarrier.arrive $0xFFFF  }
.LBB2_6:
0x1cf: {  	p0 =	sne.s32 s15, $0x9E00;
	[tilespmem:s14+$0x170] =	vst v0  }
0x1d0: {  	[tilespmem:s14+$0x100] =	vst v0  }
0x1d1: {  	[tilespmem:s14+$0x110] =	vst v0  }
.Ltmp2:
0x1d2: {  	[tilespmem:s14+$0x120] =	vst v0;
	(pc) =	sbr.rel @p0 .LBB2_6-.Ltmp2, $4  }
0x1d3: {  	[tilespmem:s14+$0x130] =	vst v0  }
0x1d4: {  	[tilespmem:s14+$0x140] =	vst v0  }
0x1d5: {  	[tilespmem:s14+$0x150] =	vst v0  }
0x1d6: {  	[tilespmem:s14+$0x160] =	vst v0;
	s14 =	sshra.s32 s15, $0x2;
	s15 =	sadd.s32 $0x200, s15  }
0x1d7: {  	[tilespmem:s14+$0x170] =	vst v0  }
0x1d8: {  	[tilespmem:s14+$0x100] =	vst v0  }
0x1d9: {  	[tilespmem:s14+$0x110] =	vst v0  }
0x1da: {  	[tilespmem:s14+$0x120] =	vst v0  }
0x1db: {  	[tilespmem:s14+$0x130] =	vst v0  }
0x1dc: {  	[tilespmem:s14+$0x140] =	vst v0  }
0x1dd: {  	[tilespmem:s14+$0x150] =	vst v0  }
0x1de: {  	[tilespmem:s14+$0x160] =	vst v0  }
0x1df: {  	[spmem:s25] =	stream.linear.scatter [tilespmem:s21], [sflag:$0x5], $0x2800, $0x38;
	[tilespmem:$0x1E400] =	vst v63  }
0x1e0: {  	_ =	swait.ge [sflag:s23], $0x2800  }
0x1e1: {  	[sflag:s23] =	ssyncset.done $0x0  }
0x1e2: {  	[sflag:s23] =	ssyncadd.s32 $0xFFFFD800  }
0x1e3: {  	[spmem:s16] =	stream.linear.scatter [tilespmem:s21], [sflag:$0x5], $0x2800, $0x38;
	[tilespmem:$0x1E400] =	vst v63  }
0x1e4: {  	_ =	swait.ge [sflag:s23], $0x2800  }
0x1e5: {  	[sflag:s23] =	ssyncset.done $0x0  }
0x1e6: {  	[sflag:s23] =	ssyncadd.s32 $0xFFFFD800  }
0x1e7: {  	[spmem:s17] =	stream.linear.scatter [tilespmem:s21], [sflag:$0x5], $0x2800, $0x38;
	[tilespmem:$0x1E400] =	vst v63  }
0x1e8: {  	_ =	swait.ge [sflag:s23], $0x2800  }
0x1e9: {  	[sflag:s23] =	ssyncset.done $0x0  }
0x1ea: {  	[sflag:s23] =	ssyncadd.s32 $0xFFFFD800  }
0x1eb: {  	[spmem:s18] =	stream.linear.scatter [tilespmem:s21], [sflag:$0x5], $0x2800, $0x38;
	[tilespmem:$0x1E400] =	vst v63  }
0x1ec: {  	_ =	swait.ge [sflag:s23], $0x2800  }
0x1ed: {  	s16 =	sld [smem:$0x7F6]  }
0x1ee: {  	[sflag:s23] =	ssyncset.done $0x0  }
0x1ef: {  	[sflag:s23] =	ssyncadd.s32 $0xFFFFD800  }
0x1f0: {  	[spmem:s16] =	stream.linear.scatter [tilespmem:s21], [sflag:$0x5], $0x2800, $0x38;
	[tilespmem:$0x1E400] =	vst v63  }
0x1f1: {  	_ =	swait.ge [sflag:s23], $0x2800  }
0x1f2: {  	s17 =	sld [smem:$0x7F7]  }
0x1f3: {  	[sflag:s23] =	ssyncset.done $0x0  }
0x1f4: {  	[sflag:s23] =	ssyncadd.s32 $0xFFFFD800  }
0x1f5: {  	[spmem:s17] =	stream.linear.scatter [tilespmem:s21], [sflag:$0x5], $0x2800, $0x38;
	[tilespmem:$0x1E400] =	vst v63  }
0x1f6: {  	_ =	swait.ge [sflag:s23], $0x2800  }
0x1f7: {  	s18 =	sld [smem:$0x7F8]  }
0x1f8: {  	[sflag:s23] =	ssyncset.done $0x0  }
0x1f9: {  	[sflag:s23] =	ssyncadd.s32 $0xFFFFD800  }
0x1fa: {  	[spmem:s18] =	stream.linear.scatter [tilespmem:s21], [sflag:$0x5], $0x2800, $0x38;
	[tilespmem:$0x1E400] =	vst v63  }
0x1fb: {  	_ =	swait.ge [sflag:s23], $0x2800  }
0x1fc: {  	s20 =	sld [smem:$0x7F9]  }
0x1fd: {  	[sflag:s23] =	ssyncset.done $0x0  }
0x1fe: {  	[sflag:s23] =	ssyncadd.s32 $0xFFFFD800  }
0x1ff: {  	[spmem:s20] =	stream.linear.scatter [tilespmem:s21], [sflag:$0x5], $0x2800, $0x38;
	[tilespmem:$0x1E400] =	vst v63  }
0x200: {  	_ =	swait.ge [sflag:s23], $0x2800  }
0x201: {  	[sflag:s23] =	ssyncset.done $0x0  }
0x202: {  	[sflag:s23] =	ssyncadd.s32 $0xFFFFD800  }
0x203: {  	[bflag:$0x0] =	sbarrier.arrive $0xFFFF  }
0x204: {  	s14 =	simm.s32 $0x0;
	s15 =	simm.s32 $0x200;
	s20 =	sld [smem:$0x7FA]  }
.LBB2_8:
0x205: {  	p0 =	sne.s32 s15, $0x9E00;
	[tilespmem:s14+$0x170] =	vst v1  }
0x206: {  	[tilespmem:s14+$0x100] =	vst v1  }
0x207: {  	[tilespmem:s14+$0x110] =	vst v1  }
.Ltmp3:
0x208: {  	[tilespmem:s14+$0x120] =	vst v1;
	(pc) =	sbr.rel @p0 .LBB2_8-.Ltmp3, $4  }
0x209: {  	[tilespmem:s14+$0x130] =	vst v1  }
0x20a: {  	[tilespmem:s14+$0x140] =	vst v1  }
0x20b: {  	[tilespmem:s14+$0x150] =	vst v1  }
0x20c: {  	[tilespmem:s14+$0x160] =	vst v1;
	s14 =	sshra.s32 s15, $0x2;
	s15 =	sadd.s32 $0x200, s15  }
0x20d: {  	[tilespmem:s14+$0x170] =	vst v1  }
0x20e: {  	[tilespmem:s14+$0x100] =	vst v1  }
0x20f: {  	[tilespmem:s14+$0x110] =	vst v1  }
0x210: {  	[tilespmem:s14+$0x120] =	vst v1  }
0x211: {  	[tilespmem:s14+$0x130] =	vst v1  }
0x212: {  	[tilespmem:s14+$0x140] =	vst v1  }
0x213: {  	[tilespmem:s14+$0x150] =	vst v1  }
0x214: {  	[tilespmem:s14+$0x160] =	vst v1;
	s15 =	simm.s32 $0x0  }
0x215: {  	[tilespmem:s24], [sflag:$0x1] =	stream.linear.gather [hbm4b:s20+s15], $0x50, $0x38;
	[tilespmem:$0x1E400] =	vst v63  }
0x216: {  	s16 =	sadd.s32 $0x0, s12  }
0x217: {  	[tilespmem:s29], [sflag:$0x2] =	stream.linear.gather [hbm4b:s16+s3], $0x50, $0x38;
	[tilespmem:$0x1E400] =	vst v63  }
0x218: {  	_ =	swait.ge [sflag:s8], $0x50  }
0x219: {  	[sflag:s8] =	ssyncset.done $0x0  }
0x21a: {  	[sflag:s8] =	ssyncadd.s32 $0xFFFFFFB0  }
0x21b: {  	[spmem:s2] =	stream.indirect.scatter.add.f32 [tilespmem:s21], [sflag:$0x5], $0x80, s24, s26, $0xb8;
	[tilespmem:$0x1E400] =	vst v63  }
0x21c: {  	_ =	swait.ge [sflag:s23], $0x2800  }
0x21d: {  	[sflag:s23] =	ssyncset.done $0x0;
	s17 =	rddreg [dreg:$0x19]  }
0x21e: {  	[sflag:s23] =	ssyncadd.s32 $0xFFFFD800;
	s14 =	sadd.s32 s6, s17  }
0x21f: {  	[tilespmem:s24], [sflag:$0x1] =	stream.linear.gather [hbm4b:s14+s3], $0x50, $0x38;
	[tilespmem:$0x1E400] =	vst v63  }
0x220: {  	_ =	swait.ge [sflag:s22], $0x50  }
0x221: {  	[sflag:s22] =	ssyncset.done $0x0  }
0x222: {  	[sflag:s22] =	ssyncadd.s32 $0xFFFFFFB0  }
0x223: {  	[spmem:s2] =	stream.indirect.scatter.add.f32 [tilespmem:s21], [sflag:$0x5], $0x80, s29, s26, $0xb8;
	[tilespmem:$0x1E400] =	vst v63  }
0x224: {  	_ =	swait.ge [sflag:s23], $0x2800  }
0x225: {  	s15 =	simm.s32 $0x14;
	s18 =	rddreg [dreg:$0x16]  }
0x226: {  	s16 =	simm.s32 $0x28;
	[sflag:s23] =	ssyncset.done $0x0;
	s14 =	sadd.s32 $0xA0, s18  }
.LBB2_10:
0x227: {  	s17 =	sadd.s32 s15, s12  }
0x228: {  	[sflag:s23] =	ssyncadd.s32 $0xFFFFD800;
	s15 =	smov.u32 s16;
	s18 =	sadd.s32 $0x14, s16  }
0x229: {  	[tilespmem:s29], [sflag:$0x2] =	stream.linear.gather [hbm4b:s17+s3], $0x50, $0x38;
	[tilespmem:$0x1E400] =	vst v63  }
0x22a: {  	p0 =	sne.s32 s16, $0x4C4;
	_ =	swait.ge [sflag:s8], $0x50  }
0x22b: {  	[sflag:s8] =	ssyncset.done $0x0  }
0x22c: {  	[sflag:s8] =	ssyncadd.s32 $0xFFFFFFB0  }
0x22d: {  	[spmem:s2] =	stream.indirect.scatter.add.f32 [tilespmem:s21], [sflag:$0x5], $0x80, s24, s26, $0xb8;
	[tilespmem:$0x1E400] =	vst v63  }
0x22e: {  	_ =	swait.ge [sflag:s23], $0x2800  }
0x22f: {  	s16 =	sshrl.u32 s14, $0x3;
	[sflag:s23] =	ssyncset.done $0x0  }
0x230: {  	s16 =	sadd.s32 s6, s16;
	[sflag:s23] =	ssyncadd.s32 $0xFFFFD800  }
0x231: {  	[tilespmem:s24], [sflag:$0x1] =	stream.linear.gather [hbm4b:s16+s3], $0x50, $0x38;
	[tilespmem:$0x1E400] =	vst v63  }
0x232: {  	_ =	swait.ge [sflag:s22], $0x50  }
.Ltmp4:
0x233: {  	[sflag:s22] =	ssyncset.done $0x0;
	(pc) =	sbr.rel @p0 .LBB2_10-.Ltmp4, $4  }
0x234: {  	[sflag:s22] =	ssyncadd.s32 $0xFFFFFFB0  }
0x235: {  	[spmem:s2] =	stream.indirect.scatter.add.f32 [tilespmem:s21], [sflag:$0x5], $0x80, s29, s26, $0xb8;
	[tilespmem:$0x1E400] =	vst v63  }
0x236: {  	_ =	swait.ge [sflag:s23], $0x2800  }
0x237: {  	s14 =	sadd.s32 $0xA0, s14;
	s16 =	smov.u32 s18;
	[sflag:s23] =	ssyncset.done $0x0  }
0x238: {  	s15 =	sadd.s32 s15, s12;
	[sflag:s23] =	ssyncadd.s32 $0xFFFFD800  }
0x239: {  	[tilespmem:s29], [sflag:$0x2] =	stream.linear.gather [hbm4b:s15+s3], $0x50, $0x38;
	[tilespmem:$0x1E400] =	vst v63  }
0x23a: {  	_ =	swait.ge [sflag:s8], $0x50  }
0x23b: {  	[sflag:s8] =	ssyncset.done $0x0  }
0x23c: {  	[sflag:s8] =	ssyncadd.s32 $0xFFFFFFB0  }
0x23d: {  	[spmem:s2] =	stream.indirect.scatter.add.f32 [tilespmem:s21], [sflag:$0x5], $0x80, s24, s26, $0xb8;
	[tilespmem:$0x1E400] =	vst v63  }
0x23e: {  	_ =	swait.ge [sflag:s23], $0x2800  }
0x23f: {  	s14 =	sshrl.u32 s14, $0x3;
	[sflag:s23] =	ssyncset.done $0x0  }
0x240: {  	s14 =	sadd.s32 s6, s14;
	[sflag:s23] =	ssyncadd.s32 $0xFFFFD800  }
0x241: {  	[tilespmem:s24], [sflag:$0x1] =	stream.linear.gather [hbm4b:s14+s3], $0x50, $0x38;
	[tilespmem:$0x1E400] =	vst v63  }
0x242: {  	_ =	swait.ge [sflag:s22], $0x50  }
0x243: {  	[sflag:s22] =	ssyncset.done $0x0  }
0x244: {  	[sflag:s22] =	ssyncadd.s32 $0xFFFFFFB0  }
0x245: {  	[spmem:s2] =	stream.indirect.scatter.add.f32 [tilespmem:s21], [sflag:$0x5], $0x80, s29, s26, $0xb8;
	[tilespmem:$0x1E400] =	vst v63  }
0x246: {  	_ =	swait.ge [sflag:s23], $0x2800  }
0x247: {  	[sflag:s23] =	ssyncset.done $0x0  }
0x248: {  	[sflag:s23] =	ssyncadd.s32 $0xFFFFD800  }
0x249: {  	_ =	swait.ge [sflag:s8], $0x50  }
0x24a: {  	[sflag:s8] =	ssyncset.done $0x0  }
0x24b: {  	[sflag:s8] =	ssyncadd.s32 $0xFFFFFFB0  }
0x24c: {  	[spmem:s2] =	stream.indirect.scatter.add.f32 [tilespmem:s21], [sflag:$0x5], $0x80, s24, s26, $0xb8;
	[tilespmem:$0x1E400] =	vst v63  }
0x24d: {  	_ =	swait.ge [sflag:s23], $0x2800  }
0x24e: {  	[sflag:s23] =	ssyncset.done $0x0  }
0x24f: {  	[sflag:s23] =	ssyncadd.s32 $0xFFFFD800  }
0x250: {  	[bflag:$0x0] =	sbarrier.arrive $0xFFFF  }
0x251: {  	[tilespmem:s30], [sflag:$0x5] =	stream.linear.gather [spmem:s25], $0x2800, $0x38;
	[tilespmem:$0x1E400] =	vst v63  }
0x252: {  	_ =	swait.ge [sflag:s23], $0x2800  }
0x253: {  	[sflag:s23] =	ssyncset.done $0x0  }
0x254: {  	s16 =	rddreg [dreg:$0x12];
	[sflag:s23] =	ssyncadd.s32 $0xFFFFD800  }
0x255: {  	[hbm4b:s16+s3] =	stream.linear.scatter [tilespmem:s30], [sflag:$0x5], $0x2800, $0x38;
	[tilespmem:$0x1E400] =	vst v63  }
0x256: {  	_ =	swait.ge [sflag:s23], $0x2800  }
0x257: {  	s16 =	sld [smem:$0x7FB]  }
0x258: {  	[sflag:s23] =	ssyncset.done $0x0  }
0x259: {  	[sflag:s23] =	ssyncadd.s32 $0xFFFFD800  }
0x25a: {  	[tilespmem:s30], [sflag:$0x5] =	stream.linear.gather [spmem:s16], $0x2800, $0x38;
	[tilespmem:$0x1E400] =	vst v63  }
0x25b: {  	_ =	swait.ge [sflag:s23], $0x2800  }
0x25c: {  	[sflag:s23] =	ssyncset.done $0x0  }
0x25d: {  	s17 =	rddreg [dreg:$0x13];
	[sflag:s23] =	ssyncadd.s32 $0xFFFFD800  }
0x25e: {  	[hbm4b:s17+s3] =	stream.linear.scatter [tilespmem:s30], [sflag:$0x5], $0x2800, $0x38;
	[tilespmem:$0x1E400] =	vst v63  }
0x25f: {  	_ =	swait.ge [sflag:s23], $0x2800  }
0x260: {  	s17 =	sld [smem:$0x7FC]  }
0x261: {  	[sflag:s23] =	ssyncset.done $0x0  }
0x262: {  	[sflag:s23] =	ssyncadd.s32 $0xFFFFD800  }
0x263: {  	[tilespmem:s30], [sflag:$0x5] =	stream.linear.gather [spmem:s17], $0x2800, $0x38;
	[tilespmem:$0x1E400] =	vst v63  }
0x264: {  	_ =	swait.ge [sflag:s23], $0x2800  }
0x265: {  	[sflag:s23] =	ssyncset.done $0x0  }
0x266: {  	s18 =	rddreg [dreg:$0x14];
	[sflag:s23] =	ssyncadd.s32 $0xFFFFD800  }
0x267: {  	[hbm4b:s18+s3] =	stream.linear.scatter [tilespmem:s30], [sflag:$0x5], $0x2800, $0x38;
	[tilespmem:$0x1E400] =	vst v63  }
0x268: {  	_ =	swait.ge [sflag:s23], $0x2800  }
0x269: {  	s18 =	sld [smem:$0x7FD]  }
0x26a: {  	[sflag:s23] =	ssyncset.done $0x0  }
0x26b: {  	[sflag:s23] =	ssyncadd.s32 $0xFFFFD800  }
0x26c: {  	[tilespmem:s30], [sflag:$0x5] =	stream.linear.gather [spmem:s18], $0x2800, $0x38;
	[tilespmem:$0x1E400] =	vst v63  }
0x26d: {  	_ =	swait.ge [sflag:s23], $0x2800  }
0x26e: {  	[sflag:s23] =	ssyncset.done $0x0  }
0x26f: {  	s15 =	rddreg [dreg:$0x15];
	[sflag:s23] =	ssyncadd.s32 $0xFFFFD800  }
0x270: {  	[hbm4b:s15+s3] =	stream.linear.scatter [tilespmem:s30], [sflag:$0x5], $0x2800, $0x38;
	[tilespmem:$0x1E400] =	vst v63  }
0x271: {  	_ =	swait.ge [sflag:s23], $0x2800  }
0x272: {  	s15 =	sld [smem:$0x7F6]  }
0x273: {  	[sflag:s23] =	ssyncset.done $0x0  }
0x274: {  	[sflag:s23] =	ssyncadd.s32 $0xFFFFD800  }
0x275: {  	[tilespmem:s30], [sflag:$0x5] =	stream.linear.gather [spmem:s15], $0x2800, $0x38;
	[tilespmem:$0x1E400] =	vst v63  }
0x276: {  	_ =	swait.ge [sflag:s23], $0x2800  }
0x277: {  	[sflag:s23] =	ssyncset.done $0x0  }
0x278: {  	s15 =	rddreg [dreg:$0x17];
	[sflag:s23] =	ssyncadd.s32 $0xFFFFD800  }
0x279: {  	[hbm4b:s15+s3] =	stream.linear.scatter [tilespmem:s30], [sflag:$0x5], $0x2800, $0x38;
	[tilespmem:$0x1E400] =	vst v63  }
0x27a: {  	_ =	swait.ge [sflag:s23], $0x2800  }
0x27b: {  	s15 =	sld [smem:$0x7F7]  }
0x27c: {  	[sflag:s23] =	ssyncset.done $0x0  }
0x27d: {  	[sflag:s23] =	ssyncadd.s32 $0xFFFFD800  }
0x27e: {  	[tilespmem:s30], [sflag:$0x5] =	stream.linear.gather [spmem:s15], $0x2800, $0x38;
	[tilespmem:$0x1E400] =	vst v63  }
0x27f: {  	_ =	swait.ge [sflag:s23], $0x2800  }
0x280: {  	[sflag:s23] =	ssyncset.done $0x0  }
0x281: {  	s15 =	rddreg [dreg:$0x18];
	[sflag:s23] =	ssyncadd.s32 $0xFFFFD800  }
0x282: {  	[hbm4b:s15+s3] =	stream.linear.scatter [tilespmem:s30], [sflag:$0x5], $0x2800, $0x38;
	[tilespmem:$0x1E400] =	vst v63  }
0x283: {  	_ =	swait.ge [sflag:s23], $0x2800  }
0x284: {  	s15 =	sld [smem:$0x7F8]  }
0x285: {  	[sflag:s23] =	ssyncset.done $0x0  }
0x286: {  	[sflag:s23] =	ssyncadd.s32 $0xFFFFD800  }
0x287: {  	[tilespmem:s30], [sflag:$0x5] =	stream.linear.gather [spmem:s15], $0x2800, $0x38;
	[tilespmem:$0x1E400] =	vst v63  }
0x288: {  	_ =	swait.ge [sflag:s23], $0x2800  }
0x289: {  	[sflag:s23] =	ssyncset.done $0x0  }
0x28a: {  	s15 =	rddreg [dreg:$0x1a];
	[sflag:s23] =	ssyncadd.s32 $0xFFFFD800  }
0x28b: {  	[hbm4b:s15+s3] =	stream.linear.scatter [tilespmem:s30], [sflag:$0x5], $0x2800, $0x38;
	[tilespmem:$0x1E400] =	vst v63  }
0x28c: {  	_ =	swait.ge [sflag:s23], $0x2800  }
0x28d: {  	s15 =	sld [smem:$0x7F9]  }
0x28e: {  	[sflag:s23] =	ssyncset.done $0x0  }
0x28f: {  	[sflag:s23] =	ssyncadd.s32 $0xFFFFD800  }
0x290: {  	[tilespmem:s30], [sflag:$0x5] =	stream.linear.gather [spmem:s15], $0x2800, $0x38;
	[tilespmem:$0x1E400] =	vst v63  }
0x291: {  	_ =	swait.ge [sflag:s23], $0x2800  }
0x292: {  	[sflag:s23] =	ssyncset.done $0x0  }
0x293: {  	s15 =	rddreg [dreg:$0x1b];
	[sflag:s23] =	ssyncadd.s32 $0xFFFFD800  }
0x294: {  	[hbm4b:s15+s3] =	stream.linear.scatter [tilespmem:s30], [sflag:$0x5], $0x2800, $0x38;
	[tilespmem:$0x1E400] =	vst v63  }
0x295: {  	_ =	swait.ge [sflag:s23], $0x2800  }
0x296: {  	s15 =	sld [smem:$0x7F4];
	_ =	sdelay $0x1  }
0x297: {  	s13 =	sadd.s32 $0x1, s13  }
0x298: {  	p0 =	sne.s32 s13, s15  }
.Ltmp5:
0x299: {  	_ = 	snop;
	(pc) =	sbr.rel @p0 .LBB2_1-.Ltmp5, $3  }
0x29a: {  	_ =	sdelay $0x1  }
0x29b: {  	[sflag:s23] =	ssyncset.done $0x0  }
0x29c: {  	[sflag:s23] =	ssyncadd.s32 $0xFFFFD800  }
0x29d: {  	_ =	sfence.sel $0x180000  }
0x29e: {  	[bflag:$0x0] =	sbarrier.arrive $0xFFFF  }
0x29f: {  	_ =	strace $0x90000047  }
0x2a0: {  	s0 =	stileid.u32;
	[bflag:$0x2] =	sbarrier.arrive $0xFFFF  }
0x2a1: {  	p0 =	sne.s32 s0, $0x0;
	s0 =	rddreg [dreg:$0x3]  }
0x2a2: {  	s0 =	sadd.s32 @!p0 $0x100000, s0  }
0x2a3: {  	[sflag:s0] =	ssyncadd.tile.s32 @!p0 $0x1;
	_ =	shalt  }
.Lfunc_end2:
_tile_overlayer_lowered:
.L_overlay_start_2:
0x2a4: {  	(tag) =	ssettag $0x2  }
0x2a5: {  	s0 =	rddreg [dreg:$0x0];
	s2 =	stileid.u32  }
0x2a6: {  	s1 =	rddreg [dreg:$0x1];
	p0 =	sne.s32 s2, $0x0  }
0x2a7: {  	s3 =	rddreg [dreg:$0x2];
	[bflag:$0x3] =	sbarrier.arrive $0xFFFF;
	s2 =	simm.s32 @!p0 $0x1C05  }
0x2a8: {  	[timem:s3], [sflag:s2] =	dma.local @!p0 [hbm:s0], s1  }
0x2a9: {  	s0 =	simm.s32 @!p0 $0x5  }
0x2aa: {  	_ =	swait.ge @!p0 [sflag:s0], s1  }
0x2ab: {  	s1 =	ssub.s32 @!p0 $0x0, s1;
	[sflag:s0] =	ssyncset.done @!p0 $0x0  }
0x2ac: {  	[sflag:s0] =	ssyncadd.s32 @!p0 s1  }
0x2ad: {  	[bflag:$0x3] =	sbarrier.arrive $0xFFFF  }
0x2ae: {  	_ =	shalt  }

</sc_bundles>
